<compile_context>
chip_gen: v7x
topology: tpu7x:2x2x1
jax: 0.10.2.dev20260603
libtpu: 0.0.44.dev20260713+nightly
codegen_flags: <defaults>
</compile_context>

<pallas_src>
import jax
import jax.numpy as jnp
from jax import lax
from jax.experimental import pallas as pl
from jax.experimental.pallas import tpu as pltpu
from jax.experimental.pallas import tpu_sc as plsc

N = 10000
E = 320000
H = 128
C = 40

NC = 2
NS = 16
NW = NC * NS
CS = 128
NCHUNK = 80
EPWP = NCHUNK * CS
EPAD = NW * EPWP - E
G = 4
NWIN = NCHUNK // G
NSW = NWIN // 2
NP = 10240
RPT = NP // NS


def _sc_mesh():
    return plsc.VectorSubcoreMesh(core_axis_name="c", subcore_axis_name="s")



def _zero_stripe(zeros_hbm, buf_v, sh, row0, sem):
    pltpu.sync_copy(zeros_hbm, buf_v)
    for i in range(RPT // CS):
        pltpu.async_copy(buf_v, sh.at[pl.ds(row0 + i * CS, CS)], sem)
    for _ in range(RPT // CS):
        pltpu.make_async_copy(buf_v, sh.at[pl.ds(row0, CS)], sem).wait()


def _writeback_stripe(sh, out_hbm, cid, row0, bufs, sems):
    npiece = RPT // CS
    for i in range(npiece):
        b = i % 2
        if i >= 2:
            pltpu.make_async_copy(bufs[b], out_hbm.at[cid, pl.ds(row0, CS)],
                                  sems[b]).wait()
        pltpu.sync_copy(sh.at[pl.ds(row0 + i * CS, CS)], bufs[b])
        pltpu.async_copy(bufs[b], out_hbm.at[cid, pl.ds(row0 + i * CS, CS)],
                         sems[b])
    for i in range(npiece - 2, npiece):
        b = i % 2
        pltpu.make_async_copy(bufs[b], out_hbm.at[cid, pl.ds(row0, CS)],
                              sems[b]).wait()


def _deg_body(dst_hbm, ones_hbm, zeros_hbm, out_hbm,
              deg_sh, dst_v, ones_v, zbuf, sem0, sem1):
    cid = lax.axis_index("c")
    sid = lax.axis_index("s")
    wid = cid * NS + sid
    row0 = sid * RPT
    _zero_stripe(zeros_hbm, zbuf, deg_sh, row0, sem0)
    pltpu.sync_copy(ones_hbm, ones_v)
    pltpu.sync_copy(dst_hbm.at[wid], dst_v)
    plsc.subcore_barrier()

    pltpu.async_copy(ones_v, deg_sh.at[dst_v.at[0]], sem0, add=True)

    def chunk(j, carry):
        pltpu.async_copy(ones_v, deg_sh.at[dst_v.at[j]], sem0, add=True)
        pltpu.make_async_copy(ones_v, deg_sh.at[dst_v.at[0]], sem0).wait()
        return carry

    lax.fori_loop(1, NCHUNK, chunk, None)
    pltpu.make_async_copy(ones_v, deg_sh.at[dst_v.at[0]], sem0).wait()
    plsc.subcore_barrier()
    _writeback_stripe(deg_sh, out_hbm, cid, row0, (ones_v, zbuf), (sem0, sem1))


def _sc_degree(dst_r, ones128, zeros128):
    f = pl.kernel(
        _deg_body,
        out_type=jax.ShapeDtypeStruct((NC, NP, H), jnp.float32),
        mesh=_sc_mesh(),
        scratch_types=[
            pltpu.VMEM_SHARED((NP, H), jnp.float32),
            pltpu.VMEM((NCHUNK, CS), jnp.int32),
            pltpu.VMEM((CS, H), jnp.float32),
            pltpu.VMEM((CS, H), jnp.float32),
            pltpu.SemaphoreType.DMA,
            pltpu.SemaphoreType.DMA,
        ],
    )
    return f(dst_r, ones128, zeros128)


def _acc_body(h_hbm, idx_hbm, zeros_hbm, out_hbm,
              acc_sh, slot0, slot1, rows0, rows1,
              semw0, semw1, semg0, semg1):
    cid = lax.axis_index("c")
    sid = lax.axis_index("s")
    wid = cid * NS + sid
    row0 = sid * RPT
    rows = (rows0, rows1)
    semg = (semg0, semg1)
    _zero_stripe(zeros_hbm, rows0, acc_sh, row0, semg0)
    plsc.subcore_barrier()

    pltpu.async_copy(idx_hbm.at[wid, 0], slot0, semw0).wait()
    pltpu.async_copy(idx_hbm.at[wid, 1], slot1, semw1)
    pltpu.async_copy(h_hbm.at[slot0.at[0, 0]], rows0, semg0)

    def chunk(slot, nslot, k, p):
        pltpu.make_async_copy(h_hbm.at[slot.at[0, k]], rows[p], semg[p]).wait()
        nk = 0 if k == G - 1 else k + 1
        nsl = nslot if k == G - 1 else slot
        if nsl is not None:
            pltpu.async_copy(h_hbm.at[nsl.at[0, nk]], rows[1 - p], semg[1 - p])
        pltpu.sync_copy(rows[p], acc_sh.at[slot.at[1, k]], add=True)

    def superwindow(w, carry):
        pltpu.make_async_copy(idx_hbm.at[wid, 0], slot1, semw1).wait()
        for k in range(G):
            chunk(slot0, slot1, k, k % 2)

        @pl.when(w < NSW - 1)
        def _fetch_even():
            pltpu.async_copy(idx_hbm.at[wid, 2 * w + 2], slot0, semw0)

        for k in range(G - 1):
            chunk(slot1, None, k, k % 2)

        @pl.when(w < NSW - 1)
        def _last_mid():
            pltpu.make_async_copy(idx_hbm.at[wid, 0], slot0, semw0).wait()
            chunk(slot1, slot0, G - 1, (G - 1) % 2)
            pltpu.async_copy(idx_hbm.at[wid, 2 * w + 3], slot1, semw1)

        @pl.when(w == NSW - 1)
        def _last_end():
            p = (G - 1) % 2
            pltpu.make_async_copy(h_hbm.at[slot1.at[0, G - 1]], rows[p],
                                  semg[p]).wait()
            pltpu.sync_copy(rows[p], acc_sh.at[slot1.at[1, G - 1]], add=True)

        return carry

    lax.fori_loop(0, NSW, superwindow, None)
    plsc.subcore_barrier()
    _writeback_stripe(acc_sh, out_hbm, cid, row0, rows, semg)


def _sc_accumulate(h_s, idx_packed, zeros128):
    f = pl.kernel(
        _acc_body,
        out_type=jax.ShapeDtypeStruct((NC, NP, H), jnp.float32),
        mesh=_sc_mesh(),
        scratch_types=[
            pltpu.VMEM_SHARED((NP, H), jnp.float32),
            pltpu.VMEM((2, G, CS), jnp.int32),
            pltpu.VMEM((2, G, CS), jnp.int32),
            pltpu.VMEM((CS, H), jnp.float32),
            pltpu.VMEM((CS, H), jnp.float32),
            pltpu.SemaphoreType.DMA,
            pltpu.SemaphoreType.DMA,
            pltpu.SemaphoreType.DMA,
            pltpu.SemaphoreType.DMA,
        ],
    )
    return f(h_s, idx_packed, zeros128)



R = 400


def _dinv(deg0, deg1):
    return lax.rsqrt(deg0[:, 0:1] + deg1[:, 0:1] + 1.0)


def _first_body(x_ref, w_ref, deg0_ref, deg1_ref, o_ref):
    dinv = _dinv(deg0_ref[...], deg1_ref[...])
    h = jnp.dot(x_ref[...], w_ref[...], preferred_element_type=jnp.float32)
    o_ref[...] = h * dinv


def _mid_body(a0_ref, a1_ref, hs_ref, deg0_ref, deg1_ref, b_ref, w_ref, o_ref):
    dinv = _dinv(deg0_ref[...], deg1_ref[...])
    z = a0_ref[0] + a1_ref[0] + hs_ref[...]
    z = jnp.maximum(z * dinv + b_ref[...], 0.0)
    o_ref[...] = jnp.dot(z, w_ref[...], preferred_element_type=jnp.float32) * dinv


def _head_body(a0_ref, a1_ref, hs_ref, deg0_ref, deg1_ref, b3_ref,
               wl1_ref, bl1_ref, wl2_ref, bl2_ref, o_ref):
    dinv = _dinv(deg0_ref[...], deg1_ref[...])
    z = a0_ref[0] + a1_ref[0] + hs_ref[...]
    z = jnp.maximum(z * dinv + b3_ref[...], 0.0)
    h4 = jnp.dot(z, wl1_ref[...], preferred_element_type=jnp.float32)
    h4 = jnp.maximum(h4 + bl1_ref[...], 0.0)
    logits = jnp.dot(h4, wl2_ref[...], preferred_element_type=jnp.float32)
    logits = logits + bl2_ref[...]
    col = lax.broadcasted_iota(jnp.int32, logits.shape, 1)
    logits = jnp.where(col < C, logits, -1e30)
    m = jnp.max(logits, axis=-1, keepdims=True)
    lse = jnp.log(jnp.sum(jnp.exp(logits - m), axis=-1, keepdims=True))
    o_ref[...] = logits - m - lse


def _row_spec(width):
    return pl.BlockSpec((R, width), lambda i: (i, 0))


def _acc_spec(core):
    return pl.BlockSpec((1, R, H), lambda i, core=core: (core, i, 0))


def _full_spec(shape):
    return pl.BlockSpec(shape, lambda i: (0,) * len(shape))


def _tc_first(x, w, deg0, deg1):
    return pl.pallas_call(
        _first_body,
        grid=(N // R,),
        in_specs=[_row_spec(H), _full_spec((H, H)), _row_spec(16), _row_spec(16)],
        out_specs=_row_spec(H),
        out_shape=jax.ShapeDtypeStruct((N, H), jnp.float32),
    )(x, w, deg0, deg1)


def _tc_mid(acc, hs, deg0, deg1, b, w):
    return pl.pallas_call(
        _mid_body,
        grid=(N // R,),
        in_specs=[_acc_spec(0), _acc_spec(1), _row_spec(H), _row_spec(16),
                  _row_spec(16), _full_spec((1, H)), _full_spec((H, H))],
        out_specs=_row_spec(H),
        out_shape=jax.ShapeDtypeStruct((N, H), jnp.float32),
    )(acc, acc, hs, deg0, deg1, b, w)


def _tc_head(acc, hs, deg0, deg1, b3, wl1, bl1, wl2p, bl2p):
    return pl.pallas_call(
        _head_body,
        grid=(N // R,),
        in_specs=[_acc_spec(0), _acc_spec(1), _row_spec(H), _row_spec(16),
                  _row_spec(16), _full_spec((1, H)), _full_spec((H, H)),
                  _full_spec((1, H)), _full_spec((H, H)), _full_spec((1, H))],
        out_specs=_row_spec(H),
        out_shape=jax.ShapeDtypeStruct((N, H), jnp.float32),
    )(acc, acc, hs, deg0, deg1, b3, wl1, bl1, wl2p, bl2p)



def kernel(x, edge_index, batch, W1, b1, W2, b2, W3, b3, Wl1, bl1, Wl2, bl2):
    del batch
    pad = jnp.arange(EPAD, dtype=jnp.int32)
    srcp = jnp.concatenate([edge_index[0], pad % N])
    dstp = jnp.concatenate([edge_index[1], N + pad % (NP - N)])
    dst_r = dstp.reshape(NW, NCHUNK, CS)
    idx_packed = jnp.stack([srcp.reshape(NW, NWIN, G, CS),
                            dstp.reshape(NW, NWIN, G, CS)], axis=2)
    ones128 = jnp.ones((CS, H), jnp.float32)
    zeros128 = jnp.zeros((CS, H), jnp.float32)

    deg = _sc_degree(dst_r, ones128, zeros128)
    deg0, deg1 = deg[0, :N, :16], deg[1, :N, :16]

    hs = _tc_first(x, W1, deg0, deg1)
    acc = _sc_accumulate(hs, idx_packed, zeros128)
    hs = _tc_mid(acc, hs, deg0, deg1, b1.reshape(1, H), W2)
    acc = _sc_accumulate(hs, idx_packed, zeros128)
    hs = _tc_mid(acc, hs, deg0, deg1, b2.reshape(1, H), W3)
    acc = _sc_accumulate(hs, idx_packed, zeros128)

    wl2p = jnp.pad(Wl2, ((0, 0), (0, H - C)))
    bl2p = jnp.pad(bl2, (0, H - C)).reshape(1, H)
    out = _tc_head(acc, hs, deg0, deg1, b3.reshape(1, H),
                   Wl1, bl1.reshape(1, H), wl2p, bl2p)
    return out[:, :C]

# --- scband reference (transcript-rebuilt; emitter-appended) ---
"""Pipeline reference for scband-gcn-30227979829559 (READ-ONLY COPY).

The authoritative reference and input builder live on the scoring server;
editing this copy changes nothing except your own understanding.
"""

import jax, jax.numpy as jnp
import numpy as np

N = 10000
E = 320000
D = 128
H = 128
C = 40


def gcn_conv(x, src, dst, W, b):
    n = x.shape[0]
    deg = jnp.zeros((n,), x.dtype).at[dst].add(1.0)
    dinv = jnp.where(deg > 0, 1.0 / jnp.sqrt(deg), 0.0)
    norm = dinv[src] * dinv[dst]
    h = x @ W
    msg = h[src] * norm[:, None]
    out = jnp.zeros((n, W.shape[1]), x.dtype).at[dst].add(msg)
    return out + b


def setup_inputs(seed: int = 0):
    key = jax.random.key(seed)
    ks = jax.random.split(key, 12)
    x = jax.random.normal(ks[0], (N, D), dtype=jnp.float32)
    edge_index = jax.random.randint(ks[1], (2, E), 0, N, dtype=jnp.int32)
    batch = jnp.zeros((N,), dtype=jnp.int32)
    s = 0.05
    W1 = jax.random.normal(ks[2], (D, H), dtype=jnp.float32) * s
    b1 = jnp.zeros((H,), dtype=jnp.float32)
    W2 = jax.random.normal(ks[3], (H, H), dtype=jnp.float32) * s
    b2 = jnp.zeros((H,), dtype=jnp.float32)
    W3 = jax.random.normal(ks[4], (H, H), dtype=jnp.float32) * s
    b3 = jnp.zeros((H,), dtype=jnp.float32)
    Wl1 = jax.random.normal(ks[5], (H, H), dtype=jnp.float32) * s
    bl1 = jnp.zeros((H,), dtype=jnp.float32)
    Wl2 = jax.random.normal(ks[6], (H, C), dtype=jnp.float32) * s
    bl2 = jnp.zeros((C,), dtype=jnp.float32)
    return {"x": x, "edge_index": edge_index, "batch": batch,
            "W1": W1, "b1": b1, "W2": W2, "b2": b2, "W3": W3, "b3": b3,
            "Wl1": Wl1, "bl1": bl1, "Wl2": Wl2, "bl2": bl2}


def reference(x, edge_index, batch, W1, b1, W2, b2, W3, b3, Wl1, bl1, Wl2, bl2):
    n = x.shape[0]
    loop = jnp.arange(n, dtype=edge_index.dtype)
    src = jnp.concatenate([edge_index[0], loop])
    dst = jnp.concatenate([edge_index[1], loop])
    h = jax.nn.relu(gcn_conv(x, src, dst, W1, b1))
    h = jax.nn.relu(gcn_conv(h, src, dst, W2, b2))
    h = jax.nn.relu(gcn_conv(h, src, dst, W3, b3))
    h = jax.nn.relu(h @ Wl1 + bl1)
    # dropout is identity in eval mode
    h = h @ Wl2 + bl2
    return jax.nn.log_softmax(h, axis=-1)

if __name__ == "__main__":
    import jax
    _d = setup_inputs()
    print(jax.jit(kernel)(*tuple(_d.values())))

</pallas_src>

<mosaic_0001>
#map = affine_map<(d0, d1) -> (0, 0)>
#map1 = affine_map<(d0, d1) -> (0, 0, 0, 0, 0)>
#map2 = affine_map<(d0, d1) -> (0, 0, 0)>
module attributes {stable_mosaic.version = 14 : i64} {
  func.func @_acc_body(%arg0: i32, %arg1: i32, %arg2: memref<10000x128xf32, #tpu.memory_space<hbm>>, %arg3: memref<32x20x2x4x128xi32, #tpu.memory_space<hbm>>, %arg4: memref<128x128xf32, #tpu.memory_space<hbm>>, %arg5: memref<2x10240x128xf32, #tpu.memory_space<hbm>>, %arg6: memref<10240x128xf32, #tpu.memory_space<vmem_shared>>, %arg7: memref<2x4x128xi32, #tpu.memory_space<vmem>>, %arg8: memref<2x4x128xi32, #tpu.memory_space<vmem>>, %arg9: memref<128x128xf32, #tpu.memory_space<vmem>>, %arg10: memref<128x128xf32, #tpu.memory_space<vmem>>, %arg11: memref<!tpu.dma_semaphore, #tpu.memory_space<semaphore_mem>>, %arg12: memref<!tpu.dma_semaphore, #tpu.memory_space<semaphore_mem>>, %arg13: memref<!tpu.dma_semaphore, #tpu.memory_space<semaphore_mem>>, %arg14: memref<!tpu.dma_semaphore, #tpu.memory_space<semaphore_mem>>) attributes {dimension_semantics = [#tpu.dimension_semantics<core_parallel>, #tpu.dimension_semantics<subcore_parallel>], iteration_bounds = array<i64: 2, 16>, scalar_prefetch = 0 : i64, scratch_operands = 9 : i64, tpu.core_type = #tpu.core_type<sc_vector_subcore>, window_params = [{transform_indices = #map}, {transform_indices = #map1}, {transform_indices = #map}, {transform_indices = #map2}]} {
    %mul3A = arith.constant 16 : i32
    %mul3A_0 = arith.muli %arg0, %mul3A : i32
    %add3A = arith.addi %mul3A_0, %arg1 : i32
    %mul3A_1 = arith.constant 640 : i32
    %mul3A_2 = arith.muli %arg1, %mul3A_1 : i32
    "tpu.region"() ({
      %run_scoped3A = tpu.sem_alloc : memref<!tpu.dma_semaphore, #tpu.memory_space<semaphore_mem>>
      tpu.enqueue_dma source(%arg4 : memref<128x128xf32, #tpu.memory_space<hbm>>) target(%arg9 : memref<128x128xf32, #tpu.memory_space<vmem>>) target_semaphore(%run_scoped3A : memref<!tpu.dma_semaphore, #tpu.memory_space<semaphore_mem>>)
      tpu.wait_dma2 semaphore(%run_scoped3A : memref<!tpu.dma_semaphore, #tpu.memory_space<semaphore_mem>>) src(%arg4 : memref<128x128xf32, #tpu.memory_space<hbm>>) dst(%arg9 : memref<128x128xf32, #tpu.memory_space<vmem>>)
      tpu.yield
    }) : () -> ()
    %add3A_3 = arith.constant 0 : i32
    %add3A_4 = arith.addi %mul3A_2, %add3A_3 : i32
    %dma_start3A = arith.constant 0 : i32
    %dma_start3A_5 = tpu.memref_slice %arg6[%add3A_4, %dma_start3A] : memref<10240x128xf32, #tpu.memory_space<vmem_shared>> -> memref<128x128xf32, #tpu.memory_space<vmem_shared>>
    %dma_start3A_6 = arith.constant 0 : i32
    %dma_start3A_7 = tpu.memref_slice %arg6[%add3A_4, %dma_start3A_6] : memref<10240x128xf32, #tpu.memory_space<vmem_shared>> -> memref<128x128xf32, #tpu.memory_space<vmem_shared>>
    tpu.enqueue_dma source(%arg9 : memref<128x128xf32, #tpu.memory_space<vmem>>) target(%dma_start3A_7 : memref<128x128xf32, #tpu.memory_space<vmem_shared>>) target_semaphore(%arg13 : memref<!tpu.dma_semaphore, #tpu.memory_space<semaphore_mem>>)
    %add3A_8 = arith.constant 128 : i32
    %add3A_9 = arith.addi %mul3A_2, %add3A_8 : i32
    %dma_start3A_10 = arith.constant 0 : i32
    %dma_start3A_11 = tpu.memref_slice %arg6[%add3A_9, %dma_start3A_10] : memref<10240x128xf32, #tpu.memory_space<vmem_shared>> -> memref<128x128xf32, #tpu.memory_space<vmem_shared>>
    %dma_start3A_12 = arith.constant 0 : i32
    %dma_start3A_13 = tpu.memref_slice %arg6[%add3A_9, %dma_start3A_12] : memref<10240x128xf32, #tpu.memory_space<vmem_shared>> -> memref<128x128xf32, #tpu.memory_space<vmem_shared>>
    tpu.enqueue_dma source(%arg9 : memref<128x128xf32, #tpu.memory_space<vmem>>) target(%dma_start3A_13 : memref<128x128xf32, #tpu.memory_space<vmem_shared>>) target_semaphore(%arg13 : memref<!tpu.dma_semaphore, #tpu.memory_space<semaphore_mem>>)
    %add3A_14 = arith.constant 256 : i32
    %add3A_15 = arith.addi %mul3A_2, %add3A_14 : i32
    %dma_start3A_16 = arith.constant 0 : i32
    %dma_start3A_17 = tpu.memref_slice %arg6[%add3A_15, %dma_start3A_16] : memref<10240x128xf32, #tpu.memory_space<vmem_shared>> -> memref<128x128xf32, #tpu.memory_space<vmem_shared>>
    %dma_start3A_18 = arith.constant 0 : i32
    %dma_start3A_19 = tpu.memref_slice %arg6[%add3A_15, %dma_start3A_18] : memref<10240x128xf32, #tpu.memory_space<vmem_shared>> -> memref<128x128xf32, #tpu.memory_space<vmem_shared>>
    tpu.enqueue_dma source(%arg9 : memref<128x128xf32, #tpu.memory_space<vmem>>) target(%dma_start3A_19 : memref<128x128xf32, #tpu.memory_space<vmem_shared>>) target_semaphore(%arg13 : memref<!tpu.dma_semaphore, #tpu.memory_space<semaphore_mem>>)
    %add3A_20 = arith.constant 384 : i32
    %add3A_21 = arith.addi %mul3A_2, %add3A_20 : i32
    %dma_start3A_22 = arith.constant 0 : i32
    %dma_start3A_23 = tpu.memref_slice %arg6[%add3A_21, %dma_start3A_22] : memref<10240x128xf32, #tpu.memory_space<vmem_shared>> -> memref<128x128xf32, #tpu.memory_space<vmem_shared>>
    %dma_start3A_24 = arith.constant 0 : i32
    %dma_start3A_25 = tpu.memref_slice %arg6[%add3A_21, %dma_start3A_24] : memref<10240x128xf32, #tpu.memory_space<vmem_shared>> -> memref<128x128xf32, #tpu.memory_space<vmem_shared>>
    tpu.enqueue_dma source(%arg9 : memref<128x128xf32, #tpu.memory_space<vmem>>) target(%dma_start3A_25 : memref<128x128xf32, #tpu.memory_space<vmem_shared>>) target_semaphore(%arg13 : memref<!tpu.dma_semaphore, #tpu.memory_space<semaphore_mem>>)
    %add3A_26 = arith.constant 512 : i32
    %add3A_27 = arith.addi %mul3A_2, %add3A_26 : i32
    %dma_start3A_28 = arith.constant 0 : i32
    %dma_start3A_29 = tpu.memref_slice %arg6[%add3A_27, %dma_start3A_28] : memref<10240x128xf32, #tpu.memory_space<vmem_shared>> -> memref<128x128xf32, #tpu.memory_space<vmem_shared>>
    %dma_start3A_30 = arith.constant 0 : i32
    %dma_start3A_31 = tpu.memref_slice %arg6[%add3A_27, %dma_start3A_30] : memref<10240x128xf32, #tpu.memory_space<vmem_shared>> -> memref<128x128xf32, #tpu.memory_space<vmem_shared>>
    tpu.enqueue_dma source(%arg9 : memref<128x128xf32, #tpu.memory_space<vmem>>) target(%dma_start3A_31 : memref<128x128xf32, #tpu.memory_space<vmem_shared>>) target_semaphore(%arg13 : memref<!tpu.dma_semaphore, #tpu.memory_space<semaphore_mem>>)
    %dma_wait3A = arith.constant 0 : i32
    %dma_wait3A_32 = tpu.memref_slice %arg6[%mul3A_2, %dma_wait3A] : memref<10240x128xf32, #tpu.memory_space<vmem_shared>> -> memref<128x128xf32, #tpu.memory_space<vmem_shared>>
    %dma_wait3A_33 = arith.constant 0 : i32
    %dma_wait3A_34 = tpu.memref_slice %arg6[%mul3A_2, %dma_wait3A_33] : memref<10240x128xf32, #tpu.memory_space<vmem_shared>> -> memref<128x128xf32, #tpu.memory_space<vmem_shared>>
    tpu.wait_dma2 semaphore(%arg13 : memref<!tpu.dma_semaphore, #tpu.memory_space<semaphore_mem>>) src(%arg9 : memref<128x128xf32, #tpu.memory_space<vmem>>) dst(%dma_wait3A_34 : memref<128x128xf32, #tpu.memory_space<vmem_shared>>)
    %dma_wait3A_35 = arith.constant 0 : i32
    %dma_wait3A_36 = tpu.memref_slice %arg6[%mul3A_2, %dma_wait3A_35] : memref<10240x128xf32, #tpu.memory_space<vmem_shared>> -> memref<128x128xf32, #tpu.memory_space<vmem_shared>>
    %dma_wait3A_37 = arith.constant 0 : i32
    %dma_wait3A_38 = tpu.memref_slice %arg6[%mul3A_2, %dma_wait3A_37] : memref<10240x128xf32, #tpu.memory_space<vmem_shared>> -> memref<128x128xf32, #tpu.memory_space<vmem_shared>>
    tpu.wait_dma2 semaphore(%arg13 : memref<!tpu.dma_semaphore, #tpu.memory_space<semaphore_mem>>) src(%arg9 : memref<128x128xf32, #tpu.memory_space<vmem>>) dst(%dma_wait3A_38 : memref<128x128xf32, #tpu.memory_space<vmem_shared>>)
    %dma_wait3A_39 = arith.constant 0 : i32
    %dma_wait3A_40 = tpu.memref_slice %arg6[%mul3A_2, %dma_wait3A_39] : memref<10240x128xf32, #tpu.memory_space<vmem_shared>> -> memref<128x128xf32, #tpu.memory_space<vmem_shared>>
    %dma_wait3A_41 = arith.constant 0 : i32
    %dma_wait3A_42 = tpu.memref_slice %arg6[%mul3A_2, %dma_wait3A_41] : memref<10240x128xf32, #tpu.memory_space<vmem_shared>> -> memref<128x128xf32, #tpu.memory_space<vmem_shared>>
    tpu.wait_dma2 semaphore(%arg13 : memref<!tpu.dma_semaphore, #tpu.memory_space<semaphore_mem>>) src(%arg9 : memref<128x128xf32, #tpu.memory_space<vmem>>) dst(%dma_wait3A_42 : memref<128x128xf32, #tpu.memory_space<vmem_shared>>)
    %dma_wait3A_43 = arith.constant 0 : i32
    %dma_wait3A_44 = tpu.memref_slice %arg6[%mul3A_2, %dma_wait3A_43] : memref<10240x128xf32, #tpu.memory_space<vmem_shared>> -> memref<128x128xf32, #tpu.memory_space<vmem_shared>>
    %dma_wait3A_45 = arith.constant 0 : i32
    %dma_wait3A_46 = tpu.memref_slice %arg6[%mul3A_2, %dma_wait3A_45] : memref<10240x128xf32, #tpu.memory_space<vmem_shared>> -> memref<128x128xf32, #tpu.memory_space<vmem_shared>>
    tpu.wait_dma2 semaphore(%arg13 : memref<!tpu.dma_semaphore, #tpu.memory_space<semaphore_mem>>) src(%arg9 : memref<128x128xf32, #tpu.memory_space<vmem>>) dst(%dma_wait3A_46 : memref<128x128xf32, #tpu.memory_space<vmem_shared>>)
    %dma_wait3A_47 = arith.constant 0 : i32
    %dma_wait3A_48 = tpu.memref_slice %arg6[%mul3A_2, %dma_wait3A_47] : memref<10240x128xf32, #tpu.memory_space<vmem_shared>> -> memref<128x128xf32, #tpu.memory_space<vmem_shared>>
    %dma_wait3A_49 = arith.constant 0 : i32
    %dma_wait3A_50 = tpu.memref_slice %arg6[%mul3A_2, %dma_wait3A_49] : memref<10240x128xf32, #tpu.memory_space<vmem_shared>> -> memref<128x128xf32, #tpu.memory_space<vmem_shared>>
    tpu.wait_dma2 semaphore(%arg13 : memref<!tpu.dma_semaphore, #tpu.memory_space<semaphore_mem>>) src(%arg9 : memref<128x128xf32, #tpu.memory_space<vmem>>) dst(%dma_wait3A_50 : memref<128x128xf32, #tpu.memory_space<vmem_shared>>)
    %barrier3A = arith.constant 0 : index
    tpu.barrier barrier_id(%barrier3A)
    %dma_start3A_51 = arith.constant 0 : i32
    %dma_start3A_52 = arith.constant 0 : i32
    %dma_start3A_53 = arith.constant 0 : i32
    %dma_start3A_54 = arith.constant 0 : i32
    %dma_start3A_55 = tpu.memref_slice %arg3[%add3A, %dma_start3A_51, %dma_start3A_52, %dma_start3A_53, %dma_start3A_54] : memref<32x20x2x4x128xi32, #tpu.memory_space<hbm>> -> memref<1x1x2x4x128xi32, #tpu.memory_space<hbm>>
    %dma_start3A_56 = tpu.memref_squeeze %dma_start3A_55 : memref<1x1x2x4x128xi32, #tpu.memory_space<hbm>> -> memref<2x4x128xi32, #tpu.memory_space<hbm>>
    %dma_start3A_57 = arith.constant 0 : i32
    %dma_start3A_58 = arith.constant 0 : i32
    %dma_start3A_59 = arith.constant 0 : i32
    %dma_start3A_60 = tpu.memref_slice %arg3[%add3A, %dma_start3A_51, %dma_start3A_57, %dma_start3A_58, %dma_start3A_59] : memref<32x20x2x4x128xi32, #tpu.memory_space<hbm>> -> memref<1x1x2x4x128xi32, #tpu.memory_space<hbm>>
    %dma_start3A_61 = tpu.memref_squeeze %dma_start3A_60 : memref<1x1x2x4x128xi32, #tpu.memory_space<hbm>> -> memref<2x4x128xi32, #tpu.memory_space<hbm>>
    tpu.enqueue_dma source(%dma_start3A_61 : memref<2x4x128xi32, #tpu.memory_space<hbm>>) target(%arg7 : memref<2x4x128xi32, #tpu.memory_space<vmem>>) target_semaphore(%arg11 : memref<!tpu.dma_semaphore, #tpu.memory_space<semaphore_mem>>)
    %dma_wait3A_62 = arith.constant 0 : i32
    %dma_wait3A_63 = arith.constant 0 : i32
    %dma_wait3A_64 = arith.constant 0 : i32
    %dma_wait3A_65 = arith.constant 0 : i32
    %dma_wait3A_66 = tpu.memref_slice %arg3[%add3A, %dma_wait3A_62, %dma_wait3A_63, %dma_wait3A_64, %dma_wait3A_65] : memref<32x20x2x4x128xi32, #tpu.memory_space<hbm>> -> memref<1x1x2x4x128xi32, #tpu.memory_space<hbm>>
    %dma_wait3A_67 = tpu.memref_squeeze %dma_wait3A_66 : memref<1x1x2x4x128xi32, #tpu.memory_space<hbm>> -> memref<2x4x128xi32, #tpu.memory_space<hbm>>
    %dma_wait3A_68 = arith.constant 0 : i32
    %dma_wait3A_69 = arith.constant 0 : i32
    %dma_wait3A_70 = arith.constant 0 : i32
    %dma_wait3A_71 = tpu.memref_slice %arg3[%add3A, %dma_wait3A_62, %dma_wait3A_68, %dma_wait3A_69, %dma_wait3A_70] : memref<32x20x2x4x128xi32, #tpu.memory_space<hbm>> -> memref<1x1x2x4x128xi32, #tpu.memory_space<hbm>>
    %dma_wait3A_72 = tpu.memref_squeeze %dma_wait3A_71 : memref<1x1x2x4x128xi32, #tpu.memory_space<hbm>> -> memref<2x4x128xi32, #tpu.memory_space<hbm>>
    tpu.wait_dma2 semaphore(%arg11 : memref<!tpu.dma_semaphore, #tpu.memory_space<semaphore_mem>>) src(%dma_wait3A_72 : memref<2x4x128xi32, #tpu.memory_space<hbm>>) dst(%arg7 : memref<2x4x128xi32, #tpu.memory_space<vmem>>)
    %dma_start3A_73 = arith.constant 1 : i32
    %dma_start3A_74 = arith.constant 0 : i32
    %dma_start3A_75 = arith.constant 0 : i32
    %dma_start3A_76 = arith.constant 0 : i32
    %dma_start3A_77 = tpu.memref_slice %arg3[%add3A, %dma_start3A_73, %dma_start3A_74, %dma_start3A_75, %dma_start3A_76] : memref<32x20x2x4x128xi32, #tpu.memory_space<hbm>> -> memref<1x1x2x4x128xi32, #tpu.memory_space<hbm>>
    %dma_start3A_78 = tpu.memref_squeeze %dma_start3A_77 : memref<1x1x2x4x128xi32, #tpu.memory_space<hbm>> -> memref<2x4x128xi32, #tpu.memory_space<hbm>>
    %dma_start3A_79 = arith.constant 0 : i32
    %dma_start3A_80 = arith.constant 0 : i32
    %dma_start3A_81 = arith.constant 0 : i32
    %dma_start3A_82 = tpu.memref_slice %arg3[%add3A, %dma_start3A_73, %dma_start3A_79, %dma_start3A_80, %dma_start3A_81] : memref<32x20x2x4x128xi32, #tpu.memory_space<hbm>> -> memref<1x1x2x4x128xi32, #tpu.memory_space<hbm>>
    %dma_start3A_83 = tpu.memref_squeeze %dma_start3A_82 : memref<1x1x2x4x128xi32, #tpu.memory_space<hbm>> -> memref<2x4x128xi32, #tpu.memory_space<hbm>>
    tpu.enqueue_dma source(%dma_start3A_83 : memref<2x4x128xi32, #tpu.memory_space<hbm>>) target(%arg8 : memref<2x4x128xi32, #tpu.memory_space<vmem>>) target_semaphore(%arg12 : memref<!tpu.dma_semaphore, #tpu.memory_space<semaphore_mem>>)
    %dma_start3A_84 = arith.constant 0 : i32
    %dma_start3A_85 = arith.constant 0 : i32
    %dma_start3A_86 = arith.constant 0 : i32
    %dma_start3A_87 = tpu.memref_slice %arg7[%dma_start3A_84, %dma_start3A_85, %dma_start3A_86] : memref<2x4x128xi32, #tpu.memory_space<vmem>> -> memref<1x1x128xi32, #tpu.memory_space<vmem>>
    %dma_start3A_88 = tpu.memref_squeeze %dma_start3A_87 : memref<1x1x128xi32, #tpu.memory_space<vmem>> -> memref<128xi32, #tpu.memory_space<vmem>>
    %dma_start3A_89 = arith.constant 0 : i32
    %dma_start3A_90 = arith.constant 0 : i32
    %dma_start3A_91 = tpu.memref_slice %arg2[%dma_start3A_89, %dma_start3A_90] : memref<10000x128xf32, #tpu.memory_space<hbm>> -> memref<10000x128xf32, #tpu.memory_space<hbm>>
    tpu.enqueue_indirect_dma source(%dma_start3A_91 : memref<10000x128xf32, #tpu.memory_space<hbm>>) target(%arg9 : memref<128x128xf32, #tpu.memory_space<vmem>>) offsets(%dma_start3A_88 : memref<128xi32, #tpu.memory_space<vmem>>) semaphore(%arg13 : memref<!tpu.dma_semaphore, #tpu.memory_space<semaphore_mem>>)
    %scan3A = arith.constant 0 : i32
    %scan3A_92 = arith.constant 10 : i32
    %scan3A_93 = arith.addi %scan3A, %scan3A_92 : i32
    %scan3A_94 = arith.constant 1 : i32
    scf.for %scan3A_177 = %scan3A to %scan3A_93 step %scan3A_94  : i32 {
      %dma_wait3A_178 = arith.constant 0 : i32
      %dma_wait3A_179 = arith.constant 0 : i32
      %dma_wait3A_180 = arith.constant 0 : i32
      %dma_wait3A_181 = arith.constant 0 : i32
      %dma_wait3A_182 = tpu.memref_slice %arg3[%add3A, %dma_wait3A_178, %dma_wait3A_179, %dma_wait3A_180, %dma_wait3A_181] : memref<32x20x2x4x128xi32, #tpu.memory_space<hbm>> -> memref<1x1x2x4x128xi32, #tpu.memory_space<hbm>>
      %dma_wait3A_183 = tpu.memref_squeeze %dma_wait3A_182 : memref<1x1x2x4x128xi32, #tpu.memory_space<hbm>> -> memref<2x4x128xi32, #tpu.memory_space<hbm>>
      %dma_wait3A_184 = arith.constant 0 : i32
      %dma_wait3A_185 = arith.constant 0 : i32
      %dma_wait3A_186 = arith.constant 0 : i32
      %dma_wait3A_187 = tpu.memref_slice %arg3[%add3A, %dma_wait3A_178, %dma_wait3A_184, %dma_wait3A_185, %dma_wait3A_186] : memref<32x20x2x4x128xi32, #tpu.memory_space<hbm>> -> memref<1x1x2x4x128xi32, #tpu.memory_space<hbm>>
      %dma_wait3A_188 = tpu.memref_squeeze %dma_wait3A_187 : memref<1x1x2x4x128xi32, #tpu.memory_space<hbm>> -> memref<2x4x128xi32, #tpu.memory_space<hbm>>
      tpu.wait_dma2 semaphore(%arg12 : memref<!tpu.dma_semaphore, #tpu.memory_space<semaphore_mem>>) src(%dma_wait3A_188 : memref<2x4x128xi32, #tpu.memory_space<hbm>>) dst(%arg8 : memref<2x4x128xi32, #tpu.memory_space<vmem>>)
      %dma_wait3A_189 = arith.constant 0 : i32
      %dma_wait3A_190 = arith.constant 0 : i32
      %dma_wait3A_191 = arith.constant 0 : i32
      %dma_wait3A_192 = tpu.memref_slice %arg7[%dma_wait3A_189, %dma_wait3A_190, %dma_wait3A_191] : memref<2x4x128xi32, #tpu.memory_space<vmem>> -> memref<1x1x128xi32, #tpu.memory_space<vmem>>
      %dma_wait3A_193 = tpu.memref_squeeze %dma_wait3A_192 : memref<1x1x128xi32, #tpu.memory_space<vmem>> -> memref<128xi32, #tpu.memory_space<vmem>>
      %dma_wait3A_194 = arith.constant 0 : i32
      %dma_wait3A_195 = arith.constant 0 : i32
      %dma_wait3A_196 = tpu.memref_slice %arg2[%dma_wait3A_194, %dma_wait3A_195] : memref<10000x128xf32, #tpu.memory_space<hbm>> -> memref<10000x128xf32, #tpu.memory_space<hbm>>
      tpu.wait_indirect_dma semaphore(%arg13 : memref<!tpu.dma_semaphore, #tpu.memory_space<semaphore_mem>>) src(%dma_wait3A_196 : memref<10000x128xf32, #tpu.memory_space<hbm>>) dst(%arg9 : memref<128x128xf32, #tpu.memory_space<vmem>>)
      %dma_start3A_197 = arith.constant 0 : i32
      %dma_start3A_198 = arith.constant 1 : i32
      %dma_start3A_199 = arith.constant 0 : i32
      %dma_start3A_200 = tpu.memref_slice %arg7[%dma_start3A_197, %dma_start3A_198, %dma_start3A_199] : memref<2x4x128xi32, #tpu.memory_space<vmem>> -> memref<1x1x128xi32, #tpu.memory_space<vmem>>
      %dma_start3A_201 = tpu.memref_squeeze %dma_start3A_200 : memref<1x1x128xi32, #tpu.memory_space<vmem>> -> memref<128xi32, #tpu.memory_space<vmem>>
      %dma_start3A_202 = arith.constant 0 : i32
      %dma_start3A_203 = arith.constant 0 : i32
      %dma_start3A_204 = tpu.memref_slice %arg2[%dma_start3A_202, %dma_start3A_203] : memref<10000x128xf32, #tpu.memory_space<hbm>> -> memref<10000x128xf32, #tpu.memory_space<hbm>>
      tpu.enqueue_indirect_dma source(%dma_start3A_204 : memref<10000x128xf32, #tpu.memory_space<hbm>>) target(%arg10 : memref<128x128xf32, #tpu.memory_space<vmem>>) offsets(%dma_start3A_201 : memref<128xi32, #tpu.memory_space<vmem>>) semaphore(%arg14 : memref<!tpu.dma_semaphore, #tpu.memory_space<semaphore_mem>>)
      %run_scoped3A = arith.constant 1 : i32
      %run_scoped3A_205 = arith.constant 0 : i32
      "tpu.region"() ({
        %run_scoped3A_325 = tpu.sem_alloc : memref<!tpu.dma_semaphore, #tpu.memory_space<semaphore_mem>>
        %dma_start3A_326 = arith.constant 0 : i32
        %dma_start3A_327 = tpu.memref_slice %arg7[%run_scoped3A, %run_scoped3A_205, %dma_start3A_326] : memref<2x4x128xi32, #tpu.memory_space<vmem>> -> memref<1x1x128xi32, #tpu.memory_space<vmem>>
        %dma_start3A_328 = tpu.memref_squeeze %dma_start3A_327 : memref<1x1x128xi32, #tpu.memory_space<vmem>> -> memref<128xi32, #tpu.memory_space<vmem>>
        %dma_start3A_329 = arith.constant 0 : i32
        %dma_start3A_330 = arith.constant 0 : i32
        %dma_start3A_331 = tpu.memref_slice %arg6[%dma_start3A_329, %dma_start3A_330] : memref<10240x128xf32, #tpu.memory_space<vmem_shared>> -> memref<10240x128xf32, #tpu.memory_space<vmem_shared>>
        tpu.enqueue_indirect_dma source(%arg9 : memref<128x128xf32, #tpu.memory_space<vmem>>) target(%dma_start3A_331 : memref<10240x128xf32, #tpu.memory_space<vmem_shared>>) offsets(%dma_start3A_328 : memref<128xi32, #tpu.memory_space<vmem>>) semaphore(%run_scoped3A_325 : memref<!tpu.dma_semaphore, #tpu.memory_space<semaphore_mem>>) {add = true}
        %dma_wait3A_332 = arith.constant 0 : i32
        %dma_wait3A_333 = tpu.memref_slice %arg7[%run_scoped3A, %run_scoped3A_205, %dma_wait3A_332] : memref<2x4x128xi32, #tpu.memory_space<vmem>> -> memref<1x1x128xi32, #tpu.memory_space<vmem>>
        %dma_wait3A_334 = tpu.memref_squeeze %dma_wait3A_333 : memref<1x1x128xi32, #tpu.memory_space<vmem>> -> memref<128xi32, #tpu.memory_space<vmem>>
        %dma_wait3A_335 = arith.constant 0 : i32
        %dma_wait3A_336 = arith.constant 0 : i32
        %dma_wait3A_337 = tpu.memref_slice %arg6[%dma_wait3A_335, %dma_wait3A_336] : memref<10240x128xf32, #tpu.memory_space<vmem_shared>> -> memref<10240x128xf32, #tpu.memory_space<vmem_shared>>
        tpu.wait_indirect_dma semaphore(%run_scoped3A_325 : memref<!tpu.dma_semaphore, #tpu.memory_space<semaphore_mem>>) src(%arg9 : memref<128x128xf32, #tpu.memory_space<vmem>>) dst(%dma_wait3A_337 : memref<10240x128xf32, #tpu.memory_space<vmem_shared>>)
        tpu.yield
      }) : () -> ()
      %dma_wait3A_206 = arith.constant 0 : i32
      %dma_wait3A_207 = arith.constant 1 : i32
      %dma_wait3A_208 = arith.constant 0 : i32
      %dma_wait3A_209 = tpu.memref_slice %arg7[%dma_wait3A_206, %dma_wait3A_207, %dma_wait3A_208] : memref<2x4x128xi32, #tpu.memory_space<vmem>> -> memref<1x1x128xi32, #tpu.memory_space<vmem>>
      %dma_wait3A_210 = tpu.memref_squeeze %dma_wait3A_209 : memref<1x1x128xi32, #tpu.memory_space<vmem>> -> memref<128xi32, #tpu.memory_space<vmem>>
      %dma_wait3A_211 = arith.constant 0 : i32
      %dma_wait3A_212 = arith.constant 0 : i32
      %dma_wait3A_213 = tpu.memref_slice %arg2[%dma_wait3A_211, %dma_wait3A_212] : memref<10000x128xf32, #tpu.memory_space<hbm>> -> memref<10000x128xf32, #tpu.memory_space<hbm>>
      tpu.wait_indirect_dma semaphore(%arg14 : memref<!tpu.dma_semaphore, #tpu.memory_space<semaphore_mem>>) src(%dma_wait3A_213 : memref<10000x128xf32, #tpu.memory_space<hbm>>) dst(%arg10 : memref<128x128xf32, #tpu.memory_space<vmem>>)
      %dma_start3A_214 = arith.constant 0 : i32
      %dma_start3A_215 = arith.constant 2 : i32
      %dma_start3A_216 = arith.constant 0 : i32
      %dma_start3A_217 = tpu.memref_slice %arg7[%dma_start3A_214, %dma_start3A_215, %dma_start3A_216] : memref<2x4x128xi32, #tpu.memory_space<vmem>> -> memref<1x1x128xi32, #tpu.memory_space<vmem>>
      %dma_start3A_218 = tpu.memref_squeeze %dma_start3A_217 : memref<1x1x128xi32, #tpu.memory_space<vmem>> -> memref<128xi32, #tpu.memory_space<vmem>>
      %dma_start3A_219 = arith.constant 0 : i32
      %dma_start3A_220 = arith.constant 0 : i32
      %dma_start3A_221 = tpu.memref_slice %arg2[%dma_start3A_219, %dma_start3A_220] : memref<10000x128xf32, #tpu.memory_space<hbm>> -> memref<10000x128xf32, #tpu.memory_space<hbm>>
      tpu.enqueue_indirect_dma source(%dma_start3A_221 : memref<10000x128xf32, #tpu.memory_space<hbm>>) target(%arg9 : memref<128x128xf32, #tpu.memory_space<vmem>>) offsets(%dma_start3A_218 : memref<128xi32, #tpu.memory_space<vmem>>) semaphore(%arg13 : memref<!tpu.dma_semaphore, #tpu.memory_space<semaphore_mem>>)
      %run_scoped3A_222 = arith.constant 1 : i32
      %run_scoped3A_223 = arith.constant 1 : i32
      "tpu.region"() ({
        %run_scoped3A_325 = tpu.sem_alloc : memref<!tpu.dma_semaphore, #tpu.memory_space<semaphore_mem>>
        %dma_start3A_326 = arith.constant 0 : i32
        %dma_start3A_327 = tpu.memref_slice %arg7[%run_scoped3A_222, %run_scoped3A_223, %dma_start3A_326] : memref<2x4x128xi32, #tpu.memory_space<vmem>> -> memref<1x1x128xi32, #tpu.memory_space<vmem>>
        %dma_start3A_328 = tpu.memref_squeeze %dma_start3A_327 : memref<1x1x128xi32, #tpu.memory_space<vmem>> -> memref<128xi32, #tpu.memory_space<vmem>>
        %dma_start3A_329 = arith.constant 0 : i32
        %dma_start3A_330 = arith.constant 0 : i32
        %dma_start3A_331 = tpu.memref_slice %arg6[%dma_start3A_329, %dma_start3A_330] : memref<10240x128xf32, #tpu.memory_space<vmem_shared>> -> memref<10240x128xf32, #tpu.memory_space<vmem_shared>>
        tpu.enqueue_indirect_dma source(%arg10 : memref<128x128xf32, #tpu.memory_space<vmem>>) target(%dma_start3A_331 : memref<10240x128xf32, #tpu.memory_space<vmem_shared>>) offsets(%dma_start3A_328 : memref<128xi32, #tpu.memory_space<vmem>>) semaphore(%run_scoped3A_325 : memref<!tpu.dma_semaphore, #tpu.memory_space<semaphore_mem>>) {add = true}
        %dma_wait3A_332 = arith.constant 0 : i32
        %dma_wait3A_333 = tpu.memref_slice %arg7[%run_scoped3A_222, %run_scoped3A_223, %dma_wait3A_332] : memref<2x4x128xi32, #tpu.memory_space<vmem>> -> memref<1x1x128xi32, #tpu.memory_space<vmem>>
        %dma_wait3A_334 = tpu.memref_squeeze %dma_wait3A_333 : memref<1x1x128xi32, #tpu.memory_space<vmem>> -> memref<128xi32, #tpu.memory_space<vmem>>
        %dma_wait3A_335 = arith.constant 0 : i32
        %dma_wait3A_336 = arith.constant 0 : i32
        %dma_wait3A_337 = tpu.memref_slice %arg6[%dma_wait3A_335, %dma_wait3A_336] : memref<10240x128xf32, #tpu.memory_space<vmem_shared>> -> memref<10240x128xf32, #tpu.memory_space<vmem_shared>>
        tpu.wait_indirect_dma semaphore(%run_scoped3A_325 : memref<!tpu.dma_semaphore, #tpu.memory_space<semaphore_mem>>) src(%arg10 : memref<128x128xf32, #tpu.memory_space<vmem>>) dst(%dma_wait3A_337 : memref<10240x128xf32, #tpu.memory_space<vmem_shared>>)
        tpu.yield
      }) : () -> ()
      %dma_wait3A_224 = arith.constant 0 : i32
      %dma_wait3A_225 = arith.constant 2 : i32
      %dma_wait3A_226 = arith.constant 0 : i32
      %dma_wait3A_227 = tpu.memref_slice %arg7[%dma_wait3A_224, %dma_wait3A_225, %dma_wait3A_226] : memref<2x4x128xi32, #tpu.memory_space<vmem>> -> memref<1x1x128xi32, #tpu.memory_space<vmem>>
      %dma_wait3A_228 = tpu.memref_squeeze %dma_wait3A_227 : memref<1x1x128xi32, #tpu.memory_space<vmem>> -> memref<128xi32, #tpu.memory_space<vmem>>
      %dma_wait3A_229 = arith.constant 0 : i32
      %dma_wait3A_230 = arith.constant 0 : i32
      %dma_wait3A_231 = tpu.memref_slice %arg2[%dma_wait3A_229, %dma_wait3A_230] : memref<10000x128xf32, #tpu.memory_space<hbm>> -> memref<10000x128xf32, #tpu.memory_space<hbm>>
      tpu.wait_indirect_dma semaphore(%arg13 : memref<!tpu.dma_semaphore, #tpu.memory_space<semaphore_mem>>) src(%dma_wait3A_231 : memref<10000x128xf32, #tpu.memory_space<hbm>>) dst(%arg9 : memref<128x128xf32, #tpu.memory_space<vmem>>)
      %dma_start3A_232 = arith.constant 0 : i32
      %dma_start3A_233 = arith.constant 3 : i32
      %dma_start3A_234 = arith.constant 0 : i32
      %dma_start3A_235 = tpu.memref_slice %arg7[%dma_start3A_232, %dma_start3A_233, %dma_start3A_234] : memref<2x4x128xi32, #tpu.memory_space<vmem>> -> memref<1x1x128xi32, #tpu.memory_space<vmem>>
      %dma_start3A_236 = tpu.memref_squeeze %dma_start3A_235 : memref<1x1x128xi32, #tpu.memory_space<vmem>> -> memref<128xi32, #tpu.memory_space<vmem>>
      %dma_start3A_237 = arith.constant 0 : i32
      %dma_start3A_238 = arith.constant 0 : i32
      %dma_start3A_239 = tpu.memref_slice %arg2[%dma_start3A_237, %dma_start3A_238] : memref<10000x128xf32, #tpu.memory_space<hbm>> -> memref<10000x128xf32, #tpu.memory_space<hbm>>
      tpu.enqueue_indirect_dma source(%dma_start3A_239 : memref<10000x128xf32, #tpu.memory_space<hbm>>) target(%arg10 : memref<128x128xf32, #tpu.memory_space<vmem>>) offsets(%dma_start3A_236 : memref<128xi32, #tpu.memory_space<vmem>>) semaphore(%arg14 : memref<!tpu.dma_semaphore, #tpu.memory_space<semaphore_mem>>)
      %run_scoped3A_240 = arith.constant 1 : i32
      %run_scoped3A_241 = arith.constant 2 : i32
      "tpu.region"() ({
        %run_scoped3A_325 = tpu.sem_alloc : memref<!tpu.dma_semaphore, #tpu.memory_space<semaphore_mem>>
        %dma_start3A_326 = arith.constant 0 : i32
        %dma_start3A_327 = tpu.memref_slice %arg7[%run_scoped3A_240, %run_scoped3A_241, %dma_start3A_326] : memref<2x4x128xi32, #tpu.memory_space<vmem>> -> memref<1x1x128xi32, #tpu.memory_space<vmem>>
        %dma_start3A_328 = tpu.memref_squeeze %dma_start3A_327 : memref<1x1x128xi32, #tpu.memory_space<vmem>> -> memref<128xi32, #tpu.memory_space<vmem>>
        %dma_start3A_329 = arith.constant 0 : i32
        %dma_start3A_330 = arith.constant 0 : i32
        %dma_start3A_331 = tpu.memref_slice %arg6[%dma_start3A_329, %dma_start3A_330] : memref<10240x128xf32, #tpu.memory_space<vmem_shared>> -> memref<10240x128xf32, #tpu.memory_space<vmem_shared>>
        tpu.enqueue_indirect_dma source(%arg9 : memref<128x128xf32, #tpu.memory_space<vmem>>) target(%dma_start3A_331 : memref<10240x128xf32, #tpu.memory_space<vmem_shared>>) offsets(%dma_start3A_328 : memref<128xi32, #tpu.memory_space<vmem>>) semaphore(%run_scoped3A_325 : memref<!tpu.dma_semaphore, #tpu.memory_space<semaphore_mem>>) {add = true}
        %dma_wait3A_332 = arith.constant 0 : i32
        %dma_wait3A_333 = tpu.memref_slice %arg7[%run_scoped3A_240, %run_scoped3A_241, %dma_wait3A_332] : memref<2x4x128xi32, #tpu.memory_space<vmem>> -> memref<1x1x128xi32, #tpu.memory_space<vmem>>
        %dma_wait3A_334 = tpu.memref_squeeze %dma_wait3A_333 : memref<1x1x128xi32, #tpu.memory_space<vmem>> -> memref<128xi32, #tpu.memory_space<vmem>>
        %dma_wait3A_335 = arith.constant 0 : i32
        %dma_wait3A_336 = arith.constant 0 : i32
        %dma_wait3A_337 = tpu.memref_slice %arg6[%dma_wait3A_335, %dma_wait3A_336] : memref<10240x128xf32, #tpu.memory_space<vmem_shared>> -> memref<10240x128xf32, #tpu.memory_space<vmem_shared>>
        tpu.wait_indirect_dma semaphore(%run_scoped3A_325 : memref<!tpu.dma_semaphore, #tpu.memory_space<semaphore_mem>>) src(%arg9 : memref<128x128xf32, #tpu.memory_space<vmem>>) dst(%dma_wait3A_337 : memref<10240x128xf32, #tpu.memory_space<vmem_shared>>)
        tpu.yield
      }) : () -> ()
      %dma_wait3A_242 = arith.constant 0 : i32
      %dma_wait3A_243 = arith.constant 3 : i32
      %dma_wait3A_244 = arith.constant 0 : i32
      %dma_wait3A_245 = tpu.memref_slice %arg7[%dma_wait3A_242, %dma_wait3A_243, %dma_wait3A_244] : memref<2x4x128xi32, #tpu.memory_space<vmem>> -> memref<1x1x128xi32, #tpu.memory_space<vmem>>
      %dma_wait3A_246 = tpu.memref_squeeze %dma_wait3A_245 : memref<1x1x128xi32, #tpu.memory_space<vmem>> -> memref<128xi32, #tpu.memory_space<vmem>>
      %dma_wait3A_247 = arith.constant 0 : i32
      %dma_wait3A_248 = arith.constant 0 : i32
      %dma_wait3A_249 = tpu.memref_slice %arg2[%dma_wait3A_247, %dma_wait3A_248] : memref<10000x128xf32, #tpu.memory_space<hbm>> -> memref<10000x128xf32, #tpu.memory_space<hbm>>
      tpu.wait_indirect_dma semaphore(%arg14 : memref<!tpu.dma_semaphore, #tpu.memory_space<semaphore_mem>>) src(%dma_wait3A_249 : memref<10000x128xf32, #tpu.memory_space<hbm>>) dst(%arg10 : memref<128x128xf32, #tpu.memory_space<vmem>>)
      %dma_start3A_250 = arith.constant 0 : i32
      %dma_start3A_251 = arith.constant 0 : i32
      %dma_start3A_252 = arith.constant 0 : i32
      %dma_start3A_253 = tpu.memref_slice %arg8[%dma_start3A_250, %dma_start3A_251, %dma_start3A_252] : memref<2x4x128xi32, #tpu.memory_space<vmem>> -> memref<1x1x128xi32, #tpu.memory_space<vmem>>
      %dma_start3A_254 = tpu.memref_squeeze %dma_start3A_253 : memref<1x1x128xi32, #tpu.memory_space<vmem>> -> memref<128xi32, #tpu.memory_space<vmem>>
      %dma_start3A_255 = arith.constant 0 : i32
      %dma_start3A_256 = arith.constant 0 : i32
      %dma_start3A_257 = tpu.memref_slice %arg2[%dma_start3A_255, %dma_start3A_256] : memref<10000x128xf32, #tpu.memory_space<hbm>> -> memref<10000x128xf32, #tpu.memory_space<hbm>>
      tpu.enqueue_indirect_dma source(%dma_start3A_257 : memref<10000x128xf32, #tpu.memory_space<hbm>>) target(%arg9 : memref<128x128xf32, #tpu.memory_space<vmem>>) offsets(%dma_start3A_254 : memref<128xi32, #tpu.memory_space<vmem>>) semaphore(%arg13 : memref<!tpu.dma_semaphore, #tpu.memory_space<semaphore_mem>>)
      %run_scoped3A_258 = arith.constant 1 : i32
      %run_scoped3A_259 = arith.constant 3 : i32
      "tpu.region"() ({
        %run_scoped3A_325 = tpu.sem_alloc : memref<!tpu.dma_semaphore, #tpu.memory_space<semaphore_mem>>
        %dma_start3A_326 = arith.constant 0 : i32
        %dma_start3A_327 = tpu.memref_slice %arg7[%run_scoped3A_258, %run_scoped3A_259, %dma_start3A_326] : memref<2x4x128xi32, #tpu.memory_space<vmem>> -> memref<1x1x128xi32, #tpu.memory_space<vmem>>
        %dma_start3A_328 = tpu.memref_squeeze %dma_start3A_327 : memref<1x1x128xi32, #tpu.memory_space<vmem>> -> memref<128xi32, #tpu.memory_space<vmem>>
        %dma_start3A_329 = arith.constant 0 : i32
        %dma_start3A_330 = arith.constant 0 : i32
        %dma_start3A_331 = tpu.memref_slice %arg6[%dma_start3A_329, %dma_start3A_330] : memref<10240x128xf32, #tpu.memory_space<vmem_shared>> -> memref<10240x128xf32, #tpu.memory_space<vmem_shared>>
        tpu.enqueue_indirect_dma source(%arg10 : memref<128x128xf32, #tpu.memory_space<vmem>>) target(%dma_start3A_331 : memref<10240x128xf32, #tpu.memory_space<vmem_shared>>) offsets(%dma_start3A_328 : memref<128xi32, #tpu.memory_space<vmem>>) semaphore(%run_scoped3A_325 : memref<!tpu.dma_semaphore, #tpu.memory_space<semaphore_mem>>) {add = true}
        %dma_wait3A_332 = arith.constant 0 : i32
        %dma_wait3A_333 = tpu.memref_slice %arg7[%run_scoped3A_258, %run_scoped3A_259, %dma_wait3A_332] : memref<2x4x128xi32, #tpu.memory_space<vmem>> -> memref<1x1x128xi32, #tpu.memory_space<vmem>>
        %dma_wait3A_334 = tpu.memref_squeeze %dma_wait3A_333 : memref<1x1x128xi32, #tpu.memory_space<vmem>> -> memref<128xi32, #tpu.memory_space<vmem>>
        %dma_wait3A_335 = arith.constant 0 : i32
        %dma_wait3A_336 = arith.constant 0 : i32
        %dma_wait3A_337 = tpu.memref_slice %arg6[%dma_wait3A_335, %dma_wait3A_336] : memref<10240x128xf32, #tpu.memory_space<vmem_shared>> -> memref<10240x128xf32, #tpu.memory_space<vmem_shared>>
        tpu.wait_indirect_dma semaphore(%run_scoped3A_325 : memref<!tpu.dma_semaphore, #tpu.memory_space<semaphore_mem>>) src(%arg10 : memref<128x128xf32, #tpu.memory_space<vmem>>) dst(%dma_wait3A_337 : memref<10240x128xf32, #tpu.memory_space<vmem_shared>>)
        tpu.yield
      }) : () -> ()
      %lt3A = arith.constant 9 : i32
      %lt3A_260 = arith.cmpi slt, %scan3A_177, %lt3A : i32
      %convert_element_type3A = arith.extui %lt3A_260 : i1 to i32
      %cond3A = arith.constant 0 : i32
      %cond3A_261 = arith.cmpi ne, %convert_element_type3A, %cond3A : i32
      scf.if %cond3A_261 {
        %mul3A_325 = arith.constant 2 : i32
        %mul3A_326 = arith.muli %mul3A_325, %scan3A_177 : i32
        %add3A_327 = arith.constant 2 : i32
        %add3A_328 = arith.addi %mul3A_326, %add3A_327 : i32
        %dma_start3A_329 = arith.constant 0 : i32
        %dma_start3A_330 = arith.constant 0 : i32
        %dma_start3A_331 = arith.constant 0 : i32
        %dma_start3A_332 = tpu.memref_slice %arg3[%add3A, %add3A_328, %dma_start3A_329, %dma_start3A_330, %dma_start3A_331] : memref<32x20x2x4x128xi32, #tpu.memory_space<hbm>> -> memref<1x1x2x4x128xi32, #tpu.memory_space<hbm>>
        %dma_start3A_333 = tpu.memref_squeeze %dma_start3A_332 : memref<1x1x2x4x128xi32, #tpu.memory_space<hbm>> -> memref<2x4x128xi32, #tpu.memory_space<hbm>>
        %dma_start3A_334 = arith.constant 0 : i32
        %dma_start3A_335 = arith.constant 0 : i32
        %dma_start3A_336 = arith.constant 0 : i32
        %dma_start3A_337 = tpu.memref_slice %arg3[%add3A, %add3A_328, %dma_start3A_334, %dma_start3A_335, %dma_start3A_336] : memref<32x20x2x4x128xi32, #tpu.memory_space<hbm>> -> memref<1x1x2x4x128xi32, #tpu.memory_space<hbm>>
        %dma_start3A_338 = tpu.memref_squeeze %dma_start3A_337 : memref<1x1x2x4x128xi32, #tpu.memory_space<hbm>> -> memref<2x4x128xi32, #tpu.memory_space<hbm>>
        tpu.enqueue_dma source(%dma_start3A_338 : memref<2x4x128xi32, #tpu.memory_space<hbm>>) target(%arg7 : memref<2x4x128xi32, #tpu.memory_space<vmem>>) target_semaphore(%arg11 : memref<!tpu.dma_semaphore, #tpu.memory_space<semaphore_mem>>)
      } else {
      }
      %dma_wait3A_262 = arith.constant 0 : i32
      %dma_wait3A_263 = arith.constant 0 : i32
      %dma_wait3A_264 = arith.constant 0 : i32
      %dma_wait3A_265 = tpu.memref_slice %arg8[%dma_wait3A_262, %dma_wait3A_263, %dma_wait3A_264] : memref<2x4x128xi32, #tpu.memory_space<vmem>> -> memref<1x1x128xi32, #tpu.memory_space<vmem>>
      %dma_wait3A_266 = tpu.memref_squeeze %dma_wait3A_265 : memref<1x1x128xi32, #tpu.memory_space<vmem>> -> memref<128xi32, #tpu.memory_space<vmem>>
      %dma_wait3A_267 = arith.constant 0 : i32
      %dma_wait3A_268 = arith.constant 0 : i32
      %dma_wait3A_269 = tpu.memref_slice %arg2[%dma_wait3A_267, %dma_wait3A_268] : memref<10000x128xf32, #tpu.memory_space<hbm>> -> memref<10000x128xf32, #tpu.memory_space<hbm>>
      tpu.wait_indirect_dma semaphore(%arg13 : memref<!tpu.dma_semaphore, #tpu.memory_space<semaphore_mem>>) src(%dma_wait3A_269 : memref<10000x128xf32, #tpu.memory_space<hbm>>) dst(%arg9 : memref<128x128xf32, #tpu.memory_space<vmem>>)
      %dma_start3A_270 = arith.constant 0 : i32
      %dma_start3A_271 = arith.constant 1 : i32
      %dma_start3A_272 = arith.constant 0 : i32
      %dma_start3A_273 = tpu.memref_slice %arg8[%dma_start3A_270, %dma_start3A_271, %dma_start3A_272] : memref<2x4x128xi32, #tpu.memory_space<vmem>> -> memref<1x1x128xi32, #tpu.memory_space<vmem>>
      %dma_start3A_274 = tpu.memref_squeeze %dma_start3A_273 : memref<1x1x128xi32, #tpu.memory_space<vmem>> -> memref<128xi32, #tpu.memory_space<vmem>>
      %dma_start3A_275 = arith.constant 0 : i32
      %dma_start3A_276 = arith.constant 0 : i32
      %dma_start3A_277 = tpu.memref_slice %arg2[%dma_start3A_275, %dma_start3A_276] : memref<10000x128xf32, #tpu.memory_space<hbm>> -> memref<10000x128xf32, #tpu.memory_space<hbm>>
      tpu.enqueue_indirect_dma source(%dma_start3A_277 : memref<10000x128xf32, #tpu.memory_space<hbm>>) target(%arg10 : memref<128x128xf32, #tpu.memory_space<vmem>>) offsets(%dma_start3A_274 : memref<128xi32, #tpu.memory_space<vmem>>) semaphore(%arg14 : memref<!tpu.dma_semaphore, #tpu.memory_space<semaphore_mem>>)
      %run_scoped3A_278 = arith.constant 1 : i32
      %run_scoped3A_279 = arith.constant 0 : i32
      "tpu.region"() ({
        %run_scoped3A_325 = tpu.sem_alloc : memref<!tpu.dma_semaphore, #tpu.memory_space<semaphore_mem>>
        %dma_start3A_326 = arith.constant 0 : i32
        %dma_start3A_327 = tpu.memref_slice %arg8[%run_scoped3A_278, %run_scoped3A_279, %dma_start3A_326] : memref<2x4x128xi32, #tpu.memory_space<vmem>> -> memref<1x1x128xi32, #tpu.memory_space<vmem>>
        %dma_start3A_328 = tpu.memref_squeeze %dma_start3A_327 : memref<1x1x128xi32, #tpu.memory_space<vmem>> -> memref<128xi32, #tpu.memory_space<vmem>>
        %dma_start3A_329 = arith.constant 0 : i32
        %dma_start3A_330 = arith.constant 0 : i32
        %dma_start3A_331 = tpu.memref_slice %arg6[%dma_start3A_329, %dma_start3A_330] : memref<10240x128xf32, #tpu.memory_space<vmem_shared>> -> memref<10240x128xf32, #tpu.memory_space<vmem_shared>>
        tpu.enqueue_indirect_dma source(%arg9 : memref<128x128xf32, #tpu.memory_space<vmem>>) target(%dma_start3A_331 : memref<10240x128xf32, #tpu.memory_space<vmem_shared>>) offsets(%dma_start3A_328 : memref<128xi32, #tpu.memory_space<vmem>>) semaphore(%run_scoped3A_325 : memref<!tpu.dma_semaphore, #tpu.memory_space<semaphore_mem>>) {add = true}
        %dma_wait3A_332 = arith.constant 0 : i32
        %dma_wait3A_333 = tpu.memref_slice %arg8[%run_scoped3A_278, %run_scoped3A_279, %dma_wait3A_332] : memref<2x4x128xi32, #tpu.memory_space<vmem>> -> memref<1x1x128xi32, #tpu.memory_space<vmem>>
        %dma_wait3A_334 = tpu.memref_squeeze %dma_wait3A_333 : memref<1x1x128xi32, #tpu.memory_space<vmem>> -> memref<128xi32, #tpu.memory_space<vmem>>
        %dma_wait3A_335 = arith.constant 0 : i32
        %dma_wait3A_336 = arith.constant 0 : i32
        %dma_wait3A_337 = tpu.memref_slice %arg6[%dma_wait3A_335, %dma_wait3A_336] : memref<10240x128xf32, #tpu.memory_space<vmem_shared>> -> memref<10240x128xf32, #tpu.memory_space<vmem_shared>>
        tpu.wait_indirect_dma semaphore(%run_scoped3A_325 : memref<!tpu.dma_semaphore, #tpu.memory_space<semaphore_mem>>) src(%arg9 : memref<128x128xf32, #tpu.memory_space<vmem>>) dst(%dma_wait3A_337 : memref<10240x128xf32, #tpu.memory_space<vmem_shared>>)
        tpu.yield
      }) : () -> ()
      %dma_wait3A_280 = arith.constant 0 : i32
      %dma_wait3A_281 = arith.constant 1 : i32
      %dma_wait3A_282 = arith.constant 0 : i32
      %dma_wait3A_283 = tpu.memref_slice %arg8[%dma_wait3A_280, %dma_wait3A_281, %dma_wait3A_282] : memref<2x4x128xi32, #tpu.memory_space<vmem>> -> memref<1x1x128xi32, #tpu.memory_space<vmem>>
      %dma_wait3A_284 = tpu.memref_squeeze %dma_wait3A_283 : memref<1x1x128xi32, #tpu.memory_space<vmem>> -> memref<128xi32, #tpu.memory_space<vmem>>
      %dma_wait3A_285 = arith.constant 0 : i32
      %dma_wait3A_286 = arith.constant 0 : i32
      %dma_wait3A_287 = tpu.memref_slice %arg2[%dma_wait3A_285, %dma_wait3A_286] : memref<10000x128xf32, #tpu.memory_space<hbm>> -> memref<10000x128xf32, #tpu.memory_space<hbm>>
      tpu.wait_indirect_dma semaphore(%arg14 : memref<!tpu.dma_semaphore, #tpu.memory_space<semaphore_mem>>) src(%dma_wait3A_287 : memref<10000x128xf32, #tpu.memory_space<hbm>>) dst(%arg10 : memref<128x128xf32, #tpu.memory_space<vmem>>)
      %dma_start3A_288 = arith.constant 0 : i32
      %dma_start3A_289 = arith.constant 2 : i32
      %dma_start3A_290 = arith.constant 0 : i32
      %dma_start3A_291 = tpu.memref_slice %arg8[%dma_start3A_288, %dma_start3A_289, %dma_start3A_290] : memref<2x4x128xi32, #tpu.memory_space<vmem>> -> memref<1x1x128xi32, #tpu.memory_space<vmem>>
      %dma_start3A_292 = tpu.memref_squeeze %dma_start3A_291 : memref<1x1x128xi32, #tpu.memory_space<vmem>> -> memref<128xi32, #tpu.memory_space<vmem>>
      %dma_start3A_293 = arith.constant 0 : i32
      %dma_start3A_294 = arith.constant 0 : i32
      %dma_start3A_295 = tpu.memref_slice %arg2[%dma_start3A_293, %dma_start3A_294] : memref<10000x128xf32, #tpu.memory_space<hbm>> -> memref<10000x128xf32, #tpu.memory_space<hbm>>
      tpu.enqueue_indirect_dma source(%dma_start3A_295 : memref<10000x128xf32, #tpu.memory_space<hbm>>) target(%arg9 : memref<128x128xf32, #tpu.memory_space<vmem>>) offsets(%dma_start3A_292 : memref<128xi32, #tpu.memory_space<vmem>>) semaphore(%arg13 : memref<!tpu.dma_semaphore, #tpu.memory_space<semaphore_mem>>)
      %run_scoped3A_296 = arith.constant 1 : i32
      %run_scoped3A_297 = arith.constant 1 : i32
      "tpu.region"() ({
        %run_scoped3A_325 = tpu.sem_alloc : memref<!tpu.dma_semaphore, #tpu.memory_space<semaphore_mem>>
        %dma_start3A_326 = arith.constant 0 : i32
        %dma_start3A_327 = tpu.memref_slice %arg8[%run_scoped3A_296, %run_scoped3A_297, %dma_start3A_326] : memref<2x4x128xi32, #tpu.memory_space<vmem>> -> memref<1x1x128xi32, #tpu.memory_space<vmem>>
        %dma_start3A_328 = tpu.memref_squeeze %dma_start3A_327 : memref<1x1x128xi32, #tpu.memory_space<vmem>> -> memref<128xi32, #tpu.memory_space<vmem>>
        %dma_start3A_329 = arith.constant 0 : i32
        %dma_start3A_330 = arith.constant 0 : i32
        %dma_start3A_331 = tpu.memref_slice %arg6[%dma_start3A_329, %dma_start3A_330] : memref<10240x128xf32, #tpu.memory_space<vmem_shared>> -> memref<10240x128xf32, #tpu.memory_space<vmem_shared>>
        tpu.enqueue_indirect_dma source(%arg10 : memref<128x128xf32, #tpu.memory_space<vmem>>) target(%dma_start3A_331 : memref<10240x128xf32, #tpu.memory_space<vmem_shared>>) offsets(%dma_start3A_328 : memref<128xi32, #tpu.memory_space<vmem>>) semaphore(%run_scoped3A_325 : memref<!tpu.dma_semaphore, #tpu.memory_space<semaphore_mem>>) {add = true}
        %dma_wait3A_332 = arith.constant 0 : i32
        %dma_wait3A_333 = tpu.memref_slice %arg8[%run_scoped3A_296, %run_scoped3A_297, %dma_wait3A_332] : memref<2x4x128xi32, #tpu.memory_space<vmem>> -> memref<1x1x128xi32, #tpu.memory_space<vmem>>
        %dma_wait3A_334 = tpu.memref_squeeze %dma_wait3A_333 : memref<1x1x128xi32, #tpu.memory_space<vmem>> -> memref<128xi32, #tpu.memory_space<vmem>>
        %dma_wait3A_335 = arith.constant 0 : i32
        %dma_wait3A_336 = arith.constant 0 : i32
        %dma_wait3A_337 = tpu.memref_slice %arg6[%dma_wait3A_335, %dma_wait3A_336] : memref<10240x128xf32, #tpu.memory_space<vmem_shared>> -> memref<10240x128xf32, #tpu.memory_space<vmem_shared>>
        tpu.wait_indirect_dma semaphore(%run_scoped3A_325 : memref<!tpu.dma_semaphore, #tpu.memory_space<semaphore_mem>>) src(%arg10 : memref<128x128xf32, #tpu.memory_space<vmem>>) dst(%dma_wait3A_337 : memref<10240x128xf32, #tpu.memory_space<vmem_shared>>)
        tpu.yield
      }) : () -> ()
      %dma_wait3A_298 = arith.constant 0 : i32
      %dma_wait3A_299 = arith.constant 2 : i32
      %dma_wait3A_300 = arith.constant 0 : i32
      %dma_wait3A_301 = tpu.memref_slice %arg8[%dma_wait3A_298, %dma_wait3A_299, %dma_wait3A_300] : memref<2x4x128xi32, #tpu.memory_space<vmem>> -> memref<1x1x128xi32, #tpu.memory_space<vmem>>
      %dma_wait3A_302 = tpu.memref_squeeze %dma_wait3A_301 : memref<1x1x128xi32, #tpu.memory_space<vmem>> -> memref<128xi32, #tpu.memory_space<vmem>>
      %dma_wait3A_303 = arith.constant 0 : i32
      %dma_wait3A_304 = arith.constant 0 : i32
      %dma_wait3A_305 = tpu.memref_slice %arg2[%dma_wait3A_303, %dma_wait3A_304] : memref<10000x128xf32, #tpu.memory_space<hbm>> -> memref<10000x128xf32, #tpu.memory_space<hbm>>
      tpu.wait_indirect_dma semaphore(%arg13 : memref<!tpu.dma_semaphore, #tpu.memory_space<semaphore_mem>>) src(%dma_wait3A_305 : memref<10000x128xf32, #tpu.memory_space<hbm>>) dst(%arg9 : memref<128x128xf32, #tpu.memory_space<vmem>>)
      %dma_start3A_306 = arith.constant 0 : i32
      %dma_start3A_307 = arith.constant 3 : i32
      %dma_start3A_308 = arith.constant 0 : i32
      %dma_start3A_309 = tpu.memref_slice %arg8[%dma_start3A_306, %dma_start3A_307, %dma_start3A_308] : memref<2x4x128xi32, #tpu.memory_space<vmem>> -> memref<1x1x128xi32, #tpu.memory_space<vmem>>
      %dma_start3A_310 = tpu.memref_squeeze %dma_start3A_309 : memref<1x1x128xi32, #tpu.memory_space<vmem>> -> memref<128xi32, #tpu.memory_space<vmem>>
      %dma_start3A_311 = arith.constant 0 : i32
      %dma_start3A_312 = arith.constant 0 : i32
      %dma_start3A_313 = tpu.memref_slice %arg2[%dma_start3A_311, %dma_start3A_312] : memref<10000x128xf32, #tpu.memory_space<hbm>> -> memref<10000x128xf32, #tpu.memory_space<hbm>>
      tpu.enqueue_indirect_dma source(%dma_start3A_313 : memref<10000x128xf32, #tpu.memory_space<hbm>>) target(%arg10 : memref<128x128xf32, #tpu.memory_space<vmem>>) offsets(%dma_start3A_310 : memref<128xi32, #tpu.memory_space<vmem>>) semaphore(%arg14 : memref<!tpu.dma_semaphore, #tpu.memory_space<semaphore_mem>>)
      %run_scoped3A_314 = arith.constant 1 : i32
      %run_scoped3A_315 = arith.constant 2 : i32
      "tpu.region"() ({
        %run_scoped3A_325 = tpu.sem_alloc : memref<!tpu.dma_semaphore, #tpu.memory_space<semaphore_mem>>
        %dma_start3A_326 = arith.constant 0 : i32
        %dma_start3A_327 = tpu.memref_slice %arg8[%run_scoped3A_314, %run_scoped3A_315, %dma_start3A_326] : memref<2x4x128xi32, #tpu.memory_space<vmem>> -> memref<1x1x128xi32, #tpu.memory_space<vmem>>
        %dma_start3A_328 = tpu.memref_squeeze %dma_start3A_327 : memref<1x1x128xi32, #tpu.memory_space<vmem>> -> memref<128xi32, #tpu.memory_space<vmem>>
        %dma_start3A_329 = arith.constant 0 : i32
        %dma_start3A_330 = arith.constant 0 : i32
        %dma_start3A_331 = tpu.memref_slice %arg6[%dma_start3A_329, %dma_start3A_330] : memref<10240x128xf32, #tpu.memory_space<vmem_shared>> -> memref<10240x128xf32, #tpu.memory_space<vmem_shared>>
        tpu.enqueue_indirect_dma source(%arg9 : memref<128x128xf32, #tpu.memory_space<vmem>>) target(%dma_start3A_331 : memref<10240x128xf32, #tpu.memory_space<vmem_shared>>) offsets(%dma_start3A_328 : memref<128xi32, #tpu.memory_space<vmem>>) semaphore(%run_scoped3A_325 : memref<!tpu.dma_semaphore, #tpu.memory_space<semaphore_mem>>) {add = true}
        %dma_wait3A_332 = arith.constant 0 : i32
        %dma_wait3A_333 = tpu.memref_slice %arg8[%run_scoped3A_314, %run_scoped3A_315, %dma_wait3A_332] : memref<2x4x128xi32, #tpu.memory_space<vmem>> -> memref<1x1x128xi32, #tpu.memory_space<vmem>>
        %dma_wait3A_334 = tpu.memref_squeeze %dma_wait3A_333 : memref<1x1x128xi32, #tpu.memory_space<vmem>> -> memref<128xi32, #tpu.memory_space<vmem>>
        %dma_wait3A_335 = arith.constant 0 : i32
        %dma_wait3A_336 = arith.constant 0 : i32
        %dma_wait3A_337 = tpu.memref_slice %arg6[%dma_wait3A_335, %dma_wait3A_336] : memref<10240x128xf32, #tpu.memory_space<vmem_shared>> -> memref<10240x128xf32, #tpu.memory_space<vmem_shared>>
        tpu.wait_indirect_dma semaphore(%run_scoped3A_325 : memref<!tpu.dma_semaphore, #tpu.memory_space<semaphore_mem>>) src(%arg9 : memref<128x128xf32, #tpu.memory_space<vmem>>) dst(%dma_wait3A_337 : memref<10240x128xf32, #tpu.memory_space<vmem_shared>>)
        tpu.yield
      }) : () -> ()
      %lt3A_316 = arith.constant 9 : i32
      %lt3A_317 = arith.cmpi slt, %scan3A_177, %lt3A_316 : i32
      %convert_element_type3A_318 = arith.extui %lt3A_317 : i1 to i32
      %cond3A_319 = arith.constant 0 : i32
      %cond3A_320 = arith.cmpi ne, %convert_element_type3A_318, %cond3A_319 : i32
      scf.if %cond3A_320 {
        %dma_wait3A_325 = arith.constant 0 : i32
        %dma_wait3A_326 = arith.constant 0 : i32
        %dma_wait3A_327 = arith.constant 0 : i32
        %dma_wait3A_328 = arith.constant 0 : i32
        %dma_wait3A_329 = tpu.memref_slice %arg3[%add3A, %dma_wait3A_325, %dma_wait3A_326, %dma_wait3A_327, %dma_wait3A_328] : memref<32x20x2x4x128xi32, #tpu.memory_space<hbm>> -> memref<1x1x2x4x128xi32, #tpu.memory_space<hbm>>
        %dma_wait3A_330 = tpu.memref_squeeze %dma_wait3A_329 : memref<1x1x2x4x128xi32, #tpu.memory_space<hbm>> -> memref<2x4x128xi32, #tpu.memory_space<hbm>>
        %dma_wait3A_331 = arith.constant 0 : i32
        %dma_wait3A_332 = arith.constant 0 : i32
        %dma_wait3A_333 = arith.constant 0 : i32
        %dma_wait3A_334 = tpu.memref_slice %arg3[%add3A, %dma_wait3A_325, %dma_wait3A_331, %dma_wait3A_332, %dma_wait3A_333] : memref<32x20x2x4x128xi32, #tpu.memory_space<hbm>> -> memref<1x1x2x4x128xi32, #tpu.memory_space<hbm>>
        %dma_wait3A_335 = tpu.memref_squeeze %dma_wait3A_334 : memref<1x1x2x4x128xi32, #tpu.memory_space<hbm>> -> memref<2x4x128xi32, #tpu.memory_space<hbm>>
        tpu.wait_dma2 semaphore(%arg11 : memref<!tpu.dma_semaphore, #tpu.memory_space<semaphore_mem>>) src(%dma_wait3A_335 : memref<2x4x128xi32, #tpu.memory_space<hbm>>) dst(%arg7 : memref<2x4x128xi32, #tpu.memory_space<vmem>>)
        %dma_wait3A_336 = arith.constant 0 : i32
        %dma_wait3A_337 = arith.constant 3 : i32
        %dma_wait3A_338 = arith.constant 0 : i32
        %dma_wait3A_339 = tpu.memref_slice %arg8[%dma_wait3A_336, %dma_wait3A_337, %dma_wait3A_338] : memref<2x4x128xi32, #tpu.memory_space<vmem>> -> memref<1x1x128xi32, #tpu.memory_space<vmem>>
        %dma_wait3A_340 = tpu.memref_squeeze %dma_wait3A_339 : memref<1x1x128xi32, #tpu.memory_space<vmem>> -> memref<128xi32, #tpu.memory_space<vmem>>
        %dma_wait3A_341 = arith.constant 0 : i32
        %dma_wait3A_342 = arith.constant 0 : i32
        %dma_wait3A_343 = tpu.memref_slice %arg2[%dma_wait3A_341, %dma_wait3A_342] : memref<10000x128xf32, #tpu.memory_space<hbm>> -> memref<10000x128xf32, #tpu.memory_space<hbm>>
        tpu.wait_indirect_dma semaphore(%arg14 : memref<!tpu.dma_semaphore, #tpu.memory_space<semaphore_mem>>) src(%dma_wait3A_343 : memref<10000x128xf32, #tpu.memory_space<hbm>>) dst(%arg10 : memref<128x128xf32, #tpu.memory_space<vmem>>)
        %dma_start3A_344 = arith.constant 0 : i32
        %dma_start3A_345 = arith.constant 0 : i32
        %dma_start3A_346 = arith.constant 0 : i32
        %dma_start3A_347 = tpu.memref_slice %arg7[%dma_start3A_344, %dma_start3A_345, %dma_start3A_346] : memref<2x4x128xi32, #tpu.memory_space<vmem>> -> memref<1x1x128xi32, #tpu.memory_space<vmem>>
        %dma_start3A_348 = tpu.memref_squeeze %dma_start3A_347 : memref<1x1x128xi32, #tpu.memory_space<vmem>> -> memref<128xi32, #tpu.memory_space<vmem>>
        %dma_start3A_349 = arith.constant 0 : i32
        %dma_start3A_350 = arith.constant 0 : i32
        %dma_start3A_351 = tpu.memref_slice %arg2[%dma_start3A_349, %dma_start3A_350] : memref<10000x128xf32, #tpu.memory_space<hbm>> -> memref<10000x128xf32, #tpu.memory_space<hbm>>
        tpu.enqueue_indirect_dma source(%dma_start3A_351 : memref<10000x128xf32, #tpu.memory_space<hbm>>) target(%arg9 : memref<128x128xf32, #tpu.memory_space<vmem>>) offsets(%dma_start3A_348 : memref<128xi32, #tpu.memory_space<vmem>>) semaphore(%arg13 : memref<!tpu.dma_semaphore, #tpu.memory_space<semaphore_mem>>)
        %run_scoped3A_352 = arith.constant 1 : i32
        %run_scoped3A_353 = arith.constant 3 : i32
        "tpu.region"() ({
          %run_scoped3A_368 = tpu.sem_alloc : memref<!tpu.dma_semaphore, #tpu.memory_space<semaphore_mem>>
          %dma_start3A_369 = arith.constant 0 : i32
          %dma_start3A_370 = tpu.memref_slice %arg8[%run_scoped3A_352, %run_scoped3A_353, %dma_start3A_369] : memref<2x4x128xi32, #tpu.memory_space<vmem>> -> memref<1x1x128xi32, #tpu.memory_space<vmem>>
          %dma_start3A_371 = tpu.memref_squeeze %dma_start3A_370 : memref<1x1x128xi32, #tpu.memory_space<vmem>> -> memref<128xi32, #tpu.memory_space<vmem>>
          %dma_start3A_372 = arith.constant 0 : i32
          %dma_start3A_373 = arith.constant 0 : i32
          %dma_start3A_374 = tpu.memref_slice %arg6[%dma_start3A_372, %dma_start3A_373] : memref<10240x128xf32, #tpu.memory_space<vmem_shared>> -> memref<10240x128xf32, #tpu.memory_space<vmem_shared>>
          tpu.enqueue_indirect_dma source(%arg10 : memref<128x128xf32, #tpu.memory_space<vmem>>) target(%dma_start3A_374 : memref<10240x128xf32, #tpu.memory_space<vmem_shared>>) offsets(%dma_start3A_371 : memref<128xi32, #tpu.memory_space<vmem>>) semaphore(%run_scoped3A_368 : memref<!tpu.dma_semaphore, #tpu.memory_space<semaphore_mem>>) {add = true}
          %dma_wait3A_375 = arith.constant 0 : i32
          %dma_wait3A_376 = tpu.memref_slice %arg8[%run_scoped3A_352, %run_scoped3A_353, %dma_wait3A_375] : memref<2x4x128xi32, #tpu.memory_space<vmem>> -> memref<1x1x128xi32, #tpu.memory_space<vmem>>
          %dma_wait3A_377 = tpu.memref_squeeze %dma_wait3A_376 : memref<1x1x128xi32, #tpu.memory_space<vmem>> -> memref<128xi32, #tpu.memory_space<vmem>>
          %dma_wait3A_378 = arith.constant 0 : i32
          %dma_wait3A_379 = arith.constant 0 : i32
          %dma_wait3A_380 = tpu.memref_slice %arg6[%dma_wait3A_378, %dma_wait3A_379] : memref<10240x128xf32, #tpu.memory_space<vmem_shared>> -> memref<10240x128xf32, #tpu.memory_space<vmem_shared>>
          tpu.wait_indirect_dma semaphore(%run_scoped3A_368 : memref<!tpu.dma_semaphore, #tpu.memory_space<semaphore_mem>>) src(%arg10 : memref<128x128xf32, #tpu.memory_space<vmem>>) dst(%dma_wait3A_380 : memref<10240x128xf32, #tpu.memory_space<vmem_shared>>)
          tpu.yield
        }) : () -> ()
        %mul3A_354 = arith.constant 2 : i32
        %mul3A_355 = arith.muli %mul3A_354, %scan3A_177 : i32
        %add3A_356 = arith.constant 3 : i32
        %add3A_357 = arith.addi %mul3A_355, %add3A_356 : i32
        %dma_start3A_358 = arith.constant 0 : i32
        %dma_start3A_359 = arith.constant 0 : i32
        %dma_start3A_360 = arith.constant 0 : i32
        %dma_start3A_361 = tpu.memref_slice %arg3[%add3A, %add3A_357, %dma_start3A_358, %dma_start3A_359, %dma_start3A_360] : memref<32x20x2x4x128xi32, #tpu.memory_space<hbm>> -> memref<1x1x2x4x128xi32, #tpu.memory_space<hbm>>
        %dma_start3A_362 = tpu.memref_squeeze %dma_start3A_361 : memref<1x1x2x4x128xi32, #tpu.memory_space<hbm>> -> memref<2x4x128xi32, #tpu.memory_space<hbm>>
        %dma_start3A_363 = arith.constant 0 : i32
        %dma_start3A_364 = arith.constant 0 : i32
        %dma_start3A_365 = arith.constant 0 : i32
        %dma_start3A_366 = tpu.memref_slice %arg3[%add3A, %add3A_357, %dma_start3A_363, %dma_start3A_364, %dma_start3A_365] : memref<32x20x2x4x128xi32, #tpu.memory_space<hbm>> -> memref<1x1x2x4x128xi32, #tpu.memory_space<hbm>>
        %dma_start3A_367 = tpu.memref_squeeze %dma_start3A_366 : memref<1x1x2x4x128xi32, #tpu.memory_space<hbm>> -> memref<2x4x128xi32, #tpu.memory_space<hbm>>
        tpu.enqueue_dma source(%dma_start3A_367 : memref<2x4x128xi32, #tpu.memory_space<hbm>>) target(%arg8 : memref<2x4x128xi32, #tpu.memory_space<vmem>>) target_semaphore(%arg12 : memref<!tpu.dma_semaphore, #tpu.memory_space<semaphore_mem>>)
      } else {
      }
      %eq3A = arith.constant 9 : i32
      %eq3A_321 = arith.cmpi eq, %scan3A_177, %eq3A : i32
      %convert_element_type3A_322 = arith.extui %eq3A_321 : i1 to i32
      %cond3A_323 = arith.constant 0 : i32
      %cond3A_324 = arith.cmpi ne, %convert_element_type3A_322, %cond3A_323 : i32
      scf.if %cond3A_324 {
        %dma_wait3A_325 = arith.constant 0 : i32
        %dma_wait3A_326 = arith.constant 3 : i32
        %dma_wait3A_327 = arith.constant 0 : i32
        %dma_wait3A_328 = tpu.memref_slice %arg8[%dma_wait3A_325, %dma_wait3A_326, %dma_wait3A_327] : memref<2x4x128xi32, #tpu.memory_space<vmem>> -> memref<1x1x128xi32, #tpu.memory_space<vmem>>
        %dma_wait3A_329 = tpu.memref_squeeze %dma_wait3A_328 : memref<1x1x128xi32, #tpu.memory_space<vmem>> -> memref<128xi32, #tpu.memory_space<vmem>>
        %dma_wait3A_330 = arith.constant 0 : i32
        %dma_wait3A_331 = arith.constant 0 : i32
        %dma_wait3A_332 = tpu.memref_slice %arg2[%dma_wait3A_330, %dma_wait3A_331] : memref<10000x128xf32, #tpu.memory_space<hbm>> -> memref<10000x128xf32, #tpu.memory_space<hbm>>
        tpu.wait_indirect_dma semaphore(%arg14 : memref<!tpu.dma_semaphore, #tpu.memory_space<semaphore_mem>>) src(%dma_wait3A_332 : memref<10000x128xf32, #tpu.memory_space<hbm>>) dst(%arg10 : memref<128x128xf32, #tpu.memory_space<vmem>>)
        %run_scoped3A_333 = arith.constant 1 : i32
        %run_scoped3A_334 = arith.constant 3 : i32
        "tpu.region"() ({
          %run_scoped3A_335 = tpu.sem_alloc : memref<!tpu.dma_semaphore, #tpu.memory_space<semaphore_mem>>
          %dma_start3A_336 = arith.constant 0 : i32
          %dma_start3A_337 = tpu.memref_slice %arg8[%run_scoped3A_333, %run_scoped3A_334, %dma_start3A_336] : memref<2x4x128xi32, #tpu.memory_space<vmem>> -> memref<1x1x128xi32, #tpu.memory_space<vmem>>
          %dma_start3A_338 = tpu.memref_squeeze %dma_start3A_337 : memref<1x1x128xi32, #tpu.memory_space<vmem>> -> memref<128xi32, #tpu.memory_space<vmem>>
          %dma_start3A_339 = arith.constant 0 : i32
          %dma_start3A_340 = arith.constant 0 : i32
          %dma_start3A_341 = tpu.memref_slice %arg6[%dma_start3A_339, %dma_start3A_340] : memref<10240x128xf32, #tpu.memory_space<vmem_shared>> -> memref<10240x128xf32, #tpu.memory_space<vmem_shared>>
          tpu.enqueue_indirect_dma source(%arg10 : memref<128x128xf32, #tpu.memory_space<vmem>>) target(%dma_start3A_341 : memref<10240x128xf32, #tpu.memory_space<vmem_shared>>) offsets(%dma_start3A_338 : memref<128xi32, #tpu.memory_space<vmem>>) semaphore(%run_scoped3A_335 : memref<!tpu.dma_semaphore, #tpu.memory_space<semaphore_mem>>) {add = true}
          %dma_wait3A_342 = arith.constant 0 : i32
          %dma_wait3A_343 = tpu.memref_slice %arg8[%run_scoped3A_333, %run_scoped3A_334, %dma_wait3A_342] : memref<2x4x128xi32, #tpu.memory_space<vmem>> -> memref<1x1x128xi32, #tpu.memory_space<vmem>>
          %dma_wait3A_344 = tpu.memref_squeeze %dma_wait3A_343 : memref<1x1x128xi32, #tpu.memory_space<vmem>> -> memref<128xi32, #tpu.memory_space<vmem>>
          %dma_wait3A_345 = arith.constant 0 : i32
          %dma_wait3A_346 = arith.constant 0 : i32
          %dma_wait3A_347 = tpu.memref_slice %arg6[%dma_wait3A_345, %dma_wait3A_346] : memref<10240x128xf32, #tpu.memory_space<vmem_shared>> -> memref<10240x128xf32, #tpu.memory_space<vmem_shared>>
          tpu.wait_indirect_dma semaphore(%run_scoped3A_335 : memref<!tpu.dma_semaphore, #tpu.memory_space<semaphore_mem>>) src(%arg10 : memref<128x128xf32, #tpu.memory_space<vmem>>) dst(%dma_wait3A_347 : memref<10240x128xf32, #tpu.memory_space<vmem_shared>>)
          tpu.yield
        }) : () -> ()
      } else {
      }
    }
    %scan3A_95 = arith.constant 10 : i32
    %barrier3A_96 = arith.constant 0 : index
    tpu.barrier barrier_id(%barrier3A_96)
    %add3A_97 = arith.constant 0 : i32
    %add3A_98 = arith.addi %mul3A_2, %add3A_97 : i32
    "tpu.region"() ({
      %run_scoped3A = tpu.sem_alloc : memref<!tpu.dma_semaphore, #tpu.memory_space<semaphore_mem>>
      %dma_start3A_177 = arith.constant 0 : i32
      %dma_start3A_178 = tpu.memref_slice %arg6[%add3A_98, %dma_start3A_177] : memref<10240x128xf32, #tpu.memory_space<vmem_shared>> -> memref<128x128xf32, #tpu.memory_space<vmem_shared>>
      %dma_start3A_179 = arith.constant 0 : i32
      %dma_start3A_180 = tpu.memref_slice %arg6[%add3A_98, %dma_start3A_179] : memref<10240x128xf32, #tpu.memory_space<vmem_shared>> -> memref<128x128xf32, #tpu.memory_space<vmem_shared>>
      tpu.enqueue_dma source(%dma_start3A_180 : memref<128x128xf32, #tpu.memory_space<vmem_shared>>) target(%arg9 : memref<128x128xf32, #tpu.memory_space<vmem>>) target_semaphore(%run_scoped3A : memref<!tpu.dma_semaphore, #tpu.memory_space<semaphore_mem>>)
      %dma_wait3A_181 = arith.constant 0 : i32
      %dma_wait3A_182 = tpu.memref_slice %arg6[%add3A_98, %dma_wait3A_181] : memref<10240x128xf32, #tpu.memory_space<vmem_shared>> -> memref<128x128xf32, #tpu.memory_space<vmem_shared>>
      %dma_wait3A_183 = arith.constant 0 : i32
      %dma_wait3A_184 = tpu.memref_slice %arg6[%add3A_98, %dma_wait3A_183] : memref<10240x128xf32, #tpu.memory_space<vmem_shared>> -> memref<128x128xf32, #tpu.memory_space<vmem_shared>>
      tpu.wait_dma2 semaphore(%run_scoped3A : memref<!tpu.dma_semaphore, #tpu.memory_space<semaphore_mem>>) src(%dma_wait3A_184 : memref<128x128xf32, #tpu.memory_space<vmem_shared>>) dst(%arg9 : memref<128x128xf32, #tpu.memory_space<vmem>>)
      tpu.yield
    }) : () -> ()
    %add3A_99 = arith.constant 0 : i32
    %add3A_100 = arith.addi %mul3A_2, %add3A_99 : i32
    %dma_start3A_101 = arith.constant 0 : i32
    %dma_start3A_102 = tpu.memref_slice %arg5[%arg0, %add3A_100, %dma_start3A_101] : memref<2x10240x128xf32, #tpu.memory_space<hbm>> -> memref<1x128x128xf32, #tpu.memory_space<hbm>>
    %dma_start3A_103 = tpu.memref_squeeze %dma_start3A_102 : memref<1x128x128xf32, #tpu.memory_space<hbm>> -> memref<128x128xf32, #tpu.memory_space<hbm>>
    %dma_start3A_104 = arith.constant 0 : i32
    %dma_start3A_105 = tpu.memref_slice %arg5[%arg0, %add3A_100, %dma_start3A_104] : memref<2x10240x128xf32, #tpu.memory_space<hbm>> -> memref<1x128x128xf32, #tpu.memory_space<hbm>>
    %dma_start3A_106 = tpu.memref_squeeze %dma_start3A_105 : memref<1x128x128xf32, #tpu.memory_space<hbm>> -> memref<128x128xf32, #tpu.memory_space<hbm>>
    tpu.enqueue_dma source(%arg9 : memref<128x128xf32, #tpu.memory_space<vmem>>) target(%dma_start3A_106 : memref<128x128xf32, #tpu.memory_space<hbm>>) target_semaphore(%arg13 : memref<!tpu.dma_semaphore, #tpu.memory_space<semaphore_mem>>)
    %add3A_107 = arith.constant 128 : i32
    %add3A_108 = arith.addi %mul3A_2, %add3A_107 : i32
    "tpu.region"() ({
      %run_scoped3A = tpu.sem_alloc : memref<!tpu.dma_semaphore, #tpu.memory_space<semaphore_mem>>
      %dma_start3A_177 = arith.constant 0 : i32
      %dma_start3A_178 = tpu.memref_slice %arg6[%add3A_108, %dma_start3A_177] : memref<10240x128xf32, #tpu.memory_space<vmem_shared>> -> memref<128x128xf32, #tpu.memory_space<vmem_shared>>
      %dma_start3A_179 = arith.constant 0 : i32
      %dma_start3A_180 = tpu.memref_slice %arg6[%add3A_108, %dma_start3A_179] : memref<10240x128xf32, #tpu.memory_space<vmem_shared>> -> memref<128x128xf32, #tpu.memory_space<vmem_shared>>
      tpu.enqueue_dma source(%dma_start3A_180 : memref<128x128xf32, #tpu.memory_space<vmem_shared>>) target(%arg10 : memref<128x128xf32, #tpu.memory_space<vmem>>) target_semaphore(%run_scoped3A : memref<!tpu.dma_semaphore, #tpu.memory_space<semaphore_mem>>)
      %dma_wait3A_181 = arith.constant 0 : i32
      %dma_wait3A_182 = tpu.memref_slice %arg6[%add3A_108, %dma_wait3A_181] : memref<10240x128xf32, #tpu.memory_space<vmem_shared>> -> memref<128x128xf32, #tpu.memory_space<vmem_shared>>
      %dma_wait3A_183 = arith.constant 0 : i32
      %dma_wait3A_184 = tpu.memref_slice %arg6[%add3A_108, %dma_wait3A_183] : memref<10240x128xf32, #tpu.memory_space<vmem_shared>> -> memref<128x128xf32, #tpu.memory_space<vmem_shared>>
      tpu.wait_dma2 semaphore(%run_scoped3A : memref<!tpu.dma_semaphore, #tpu.memory_space<semaphore_mem>>) src(%dma_wait3A_184 : memref<128x128xf32, #tpu.memory_space<vmem_shared>>) dst(%arg10 : memref<128x128xf32, #tpu.memory_space<vmem>>)
      tpu.yield
    }) : () -> ()
    %add3A_109 = arith.constant 128 : i32
    %add3A_110 = arith.addi %mul3A_2, %add3A_109 : i32
    %dma_start3A_111 = arith.constant 0 : i32
    %dma_start3A_112 = tpu.memref_slice %arg5[%arg0, %add3A_110, %dma_start3A_111] : memref<2x10240x128xf32, #tpu.memory_space<hbm>> -> memref<1x128x128xf32, #tpu.memory_space<hbm>>
    %dma_start3A_113 = tpu.memref_squeeze %dma_start3A_112 : memref<1x128x128xf32, #tpu.memory_space<hbm>> -> memref<128x128xf32, #tpu.memory_space<hbm>>
    %dma_start3A_114 = arith.constant 0 : i32
    %dma_start3A_115 = tpu.memref_slice %arg5[%arg0, %add3A_110, %dma_start3A_114] : memref<2x10240x128xf32, #tpu.memory_space<hbm>> -> memref<1x128x128xf32, #tpu.memory_space<hbm>>
    %dma_start3A_116 = tpu.memref_squeeze %dma_start3A_115 : memref<1x128x128xf32, #tpu.memory_space<hbm>> -> memref<128x128xf32, #tpu.memory_space<hbm>>
    tpu.enqueue_dma source(%arg10 : memref<128x128xf32, #tpu.memory_space<vmem>>) target(%dma_start3A_116 : memref<128x128xf32, #tpu.memory_space<hbm>>) target_semaphore(%arg14 : memref<!tpu.dma_semaphore, #tpu.memory_space<semaphore_mem>>)
    %dma_wait3A_117 = arith.constant 0 : i32
    %dma_wait3A_118 = tpu.memref_slice %arg5[%arg0, %mul3A_2, %dma_wait3A_117] : memref<2x10240x128xf32, #tpu.memory_space<hbm>> -> memref<1x128x128xf32, #tpu.memory_space<hbm>>
    %dma_wait3A_119 = tpu.memref_squeeze %dma_wait3A_118 : memref<1x128x128xf32, #tpu.memory_space<hbm>> -> memref<128x128xf32, #tpu.memory_space<hbm>>
    %dma_wait3A_120 = arith.constant 0 : i32
    %dma_wait3A_121 = tpu.memref_slice %arg5[%arg0, %mul3A_2, %dma_wait3A_120] : memref<2x10240x128xf32, #tpu.memory_space<hbm>> -> memref<1x128x128xf32, #tpu.memory_space<hbm>>
    %dma_wait3A_122 = tpu.memref_squeeze %dma_wait3A_121 : memref<1x128x128xf32, #tpu.memory_space<hbm>> -> memref<128x128xf32, #tpu.memory_space<hbm>>
    tpu.wait_dma2 semaphore(%arg13 : memref<!tpu.dma_semaphore, #tpu.memory_space<semaphore_mem>>) src(%arg9 : memref<128x128xf32, #tpu.memory_space<vmem>>) dst(%dma_wait3A_122 : memref<128x128xf32, #tpu.memory_space<hbm>>)
    %add3A_123 = arith.constant 256 : i32
    %add3A_124 = arith.addi %mul3A_2, %add3A_123 : i32
    "tpu.region"() ({
      %run_scoped3A = tpu.sem_alloc : memref<!tpu.dma_semaphore, #tpu.memory_space<semaphore_mem>>
      %dma_start3A_177 = arith.constant 0 : i32
      %dma_start3A_178 = tpu.memref_slice %arg6[%add3A_124, %dma_start3A_177] : memref<10240x128xf32, #tpu.memory_space<vmem_shared>> -> memref<128x128xf32, #tpu.memory_space<vmem_shared>>
      %dma_start3A_179 = arith.constant 0 : i32
      %dma_start3A_180 = tpu.memref_slice %arg6[%add3A_124, %dma_start3A_179] : memref<10240x128xf32, #tpu.memory_space<vmem_shared>> -> memref<128x128xf32, #tpu.memory_space<vmem_shared>>
      tpu.enqueue_dma source(%dma_start3A_180 : memref<128x128xf32, #tpu.memory_space<vmem_shared>>) target(%arg9 : memref<128x128xf32, #tpu.memory_space<vmem>>) target_semaphore(%run_scoped3A : memref<!tpu.dma_semaphore, #tpu.memory_space<semaphore_mem>>)
      %dma_wait3A_181 = arith.constant 0 : i32
      %dma_wait3A_182 = tpu.memref_slice %arg6[%add3A_124, %dma_wait3A_181] : memref<10240x128xf32, #tpu.memory_space<vmem_shared>> -> memref<128x128xf32, #tpu.memory_space<vmem_shared>>
      %dma_wait3A_183 = arith.constant 0 : i32
      %dma_wait3A_184 = tpu.memref_slice %arg6[%add3A_124, %dma_wait3A_183] : memref<10240x128xf32, #tpu.memory_space<vmem_shared>> -> memref<128x128xf32, #tpu.memory_space<vmem_shared>>
      tpu.wait_dma2 semaphore(%run_scoped3A : memref<!tpu.dma_semaphore, #tpu.memory_space<semaphore_mem>>) src(%dma_wait3A_184 : memref<128x128xf32, #tpu.memory_space<vmem_shared>>) dst(%arg9 : memref<128x128xf32, #tpu.memory_space<vmem>>)
      tpu.yield
    }) : () -> ()
    %add3A_125 = arith.constant 256 : i32
    %add3A_126 = arith.addi %mul3A_2, %add3A_125 : i32
    %dma_start3A_127 = arith.constant 0 : i32
    %dma_start3A_128 = tpu.memref_slice %arg5[%arg0, %add3A_126, %dma_start3A_127] : memref<2x10240x128xf32, #tpu.memory_space<hbm>> -> memref<1x128x128xf32, #tpu.memory_space<hbm>>
    %dma_start3A_129 = tpu.memref_squeeze %dma_start3A_128 : memref<1x128x128xf32, #tpu.memory_space<hbm>> -> memref<128x128xf32, #tpu.memory_space<hbm>>
    %dma_start3A_130 = arith.constant 0 : i32
    %dma_start3A_131 = tpu.memref_slice %arg5[%arg0, %add3A_126, %dma_start3A_130] : memref<2x10240x128xf32, #tpu.memory_space<hbm>> -> memref<1x128x128xf32, #tpu.memory_space<hbm>>
    %dma_start3A_132 = tpu.memref_squeeze %dma_start3A_131 : memref<1x128x128xf32, #tpu.memory_space<hbm>> -> memref<128x128xf32, #tpu.memory_space<hbm>>
    tpu.enqueue_dma source(%arg9 : memref<128x128xf32, #tpu.memory_space<vmem>>) target(%dma_start3A_132 : memref<128x128xf32, #tpu.memory_space<hbm>>) target_semaphore(%arg13 : memref<!tpu.dma_semaphore, #tpu.memory_space<semaphore_mem>>)
    %dma_wait3A_133 = arith.constant 0 : i32
    %dma_wait3A_134 = tpu.memref_slice %arg5[%arg0, %mul3A_2, %dma_wait3A_133] : memref<2x10240x128xf32, #tpu.memory_space<hbm>> -> memref<1x128x128xf32, #tpu.memory_space<hbm>>
    %dma_wait3A_135 = tpu.memref_squeeze %dma_wait3A_134 : memref<1x128x128xf32, #tpu.memory_space<hbm>> -> memref<128x128xf32, #tpu.memory_space<hbm>>
    %dma_wait3A_136 = arith.constant 0 : i32
    %dma_wait3A_137 = tpu.memref_slice %arg5[%arg0, %mul3A_2, %dma_wait3A_136] : memref<2x10240x128xf32, #tpu.memory_space<hbm>> -> memref<1x128x128xf32, #tpu.memory_space<hbm>>
    %dma_wait3A_138 = tpu.memref_squeeze %dma_wait3A_137 : memref<1x128x128xf32, #tpu.memory_space<hbm>> -> memref<128x128xf32, #tpu.memory_space<hbm>>
    tpu.wait_dma2 semaphore(%arg14 : memref<!tpu.dma_semaphore, #tpu.memory_space<semaphore_mem>>) src(%arg10 : memref<128x128xf32, #tpu.memory_space<vmem>>) dst(%dma_wait3A_138 : memref<128x128xf32, #tpu.memory_space<hbm>>)
    %add3A_139 = arith.constant 384 : i32
    %add3A_140 = arith.addi %mul3A_2, %add3A_139 : i32
    "tpu.region"() ({
      %run_scoped3A = tpu.sem_alloc : memref<!tpu.dma_semaphore, #tpu.memory_space<semaphore_mem>>
      %dma_start3A_177 = arith.constant 0 : i32
      %dma_start3A_178 = tpu.memref_slice %arg6[%add3A_140, %dma_start3A_177] : memref<10240x128xf32, #tpu.memory_space<vmem_shared>> -> memref<128x128xf32, #tpu.memory_space<vmem_shared>>
      %dma_start3A_179 = arith.constant 0 : i32
      %dma_start3A_180 = tpu.memref_slice %arg6[%add3A_140, %dma_start3A_179] : memref<10240x128xf32, #tpu.memory_space<vmem_shared>> -> memref<128x128xf32, #tpu.memory_space<vmem_shared>>
      tpu.enqueue_dma source(%dma_start3A_180 : memref<128x128xf32, #tpu.memory_space<vmem_shared>>) target(%arg10 : memref<128x128xf32, #tpu.memory_space<vmem>>) target_semaphore(%run_scoped3A : memref<!tpu.dma_semaphore, #tpu.memory_space<semaphore_mem>>)
      %dma_wait3A_181 = arith.constant 0 : i32
      %dma_wait3A_182 = tpu.memref_slice %arg6[%add3A_140, %dma_wait3A_181] : memref<10240x128xf32, #tpu.memory_space<vmem_shared>> -> memref<128x128xf32, #tpu.memory_space<vmem_shared>>
      %dma_wait3A_183 = arith.constant 0 : i32
      %dma_wait3A_184 = tpu.memref_slice %arg6[%add3A_140, %dma_wait3A_183] : memref<10240x128xf32, #tpu.memory_space<vmem_shared>> -> memref<128x128xf32, #tpu.memory_space<vmem_shared>>
      tpu.wait_dma2 semaphore(%run_scoped3A : memref<!tpu.dma_semaphore, #tpu.memory_space<semaphore_mem>>) src(%dma_wait3A_184 : memref<128x128xf32, #tpu.memory_space<vmem_shared>>) dst(%arg10 : memref<128x128xf32, #tpu.memory_space<vmem>>)
      tpu.yield
    }) : () -> ()
    %add3A_141 = arith.constant 384 : i32
    %add3A_142 = arith.addi %mul3A_2, %add3A_141 : i32
    %dma_start3A_143 = arith.constant 0 : i32
    %dma_start3A_144 = tpu.memref_slice %arg5[%arg0, %add3A_142, %dma_start3A_143] : memref<2x10240x128xf32, #tpu.memory_space<hbm>> -> memref<1x128x128xf32, #tpu.memory_space<hbm>>
    %dma_start3A_145 = tpu.memref_squeeze %dma_start3A_144 : memref<1x128x128xf32, #tpu.memory_space<hbm>> -> memref<128x128xf32, #tpu.memory_space<hbm>>
    %dma_start3A_146 = arith.constant 0 : i32
    %dma_start3A_147 = tpu.memref_slice %arg5[%arg0, %add3A_142, %dma_start3A_146] : memref<2x10240x128xf32, #tpu.memory_space<hbm>> -> memref<1x128x128xf32, #tpu.memory_space<hbm>>
    %dma_start3A_148 = tpu.memref_squeeze %dma_start3A_147 : memref<1x128x128xf32, #tpu.memory_space<hbm>> -> memref<128x128xf32, #tpu.memory_space<hbm>>
    tpu.enqueue_dma source(%arg10 : memref<128x128xf32, #tpu.memory_space<vmem>>) target(%dma_start3A_148 : memref<128x128xf32, #tpu.memory_space<hbm>>) target_semaphore(%arg14 : memref<!tpu.dma_semaphore, #tpu.memory_space<semaphore_mem>>)
    %dma_wait3A_149 = arith.constant 0 : i32
    %dma_wait3A_150 = tpu.memref_slice %arg5[%arg0, %mul3A_2, %dma_wait3A_149] : memref<2x10240x128xf32, #tpu.memory_space<hbm>> -> memref<1x128x128xf32, #tpu.memory_space<hbm>>
    %dma_wait3A_151 = tpu.memref_squeeze %dma_wait3A_150 : memref<1x128x128xf32, #tpu.memory_space<hbm>> -> memref<128x128xf32, #tpu.memory_space<hbm>>
    %dma_wait3A_152 = arith.constant 0 : i32
    %dma_wait3A_153 = tpu.memref_slice %arg5[%arg0, %mul3A_2, %dma_wait3A_152] : memref<2x10240x128xf32, #tpu.memory_space<hbm>> -> memref<1x128x128xf32, #tpu.memory_space<hbm>>
    %dma_wait3A_154 = tpu.memref_squeeze %dma_wait3A_153 : memref<1x128x128xf32, #tpu.memory_space<hbm>> -> memref<128x128xf32, #tpu.memory_space<hbm>>
    tpu.wait_dma2 semaphore(%arg13 : memref<!tpu.dma_semaphore, #tpu.memory_space<semaphore_mem>>) src(%arg9 : memref<128x128xf32, #tpu.memory_space<vmem>>) dst(%dma_wait3A_154 : memref<128x128xf32, #tpu.memory_space<hbm>>)
    %add3A_155 = arith.constant 512 : i32
    %add3A_156 = arith.addi %mul3A_2, %add3A_155 : i32
    "tpu.region"() ({
      %run_scoped3A = tpu.sem_alloc : memref<!tpu.dma_semaphore, #tpu.memory_space<semaphore_mem>>
      %dma_start3A_177 = arith.constant 0 : i32
      %dma_start3A_178 = tpu.memref_slice %arg6[%add3A_156, %dma_start3A_177] : memref<10240x128xf32, #tpu.memory_space<vmem_shared>> -> memref<128x128xf32, #tpu.memory_space<vmem_shared>>
      %dma_start3A_179 = arith.constant 0 : i32
      %dma_start3A_180 = tpu.memref_slice %arg6[%add3A_156, %dma_start3A_179] : memref<10240x128xf32, #tpu.memory_space<vmem_shared>> -> memref<128x128xf32, #tpu.memory_space<vmem_shared>>
      tpu.enqueue_dma source(%dma_start3A_180 : memref<128x128xf32, #tpu.memory_space<vmem_shared>>) target(%arg9 : memref<128x128xf32, #tpu.memory_space<vmem>>) target_semaphore(%run_scoped3A : memref<!tpu.dma_semaphore, #tpu.memory_space<semaphore_mem>>)
      %dma_wait3A_181 = arith.constant 0 : i32
      %dma_wait3A_182 = tpu.memref_slice %arg6[%add3A_156, %dma_wait3A_181] : memref<10240x128xf32, #tpu.memory_space<vmem_shared>> -> memref<128x128xf32, #tpu.memory_space<vmem_shared>>
      %dma_wait3A_183 = arith.constant 0 : i32
      %dma_wait3A_184 = tpu.memref_slice %arg6[%add3A_156, %dma_wait3A_183] : memref<10240x128xf32, #tpu.memory_space<vmem_shared>> -> memref<128x128xf32, #tpu.memory_space<vmem_shared>>
      tpu.wait_dma2 semaphore(%run_scoped3A : memref<!tpu.dma_semaphore, #tpu.memory_space<semaphore_mem>>) src(%dma_wait3A_184 : memref<128x128xf32, #tpu.memory_space<vmem_shared>>) dst(%arg9 : memref<128x128xf32, #tpu.memory_space<vmem>>)
      tpu.yield
    }) : () -> ()
    %add3A_157 = arith.constant 512 : i32
    %add3A_158 = arith.addi %mul3A_2, %add3A_157 : i32
    %dma_start3A_159 = arith.constant 0 : i32
    %dma_start3A_160 = tpu.memref_slice %arg5[%arg0, %add3A_158, %dma_start3A_159] : memref<2x10240x128xf32, #tpu.memory_space<hbm>> -> memref<1x128x128xf32, #tpu.memory_space<hbm>>
    %dma_start3A_161 = tpu.memref_squeeze %dma_start3A_160 : memref<1x128x128xf32, #tpu.memory_space<hbm>> -> memref<128x128xf32, #tpu.memory_space<hbm>>
    %dma_start3A_162 = arith.constant 0 : i32
    %dma_start3A_163 = tpu.memref_slice %arg5[%arg0, %add3A_158, %dma_start3A_162] : memref<2x10240x128xf32, #tpu.memory_space<hbm>> -> memref<1x128x128xf32, #tpu.memory_space<hbm>>
    %dma_start3A_164 = tpu.memref_squeeze %dma_start3A_163 : memref<1x128x128xf32, #tpu.memory_space<hbm>> -> memref<128x128xf32, #tpu.memory_space<hbm>>
    tpu.enqueue_dma source(%arg9 : memref<128x128xf32, #tpu.memory_space<vmem>>) target(%dma_start3A_164 : memref<128x128xf32, #tpu.memory_space<hbm>>) target_semaphore(%arg13 : memref<!tpu.dma_semaphore, #tpu.memory_space<semaphore_mem>>)
    %dma_wait3A_165 = arith.constant 0 : i32
    %dma_wait3A_166 = tpu.memref_slice %arg5[%arg0, %mul3A_2, %dma_wait3A_165] : memref<2x10240x128xf32, #tpu.memory_space<hbm>> -> memref<1x128x128xf32, #tpu.memory_space<hbm>>
    %dma_wait3A_167 = tpu.memref_squeeze %dma_wait3A_166 : memref<1x128x128xf32, #tpu.memory_space<hbm>> -> memref<128x128xf32, #tpu.memory_space<hbm>>
    %dma_wait3A_168 = arith.constant 0 : i32
    %dma_wait3A_169 = tpu.memref_slice %arg5[%arg0, %mul3A_2, %dma_wait3A_168] : memref<2x10240x128xf32, #tpu.memory_space<hbm>> -> memref<1x128x128xf32, #tpu.memory_space<hbm>>
    %dma_wait3A_170 = tpu.memref_squeeze %dma_wait3A_169 : memref<1x128x128xf32, #tpu.memory_space<hbm>> -> memref<128x128xf32, #tpu.memory_space<hbm>>
    tpu.wait_dma2 semaphore(%arg14 : memref<!tpu.dma_semaphore, #tpu.memory_space<semaphore_mem>>) src(%arg10 : memref<128x128xf32, #tpu.memory_space<vmem>>) dst(%dma_wait3A_170 : memref<128x128xf32, #tpu.memory_space<hbm>>)
    %dma_wait3A_171 = arith.constant 0 : i32
    %dma_wait3A_172 = tpu.memref_slice %arg5[%arg0, %mul3A_2, %dma_wait3A_171] : memref<2x10240x128xf32, #tpu.memory_space<hbm>> -> memref<1x128x128xf32, #tpu.memory_space<hbm>>
    %dma_wait3A_173 = tpu.memref_squeeze %dma_wait3A_172 : memref<1x128x128xf32, #tpu.memory_space<hbm>> -> memref<128x128xf32, #tpu.memory_space<hbm>>
    %dma_wait3A_174 = arith.constant 0 : i32
    %dma_wait3A_175 = tpu.memref_slice %arg5[%arg0, %mul3A_2, %dma_wait3A_174] : memref<2x10240x128xf32, #tpu.memory_space<hbm>> -> memref<1x128x128xf32, #tpu.memory_space<hbm>>
    %dma_wait3A_176 = tpu.memref_squeeze %dma_wait3A_175 : memref<1x128x128xf32, #tpu.memory_space<hbm>> -> memref<128x128xf32, #tpu.memory_space<hbm>>
    tpu.wait_dma2 semaphore(%arg13 : memref<!tpu.dma_semaphore, #tpu.memory_space<semaphore_mem>>) src(%arg9 : memref<128x128xf32, #tpu.memory_space<vmem>>) dst(%dma_wait3A_176 : memref<128x128xf32, #tpu.memory_space<hbm>>)
    return
  }
}

#map = affine_map<(d0, d1) -> (0, 0, 0)>
#map1 = affine_map<(d0, d1) -> (0, 0)>
module attributes {stable_mosaic.version = 14 : i64} {
  func.func @_deg_body(%arg0: i32, %arg1: i32, %arg2: memref<32x80x128xi32, #tpu.memory_space<hbm>>, %arg3: memref<128x128xf32, #tpu.memory_space<hbm>>, %arg4: memref<128x128xf32, #tpu.memory_space<hbm>>, %arg5: memref<2x10240x128xf32, #tpu.memory_space<hbm>>, %arg6: memref<10240x128xf32, #tpu.memory_space<vmem_shared>>, %arg7: memref<80x128xi32, #tpu.memory_space<vmem>>, %arg8: memref<128x128xf32, #tpu.memory_space<vmem>>, %arg9: memref<128x128xf32, #tpu.memory_space<vmem>>, %arg10: memref<!tpu.dma_semaphore, #tpu.memory_space<semaphore_mem>>, %arg11: memref<!tpu.dma_semaphore, #tpu.memory_space<semaphore_mem>>) attributes {dimension_semantics = [#tpu.dimension_semantics<core_parallel>, #tpu.dimension_semantics<subcore_parallel>], iteration_bounds = array<i64: 2, 16>, scalar_prefetch = 0 : i64, scratch_operands = 6 : i64, tpu.core_type = #tpu.core_type<sc_vector_subcore>, window_params = [{transform_indices = #map}, {transform_indices = #map1}, {transform_indices = #map1}, {transform_indices = #map}]} {
    %mul3A = arith.constant 16 : i32
    %mul3A_0 = arith.muli %arg0, %mul3A : i32
    %add3A = arith.addi %mul3A_0, %arg1 : i32
    %mul3A_1 = arith.constant 640 : i32
    %mul3A_2 = arith.muli %arg1, %mul3A_1 : i32
    "tpu.region"() ({
      %run_scoped3A = tpu.sem_alloc : memref<!tpu.dma_semaphore, #tpu.memory_space<semaphore_mem>>
      tpu.enqueue_dma source(%arg4 : memref<128x128xf32, #tpu.memory_space<hbm>>) target(%arg9 : memref<128x128xf32, #tpu.memory_space<vmem>>) target_semaphore(%run_scoped3A : memref<!tpu.dma_semaphore, #tpu.memory_space<semaphore_mem>>)
      tpu.wait_dma2 semaphore(%run_scoped3A : memref<!tpu.dma_semaphore, #tpu.memory_space<semaphore_mem>>) src(%arg4 : memref<128x128xf32, #tpu.memory_space<hbm>>) dst(%arg9 : memref<128x128xf32, #tpu.memory_space<vmem>>)
      tpu.yield
    }) : () -> ()
    %add3A_3 = arith.constant 0 : i32
    %add3A_4 = arith.addi %mul3A_2, %add3A_3 : i32
    %dma_start3A = arith.constant 0 : i32
    %dma_start3A_5 = tpu.memref_slice %arg6[%add3A_4, %dma_start3A] : memref<10240x128xf32, #tpu.memory_space<vmem_shared>> -> memref<128x128xf32, #tpu.memory_space<vmem_shared>>
    %dma_start3A_6 = arith.constant 0 : i32
    %dma_start3A_7 = tpu.memref_slice %arg6[%add3A_4, %dma_start3A_6] : memref<10240x128xf32, #tpu.memory_space<vmem_shared>> -> memref<128x128xf32, #tpu.memory_space<vmem_shared>>
    tpu.enqueue_dma source(%arg9 : memref<128x128xf32, #tpu.memory_space<vmem>>) target(%dma_start3A_7 : memref<128x128xf32, #tpu.memory_space<vmem_shared>>) target_semaphore(%arg10 : memref<!tpu.dma_semaphore, #tpu.memory_space<semaphore_mem>>)
    %add3A_8 = arith.constant 128 : i32
    %add3A_9 = arith.addi %mul3A_2, %add3A_8 : i32
    %dma_start3A_10 = arith.constant 0 : i32
    %dma_start3A_11 = tpu.memref_slice %arg6[%add3A_9, %dma_start3A_10] : memref<10240x128xf32, #tpu.memory_space<vmem_shared>> -> memref<128x128xf32, #tpu.memory_space<vmem_shared>>
    %dma_start3A_12 = arith.constant 0 : i32
    %dma_start3A_13 = tpu.memref_slice %arg6[%add3A_9, %dma_start3A_12] : memref<10240x128xf32, #tpu.memory_space<vmem_shared>> -> memref<128x128xf32, #tpu.memory_space<vmem_shared>>
    tpu.enqueue_dma source(%arg9 : memref<128x128xf32, #tpu.memory_space<vmem>>) target(%dma_start3A_13 : memref<128x128xf32, #tpu.memory_space<vmem_shared>>) target_semaphore(%arg10 : memref<!tpu.dma_semaphore, #tpu.memory_space<semaphore_mem>>)
    %add3A_14 = arith.constant 256 : i32
    %add3A_15 = arith.addi %mul3A_2, %add3A_14 : i32
    %dma_start3A_16 = arith.constant 0 : i32
    %dma_start3A_17 = tpu.memref_slice %arg6[%add3A_15, %dma_start3A_16] : memref<10240x128xf32, #tpu.memory_space<vmem_shared>> -> memref<128x128xf32, #tpu.memory_space<vmem_shared>>
    %dma_start3A_18 = arith.constant 0 : i32
    %dma_start3A_19 = tpu.memref_slice %arg6[%add3A_15, %dma_start3A_18] : memref<10240x128xf32, #tpu.memory_space<vmem_shared>> -> memref<128x128xf32, #tpu.memory_space<vmem_shared>>
    tpu.enqueue_dma source(%arg9 : memref<128x128xf32, #tpu.memory_space<vmem>>) target(%dma_start3A_19 : memref<128x128xf32, #tpu.memory_space<vmem_shared>>) target_semaphore(%arg10 : memref<!tpu.dma_semaphore, #tpu.memory_space<semaphore_mem>>)
    %add3A_20 = arith.constant 384 : i32
    %add3A_21 = arith.addi %mul3A_2, %add3A_20 : i32
    %dma_start3A_22 = arith.constant 0 : i32
    %dma_start3A_23 = tpu.memref_slice %arg6[%add3A_21, %dma_start3A_22] : memref<10240x128xf32, #tpu.memory_space<vmem_shared>> -> memref<128x128xf32, #tpu.memory_space<vmem_shared>>
    %dma_start3A_24 = arith.constant 0 : i32
    %dma_start3A_25 = tpu.memref_slice %arg6[%add3A_21, %dma_start3A_24] : memref<10240x128xf32, #tpu.memory_space<vmem_shared>> -> memref<128x128xf32, #tpu.memory_space<vmem_shared>>
    tpu.enqueue_dma source(%arg9 : memref<128x128xf32, #tpu.memory_space<vmem>>) target(%dma_start3A_25 : memref<128x128xf32, #tpu.memory_space<vmem_shared>>) target_semaphore(%arg10 : memref<!tpu.dma_semaphore, #tpu.memory_space<semaphore_mem>>)
    %add3A_26 = arith.constant 512 : i32
    %add3A_27 = arith.addi %mul3A_2, %add3A_26 : i32
    %dma_start3A_28 = arith.constant 0 : i32
    %dma_start3A_29 = tpu.memref_slice %arg6[%add3A_27, %dma_start3A_28] : memref<10240x128xf32, #tpu.memory_space<vmem_shared>> -> memref<128x128xf32, #tpu.memory_space<vmem_shared>>
    %dma_start3A_30 = arith.constant 0 : i32
    %dma_start3A_31 = tpu.memref_slice %arg6[%add3A_27, %dma_start3A_30] : memref<10240x128xf32, #tpu.memory_space<vmem_shared>> -> memref<128x128xf32, #tpu.memory_space<vmem_shared>>
    tpu.enqueue_dma source(%arg9 : memref<128x128xf32, #tpu.memory_space<vmem>>) target(%dma_start3A_31 : memref<128x128xf32, #tpu.memory_space<vmem_shared>>) target_semaphore(%arg10 : memref<!tpu.dma_semaphore, #tpu.memory_space<semaphore_mem>>)
    %dma_wait3A = arith.constant 0 : i32
    %dma_wait3A_32 = tpu.memref_slice %arg6[%mul3A_2, %dma_wait3A] : memref<10240x128xf32, #tpu.memory_space<vmem_shared>> -> memref<128x128xf32, #tpu.memory_space<vmem_shared>>
    %dma_wait3A_33 = arith.constant 0 : i32
    %dma_wait3A_34 = tpu.memref_slice %arg6[%mul3A_2, %dma_wait3A_33] : memref<10240x128xf32, #tpu.memory_space<vmem_shared>> -> memref<128x128xf32, #tpu.memory_space<vmem_shared>>
    tpu.wait_dma2 semaphore(%arg10 : memref<!tpu.dma_semaphore, #tpu.memory_space<semaphore_mem>>) src(%arg9 : memref<128x128xf32, #tpu.memory_space<vmem>>) dst(%dma_wait3A_34 : memref<128x128xf32, #tpu.memory_space<vmem_shared>>)
    %dma_wait3A_35 = arith.constant 0 : i32
    %dma_wait3A_36 = tpu.memref_slice %arg6[%mul3A_2, %dma_wait3A_35] : memref<10240x128xf32, #tpu.memory_space<vmem_shared>> -> memref<128x128xf32, #tpu.memory_space<vmem_shared>>
    %dma_wait3A_37 = arith.constant 0 : i32
    %dma_wait3A_38 = tpu.memref_slice %arg6[%mul3A_2, %dma_wait3A_37] : memref<10240x128xf32, #tpu.memory_space<vmem_shared>> -> memref<128x128xf32, #tpu.memory_space<vmem_shared>>
    tpu.wait_dma2 semaphore(%arg10 : memref<!tpu.dma_semaphore, #tpu.memory_space<semaphore_mem>>) src(%arg9 : memref<128x128xf32, #tpu.memory_space<vmem>>) dst(%dma_wait3A_38 : memref<128x128xf32, #tpu.memory_space<vmem_shared>>)
    %dma_wait3A_39 = arith.constant 0 : i32
    %dma_wait3A_40 = tpu.memref_slice %arg6[%mul3A_2, %dma_wait3A_39] : memref<10240x128xf32, #tpu.memory_space<vmem_shared>> -> memref<128x128xf32, #tpu.memory_space<vmem_shared>>
    %dma_wait3A_41 = arith.constant 0 : i32
    %dma_wait3A_42 = tpu.memref_slice %arg6[%mul3A_2, %dma_wait3A_41] : memref<10240x128xf32, #tpu.memory_space<vmem_shared>> -> memref<128x128xf32, #tpu.memory_space<vmem_shared>>
    tpu.wait_dma2 semaphore(%arg10 : memref<!tpu.dma_semaphore, #tpu.memory_space<semaphore_mem>>) src(%arg9 : memref<128x128xf32, #tpu.memory_space<vmem>>) dst(%dma_wait3A_42 : memref<128x128xf32, #tpu.memory_space<vmem_shared>>)
    %dma_wait3A_43 = arith.constant 0 : i32
    %dma_wait3A_44 = tpu.memref_slice %arg6[%mul3A_2, %dma_wait3A_43] : memref<10240x128xf32, #tpu.memory_space<vmem_shared>> -> memref<128x128xf32, #tpu.memory_space<vmem_shared>>
    %dma_wait3A_45 = arith.constant 0 : i32
    %dma_wait3A_46 = tpu.memref_slice %arg6[%mul3A_2, %dma_wait3A_45] : memref<10240x128xf32, #tpu.memory_space<vmem_shared>> -> memref<128x128xf32, #tpu.memory_space<vmem_shared>>
    tpu.wait_dma2 semaphore(%arg10 : memref<!tpu.dma_semaphore, #tpu.memory_space<semaphore_mem>>) src(%arg9 : memref<128x128xf32, #tpu.memory_space<vmem>>) dst(%dma_wait3A_46 : memref<128x128xf32, #tpu.memory_space<vmem_shared>>)
    %dma_wait3A_47 = arith.constant 0 : i32
    %dma_wait3A_48 = tpu.memref_slice %arg6[%mul3A_2, %dma_wait3A_47] : memref<10240x128xf32, #tpu.memory_space<vmem_shared>> -> memref<128x128xf32, #tpu.memory_space<vmem_shared>>
    %dma_wait3A_49 = arith.constant 0 : i32
    %dma_wait3A_50 = tpu.memref_slice %arg6[%mul3A_2, %dma_wait3A_49] : memref<10240x128xf32, #tpu.memory_space<vmem_shared>> -> memref<128x128xf32, #tpu.memory_space<vmem_shared>>
    tpu.wait_dma2 semaphore(%arg10 : memref<!tpu.dma_semaphore, #tpu.memory_space<semaphore_mem>>) src(%arg9 : memref<128x128xf32, #tpu.memory_space<vmem>>) dst(%dma_wait3A_50 : memref<128x128xf32, #tpu.memory_space<vmem_shared>>)
    "tpu.region"() ({
      %run_scoped3A = tpu.sem_alloc : memref<!tpu.dma_semaphore, #tpu.memory_space<semaphore_mem>>
      tpu.enqueue_dma source(%arg3 : memref<128x128xf32, #tpu.memory_space<hbm>>) target(%arg8 : memref<128x128xf32, #tpu.memory_space<vmem>>) target_semaphore(%run_scoped3A : memref<!tpu.dma_semaphore, #tpu.memory_space<semaphore_mem>>)
      tpu.wait_dma2 semaphore(%run_scoped3A : memref<!tpu.dma_semaphore, #tpu.memory_space<semaphore_mem>>) src(%arg3 : memref<128x128xf32, #tpu.memory_space<hbm>>) dst(%arg8 : memref<128x128xf32, #tpu.memory_space<vmem>>)
      tpu.yield
    }) : () -> ()
    "tpu.region"() ({
      %run_scoped3A = tpu.sem_alloc : memref<!tpu.dma_semaphore, #tpu.memory_space<semaphore_mem>>
      %dma_start3A_150 = arith.constant 0 : i32
      %dma_start3A_151 = arith.constant 0 : i32
      %dma_start3A_152 = tpu.memref_slice %arg2[%add3A, %dma_start3A_150, %dma_start3A_151] : memref<32x80x128xi32, #tpu.memory_space<hbm>> -> memref<1x80x128xi32, #tpu.memory_space<hbm>>
      %dma_start3A_153 = tpu.memref_squeeze %dma_start3A_152 : memref<1x80x128xi32, #tpu.memory_space<hbm>> -> memref<80x128xi32, #tpu.memory_space<hbm>>
      %dma_start3A_154 = arith.constant 0 : i32
      %dma_start3A_155 = arith.constant 0 : i32
      %dma_start3A_156 = tpu.memref_slice %arg2[%add3A, %dma_start3A_154, %dma_start3A_155] : memref<32x80x128xi32, #tpu.memory_space<hbm>> -> memref<1x80x128xi32, #tpu.memory_space<hbm>>
      %dma_start3A_157 = tpu.memref_squeeze %dma_start3A_156 : memref<1x80x128xi32, #tpu.memory_space<hbm>> -> memref<80x128xi32, #tpu.memory_space<hbm>>
      tpu.enqueue_dma source(%dma_start3A_157 : memref<80x128xi32, #tpu.memory_space<hbm>>) target(%arg7 : memref<80x128xi32, #tpu.memory_space<vmem>>) target_semaphore(%run_scoped3A : memref<!tpu.dma_semaphore, #tpu.memory_space<semaphore_mem>>)
      %dma_wait3A_158 = arith.constant 0 : i32
      %dma_wait3A_159 = arith.constant 0 : i32
      %dma_wait3A_160 = tpu.memref_slice %arg2[%add3A, %dma_wait3A_158, %dma_wait3A_159] : memref<32x80x128xi32, #tpu.memory_space<hbm>> -> memref<1x80x128xi32, #tpu.memory_space<hbm>>
      %dma_wait3A_161 = tpu.memref_squeeze %dma_wait3A_160 : memref<1x80x128xi32, #tpu.memory_space<hbm>> -> memref<80x128xi32, #tpu.memory_space<hbm>>
      %dma_wait3A_162 = arith.constant 0 : i32
      %dma_wait3A_163 = arith.constant 0 : i32
      %dma_wait3A_164 = tpu.memref_slice %arg2[%add3A, %dma_wait3A_162, %dma_wait3A_163] : memref<32x80x128xi32, #tpu.memory_space<hbm>> -> memref<1x80x128xi32, #tpu.memory_space<hbm>>
      %dma_wait3A_165 = tpu.memref_squeeze %dma_wait3A_164 : memref<1x80x128xi32, #tpu.memory_space<hbm>> -> memref<80x128xi32, #tpu.memory_space<hbm>>
      tpu.wait_dma2 semaphore(%run_scoped3A : memref<!tpu.dma_semaphore, #tpu.memory_space<semaphore_mem>>) src(%dma_wait3A_165 : memref<80x128xi32, #tpu.memory_space<hbm>>) dst(%arg7 : memref<80x128xi32, #tpu.memory_space<vmem>>)
      tpu.yield
    }) : () -> ()
    %barrier3A = arith.constant 0 : index
    tpu.barrier barrier_id(%barrier3A)
    %dma_start3A_51 = arith.constant 0 : i32
    %dma_start3A_52 = arith.constant 0 : i32
    %dma_start3A_53 = tpu.memref_slice %arg7[%dma_start3A_51, %dma_start3A_52] : memref<80x128xi32, #tpu.memory_space<vmem>> -> memref<1x128xi32, #tpu.memory_space<vmem>>
    %dma_start3A_54 = tpu.memref_squeeze %dma_start3A_53 : memref<1x128xi32, #tpu.memory_space<vmem>> -> memref<128xi32, #tpu.memory_space<vmem>>
    %dma_start3A_55 = arith.constant 0 : i32
    %dma_start3A_56 = arith.constant 0 : i32
    %dma_start3A_57 = tpu.memref_slice %arg6[%dma_start3A_55, %dma_start3A_56] : memref<10240x128xf32, #tpu.memory_space<vmem_shared>> -> memref<10240x128xf32, #tpu.memory_space<vmem_shared>>
    tpu.enqueue_indirect_dma source(%arg8 : memref<128x128xf32, #tpu.memory_space<vmem>>) target(%dma_start3A_57 : memref<10240x128xf32, #tpu.memory_space<vmem_shared>>) offsets(%dma_start3A_54 : memref<128xi32, #tpu.memory_space<vmem>>) semaphore(%arg10 : memref<!tpu.dma_semaphore, #tpu.memory_space<semaphore_mem>>) {add = true}
    %scan3A = arith.constant 1 : i32
    %scan3A_58 = arith.constant 79 : i32
    %scan3A_59 = arith.addi %scan3A, %scan3A_58 : i32
    %scan3A_60 = arith.constant 1 : i32
    scf.for %scan3A_150 = %scan3A to %scan3A_59 step %scan3A_60  : i32 {
      %dma_start3A_151 = arith.constant 0 : i32
      %dma_start3A_152 = tpu.memref_slice %arg7[%scan3A_150, %dma_start3A_151] : memref<80x128xi32, #tpu.memory_space<vmem>> -> memref<1x128xi32, #tpu.memory_space<vmem>>
      %dma_start3A_153 = tpu.memref_squeeze %dma_start3A_152 : memref<1x128xi32, #tpu.memory_space<vmem>> -> memref<128xi32, #tpu.memory_space<vmem>>
      %dma_start3A_154 = arith.constant 0 : i32
      %dma_start3A_155 = arith.constant 0 : i32
      %dma_start3A_156 = tpu.memref_slice %arg6[%dma_start3A_154, %dma_start3A_155] : memref<10240x128xf32, #tpu.memory_space<vmem_shared>> -> memref<10240x128xf32, #tpu.memory_space<vmem_shared>>
      tpu.enqueue_indirect_dma source(%arg8 : memref<128x128xf32, #tpu.memory_space<vmem>>) target(%dma_start3A_156 : memref<10240x128xf32, #tpu.memory_space<vmem_shared>>) offsets(%dma_start3A_153 : memref<128xi32, #tpu.memory_space<vmem>>) semaphore(%arg10 : memref<!tpu.dma_semaphore, #tpu.memory_space<semaphore_mem>>) {add = true}
      %dma_wait3A_157 = arith.constant 0 : i32
      %dma_wait3A_158 = arith.constant 0 : i32
      %dma_wait3A_159 = tpu.memref_slice %arg7[%dma_wait3A_157, %dma_wait3A_158] : memref<80x128xi32, #tpu.memory_space<vmem>> -> memref<1x128xi32, #tpu.memory_space<vmem>>
      %dma_wait3A_160 = tpu.memref_squeeze %dma_wait3A_159 : memref<1x128xi32, #tpu.memory_space<vmem>> -> memref<128xi32, #tpu.memory_space<vmem>>
      %dma_wait3A_161 = arith.constant 0 : i32
      %dma_wait3A_162 = arith.constant 0 : i32
      %dma_wait3A_163 = tpu.memref_slice %arg6[%dma_wait3A_161, %dma_wait3A_162] : memref<10240x128xf32, #tpu.memory_space<vmem_shared>> -> memref<10240x128xf32, #tpu.memory_space<vmem_shared>>
      tpu.wait_indirect_dma semaphore(%arg10 : memref<!tpu.dma_semaphore, #tpu.memory_space<semaphore_mem>>) src(%arg8 : memref<128x128xf32, #tpu.memory_space<vmem>>) dst(%dma_wait3A_163 : memref<10240x128xf32, #tpu.memory_space<vmem_shared>>)
    }
    %scan3A_61 = arith.constant 79 : i32
    %dma_wait3A_62 = arith.constant 0 : i32
    %dma_wait3A_63 = arith.constant 0 : i32
    %dma_wait3A_64 = tpu.memref_slice %arg7[%dma_wait3A_62, %dma_wait3A_63] : memref<80x128xi32, #tpu.memory_space<vmem>> -> memref<1x128xi32, #tpu.memory_space<vmem>>
    %dma_wait3A_65 = tpu.memref_squeeze %dma_wait3A_64 : memref<1x128xi32, #tpu.memory_space<vmem>> -> memref<128xi32, #tpu.memory_space<vmem>>
    %dma_wait3A_66 = arith.constant 0 : i32
    %dma_wait3A_67 = arith.constant 0 : i32
    %dma_wait3A_68 = tpu.memref_slice %arg6[%dma_wait3A_66, %dma_wait3A_67] : memref<10240x128xf32, #tpu.memory_space<vmem_shared>> -> memref<10240x128xf32, #tpu.memory_space<vmem_shared>>
    tpu.wait_indirect_dma semaphore(%arg10 : memref<!tpu.dma_semaphore, #tpu.memory_space<semaphore_mem>>) src(%arg8 : memref<128x128xf32, #tpu.memory_space<vmem>>) dst(%dma_wait3A_68 : memref<10240x128xf32, #tpu.memory_space<vmem_shared>>)
    %barrier3A_69 = arith.constant 0 : index
    tpu.barrier barrier_id(%barrier3A_69)
    %add3A_70 = arith.constant 0 : i32
    %add3A_71 = arith.addi %mul3A_2, %add3A_70 : i32
    "tpu.region"() ({
      %run_scoped3A = tpu.sem_alloc : memref<!tpu.dma_semaphore, #tpu.memory_space<semaphore_mem>>
      %dma_start3A_150 = arith.constant 0 : i32
      %dma_start3A_151 = tpu.memref_slice %arg6[%add3A_71, %dma_start3A_150] : memref<10240x128xf32, #tpu.memory_space<vmem_shared>> -> memref<128x128xf32, #tpu.memory_space<vmem_shared>>
      %dma_start3A_152 = arith.constant 0 : i32
      %dma_start3A_153 = tpu.memref_slice %arg6[%add3A_71, %dma_start3A_152] : memref<10240x128xf32, #tpu.memory_space<vmem_shared>> -> memref<128x128xf32, #tpu.memory_space<vmem_shared>>
      tpu.enqueue_dma source(%dma_start3A_153 : memref<128x128xf32, #tpu.memory_space<vmem_shared>>) target(%arg8 : memref<128x128xf32, #tpu.memory_space<vmem>>) target_semaphore(%run_scoped3A : memref<!tpu.dma_semaphore, #tpu.memory_space<semaphore_mem>>)
      %dma_wait3A_154 = arith.constant 0 : i32
      %dma_wait3A_155 = tpu.memref_slice %arg6[%add3A_71, %dma_wait3A_154] : memref<10240x128xf32, #tpu.memory_space<vmem_shared>> -> memref<128x128xf32, #tpu.memory_space<vmem_shared>>
      %dma_wait3A_156 = arith.constant 0 : i32
      %dma_wait3A_157 = tpu.memref_slice %arg6[%add3A_71, %dma_wait3A_156] : memref<10240x128xf32, #tpu.memory_space<vmem_shared>> -> memref<128x128xf32, #tpu.memory_space<vmem_shared>>
      tpu.wait_dma2 semaphore(%run_scoped3A : memref<!tpu.dma_semaphore, #tpu.memory_space<semaphore_mem>>) src(%dma_wait3A_157 : memref<128x128xf32, #tpu.memory_space<vmem_shared>>) dst(%arg8 : memref<128x128xf32, #tpu.memory_space<vmem>>)
      tpu.yield
    }) : () -> ()
    %add3A_72 = arith.constant 0 : i32
    %add3A_73 = arith.addi %mul3A_2, %add3A_72 : i32
    %dma_start3A_74 = arith.constant 0 : i32
    %dma_start3A_75 = tpu.memref_slice %arg5[%arg0, %add3A_73, %dma_start3A_74] : memref<2x10240x128xf32, #tpu.memory_space<hbm>> -> memref<1x128x128xf32, #tpu.memory_space<hbm>>
    %dma_start3A_76 = tpu.memref_squeeze %dma_start3A_75 : memref<1x128x128xf32, #tpu.memory_space<hbm>> -> memref<128x128xf32, #tpu.memory_space<hbm>>
    %dma_start3A_77 = arith.constant 0 : i32
    %dma_start3A_78 = tpu.memref_slice %arg5[%arg0, %add3A_73, %dma_start3A_77] : memref<2x10240x128xf32, #tpu.memory_space<hbm>> -> memref<1x128x128xf32, #tpu.memory_space<hbm>>
    %dma_start3A_79 = tpu.memref_squeeze %dma_start3A_78 : memref<1x128x128xf32, #tpu.memory_space<hbm>> -> memref<128x128xf32, #tpu.memory_space<hbm>>
    tpu.enqueue_dma source(%arg8 : memref<128x128xf32, #tpu.memory_space<vmem>>) target(%dma_start3A_79 : memref<128x128xf32, #tpu.memory_space<hbm>>) target_semaphore(%arg10 : memref<!tpu.dma_semaphore, #tpu.memory_space<semaphore_mem>>)
    %add3A_80 = arith.constant 128 : i32
    %add3A_81 = arith.addi %mul3A_2, %add3A_80 : i32
    "tpu.region"() ({
      %run_scoped3A = tpu.sem_alloc : memref<!tpu.dma_semaphore, #tpu.memory_space<semaphore_mem>>
      %dma_start3A_150 = arith.constant 0 : i32
      %dma_start3A_151 = tpu.memref_slice %arg6[%add3A_81, %dma_start3A_150] : memref<10240x128xf32, #tpu.memory_space<vmem_shared>> -> memref<128x128xf32, #tpu.memory_space<vmem_shared>>
      %dma_start3A_152 = arith.constant 0 : i32
      %dma_start3A_153 = tpu.memref_slice %arg6[%add3A_81, %dma_start3A_152] : memref<10240x128xf32, #tpu.memory_space<vmem_shared>> -> memref<128x128xf32, #tpu.memory_space<vmem_shared>>
      tpu.enqueue_dma source(%dma_start3A_153 : memref<128x128xf32, #tpu.memory_space<vmem_shared>>) target(%arg9 : memref<128x128xf32, #tpu.memory_space<vmem>>) target_semaphore(%run_scoped3A : memref<!tpu.dma_semaphore, #tpu.memory_space<semaphore_mem>>)
      %dma_wait3A_154 = arith.constant 0 : i32
      %dma_wait3A_155 = tpu.memref_slice %arg6[%add3A_81, %dma_wait3A_154] : memref<10240x128xf32, #tpu.memory_space<vmem_shared>> -> memref<128x128xf32, #tpu.memory_space<vmem_shared>>
      %dma_wait3A_156 = arith.constant 0 : i32
      %dma_wait3A_157 = tpu.memref_slice %arg6[%add3A_81, %dma_wait3A_156] : memref<10240x128xf32, #tpu.memory_space<vmem_shared>> -> memref<128x128xf32, #tpu.memory_space<vmem_shared>>
      tpu.wait_dma2 semaphore(%run_scoped3A : memref<!tpu.dma_semaphore, #tpu.memory_space<semaphore_mem>>) src(%dma_wait3A_157 : memref<128x128xf32, #tpu.memory_space<vmem_shared>>) dst(%arg9 : memref<128x128xf32, #tpu.memory_space<vmem>>)
      tpu.yield
    }) : () -> ()
    %add3A_82 = arith.constant 128 : i32
    %add3A_83 = arith.addi %mul3A_2, %add3A_82 : i32
    %dma_start3A_84 = arith.constant 0 : i32
    %dma_start3A_85 = tpu.memref_slice %arg5[%arg0, %add3A_83, %dma_start3A_84] : memref<2x10240x128xf32, #tpu.memory_space<hbm>> -> memref<1x128x128xf32, #tpu.memory_space<hbm>>
    %dma_start3A_86 = tpu.memref_squeeze %dma_start3A_85 : memref<1x128x128xf32, #tpu.memory_space<hbm>> -> memref<128x128xf32, #tpu.memory_space<hbm>>
    %dma_start3A_87 = arith.constant 0 : i32
    %dma_start3A_88 = tpu.memref_slice %arg5[%arg0, %add3A_83, %dma_start3A_87] : memref<2x10240x128xf32, #tpu.memory_space<hbm>> -> memref<1x128x128xf32, #tpu.memory_space<hbm>>
    %dma_start3A_89 = tpu.memref_squeeze %dma_start3A_88 : memref<1x128x128xf32, #tpu.memory_space<hbm>> -> memref<128x128xf32, #tpu.memory_space<hbm>>
    tpu.enqueue_dma source(%arg9 : memref<128x128xf32, #tpu.memory_space<vmem>>) target(%dma_start3A_89 : memref<128x128xf32, #tpu.memory_space<hbm>>) target_semaphore(%arg11 : memref<!tpu.dma_semaphore, #tpu.memory_space<semaphore_mem>>)
    %dma_wait3A_90 = arith.constant 0 : i32
    %dma_wait3A_91 = tpu.memref_slice %arg5[%arg0, %mul3A_2, %dma_wait3A_90] : memref<2x10240x128xf32, #tpu.memory_space<hbm>> -> memref<1x128x128xf32, #tpu.memory_space<hbm>>
    %dma_wait3A_92 = tpu.memref_squeeze %dma_wait3A_91 : memref<1x128x128xf32, #tpu.memory_space<hbm>> -> memref<128x128xf32, #tpu.memory_space<hbm>>
    %dma_wait3A_93 = arith.constant 0 : i32
    %dma_wait3A_94 = tpu.memref_slice %arg5[%arg0, %mul3A_2, %dma_wait3A_93] : memref<2x10240x128xf32, #tpu.memory_space<hbm>> -> memref<1x128x128xf32, #tpu.memory_space<hbm>>
    %dma_wait3A_95 = tpu.memref_squeeze %dma_wait3A_94 : memref<1x128x128xf32, #tpu.memory_space<hbm>> -> memref<128x128xf32, #tpu.memory_space<hbm>>
    tpu.wait_dma2 semaphore(%arg10 : memref<!tpu.dma_semaphore, #tpu.memory_space<semaphore_mem>>) src(%arg8 : memref<128x128xf32, #tpu.memory_space<vmem>>) dst(%dma_wait3A_95 : memref<128x128xf32, #tpu.memory_space<hbm>>)
    %add3A_96 = arith.constant 256 : i32
    %add3A_97 = arith.addi %mul3A_2, %add3A_96 : i32
    "tpu.region"() ({
      %run_scoped3A = tpu.sem_alloc : memref<!tpu.dma_semaphore, #tpu.memory_space<semaphore_mem>>
      %dma_start3A_150 = arith.constant 0 : i32
      %dma_start3A_151 = tpu.memref_slice %arg6[%add3A_97, %dma_start3A_150] : memref<10240x128xf32, #tpu.memory_space<vmem_shared>> -> memref<128x128xf32, #tpu.memory_space<vmem_shared>>
      %dma_start3A_152 = arith.constant 0 : i32
      %dma_start3A_153 = tpu.memref_slice %arg6[%add3A_97, %dma_start3A_152] : memref<10240x128xf32, #tpu.memory_space<vmem_shared>> -> memref<128x128xf32, #tpu.memory_space<vmem_shared>>
      tpu.enqueue_dma source(%dma_start3A_153 : memref<128x128xf32, #tpu.memory_space<vmem_shared>>) target(%arg8 : memref<128x128xf32, #tpu.memory_space<vmem>>) target_semaphore(%run_scoped3A : memref<!tpu.dma_semaphore, #tpu.memory_space<semaphore_mem>>)
      %dma_wait3A_154 = arith.constant 0 : i32
      %dma_wait3A_155 = tpu.memref_slice %arg6[%add3A_97, %dma_wait3A_154] : memref<10240x128xf32, #tpu.memory_space<vmem_shared>> -> memref<128x128xf32, #tpu.memory_space<vmem_shared>>
      %dma_wait3A_156 = arith.constant 0 : i32
      %dma_wait3A_157 = tpu.memref_slice %arg6[%add3A_97, %dma_wait3A_156] : memref<10240x128xf32, #tpu.memory_space<vmem_shared>> -> memref<128x128xf32, #tpu.memory_space<vmem_shared>>
      tpu.wait_dma2 semaphore(%run_scoped3A : memref<!tpu.dma_semaphore, #tpu.memory_space<semaphore_mem>>) src(%dma_wait3A_157 : memref<128x128xf32, #tpu.memory_space<vmem_shared>>) dst(%arg8 : memref<128x128xf32, #tpu.memory_space<vmem>>)
      tpu.yield
    }) : () -> ()
    %add3A_98 = arith.constant 256 : i32
    %add3A_99 = arith.addi %mul3A_2, %add3A_98 : i32
    %dma_start3A_100 = arith.constant 0 : i32
    %dma_start3A_101 = tpu.memref_slice %arg5[%arg0, %add3A_99, %dma_start3A_100] : memref<2x10240x128xf32, #tpu.memory_space<hbm>> -> memref<1x128x128xf32, #tpu.memory_space<hbm>>
    %dma_start3A_102 = tpu.memref_squeeze %dma_start3A_101 : memref<1x128x128xf32, #tpu.memory_space<hbm>> -> memref<128x128xf32, #tpu.memory_space<hbm>>
    %dma_start3A_103 = arith.constant 0 : i32
    %dma_start3A_104 = tpu.memref_slice %arg5[%arg0, %add3A_99, %dma_start3A_103] : memref<2x10240x128xf32, #tpu.memory_space<hbm>> -> memref<1x128x128xf32, #tpu.memory_space<hbm>>
    %dma_start3A_105 = tpu.memref_squeeze %dma_start3A_104 : memref<1x128x128xf32, #tpu.memory_space<hbm>> -> memref<128x128xf32, #tpu.memory_space<hbm>>
    tpu.enqueue_dma source(%arg8 : memref<128x128xf32, #tpu.memory_space<vmem>>) target(%dma_start3A_105 : memref<128x128xf32, #tpu.memory_space<hbm>>) target_semaphore(%arg10 : memref<!tpu.dma_semaphore, #tpu.memory_space<semaphore_mem>>)
    %dma_wait3A_106 = arith.constant 0 : i32
    %dma_wait3A_107 = tpu.memref_slice %arg5[%arg0, %mul3A_2, %dma_wait3A_106] : memref<2x10240x128xf32, #tpu.memory_space<hbm>> -> memref<1x128x128xf32, #tpu.memory_space<hbm>>
    %dma_wait3A_108 = tpu.memref_squeeze %dma_wait3A_107 : memref<1x128x128xf32, #tpu.memory_space<hbm>> -> memref<128x128xf32, #tpu.memory_space<hbm>>
    %dma_wait3A_109 = arith.constant 0 : i32
    %dma_wait3A_110 = tpu.memref_slice %arg5[%arg0, %mul3A_2, %dma_wait3A_109] : memref<2x10240x128xf32, #tpu.memory_space<hbm>> -> memref<1x128x128xf32, #tpu.memory_space<hbm>>
    %dma_wait3A_111 = tpu.memref_squeeze %dma_wait3A_110 : memref<1x128x128xf32, #tpu.memory_space<hbm>> -> memref<128x128xf32, #tpu.memory_space<hbm>>
    tpu.wait_dma2 semaphore(%arg11 : memref<!tpu.dma_semaphore, #tpu.memory_space<semaphore_mem>>) src(%arg9 : memref<128x128xf32, #tpu.memory_space<vmem>>) dst(%dma_wait3A_111 : memref<128x128xf32, #tpu.memory_space<hbm>>)
    %add3A_112 = arith.constant 384 : i32
    %add3A_113 = arith.addi %mul3A_2, %add3A_112 : i32
    "tpu.region"() ({
      %run_scoped3A = tpu.sem_alloc : memref<!tpu.dma_semaphore, #tpu.memory_space<semaphore_mem>>
      %dma_start3A_150 = arith.constant 0 : i32
      %dma_start3A_151 = tpu.memref_slice %arg6[%add3A_113, %dma_start3A_150] : memref<10240x128xf32, #tpu.memory_space<vmem_shared>> -> memref<128x128xf32, #tpu.memory_space<vmem_shared>>
      %dma_start3A_152 = arith.constant 0 : i32
      %dma_start3A_153 = tpu.memref_slice %arg6[%add3A_113, %dma_start3A_152] : memref<10240x128xf32, #tpu.memory_space<vmem_shared>> -> memref<128x128xf32, #tpu.memory_space<vmem_shared>>
      tpu.enqueue_dma source(%dma_start3A_153 : memref<128x128xf32, #tpu.memory_space<vmem_shared>>) target(%arg9 : memref<128x128xf32, #tpu.memory_space<vmem>>) target_semaphore(%run_scoped3A : memref<!tpu.dma_semaphore, #tpu.memory_space<semaphore_mem>>)
      %dma_wait3A_154 = arith.constant 0 : i32
      %dma_wait3A_155 = tpu.memref_slice %arg6[%add3A_113, %dma_wait3A_154] : memref<10240x128xf32, #tpu.memory_space<vmem_shared>> -> memref<128x128xf32, #tpu.memory_space<vmem_shared>>
      %dma_wait3A_156 = arith.constant 0 : i32
      %dma_wait3A_157 = tpu.memref_slice %arg6[%add3A_113, %dma_wait3A_156] : memref<10240x128xf32, #tpu.memory_space<vmem_shared>> -> memref<128x128xf32, #tpu.memory_space<vmem_shared>>
      tpu.wait_dma2 semaphore(%run_scoped3A : memref<!tpu.dma_semaphore, #tpu.memory_space<semaphore_mem>>) src(%dma_wait3A_157 : memref<128x128xf32, #tpu.memory_space<vmem_shared>>) dst(%arg9 : memref<128x128xf32, #tpu.memory_space<vmem>>)
      tpu.yield
    }) : () -> ()
    %add3A_114 = arith.constant 384 : i32
    %add3A_115 = arith.addi %mul3A_2, %add3A_114 : i32
    %dma_start3A_116 = arith.constant 0 : i32
    %dma_start3A_117 = tpu.memref_slice %arg5[%arg0, %add3A_115, %dma_start3A_116] : memref<2x10240x128xf32, #tpu.memory_space<hbm>> -> memref<1x128x128xf32, #tpu.memory_space<hbm>>
    %dma_start3A_118 = tpu.memref_squeeze %dma_start3A_117 : memref<1x128x128xf32, #tpu.memory_space<hbm>> -> memref<128x128xf32, #tpu.memory_space<hbm>>
    %dma_start3A_119 = arith.constant 0 : i32
    %dma_start3A_120 = tpu.memref_slice %arg5[%arg0, %add3A_115, %dma_start3A_119] : memref<2x10240x128xf32, #tpu.memory_space<hbm>> -> memref<1x128x128xf32, #tpu.memory_space<hbm>>
    %dma_start3A_121 = tpu.memref_squeeze %dma_start3A_120 : memref<1x128x128xf32, #tpu.memory_space<hbm>> -> memref<128x128xf32, #tpu.memory_space<hbm>>
    tpu.enqueue_dma source(%arg9 : memref<128x128xf32, #tpu.memory_space<vmem>>) target(%dma_start3A_121 : memref<128x128xf32, #tpu.memory_space<hbm>>) target_semaphore(%arg11 : memref<!tpu.dma_semaphore, #tpu.memory_space<semaphore_mem>>)
    %dma_wait3A_122 = arith.constant 0 : i32
    %dma_wait3A_123 = tpu.memref_slice %arg5[%arg0, %mul3A_2, %dma_wait3A_122] : memref<2x10240x128xf32, #tpu.memory_space<hbm>> -> memref<1x128x128xf32, #tpu.memory_space<hbm>>
    %dma_wait3A_124 = tpu.memref_squeeze %dma_wait3A_123 : memref<1x128x128xf32, #tpu.memory_space<hbm>> -> memref<128x128xf32, #tpu.memory_space<hbm>>
    %dma_wait3A_125 = arith.constant 0 : i32
    %dma_wait3A_126 = tpu.memref_slice %arg5[%arg0, %mul3A_2, %dma_wait3A_125] : memref<2x10240x128xf32, #tpu.memory_space<hbm>> -> memref<1x128x128xf32, #tpu.memory_space<hbm>>
    %dma_wait3A_127 = tpu.memref_squeeze %dma_wait3A_126 : memref<1x128x128xf32, #tpu.memory_space<hbm>> -> memref<128x128xf32, #tpu.memory_space<hbm>>
    tpu.wait_dma2 semaphore(%arg10 : memref<!tpu.dma_semaphore, #tpu.memory_space<semaphore_mem>>) src(%arg8 : memref<128x128xf32, #tpu.memory_space<vmem>>) dst(%dma_wait3A_127 : memref<128x128xf32, #tpu.memory_space<hbm>>)
    %add3A_128 = arith.constant 512 : i32
    %add3A_129 = arith.addi %mul3A_2, %add3A_128 : i32
    "tpu.region"() ({
      %run_scoped3A = tpu.sem_alloc : memref<!tpu.dma_semaphore, #tpu.memory_space<semaphore_mem>>
      %dma_start3A_150 = arith.constant 0 : i32
      %dma_start3A_151 = tpu.memref_slice %arg6[%add3A_129, %dma_start3A_150] : memref<10240x128xf32, #tpu.memory_space<vmem_shared>> -> memref<128x128xf32, #tpu.memory_space<vmem_shared>>
      %dma_start3A_152 = arith.constant 0 : i32
      %dma_start3A_153 = tpu.memref_slice %arg6[%add3A_129, %dma_start3A_152] : memref<10240x128xf32, #tpu.memory_space<vmem_shared>> -> memref<128x128xf32, #tpu.memory_space<vmem_shared>>
      tpu.enqueue_dma source(%dma_start3A_153 : memref<128x128xf32, #tpu.memory_space<vmem_shared>>) target(%arg8 : memref<128x128xf32, #tpu.memory_space<vmem>>) target_semaphore(%run_scoped3A : memref<!tpu.dma_semaphore, #tpu.memory_space<semaphore_mem>>)
      %dma_wait3A_154 = arith.constant 0 : i32
      %dma_wait3A_155 = tpu.memref_slice %arg6[%add3A_129, %dma_wait3A_154] : memref<10240x128xf32, #tpu.memory_space<vmem_shared>> -> memref<128x128xf32, #tpu.memory_space<vmem_shared>>
      %dma_wait3A_156 = arith.constant 0 : i32
      %dma_wait3A_157 = tpu.memref_slice %arg6[%add3A_129, %dma_wait3A_156] : memref<10240x128xf32, #tpu.memory_space<vmem_shared>> -> memref<128x128xf32, #tpu.memory_space<vmem_shared>>
      tpu.wait_dma2 semaphore(%run_scoped3A : memref<!tpu.dma_semaphore, #tpu.memory_space<semaphore_mem>>) src(%dma_wait3A_157 : memref<128x128xf32, #tpu.memory_space<vmem_shared>>) dst(%arg8 : memref<128x128xf32, #tpu.memory_space<vmem>>)
      tpu.yield
    }) : () -> ()
    %add3A_130 = arith.constant 512 : i32
    %add3A_131 = arith.addi %mul3A_2, %add3A_130 : i32
    %dma_start3A_132 = arith.constant 0 : i32
    %dma_start3A_133 = tpu.memref_slice %arg5[%arg0, %add3A_131, %dma_start3A_132] : memref<2x10240x128xf32, #tpu.memory_space<hbm>> -> memref<1x128x128xf32, #tpu.memory_space<hbm>>
    %dma_start3A_134 = tpu.memref_squeeze %dma_start3A_133 : memref<1x128x128xf32, #tpu.memory_space<hbm>> -> memref<128x128xf32, #tpu.memory_space<hbm>>
    %dma_start3A_135 = arith.constant 0 : i32
    %dma_start3A_136 = tpu.memref_slice %arg5[%arg0, %add3A_131, %dma_start3A_135] : memref<2x10240x128xf32, #tpu.memory_space<hbm>> -> memref<1x128x128xf32, #tpu.memory_space<hbm>>
    %dma_start3A_137 = tpu.memref_squeeze %dma_start3A_136 : memref<1x128x128xf32, #tpu.memory_space<hbm>> -> memref<128x128xf32, #tpu.memory_space<hbm>>
    tpu.enqueue_dma source(%arg8 : memref<128x128xf32, #tpu.memory_space<vmem>>) target(%dma_start3A_137 : memref<128x128xf32, #tpu.memory_space<hbm>>) target_semaphore(%arg10 : memref<!tpu.dma_semaphore, #tpu.memory_space<semaphore_mem>>)
    %dma_wait3A_138 = arith.constant 0 : i32
    %dma_wait3A_139 = tpu.memref_slice %arg5[%arg0, %mul3A_2, %dma_wait3A_138] : memref<2x10240x128xf32, #tpu.memory_space<hbm>> -> memref<1x128x128xf32, #tpu.memory_space<hbm>>
    %dma_wait3A_140 = tpu.memref_squeeze %dma_wait3A_139 : memref<1x128x128xf32, #tpu.memory_space<hbm>> -> memref<128x128xf32, #tpu.memory_space<hbm>>
    %dma_wait3A_141 = arith.constant 0 : i32
    %dma_wait3A_142 = tpu.memref_slice %arg5[%arg0, %mul3A_2, %dma_wait3A_141] : memref<2x10240x128xf32, #tpu.memory_space<hbm>> -> memref<1x128x128xf32, #tpu.memory_space<hbm>>
    %dma_wait3A_143 = tpu.memref_squeeze %dma_wait3A_142 : memref<1x128x128xf32, #tpu.memory_space<hbm>> -> memref<128x128xf32, #tpu.memory_space<hbm>>
    tpu.wait_dma2 semaphore(%arg11 : memref<!tpu.dma_semaphore, #tpu.memory_space<semaphore_mem>>) src(%arg9 : memref<128x128xf32, #tpu.memory_space<vmem>>) dst(%dma_wait3A_143 : memref<128x128xf32, #tpu.memory_space<hbm>>)
    %dma_wait3A_144 = arith.constant 0 : i32
    %dma_wait3A_145 = tpu.memref_slice %arg5[%arg0, %mul3A_2, %dma_wait3A_144] : memref<2x10240x128xf32, #tpu.memory_space<hbm>> -> memref<1x128x128xf32, #tpu.memory_space<hbm>>
    %dma_wait3A_146 = tpu.memref_squeeze %dma_wait3A_145 : memref<1x128x128xf32, #tpu.memory_space<hbm>> -> memref<128x128xf32, #tpu.memory_space<hbm>>
    %dma_wait3A_147 = arith.constant 0 : i32
    %dma_wait3A_148 = tpu.memref_slice %arg5[%arg0, %mul3A_2, %dma_wait3A_147] : memref<2x10240x128xf32, #tpu.memory_space<hbm>> -> memref<1x128x128xf32, #tpu.memory_space<hbm>>
    %dma_wait3A_149 = tpu.memref_squeeze %dma_wait3A_148 : memref<1x128x128xf32, #tpu.memory_space<hbm>> -> memref<128x128xf32, #tpu.memory_space<hbm>>
    tpu.wait_dma2 semaphore(%arg10 : memref<!tpu.dma_semaphore, #tpu.memory_space<semaphore_mem>>) src(%arg8 : memref<128x128xf32, #tpu.memory_space<vmem>>) dst(%dma_wait3A_149 : memref<128x128xf32, #tpu.memory_space<hbm>>)
    return
  }
}

#map = affine_map<(d0, d1) -> (0, 0)>
#map1 = affine_map<(d0, d1) -> (0, 0, 0, 0, 0)>
#map2 = affine_map<(d0, d1) -> (0, 0, 0)>
module attributes {stable_mosaic.version = 14 : i64} {
  func.func @_acc_body(%arg0: i32, %arg1: i32, %arg2: memref<10000x128xf32, #tpu.memory_space<hbm>>, %arg3: memref<32x20x2x4x128xi32, #tpu.memory_space<hbm>>, %arg4: memref<128x128xf32, #tpu.memory_space<hbm>>, %arg5: memref<2x10240x128xf32, #tpu.memory_space<hbm>>, %arg6: memref<10240x128xf32, #tpu.memory_space<vmem_shared>>, %arg7: memref<2x4x128xi32, #tpu.memory_space<vmem>>, %arg8: memref<2x4x128xi32, #tpu.memory_space<vmem>>, %arg9: memref<128x128xf32, #tpu.memory_space<vmem>>, %arg10: memref<128x128xf32, #tpu.memory_space<vmem>>, %arg11: memref<!tpu.dma_semaphore, #tpu.memory_space<semaphore_mem>>, %arg12: memref<!tpu.dma_semaphore, #tpu.memory_space<semaphore_mem>>, %arg13: memref<!tpu.dma_semaphore, #tpu.memory_space<semaphore_mem>>, %arg14: memref<!tpu.dma_semaphore, #tpu.memory_space<semaphore_mem>>) attributes {dimension_semantics = [#tpu.dimension_semantics<core_parallel>, #tpu.dimension_semantics<subcore_parallel>], iteration_bounds = array<i64: 2, 16>, scalar_prefetch = 0 : i64, scratch_operands = 9 : i64, tpu.core_type = #tpu.core_type<sc_vector_subcore>, window_params = [{transform_indices = #map}, {transform_indices = #map1}, {transform_indices = #map}, {transform_indices = #map2}]} {
    %mul3A = arith.constant 16 : i32
    %mul3A_0 = arith.muli %arg0, %mul3A : i32
    %add3A = arith.addi %mul3A_0, %arg1 : i32
    %mul3A_1 = arith.constant 640 : i32
    %mul3A_2 = arith.muli %arg1, %mul3A_1 : i32
    "tpu.region"() ({
      %run_scoped3A = tpu.sem_alloc : memref<!tpu.dma_semaphore, #tpu.memory_space<semaphore_mem>>
      tpu.enqueue_dma source(%arg4 : memref<128x128xf32, #tpu.memory_space<hbm>>) target(%arg9 : memref<128x128xf32, #tpu.memory_space<vmem>>) target_semaphore(%run_scoped3A : memref<!tpu.dma_semaphore, #tpu.memory_space<semaphore_mem>>)
      tpu.wait_dma2 semaphore(%run_scoped3A : memref<!tpu.dma_semaphore, #tpu.memory_space<semaphore_mem>>) src(%arg4 : memref<128x128xf32, #tpu.memory_space<hbm>>) dst(%arg9 : memref<128x128xf32, #tpu.memory_space<vmem>>)
      tpu.yield
    }) : () -> ()
    %add3A_3 = arith.constant 0 : i32
    %add3A_4 = arith.addi %mul3A_2, %add3A_3 : i32
    %dma_start3A = arith.constant 0 : i32
    %dma_start3A_5 = tpu.memref_slice %arg6[%add3A_4, %dma_start3A] : memref<10240x128xf32, #tpu.memory_space<vmem_shared>> -> memref<128x128xf32, #tpu.memory_space<vmem_shared>>
    %dma_start3A_6 = arith.constant 0 : i32
    %dma_start3A_7 = tpu.memref_slice %arg6[%add3A_4, %dma_start3A_6] : memref<10240x128xf32, #tpu.memory_space<vmem_shared>> -> memref<128x128xf32, #tpu.memory_space<vmem_shared>>
    tpu.enqueue_dma source(%arg9 : memref<128x128xf32, #tpu.memory_space<vmem>>) target(%dma_start3A_7 : memref<128x128xf32, #tpu.memory_space<vmem_shared>>) target_semaphore(%arg13 : memref<!tpu.dma_semaphore, #tpu.memory_space<semaphore_mem>>)
    %add3A_8 = arith.constant 128 : i32
    %add3A_9 = arith.addi %mul3A_2, %add3A_8 : i32
    %dma_start3A_10 = arith.constant 0 : i32
    %dma_start3A_11 = tpu.memref_slice %arg6[%add3A_9, %dma_start3A_10] : memref<10240x128xf32, #tpu.memory_space<vmem_shared>> -> memref<128x128xf32, #tpu.memory_space<vmem_shared>>
    %dma_start3A_12 = arith.constant 0 : i32
    %dma_start3A_13 = tpu.memref_slice %arg6[%add3A_9, %dma_start3A_12] : memref<10240x128xf32, #tpu.memory_space<vmem_shared>> -> memref<128x128xf32, #tpu.memory_space<vmem_shared>>
    tpu.enqueue_dma source(%arg9 : memref<128x128xf32, #tpu.memory_space<vmem>>) target(%dma_start3A_13 : memref<128x128xf32, #tpu.memory_space<vmem_shared>>) target_semaphore(%arg13 : memref<!tpu.dma_semaphore, #tpu.memory_space<semaphore_mem>>)
    %add3A_14 = arith.constant 256 : i32
    %add3A_15 = arith.addi %mul3A_2, %add3A_14 : i32
    %dma_start3A_16 = arith.constant 0 : i32
    %dma_start3A_17 = tpu.memref_slice %arg6[%add3A_15, %dma_start3A_16] : memref<10240x128xf32, #tpu.memory_space<vmem_shared>> -> memref<128x128xf32, #tpu.memory_space<vmem_shared>>
    %dma_start3A_18 = arith.constant 0 : i32
    %dma_start3A_19 = tpu.memref_slice %arg6[%add3A_15, %dma_start3A_18] : memref<10240x128xf32, #tpu.memory_space<vmem_shared>> -> memref<128x128xf32, #tpu.memory_space<vmem_shared>>
    tpu.enqueue_dma source(%arg9 : memref<128x128xf32, #tpu.memory_space<vmem>>) target(%dma_start3A_19 : memref<128x128xf32, #tpu.memory_space<vmem_shared>>) target_semaphore(%arg13 : memref<!tpu.dma_semaphore, #tpu.memory_space<semaphore_mem>>)
    %add3A_20 = arith.constant 384 : i32
    %add3A_21 = arith.addi %mul3A_2, %add3A_20 : i32
    %dma_start3A_22 = arith.constant 0 : i32
    %dma_start3A_23 = tpu.memref_slice %arg6[%add3A_21, %dma_start3A_22] : memref<10240x128xf32, #tpu.memory_space<vmem_shared>> -> memref<128x128xf32, #tpu.memory_space<vmem_shared>>
    %dma_start3A_24 = arith.constant 0 : i32
    %dma_start3A_25 = tpu.memref_slice %arg6[%add3A_21, %dma_start3A_24] : memref<10240x128xf32, #tpu.memory_space<vmem_shared>> -> memref<128x128xf32, #tpu.memory_space<vmem_shared>>
    tpu.enqueue_dma source(%arg9 : memref<128x128xf32, #tpu.memory_space<vmem>>) target(%dma_start3A_25 : memref<128x128xf32, #tpu.memory_space<vmem_shared>>) target_semaphore(%arg13 : memref<!tpu.dma_semaphore, #tpu.memory_space<semaphore_mem>>)
    %add3A_26 = arith.constant 512 : i32
    %add3A_27 = arith.addi %mul3A_2, %add3A_26 : i32
    %dma_start3A_28 = arith.constant 0 : i32
    %dma_start3A_29 = tpu.memref_slice %arg6[%add3A_27, %dma_start3A_28] : memref<10240x128xf32, #tpu.memory_space<vmem_shared>> -> memref<128x128xf32, #tpu.memory_space<vmem_shared>>
    %dma_start3A_30 = arith.constant 0 : i32
    %dma_start3A_31 = tpu.memref_slice %arg6[%add3A_27, %dma_start3A_30] : memref<10240x128xf32, #tpu.memory_space<vmem_shared>> -> memref<128x128xf32, #tpu.memory_space<vmem_shared>>
    tpu.enqueue_dma source(%arg9 : memref<128x128xf32, #tpu.memory_space<vmem>>) target(%dma_start3A_31 : memref<128x128xf32, #tpu.memory_space<vmem_shared>>) target_semaphore(%arg13 : memref<!tpu.dma_semaphore, #tpu.memory_space<semaphore_mem>>)
    %dma_wait3A = arith.constant 0 : i32
    %dma_wait3A_32 = tpu.memref_slice %arg6[%mul3A_2, %dma_wait3A] : memref<10240x128xf32, #tpu.memory_space<vmem_shared>> -> memref<128x128xf32, #tpu.memory_space<vmem_shared>>
    %dma_wait3A_33 = arith.constant 0 : i32
    %dma_wait3A_34 = tpu.memref_slice %arg6[%mul3A_2, %dma_wait3A_33] : memref<10240x128xf32, #tpu.memory_space<vmem_shared>> -> memref<128x128xf32, #tpu.memory_space<vmem_shared>>
    tpu.wait_dma2 semaphore(%arg13 : memref<!tpu.dma_semaphore, #tpu.memory_space<semaphore_mem>>) src(%arg9 : memref<128x128xf32, #tpu.memory_space<vmem>>) dst(%dma_wait3A_34 : memref<128x128xf32, #tpu.memory_space<vmem_shared>>)
    %dma_wait3A_35 = arith.constant 0 : i32
    %dma_wait3A_36 = tpu.memref_slice %arg6[%mul3A_2, %dma_wait3A_35] : memref<10240x128xf32, #tpu.memory_space<vmem_shared>> -> memref<128x128xf32, #tpu.memory_space<vmem_shared>>
    %dma_wait3A_37 = arith.constant 0 : i32
    %dma_wait3A_38 = tpu.memref_slice %arg6[%mul3A_2, %dma_wait3A_37] : memref<10240x128xf32, #tpu.memory_space<vmem_shared>> -> memref<128x128xf32, #tpu.memory_space<vmem_shared>>
    tpu.wait_dma2 semaphore(%arg13 : memref<!tpu.dma_semaphore, #tpu.memory_space<semaphore_mem>>) src(%arg9 : memref<128x128xf32, #tpu.memory_space<vmem>>) dst(%dma_wait3A_38 : memref<128x128xf32, #tpu.memory_space<vmem_shared>>)
    %dma_wait3A_39 = arith.constant 0 : i32
    %dma_wait3A_40 = tpu.memref_slice %arg6[%mul3A_2, %dma_wait3A_39] : memref<10240x128xf32, #tpu.memory_space<vmem_shared>> -> memref<128x128xf32, #tpu.memory_space<vmem_shared>>
    %dma_wait3A_41 = arith.constant 0 : i32
    %dma_wait3A_42 = tpu.memref_slice %arg6[%mul3A_2, %dma_wait3A_41] : memref<10240x128xf32, #tpu.memory_space<vmem_shared>> -> memref<128x128xf32, #tpu.memory_space<vmem_shared>>
    tpu.wait_dma2 semaphore(%arg13 : memref<!tpu.dma_semaphore, #tpu.memory_space<semaphore_mem>>) src(%arg9 : memref<128x128xf32, #tpu.memory_space<vmem>>) dst(%dma_wait3A_42 : memref<128x128xf32, #tpu.memory_space<vmem_shared>>)
    %dma_wait3A_43 = arith.constant 0 : i32
    %dma_wait3A_44 = tpu.memref_slice %arg6[%mul3A_2, %dma_wait3A_43] : memref<10240x128xf32, #tpu.memory_space<vmem_shared>> -> memref<128x128xf32, #tpu.memory_space<vmem_shared>>
    %dma_wait3A_45 = arith.constant 0 : i32
    %dma_wait3A_46 = tpu.memref_slice %arg6[%mul3A_2, %dma_wait3A_45] : memref<10240x128xf32, #tpu.memory_space<vmem_shared>> -> memref<128x128xf32, #tpu.memory_space<vmem_shared>>
    tpu.wait_dma2 semaphore(%arg13 : memref<!tpu.dma_semaphore, #tpu.memory_space<semaphore_mem>>) src(%arg9 : memref<128x128xf32, #tpu.memory_space<vmem>>) dst(%dma_wait3A_46 : memref<128x128xf32, #tpu.memory_space<vmem_shared>>)
    %dma_wait3A_47 = arith.constant 0 : i32
    %dma_wait3A_48 = tpu.memref_slice %arg6[%mul3A_2, %dma_wait3A_47] : memref<10240x128xf32, #tpu.memory_space<vmem_shared>> -> memref<128x128xf32, #tpu.memory_space<vmem_shared>>
    %dma_wait3A_49 = arith.constant 0 : i32
    %dma_wait3A_50 = tpu.memref_slice %arg6[%mul3A_2, %dma_wait3A_49] : memref<10240x128xf32, #tpu.memory_space<vmem_shared>> -> memref<128x128xf32, #tpu.memory_space<vmem_shared>>
    tpu.wait_dma2 semaphore(%arg13 : memref<!tpu.dma_semaphore, #tpu.memory_space<semaphore_mem>>) src(%arg9 : memref<128x128xf32, #tpu.memory_space<vmem>>) dst(%dma_wait3A_50 : memref<128x128xf32, #tpu.memory_space<vmem_shared>>)
    %barrier3A = arith.constant 0 : index
    tpu.barrier barrier_id(%barrier3A)
    %dma_start3A_51 = arith.constant 0 : i32
    %dma_start3A_52 = arith.constant 0 : i32
    %dma_start3A_53 = arith.constant 0 : i32
    %dma_start3A_54 = arith.constant 0 : i32
    %dma_start3A_55 = tpu.memref_slice %arg3[%add3A, %dma_start3A_51, %dma_start3A_52, %dma_start3A_53, %dma_start3A_54] : memref<32x20x2x4x128xi32, #tpu.memory_space<hbm>> -> memref<1x1x2x4x128xi32, #tpu.memory_space<hbm>>
    %dma_start3A_56 = tpu.memref_squeeze %dma_start3A_55 : memref<1x1x2x4x128xi32, #tpu.memory_space<hbm>> -> memref<2x4x128xi32, #tpu.memory_space<hbm>>
    %dma_start3A_57 = arith.constant 0 : i32
    %dma_start3A_58 = arith.constant 0 : i32
    %dma_start3A_59 = arith.constant 0 : i32
    %dma_start3A_60 = tpu.memref_slice %arg3[%add3A, %dma_start3A_51, %dma_start3A_57, %dma_start3A_58, %dma_start3A_59] : memref<32x20x2x4x128xi32, #tpu.memory_space<hbm>> -> memref<1x1x2x4x128xi32, #tpu.memory_space<hbm>>
    %dma_start3A_61 = tpu.memref_squeeze %dma_start3A_60 : memref<1x1x2x4x128xi32, #tpu.memory_space<hbm>> -> memref<2x4x128xi32, #tpu.memory_space<hbm>>
    tpu.enqueue_dma source(%dma_start3A_61 : memref<2x4x128xi32, #tpu.memory_space<hbm>>) target(%arg7 : memref<2x4x128xi32, #tpu.memory_space<vmem>>) target_semaphore(%arg11 : memref<!tpu.dma_semaphore, #tpu.memory_space<semaphore_mem>>)
    %dma_wait3A_62 = arith.constant 0 : i32
    %dma_wait3A_63 = arith.constant 0 : i32
    %dma_wait3A_64 = arith.constant 0 : i32
    %dma_wait3A_65 = arith.constant 0 : i32
    %dma_wait3A_66 = tpu.memref_slice %arg3[%add3A, %dma_wait3A_62, %dma_wait3A_63, %dma_wait3A_64, %dma_wait3A_65] : memref<32x20x2x4x128xi32, #tpu.memory_space<hbm>> -> memref<1x1x2x4x128xi32, #tpu.memory_space<hbm>>
    %dma_wait3A_67 = tpu.memref_squeeze %dma_wait3A_66 : memref<1x1x2x4x128xi32, #tpu.memory_space<hbm>> -> memref<2x4x128xi32, #tpu.memory_space<hbm>>
    %dma_wait3A_68 = arith.constant 0 : i32
    %dma_wait3A_69 = arith.constant 0 : i32
    %dma_wait3A_70 = arith.constant 0 : i32
    %dma_wait3A_71 = tpu.memref_slice %arg3[%add3A, %dma_wait3A_62, %dma_wait3A_68, %dma_wait3A_69, %dma_wait3A_70] : memref<32x20x2x4x128xi32, #tpu.memory_space<hbm>> -> memref<1x1x2x4x128xi32, #tpu.memory_space<hbm>>
    %dma_wait3A_72 = tpu.memref_squeeze %dma_wait3A_71 : memref<1x1x2x4x128xi32, #tpu.memory_space<hbm>> -> memref<2x4x128xi32, #tpu.memory_space<hbm>>
    tpu.wait_dma2 semaphore(%arg11 : memref<!tpu.dma_semaphore, #tpu.memory_space<semaphore_mem>>) src(%dma_wait3A_72 : memref<2x4x128xi32, #tpu.memory_space<hbm>>) dst(%arg7 : memref<2x4x128xi32, #tpu.memory_space<vmem>>)
    %dma_start3A_73 = arith.constant 1 : i32
    %dma_start3A_74 = arith.constant 0 : i32
    %dma_start3A_75 = arith.constant 0 : i32
    %dma_start3A_76 = arith.constant 0 : i32
    %dma_start3A_77 = tpu.memref_slice %arg3[%add3A, %dma_start3A_73, %dma_start3A_74, %dma_start3A_75, %dma_start3A_76] : memref<32x20x2x4x128xi32, #tpu.memory_space<hbm>> -> memref<1x1x2x4x128xi32, #tpu.memory_space<hbm>>
    %dma_start3A_78 = tpu.memref_squeeze %dma_start3A_77 : memref<1x1x2x4x128xi32, #tpu.memory_space<hbm>> -> memref<2x4x128xi32, #tpu.memory_space<hbm>>
    %dma_start3A_79 = arith.constant 0 : i32
    %dma_start3A_80 = arith.constant 0 : i32
    %dma_start3A_81 = arith.constant 0 : i32
    %dma_start3A_82 = tpu.memref_slice %arg3[%add3A, %dma_start3A_73, %dma_start3A_79, %dma_start3A_80, %dma_start3A_81] : memref<32x20x2x4x128xi32, #tpu.memory_space<hbm>> -> memref<1x1x2x4x128xi32, #tpu.memory_space<hbm>>
    %dma_start3A_83 = tpu.memref_squeeze %dma_start3A_82 : memref<1x1x2x4x128xi32, #tpu.memory_space<hbm>> -> memref<2x4x128xi32, #tpu.memory_space<hbm>>
    tpu.enqueue_dma source(%dma_start3A_83 : memref<2x4x128xi32, #tpu.memory_space<hbm>>) target(%arg8 : memref<2x4x128xi32, #tpu.memory_space<vmem>>) target_semaphore(%arg12 : memref<!tpu.dma_semaphore, #tpu.memory_space<semaphore_mem>>)
    %dma_start3A_84 = arith.constant 0 : i32
    %dma_start3A_85 = arith.constant 0 : i32
    %dma_start3A_86 = arith.constant 0 : i32
    %dma_start3A_87 = tpu.memref_slice %arg7[%dma_start3A_84, %dma_start3A_85, %dma_start3A_86] : memref<2x4x128xi32, #tpu.memory_space<vmem>> -> memref<1x1x128xi32, #tpu.memory_space<vmem>>
    %dma_start3A_88 = tpu.memref_squeeze %dma_start3A_87 : memref<1x1x128xi32, #tpu.memory_space<vmem>> -> memref<128xi32, #tpu.memory_space<vmem>>
    %dma_start3A_89 = arith.constant 0 : i32
    %dma_start3A_90 = arith.constant 0 : i32
    %dma_start3A_91 = tpu.memref_slice %arg2[%dma_start3A_89, %dma_start3A_90] : memref<10000x128xf32, #tpu.memory_space<hbm>> -> memref<10000x128xf32, #tpu.memory_space<hbm>>
    tpu.enqueue_indirect_dma source(%dma_start3A_91 : memref<10000x128xf32, #tpu.memory_space<hbm>>) target(%arg9 : memref<128x128xf32, #tpu.memory_space<vmem>>) offsets(%dma_start3A_88 : memref<128xi32, #tpu.memory_space<vmem>>) semaphore(%arg13 : memref<!tpu.dma_semaphore, #tpu.memory_space<semaphore_mem>>)
    %scan3A = arith.constant 0 : i32
    %scan3A_92 = arith.constant 10 : i32
    %scan3A_93 = arith.addi %scan3A, %scan3A_92 : i32
    %scan3A_94 = arith.constant 1 : i32
    scf.for %scan3A_177 = %scan3A to %scan3A_93 step %scan3A_94  : i32 {
      %dma_wait3A_178 = arith.constant 0 : i32
      %dma_wait3A_179 = arith.constant 0 : i32
      %dma_wait3A_180 = arith.constant 0 : i32
      %dma_wait3A_181 = arith.constant 0 : i32
      %dma_wait3A_182 = tpu.memref_slice %arg3[%add3A, %dma_wait3A_178, %dma_wait3A_179, %dma_wait3A_180, %dma_wait3A_181] : memref<32x20x2x4x128xi32, #tpu.memory_space<hbm>> -> memref<1x1x2x4x128xi32, #tpu.memory_space<hbm>>
      %dma_wait3A_183 = tpu.memref_squeeze %dma_wait3A_182 : memref<1x1x2x4x128xi32, #tpu.memory_space<hbm>> -> memref<2x4x128xi32, #tpu.memory_space<hbm>>
      %dma_wait3A_184 = arith.constant 0 : i32
      %dma_wait3A_185 = arith.constant 0 : i32
      %dma_wait3A_186 = arith.constant 0 : i32
      %dma_wait3A_187 = tpu.memref_slice %arg3[%add3A, %dma_wait3A_178, %dma_wait3A_184, %dma_wait3A_185, %dma_wait3A_186] : memref<32x20x2x4x128xi32, #tpu.memory_space<hbm>> -> memref<1x1x2x4x128xi32, #tpu.memory_space<hbm>>
      %dma_wait3A_188 = tpu.memref_squeeze %dma_wait3A_187 : memref<1x1x2x4x128xi32, #tpu.memory_space<hbm>> -> memref<2x4x128xi32, #tpu.memory_space<hbm>>
      tpu.wait_dma2 semaphore(%arg12 : memref<!tpu.dma_semaphore, #tpu.memory_space<semaphore_mem>>) src(%dma_wait3A_188 : memref<2x4x128xi32, #tpu.memory_space<hbm>>) dst(%arg8 : memref<2x4x128xi32, #tpu.memory_space<vmem>>)
      %dma_wait3A_189 = arith.constant 0 : i32
      %dma_wait3A_190 = arith.constant 0 : i32
      %dma_wait3A_191 = arith.constant 0 : i32
      %dma_wait3A_192 = tpu.memref_slice %arg7[%dma_wait3A_189, %dma_wait3A_190, %dma_wait3A_191] : memref<2x4x128xi32, #tpu.memory_space<vmem>> -> memref<1x1x128xi32, #tpu.memory_space<vmem>>
      %dma_wait3A_193 = tpu.memref_squeeze %dma_wait3A_192 : memref<1x1x128xi32, #tpu.memory_space<vmem>> -> memref<128xi32, #tpu.memory_space<vmem>>
      %dma_wait3A_194 = arith.constant 0 : i32
      %dma_wait3A_195 = arith.constant 0 : i32
      %dma_wait3A_196 = tpu.memref_slice %arg2[%dma_wait3A_194, %dma_wait3A_195] : memref<10000x128xf32, #tpu.memory_space<hbm>> -> memref<10000x128xf32, #tpu.memory_space<hbm>>
      tpu.wait_indirect_dma semaphore(%arg13 : memref<!tpu.dma_semaphore, #tpu.memory_space<semaphore_mem>>) src(%dma_wait3A_196 : memref<10000x128xf32, #tpu.memory_space<hbm>>) dst(%arg9 : memref<128x128xf32, #tpu.memory_space<vmem>>)
      %dma_start3A_197 = arith.constant 0 : i32
      %dma_start3A_198 = arith.constant 1 : i32
      %dma_start3A_199 = arith.constant 0 : i32
      %dma_start3A_200 = tpu.memref_slice %arg7[%dma_start3A_197, %dma_start3A_198, %dma_start3A_199] : memref<2x4x128xi32, #tpu.memory_space<vmem>> -> memref<1x1x128xi32, #tpu.memory_space<vmem>>
      %dma_start3A_201 = tpu.memref_squeeze %dma_start3A_200 : memref<1x1x128xi32, #tpu.memory_space<vmem>> -> memref<128xi32, #tpu.memory_space<vmem>>
      %dma_start3A_202 = arith.constant 0 : i32
      %dma_start3A_203 = arith.constant 0 : i32
      %dma_start3A_204 = tpu.memref_slice %arg2[%dma_start3A_202, %dma_start3A_203] : memref<10000x128xf32, #tpu.memory_space<hbm>> -> memref<10000x128xf32, #tpu.memory_space<hbm>>
      tpu.enqueue_indirect_dma source(%dma_start3A_204 : memref<10000x128xf32, #tpu.memory_space<hbm>>) target(%arg10 : memref<128x128xf32, #tpu.memory_space<vmem>>) offsets(%dma_start3A_201 : memref<128xi32, #tpu.memory_space<vmem>>) semaphore(%arg14 : memref<!tpu.dma_semaphore, #tpu.memory_space<semaphore_mem>>)
      %run_scoped3A = arith.constant 1 : i32
      %run_scoped3A_205 = arith.constant 0 : i32
      "tpu.region"() ({
        %run_scoped3A_325 = tpu.sem_alloc : memref<!tpu.dma_semaphore, #tpu.memory_space<semaphore_mem>>
        %dma_start3A_326 = arith.constant 0 : i32
        %dma_start3A_327 = tpu.memref_slice %arg7[%run_scoped3A, %run_scoped3A_205, %dma_start3A_326] : memref<2x4x128xi32, #tpu.memory_space<vmem>> -> memref<1x1x128xi32, #tpu.memory_space<vmem>>
        %dma_start3A_328 = tpu.memref_squeeze %dma_start3A_327 : memref<1x1x128xi32, #tpu.memory_space<vmem>> -> memref<128xi32, #tpu.memory_space<vmem>>
        %dma_start3A_329 = arith.constant 0 : i32
        %dma_start3A_330 = arith.constant 0 : i32
        %dma_start3A_331 = tpu.memref_slice %arg6[%dma_start3A_329, %dma_start3A_330] : memref<10240x128xf32, #tpu.memory_space<vmem_shared>> -> memref<10240x128xf32, #tpu.memory_space<vmem_shared>>
        tpu.enqueue_indirect_dma source(%arg9 : memref<128x128xf32, #tpu.memory_space<vmem>>) target(%dma_start3A_331 : memref<10240x128xf32, #tpu.memory_space<vmem_shared>>) offsets(%dma_start3A_328 : memref<128xi32, #tpu.memory_space<vmem>>) semaphore(%run_scoped3A_325 : memref<!tpu.dma_semaphore, #tpu.memory_space<semaphore_mem>>) {add = true}
        %dma_wait3A_332 = arith.constant 0 : i32
        %dma_wait3A_333 = tpu.memref_slice %arg7[%run_scoped3A, %run_scoped3A_205, %dma_wait3A_332] : memref<2x4x128xi32, #tpu.memory_space<vmem>> -> memref<1x1x128xi32, #tpu.memory_space<vmem>>
        %dma_wait3A_334 = tpu.memref_squeeze %dma_wait3A_333 : memref<1x1x128xi32, #tpu.memory_space<vmem>> -> memref<128xi32, #tpu.memory_space<vmem>>
        %dma_wait3A_335 = arith.constant 0 : i32
        %dma_wait3A_336 = arith.constant 0 : i32
        %dma_wait3A_337 = tpu.memref_slice %arg6[%dma_wait3A_335, %dma_wait3A_336] : memref<10240x128xf32, #tpu.memory_space<vmem_shared>> -> memref<10240x128xf32, #tpu.memory_space<vmem_shared>>
        tpu.wait_indirect_dma semaphore(%run_scoped3A_325 : memref<!tpu.dma_semaphore, #tpu.memory_space<semaphore_mem>>) src(%arg9 : memref<128x128xf32, #tpu.memory_space<vmem>>) dst(%dma_wait3A_337 : memref<10240x128xf32, #tpu.memory_space<vmem_shared>>)
        tpu.yield
      }) : () -> ()
      %dma_wait3A_206 = arith.constant 0 : i32
      %dma_wait3A_207 = arith.constant 1 : i32
      %dma_wait3A_208 = arith.constant 0 : i32
      %dma_wait3A_209 = tpu.memref_slice %arg7[%dma_wait3A_206, %dma_wait3A_207, %dma_wait3A_208] : memref<2x4x128xi32, #tpu.memory_space<vmem>> -> memref<1x1x128xi32, #tpu.memory_space<vmem>>
      %dma_wait3A_210 = tpu.memref_squeeze %dma_wait3A_209 : memref<1x1x128xi32, #tpu.memory_space<vmem>> -> memref<128xi32, #tpu.memory_space<vmem>>
      %dma_wait3A_211 = arith.constant 0 : i32
      %dma_wait3A_212 = arith.constant 0 : i32
      %dma_wait3A_213 = tpu.memref_slice %arg2[%dma_wait3A_211, %dma_wait3A_212] : memref<10000x128xf32, #tpu.memory_space<hbm>> -> memref<10000x128xf32, #tpu.memory_space<hbm>>
      tpu.wait_indirect_dma semaphore(%arg14 : memref<!tpu.dma_semaphore, #tpu.memory_space<semaphore_mem>>) src(%dma_wait3A_213 : memref<10000x128xf32, #tpu.memory_space<hbm>>) dst(%arg10 : memref<128x128xf32, #tpu.memory_space<vmem>>)
      %dma_start3A_214 = arith.constant 0 : i32
      %dma_start3A_215 = arith.constant 2 : i32
      %dma_start3A_216 = arith.constant 0 : i32
      %dma_start3A_217 = tpu.memref_slice %arg7[%dma_start3A_214, %dma_start3A_215, %dma_start3A_216] : memref<2x4x128xi32, #tpu.memory_space<vmem>> -> memref<1x1x128xi32, #tpu.memory_space<vmem>>
      %dma_start3A_218 = tpu.memref_squeeze %dma_start3A_217 : memref<1x1x128xi32, #tpu.memory_space<vmem>> -> memref<128xi32, #tpu.memory_space<vmem>>
      %dma_start3A_219 = arith.constant 0 : i32
      %dma_start3A_220 = arith.constant 0 : i32
      %dma_start3A_221 = tpu.memref_slice %arg2[%dma_start3A_219, %dma_start3A_220] : memref<10000x128xf32, #tpu.memory_space<hbm>> -> memref<10000x128xf32, #tpu.memory_space<hbm>>
      tpu.enqueue_indirect_dma source(%dma_start3A_221 : memref<10000x128xf32, #tpu.memory_space<hbm>>) target(%arg9 : memref<128x128xf32, #tpu.memory_space<vmem>>) offsets(%dma_start3A_218 : memref<128xi32, #tpu.memory_space<vmem>>) semaphore(%arg13 : memref<!tpu.dma_semaphore, #tpu.memory_space<semaphore_mem>>)
      %run_scoped3A_222 = arith.constant 1 : i32
      %run_scoped3A_223 = arith.constant 1 : i32
      "tpu.region"() ({
        %run_scoped3A_325 = tpu.sem_alloc : memref<!tpu.dma_semaphore, #tpu.memory_space<semaphore_mem>>
        %dma_start3A_326 = arith.constant 0 : i32
        %dma_start3A_327 = tpu.memref_slice %arg7[%run_scoped3A_222, %run_scoped3A_223, %dma_start3A_326] : memref<2x4x128xi32, #tpu.memory_space<vmem>> -> memref<1x1x128xi32, #tpu.memory_space<vmem>>
        %dma_start3A_328 = tpu.memref_squeeze %dma_start3A_327 : memref<1x1x128xi32, #tpu.memory_space<vmem>> -> memref<128xi32, #tpu.memory_space<vmem>>
        %dma_start3A_329 = arith.constant 0 : i32
        %dma_start3A_330 = arith.constant 0 : i32
        %dma_start3A_331 = tpu.memref_slice %arg6[%dma_start3A_329, %dma_start3A_330] : memref<10240x128xf32, #tpu.memory_space<vmem_shared>> -> memref<10240x128xf32, #tpu.memory_space<vmem_shared>>
        tpu.enqueue_indirect_dma source(%arg10 : memref<128x128xf32, #tpu.memory_space<vmem>>) target(%dma_start3A_331 : memref<10240x128xf32, #tpu.memory_space<vmem_shared>>) offsets(%dma_start3A_328 : memref<128xi32, #tpu.memory_space<vmem>>) semaphore(%run_scoped3A_325 : memref<!tpu.dma_semaphore, #tpu.memory_space<semaphore_mem>>) {add = true}
        %dma_wait3A_332 = arith.constant 0 : i32
        %dma_wait3A_333 = tpu.memref_slice %arg7[%run_scoped3A_222, %run_scoped3A_223, %dma_wait3A_332] : memref<2x4x128xi32, #tpu.memory_space<vmem>> -> memref<1x1x128xi32, #tpu.memory_space<vmem>>
        %dma_wait3A_334 = tpu.memref_squeeze %dma_wait3A_333 : memref<1x1x128xi32, #tpu.memory_space<vmem>> -> memref<128xi32, #tpu.memory_space<vmem>>
        %dma_wait3A_335 = arith.constant 0 : i32
        %dma_wait3A_336 = arith.constant 0 : i32
        %dma_wait3A_337 = tpu.memref_slice %arg6[%dma_wait3A_335, %dma_wait3A_336] : memref<10240x128xf32, #tpu.memory_space<vmem_shared>> -> memref<10240x128xf32, #tpu.memory_space<vmem_shared>>
        tpu.wait_indirect_dma semaphore(%run_scoped3A_325 : memref<!tpu.dma_semaphore, #tpu.memory_space<semaphore_mem>>) src(%arg10 : memref<128x128xf32, #tpu.memory_space<vmem>>) dst(%dma_wait3A_337 : memref<10240x128xf32, #tpu.memory_space<vmem_shared>>)
        tpu.yield
      }) : () -> ()
      %dma_wait3A_224 = arith.constant 0 : i32
      %dma_wait3A_225 = arith.constant 2 : i32
      %dma_wait3A_226 = arith.constant 0 : i32
      %dma_wait3A_227 = tpu.memref_slice %arg7[%dma_wait3A_224, %dma_wait3A_225, %dma_wait3A_226] : memref<2x4x128xi32, #tpu.memory_space<vmem>> -> memref<1x1x128xi32, #tpu.memory_space<vmem>>
      %dma_wait3A_228 = tpu.memref_squeeze %dma_wait3A_227 : memref<1x1x128xi32, #tpu.memory_space<vmem>> -> memref<128xi32, #tpu.memory_space<vmem>>
      %dma_wait3A_229 = arith.constant 0 : i32
      %dma_wait3A_230 = arith.constant 0 : i32
      %dma_wait3A_231 = tpu.memref_slice %arg2[%dma_wait3A_229, %dma_wait3A_230] : memref<10000x128xf32, #tpu.memory_space<hbm>> -> memref<10000x128xf32, #tpu.memory_space<hbm>>
      tpu.wait_indirect_dma semaphore(%arg13 : memref<!tpu.dma_semaphore, #tpu.memory_space<semaphore_mem>>) src(%dma_wait3A_231 : memref<10000x128xf32, #tpu.memory_space<hbm>>) dst(%arg9 : memref<128x128xf32, #tpu.memory_space<vmem>>)
      %dma_start3A_232 = arith.constant 0 : i32
      %dma_start3A_233 = arith.constant 3 : i32
      %dma_start3A_234 = arith.constant 0 : i32
      %dma_start3A_235 = tpu.memref_slice %arg7[%dma_start3A_232, %dma_start3A_233, %dma_start3A_234] : memref<2x4x128xi32, #tpu.memory_space<vmem>> -> memref<1x1x128xi32, #tpu.memory_space<vmem>>
      %dma_start3A_236 = tpu.memref_squeeze %dma_start3A_235 : memref<1x1x128xi32, #tpu.memory_space<vmem>> -> memref<128xi32, #tpu.memory_space<vmem>>
      %dma_start3A_237 = arith.constant 0 : i32
      %dma_start3A_238 = arith.constant 0 : i32
      %dma_start3A_239 = tpu.memref_slice %arg2[%dma_start3A_237, %dma_start3A_238] : memref<10000x128xf32, #tpu.memory_space<hbm>> -> memref<10000x128xf32, #tpu.memory_space<hbm>>
      tpu.enqueue_indirect_dma source(%dma_start3A_239 : memref<10000x128xf32, #tpu.memory_space<hbm>>) target(%arg10 : memref<128x128xf32, #tpu.memory_space<vmem>>) offsets(%dma_start3A_236 : memref<128xi32, #tpu.memory_space<vmem>>) semaphore(%arg14 : memref<!tpu.dma_semaphore, #tpu.memory_space<semaphore_mem>>)
      %run_scoped3A_240 = arith.constant 1 : i32
      %run_scoped3A_241 = arith.constant 2 : i32
      "tpu.region"() ({
        %run_scoped3A_325 = tpu.sem_alloc : memref<!tpu.dma_semaphore, #tpu.memory_space<semaphore_mem>>
        %dma_start3A_326 = arith.constant 0 : i32
        %dma_start3A_327 = tpu.memref_slice %arg7[%run_scoped3A_240, %run_scoped3A_241, %dma_start3A_326] : memref<2x4x128xi32, #tpu.memory_space<vmem>> -> memref<1x1x128xi32, #tpu.memory_space<vmem>>
        %dma_start3A_328 = tpu.memref_squeeze %dma_start3A_327 : memref<1x1x128xi32, #tpu.memory_space<vmem>> -> memref<128xi32, #tpu.memory_space<vmem>>
        %dma_start3A_329 = arith.constant 0 : i32
        %dma_start3A_330 = arith.constant 0 : i32
        %dma_start3A_331 = tpu.memref_slice %arg6[%dma_start3A_329, %dma_start3A_330] : memref<10240x128xf32, #tpu.memory_space<vmem_shared>> -> memref<10240x128xf32, #tpu.memory_space<vmem_shared>>
        tpu.enqueue_indirect_dma source(%arg9 : memref<128x128xf32, #tpu.memory_space<vmem>>) target(%dma_start3A_331 : memref<10240x128xf32, #tpu.memory_space<vmem_shared>>) offsets(%dma_start3A_328 : memref<128xi32, #tpu.memory_space<vmem>>) semaphore(%run_scoped3A_325 : memref<!tpu.dma_semaphore, #tpu.memory_space<semaphore_mem>>) {add = true}
        %dma_wait3A_332 = arith.constant 0 : i32
        %dma_wait3A_333 = tpu.memref_slice %arg7[%run_scoped3A_240, %run_scoped3A_241, %dma_wait3A_332] : memref<2x4x128xi32, #tpu.memory_space<vmem>> -> memref<1x1x128xi32, #tpu.memory_space<vmem>>
        %dma_wait3A_334 = tpu.memref_squeeze %dma_wait3A_333 : memref<1x1x128xi32, #tpu.memory_space<vmem>> -> memref<128xi32, #tpu.memory_space<vmem>>
        %dma_wait3A_335 = arith.constant 0 : i32
        %dma_wait3A_336 = arith.constant 0 : i32
        %dma_wait3A_337 = tpu.memref_slice %arg6[%dma_wait3A_335, %dma_wait3A_336] : memref<10240x128xf32, #tpu.memory_space<vmem_shared>> -> memref<10240x128xf32, #tpu.memory_space<vmem_shared>>
        tpu.wait_indirect_dma semaphore(%run_scoped3A_325 : memref<!tpu.dma_semaphore, #tpu.memory_space<semaphore_mem>>) src(%arg9 : memref<128x128xf32, #tpu.memory_space<vmem>>) dst(%dma_wait3A_337 : memref<10240x128xf32, #tpu.memory_space<vmem_shared>>)
        tpu.yield
      }) : () -> ()
      %dma_wait3A_242 = arith.constant 0 : i32
      %dma_wait3A_243 = arith.constant 3 : i32
      %dma_wait3A_244 = arith.constant 0 : i32
      %dma_wait3A_245 = tpu.memref_slice %arg7[%dma_wait3A_242, %dma_wait3A_243, %dma_wait3A_244] : memref<2x4x128xi32, #tpu.memory_space<vmem>> -> memref<1x1x128xi32, #tpu.memory_space<vmem>>
      %dma_wait3A_246 = tpu.memref_squeeze %dma_wait3A_245 : memref<1x1x128xi32, #tpu.memory_space<vmem>> -> memref<128xi32, #tpu.memory_space<vmem>>
      %dma_wait3A_247 = arith.constant 0 : i32
      %dma_wait3A_248 = arith.constant 0 : i32
      %dma_wait3A_249 = tpu.memref_slice %arg2[%dma_wait3A_247, %dma_wait3A_248] : memref<10000x128xf32, #tpu.memory_space<hbm>> -> memref<10000x128xf32, #tpu.memory_space<hbm>>
      tpu.wait_indirect_dma semaphore(%arg14 : memref<!tpu.dma_semaphore, #tpu.memory_space<semaphore_mem>>) src(%dma_wait3A_249 : memref<10000x128xf32, #tpu.memory_space<hbm>>) dst(%arg10 : memref<128x128xf32, #tpu.memory_space<vmem>>)
      %dma_start3A_250 = arith.constant 0 : i32
      %dma_start3A_251 = arith.constant 0 : i32
      %dma_start3A_252 = arith.constant 0 : i32
      %dma_start3A_253 = tpu.memref_slice %arg8[%dma_start3A_250, %dma_start3A_251, %dma_start3A_252] : memref<2x4x128xi32, #tpu.memory_space<vmem>> -> memref<1x1x128xi32, #tpu.memory_space<vmem>>
      %dma_start3A_254 = tpu.memref_squeeze %dma_start3A_253 : memref<1x1x128xi32, #tpu.memory_space<vmem>> -> memref<128xi32, #tpu.memory_space<vmem>>
      %dma_start3A_255 = arith.constant 0 : i32
      %dma_start3A_256 = arith.constant 0 : i32
      %dma_start3A_257 = tpu.memref_slice %arg2[%dma_start3A_255, %dma_start3A_256] : memref<10000x128xf32, #tpu.memory_space<hbm>> -> memref<10000x128xf32, #tpu.memory_space<hbm>>
      tpu.enqueue_indirect_dma source(%dma_start3A_257 : memref<10000x128xf32, #tpu.memory_space<hbm>>) target(%arg9 : memref<128x128xf32, #tpu.memory_space<vmem>>) offsets(%dma_start3A_254 : memref<128xi32, #tpu.memory_space<vmem>>) semaphore(%arg13 : memref<!tpu.dma_semaphore, #tpu.memory_space<semaphore_mem>>)
      %run_scoped3A_258 = arith.constant 1 : i32
      %run_scoped3A_259 = arith.constant 3 : i32
      "tpu.region"() ({
        %run_scoped3A_325 = tpu.sem_alloc : memref<!tpu.dma_semaphore, #tpu.memory_space<semaphore_mem>>
        %dma_start3A_326 = arith.constant 0 : i32
        %dma_start3A_327 = tpu.memref_slice %arg7[%run_scoped3A_258, %run_scoped3A_259, %dma_start3A_326] : memref<2x4x128xi32, #tpu.memory_space<vmem>> -> memref<1x1x128xi32, #tpu.memory_space<vmem>>
        %dma_start3A_328 = tpu.memref_squeeze %dma_start3A_327 : memref<1x1x128xi32, #tpu.memory_space<vmem>> -> memref<128xi32, #tpu.memory_space<vmem>>
        %dma_start3A_329 = arith.constant 0 : i32
        %dma_start3A_330 = arith.constant 0 : i32
        %dma_start3A_331 = tpu.memref_slice %arg6[%dma_start3A_329, %dma_start3A_330] : memref<10240x128xf32, #tpu.memory_space<vmem_shared>> -> memref<10240x128xf32, #tpu.memory_space<vmem_shared>>
        tpu.enqueue_indirect_dma source(%arg10 : memref<128x128xf32, #tpu.memory_space<vmem>>) target(%dma_start3A_331 : memref<10240x128xf32, #tpu.memory_space<vmem_shared>>) offsets(%dma_start3A_328 : memref<128xi32, #tpu.memory_space<vmem>>) semaphore(%run_scoped3A_325 : memref<!tpu.dma_semaphore, #tpu.memory_space<semaphore_mem>>) {add = true}
        %dma_wait3A_332 = arith.constant 0 : i32
        %dma_wait3A_333 = tpu.memref_slice %arg7[%run_scoped3A_258, %run_scoped3A_259, %dma_wait3A_332] : memref<2x4x128xi32, #tpu.memory_space<vmem>> -> memref<1x1x128xi32, #tpu.memory_space<vmem>>
        %dma_wait3A_334 = tpu.memref_squeeze %dma_wait3A_333 : memref<1x1x128xi32, #tpu.memory_space<vmem>> -> memref<128xi32, #tpu.memory_space<vmem>>
        %dma_wait3A_335 = arith.constant 0 : i32
        %dma_wait3A_336 = arith.constant 0 : i32
        %dma_wait3A_337 = tpu.memref_slice %arg6[%dma_wait3A_335, %dma_wait3A_336] : memref<10240x128xf32, #tpu.memory_space<vmem_shared>> -> memref<10240x128xf32, #tpu.memory_space<vmem_shared>>
        tpu.wait_indirect_dma semaphore(%run_scoped3A_325 : memref<!tpu.dma_semaphore, #tpu.memory_space<semaphore_mem>>) src(%arg10 : memref<128x128xf32, #tpu.memory_space<vmem>>) dst(%dma_wait3A_337 : memref<10240x128xf32, #tpu.memory_space<vmem_shared>>)
        tpu.yield
      }) : () -> ()
      %lt3A = arith.constant 9 : i32
      %lt3A_260 = arith.cmpi slt, %scan3A_177, %lt3A : i32
      %convert_element_type3A = arith.extui %lt3A_260 : i1 to i32
      %cond3A = arith.constant 0 : i32
      %cond3A_261 = arith.cmpi ne, %convert_element_type3A, %cond3A : i32
      scf.if %cond3A_261 {
        %mul3A_325 = arith.constant 2 : i32
        %mul3A_326 = arith.muli %mul3A_325, %scan3A_177 : i32
        %add3A_327 = arith.constant 2 : i32
        %add3A_328 = arith.addi %mul3A_326, %add3A_327 : i32
        %dma_start3A_329 = arith.constant 0 : i32
        %dma_start3A_330 = arith.constant 0 : i32
        %dma_start3A_331 = arith.constant 0 : i32
        %dma_start3A_332 = tpu.memref_slice %arg3[%add3A, %add3A_328, %dma_start3A_329, %dma_start3A_330, %dma_start3A_331] : memref<32x20x2x4x128xi32, #tpu.memory_space<hbm>> -> memref<1x1x2x4x128xi32, #tpu.memory_space<hbm>>
        %dma_start3A_333 = tpu.memref_squeeze %dma_start3A_332 : memref<1x1x2x4x128xi32, #tpu.memory_space<hbm>> -> memref<2x4x128xi32, #tpu.memory_space<hbm>>
        %dma_start3A_334 = arith.constant 0 : i32
        %dma_start3A_335 = arith.constant 0 : i32
        %dma_start3A_336 = arith.constant 0 : i32
        %dma_start3A_337 = tpu.memref_slice %arg3[%add3A, %add3A_328, %dma_start3A_334, %dma_start3A_335, %dma_start3A_336] : memref<32x20x2x4x128xi32, #tpu.memory_space<hbm>> -> memref<1x1x2x4x128xi32, #tpu.memory_space<hbm>>
        %dma_start3A_338 = tpu.memref_squeeze %dma_start3A_337 : memref<1x1x2x4x128xi32, #tpu.memory_space<hbm>> -> memref<2x4x128xi32, #tpu.memory_space<hbm>>
        tpu.enqueue_dma source(%dma_start3A_338 : memref<2x4x128xi32, #tpu.memory_space<hbm>>) target(%arg7 : memref<2x4x128xi32, #tpu.memory_space<vmem>>) target_semaphore(%arg11 : memref<!tpu.dma_semaphore, #tpu.memory_space<semaphore_mem>>)
      } else {
      }
      %dma_wait3A_262 = arith.constant 0 : i32
      %dma_wait3A_263 = arith.constant 0 : i32
      %dma_wait3A_264 = arith.constant 0 : i32
      %dma_wait3A_265 = tpu.memref_slice %arg8[%dma_wait3A_262, %dma_wait3A_263, %dma_wait3A_264] : memref<2x4x128xi32, #tpu.memory_space<vmem>> -> memref<1x1x128xi32, #tpu.memory_space<vmem>>
      %dma_wait3A_266 = tpu.memref_squeeze %dma_wait3A_265 : memref<1x1x128xi32, #tpu.memory_space<vmem>> -> memref<128xi32, #tpu.memory_space<vmem>>
      %dma_wait3A_267 = arith.constant 0 : i32
      %dma_wait3A_268 = arith.constant 0 : i32
      %dma_wait3A_269 = tpu.memref_slice %arg2[%dma_wait3A_267, %dma_wait3A_268] : memref<10000x128xf32, #tpu.memory_space<hbm>> -> memref<10000x128xf32, #tpu.memory_space<hbm>>
      tpu.wait_indirect_dma semaphore(%arg13 : memref<!tpu.dma_semaphore, #tpu.memory_space<semaphore_mem>>) src(%dma_wait3A_269 : memref<10000x128xf32, #tpu.memory_space<hbm>>) dst(%arg9 : memref<128x128xf32, #tpu.memory_space<vmem>>)
      %dma_start3A_270 = arith.constant 0 : i32
      %dma_start3A_271 = arith.constant 1 : i32
      %dma_start3A_272 = arith.constant 0 : i32
      %dma_start3A_273 = tpu.memref_slice %arg8[%dma_start3A_270, %dma_start3A_271, %dma_start3A_272] : memref<2x4x128xi32, #tpu.memory_space<vmem>> -> memref<1x1x128xi32, #tpu.memory_space<vmem>>
      %dma_start3A_274 = tpu.memref_squeeze %dma_start3A_273 : memref<1x1x128xi32, #tpu.memory_space<vmem>> -> memref<128xi32, #tpu.memory_space<vmem>>
      %dma_start3A_275 = arith.constant 0 : i32
      %dma_start3A_276 = arith.constant 0 : i32
      %dma_start3A_277 = tpu.memref_slice %arg2[%dma_start3A_275, %dma_start3A_276] : memref<10000x128xf32, #tpu.memory_space<hbm>> -> memref<10000x128xf32, #tpu.memory_space<hbm>>
      tpu.enqueue_indirect_dma source(%dma_start3A_277 : memref<10000x128xf32, #tpu.memory_space<hbm>>) target(%arg10 : memref<128x128xf32, #tpu.memory_space<vmem>>) offsets(%dma_start3A_274 : memref<128xi32, #tpu.memory_space<vmem>>) semaphore(%arg14 : memref<!tpu.dma_semaphore, #tpu.memory_space<semaphore_mem>>)
      %run_scoped3A_278 = arith.constant 1 : i32
      %run_scoped3A_279 = arith.constant 0 : i32
      "tpu.region"() ({
        %run_scoped3A_325 = tpu.sem_alloc : memref<!tpu.dma_semaphore, #tpu.memory_space<semaphore_mem>>
        %dma_start3A_326 = arith.constant 0 : i32
        %dma_start3A_327 = tpu.memref_slice %arg8[%run_scoped3A_278, %run_scoped3A_279, %dma_start3A_326] : memref<2x4x128xi32, #tpu.memory_space<vmem>> -> memref<1x1x128xi32, #tpu.memory_space<vmem>>
        %dma_start3A_328 = tpu.memref_squeeze %dma_start3A_327 : memref<1x1x128xi32, #tpu.memory_space<vmem>> -> memref<128xi32, #tpu.memory_space<vmem>>
        %dma_start3A_329 = arith.constant 0 : i32
        %dma_start3A_330 = arith.constant 0 : i32
        %dma_start3A_331 = tpu.memref_slice %arg6[%dma_start3A_329, %dma_start3A_330] : memref<10240x128xf32, #tpu.memory_space<vmem_shared>> -> memref<10240x128xf32, #tpu.memory_space<vmem_shared>>
        tpu.enqueue_indirect_dma source(%arg9 : memref<128x128xf32, #tpu.memory_space<vmem>>) target(%dma_start3A_331 : memref<10240x128xf32, #tpu.memory_space<vmem_shared>>) offsets(%dma_start3A_328 : memref<128xi32, #tpu.memory_space<vmem>>) semaphore(%run_scoped3A_325 : memref<!tpu.dma_semaphore, #tpu.memory_space<semaphore_mem>>) {add = true}
        %dma_wait3A_332 = arith.constant 0 : i32
        %dma_wait3A_333 = tpu.memref_slice %arg8[%run_scoped3A_278, %run_scoped3A_279, %dma_wait3A_332] : memref<2x4x128xi32, #tpu.memory_space<vmem>> -> memref<1x1x128xi32, #tpu.memory_space<vmem>>
        %dma_wait3A_334 = tpu.memref_squeeze %dma_wait3A_333 : memref<1x1x128xi32, #tpu.memory_space<vmem>> -> memref<128xi32, #tpu.memory_space<vmem>>
        %dma_wait3A_335 = arith.constant 0 : i32
        %dma_wait3A_336 = arith.constant 0 : i32
        %dma_wait3A_337 = tpu.memref_slice %arg6[%dma_wait3A_335, %dma_wait3A_336] : memref<10240x128xf32, #tpu.memory_space<vmem_shared>> -> memref<10240x128xf32, #tpu.memory_space<vmem_shared>>
        tpu.wait_indirect_dma semaphore(%run_scoped3A_325 : memref<!tpu.dma_semaphore, #tpu.memory_space<semaphore_mem>>) src(%arg9 : memref<128x128xf32, #tpu.memory_space<vmem>>) dst(%dma_wait3A_337 : memref<10240x128xf32, #tpu.memory_space<vmem_shared>>)
        tpu.yield
      }) : () -> ()
      %dma_wait3A_280 = arith.constant 0 : i32
      %dma_wait3A_281 = arith.constant 1 : i32
      %dma_wait3A_282 = arith.constant 0 : i32
      %dma_wait3A_283 = tpu.memref_slice %arg8[%dma_wait3A_280, %dma_wait3A_281, %dma_wait3A_282] : memref<2x4x128xi32, #tpu.memory_space<vmem>> -> memref<1x1x128xi32, #tpu.memory_space<vmem>>
      %dma_wait3A_284 = tpu.memref_squeeze %dma_wait3A_283 : memref<1x1x128xi32, #tpu.memory_space<vmem>> -> memref<128xi32, #tpu.memory_space<vmem>>
      %dma_wait3A_285 = arith.constant 0 : i32
      %dma_wait3A_286 = arith.constant 0 : i32
      %dma_wait3A_287 = tpu.memref_slice %arg2[%dma_wait3A_285, %dma_wait3A_286] : memref<10000x128xf32, #tpu.memory_space<hbm>> -> memref<10000x128xf32, #tpu.memory_space<hbm>>
      tpu.wait_indirect_dma semaphore(%arg14 : memref<!tpu.dma_semaphore, #tpu.memory_space<semaphore_mem>>) src(%dma_wait3A_287 : memref<10000x128xf32, #tpu.memory_space<hbm>>) dst(%arg10 : memref<128x128xf32, #tpu.memory_space<vmem>>)
      %dma_start3A_288 = arith.constant 0 : i32
      %dma_start3A_289 = arith.constant 2 : i32
      %dma_start3A_290 = arith.constant 0 : i32
      %dma_start3A_291 = tpu.memref_slice %arg8[%dma_start3A_288, %dma_start3A_289, %dma_start3A_290] : memref<2x4x128xi32, #tpu.memory_space<vmem>> -> memref<1x1x128xi32, #tpu.memory_space<vmem>>
      %dma_start3A_292 = tpu.memref_squeeze %dma_start3A_291 : memref<1x1x128xi32, #tpu.memory_space<vmem>> -> memref<128xi32, #tpu.memory_space<vmem>>
      %dma_start3A_293 = arith.constant 0 : i32
      %dma_start3A_294 = arith.constant 0 : i32
      %dma_start3A_295 = tpu.memref_slice %arg2[%dma_start3A_293, %dma_start3A_294] : memref<10000x128xf32, #tpu.memory_space<hbm>> -> memref<10000x128xf32, #tpu.memory_space<hbm>>
      tpu.enqueue_indirect_dma source(%dma_start3A_295 : memref<10000x128xf32, #tpu.memory_space<hbm>>) target(%arg9 : memref<128x128xf32, #tpu.memory_space<vmem>>) offsets(%dma_start3A_292 : memref<128xi32, #tpu.memory_space<vmem>>) semaphore(%arg13 : memref<!tpu.dma_semaphore, #tpu.memory_space<semaphore_mem>>)
      %run_scoped3A_296 = arith.constant 1 : i32
      %run_scoped3A_297 = arith.constant 1 : i32
      "tpu.region"() ({
        %run_scoped3A_325 = tpu.sem_alloc : memref<!tpu.dma_semaphore, #tpu.memory_space<semaphore_mem>>
        %dma_start3A_326 = arith.constant 0 : i32
        %dma_start3A_327 = tpu.memref_slice %arg8[%run_scoped3A_296, %run_scoped3A_297, %dma_start3A_326] : memref<2x4x128xi32, #tpu.memory_space<vmem>> -> memref<1x1x128xi32, #tpu.memory_space<vmem>>
        %dma_start3A_328 = tpu.memref_squeeze %dma_start3A_327 : memref<1x1x128xi32, #tpu.memory_space<vmem>> -> memref<128xi32, #tpu.memory_space<vmem>>
        %dma_start3A_329 = arith.constant 0 : i32
        %dma_start3A_330 = arith.constant 0 : i32
        %dma_start3A_331 = tpu.memref_slice %arg6[%dma_start3A_329, %dma_start3A_330] : memref<10240x128xf32, #tpu.memory_space<vmem_shared>> -> memref<10240x128xf32, #tpu.memory_space<vmem_shared>>
        tpu.enqueue_indirect_dma source(%arg10 : memref<128x128xf32, #tpu.memory_space<vmem>>) target(%dma_start3A_331 : memref<10240x128xf32, #tpu.memory_space<vmem_shared>>) offsets(%dma_start3A_328 : memref<128xi32, #tpu.memory_space<vmem>>) semaphore(%run_scoped3A_325 : memref<!tpu.dma_semaphore, #tpu.memory_space<semaphore_mem>>) {add = true}
        %dma_wait3A_332 = arith.constant 0 : i32
        %dma_wait3A_333 = tpu.memref_slice %arg8[%run_scoped3A_296, %run_scoped3A_297, %dma_wait3A_332] : memref<2x4x128xi32, #tpu.memory_space<vmem>> -> memref<1x1x128xi32, #tpu.memory_space<vmem>>
        %dma_wait3A_334 = tpu.memref_squeeze %dma_wait3A_333 : memref<1x1x128xi32, #tpu.memory_space<vmem>> -> memref<128xi32, #tpu.memory_space<vmem>>
        %dma_wait3A_335 = arith.constant 0 : i32
        %dma_wait3A_336 = arith.constant 0 : i32
        %dma_wait3A_337 = tpu.memref_slice %arg6[%dma_wait3A_335, %dma_wait3A_336] : memref<10240x128xf32, #tpu.memory_space<vmem_shared>> -> memref<10240x128xf32, #tpu.memory_space<vmem_shared>>
        tpu.wait_indirect_dma semaphore(%run_scoped3A_325 : memref<!tpu.dma_semaphore, #tpu.memory_space<semaphore_mem>>) src(%arg10 : memref<128x128xf32, #tpu.memory_space<vmem>>) dst(%dma_wait3A_337 : memref<10240x128xf32, #tpu.memory_space<vmem_shared>>)
        tpu.yield
      }) : () -> ()
      %dma_wait3A_298 = arith.constant 0 : i32
      %dma_wait3A_299 = arith.constant 2 : i32
      %dma_wait3A_300 = arith.constant 0 : i32
      %dma_wait3A_301 = tpu.memref_slice %arg8[%dma_wait3A_298, %dma_wait3A_299, %dma_wait3A_300] : memref<2x4x128xi32, #tpu.memory_space<vmem>> -> memref<1x1x128xi32, #tpu.memory_space<vmem>>
      %dma_wait3A_302 = tpu.memref_squeeze %dma_wait3A_301 : memref<1x1x128xi32, #tpu.memory_space<vmem>> -> memref<128xi32, #tpu.memory_space<vmem>>
      %dma_wait3A_303 = arith.constant 0 : i32
      %dma_wait3A_304 = arith.constant 0 : i32
      %dma_wait3A_305 = tpu.memref_slice %arg2[%dma_wait3A_303, %dma_wait3A_304] : memref<10000x128xf32, #tpu.memory_space<hbm>> -> memref<10000x128xf32, #tpu.memory_space<hbm>>
      tpu.wait_indirect_dma semaphore(%arg13 : memref<!tpu.dma_semaphore, #tpu.memory_space<semaphore_mem>>) src(%dma_wait3A_305 : memref<10000x128xf32, #tpu.memory_space<hbm>>) dst(%arg9 : memref<128x128xf32, #tpu.memory_space<vmem>>)
      %dma_start3A_306 = arith.constant 0 : i32
      %dma_start3A_307 = arith.constant 3 : i32
      %dma_start3A_308 = arith.constant 0 : i32
      %dma_start3A_309 = tpu.memref_slice %arg8[%dma_start3A_306, %dma_start3A_307, %dma_start3A_308] : memref<2x4x128xi32, #tpu.memory_space<vmem>> -> memref<1x1x128xi32, #tpu.memory_space<vmem>>
      %dma_start3A_310 = tpu.memref_squeeze %dma_start3A_309 : memref<1x1x128xi32, #tpu.memory_space<vmem>> -> memref<128xi32, #tpu.memory_space<vmem>>
      %dma_start3A_311 = arith.constant 0 : i32
      %dma_start3A_312 = arith.constant 0 : i32
      %dma_start3A_313 = tpu.memref_slice %arg2[%dma_start3A_311, %dma_start3A_312] : memref<10000x128xf32, #tpu.memory_space<hbm>> -> memref<10000x128xf32, #tpu.memory_space<hbm>>
      tpu.enqueue_indirect_dma source(%dma_start3A_313 : memref<10000x128xf32, #tpu.memory_space<hbm>>) target(%arg10 : memref<128x128xf32, #tpu.memory_space<vmem>>) offsets(%dma_start3A_310 : memref<128xi32, #tpu.memory_space<vmem>>) semaphore(%arg14 : memref<!tpu.dma_semaphore, #tpu.memory_space<semaphore_mem>>)
      %run_scoped3A_314 = arith.constant 1 : i32
      %run_scoped3A_315 = arith.constant 2 : i32
      "tpu.region"() ({
        %run_scoped3A_325 = tpu.sem_alloc : memref<!tpu.dma_semaphore, #tpu.memory_space<semaphore_mem>>
        %dma_start3A_326 = arith.constant 0 : i32
        %dma_start3A_327 = tpu.memref_slice %arg8[%run_scoped3A_314, %run_scoped3A_315, %dma_start3A_326] : memref<2x4x128xi32, #tpu.memory_space<vmem>> -> memref<1x1x128xi32, #tpu.memory_space<vmem>>
        %dma_start3A_328 = tpu.memref_squeeze %dma_start3A_327 : memref<1x1x128xi32, #tpu.memory_space<vmem>> -> memref<128xi32, #tpu.memory_space<vmem>>
        %dma_start3A_329 = arith.constant 0 : i32
        %dma_start3A_330 = arith.constant 0 : i32
        %dma_start3A_331 = tpu.memref_slice %arg6[%dma_start3A_329, %dma_start3A_330] : memref<10240x128xf32, #tpu.memory_space<vmem_shared>> -> memref<10240x128xf32, #tpu.memory_space<vmem_shared>>
        tpu.enqueue_indirect_dma source(%arg9 : memref<128x128xf32, #tpu.memory_space<vmem>>) target(%dma_start3A_331 : memref<10240x128xf32, #tpu.memory_space<vmem_shared>>) offsets(%dma_start3A_328 : memref<128xi32, #tpu.memory_space<vmem>>) semaphore(%run_scoped3A_325 : memref<!tpu.dma_semaphore, #tpu.memory_space<semaphore_mem>>) {add = true}
        %dma_wait3A_332 = arith.constant 0 : i32
        %dma_wait3A_333 = tpu.memref_slice %arg8[%run_scoped3A_314, %run_scoped3A_315, %dma_wait3A_332] : memref<2x4x128xi32, #tpu.memory_space<vmem>> -> memref<1x1x128xi32, #tpu.memory_space<vmem>>
        %dma_wait3A_334 = tpu.memref_squeeze %dma_wait3A_333 : memref<1x1x128xi32, #tpu.memory_space<vmem>> -> memref<128xi32, #tpu.memory_space<vmem>>
        %dma_wait3A_335 = arith.constant 0 : i32
        %dma_wait3A_336 = arith.constant 0 : i32
        %dma_wait3A_337 = tpu.memref_slice %arg6[%dma_wait3A_335, %dma_wait3A_336] : memref<10240x128xf32, #tpu.memory_space<vmem_shared>> -> memref<10240x128xf32, #tpu.memory_space<vmem_shared>>
        tpu.wait_indirect_dma semaphore(%run_scoped3A_325 : memref<!tpu.dma_semaphore, #tpu.memory_space<semaphore_mem>>) src(%arg9 : memref<128x128xf32, #tpu.memory_space<vmem>>) dst(%dma_wait3A_337 : memref<10240x128xf32, #tpu.memory_space<vmem_shared>>)
        tpu.yield
      }) : () -> ()
      %lt3A_316 = arith.constant 9 : i32
      %lt3A_317 = arith.cmpi slt, %scan3A_177, %lt3A_316 : i32
      %convert_element_type3A_318 = arith.extui %lt3A_317 : i1 to i32
      %cond3A_319 = arith.constant 0 : i32
      %cond3A_320 = arith.cmpi ne, %convert_element_type3A_318, %cond3A_319 : i32
      scf.if %cond3A_320 {
        %dma_wait3A_325 = arith.constant 0 : i32
        %dma_wait3A_326 = arith.constant 0 : i32
        %dma_wait3A_327 = arith.constant 0 : i32
        %dma_wait3A_328 = arith.constant 0 : i32
        %dma_wait3A_329 = tpu.memref_slice %arg3[%add3A, %dma_wait3A_325, %dma_wait3A_326, %dma_wait3A_327, %dma_wait3A_328] : memref<32x20x2x4x128xi32, #tpu.memory_space<hbm>> -> memref<1x1x2x4x128xi32, #tpu.memory_space<hbm>>
        %dma_wait3A_330 = tpu.memref_squeeze %dma_wait3A_329 : memref<1x1x2x4x128xi32, #tpu.memory_space<hbm>> -> memref<2x4x128xi32, #tpu.memory_space<hbm>>
        %dma_wait3A_331 = arith.constant 0 : i32
        %dma_wait3A_332 = arith.constant 0 : i32
        %dma_wait3A_333 = arith.constant 0 : i32
        %dma_wait3A_334 = tpu.memref_slice %arg3[%add3A, %dma_wait3A_325, %dma_wait3A_331, %dma_wait3A_332, %dma_wait3A_333] : memref<32x20x2x4x128xi32, #tpu.memory_space<hbm>> -> memref<1x1x2x4x128xi32, #tpu.memory_space<hbm>>
        %dma_wait3A_335 = tpu.memref_squeeze %dma_wait3A_334 : memref<1x1x2x4x128xi32, #tpu.memory_space<hbm>> -> memref<2x4x128xi32, #tpu.memory_space<hbm>>
        tpu.wait_dma2 semaphore(%arg11 : memref<!tpu.dma_semaphore, #tpu.memory_space<semaphore_mem>>) src(%dma_wait3A_335 : memref<2x4x128xi32, #tpu.memory_space<hbm>>) dst(%arg7 : memref<2x4x128xi32, #tpu.memory_space<vmem>>)
        %dma_wait3A_336 = arith.constant 0 : i32
        %dma_wait3A_337 = arith.constant 3 : i32
        %dma_wait3A_338 = arith.constant 0 : i32
        %dma_wait3A_339 = tpu.memref_slice %arg8[%dma_wait3A_336, %dma_wait3A_337, %dma_wait3A_338] : memref<2x4x128xi32, #tpu.memory_space<vmem>> -> memref<1x1x128xi32, #tpu.memory_space<vmem>>
        %dma_wait3A_340 = tpu.memref_squeeze %dma_wait3A_339 : memref<1x1x128xi32, #tpu.memory_space<vmem>> -> memref<128xi32, #tpu.memory_space<vmem>>
        %dma_wait3A_341 = arith.constant 0 : i32
        %dma_wait3A_342 = arith.constant 0 : i32
        %dma_wait3A_343 = tpu.memref_slice %arg2[%dma_wait3A_341, %dma_wait3A_342] : memref<10000x128xf32, #tpu.memory_space<hbm>> -> memref<10000x128xf32, #tpu.memory_space<hbm>>
        tpu.wait_indirect_dma semaphore(%arg14 : memref<!tpu.dma_semaphore, #tpu.memory_space<semaphore_mem>>) src(%dma_wait3A_343 : memref<10000x128xf32, #tpu.memory_space<hbm>>) dst(%arg10 : memref<128x128xf32, #tpu.memory_space<vmem>>)
        %dma_start3A_344 = arith.constant 0 : i32
        %dma_start3A_345 = arith.constant 0 : i32
        %dma_start3A_346 = arith.constant 0 : i32
        %dma_start3A_347 = tpu.memref_slice %arg7[%dma_start3A_344, %dma_start3A_345, %dma_start3A_346] : memref<2x4x128xi32, #tpu.memory_space<vmem>> -> memref<1x1x128xi32, #tpu.memory_space<vmem>>
        %dma_start3A_348 = tpu.memref_squeeze %dma_start3A_347 : memref<1x1x128xi32, #tpu.memory_space<vmem>> -> memref<128xi32, #tpu.memory_space<vmem>>
        %dma_start3A_349 = arith.constant 0 : i32
        %dma_start3A_350 = arith.constant 0 : i32
        %dma_start3A_351 = tpu.memref_slice %arg2[%dma_start3A_349, %dma_start3A_350] : memref<10000x128xf32, #tpu.memory_space<hbm>> -> memref<10000x128xf32, #tpu.memory_space<hbm>>
        tpu.enqueue_indirect_dma source(%dma_start3A_351 : memref<10000x128xf32, #tpu.memory_space<hbm>>) target(%arg9 : memref<128x128xf32, #tpu.memory_space<vmem>>) offsets(%dma_start3A_348 : memref<128xi32, #tpu.memory_space<vmem>>) semaphore(%arg13 : memref<!tpu.dma_semaphore, #tpu.memory_space<semaphore_mem>>)
        %run_scoped3A_352 = arith.constant 1 : i32
        %run_scoped3A_353 = arith.constant 3 : i32
        "tpu.region"() ({
          %run_scoped3A_368 = tpu.sem_alloc : memref<!tpu.dma_semaphore, #tpu.memory_space<semaphore_mem>>
          %dma_start3A_369 = arith.constant 0 : i32
          %dma_start3A_370 = tpu.memref_slice %arg8[%run_scoped3A_352, %run_scoped3A_353, %dma_start3A_369] : memref<2x4x128xi32, #tpu.memory_space<vmem>> -> memref<1x1x128xi32, #tpu.memory_space<vmem>>
          %dma_start3A_371 = tpu.memref_squeeze %dma_start3A_370 : memref<1x1x128xi32, #tpu.memory_space<vmem>> -> memref<128xi32, #tpu.memory_space<vmem>>
          %dma_start3A_372 = arith.constant 0 : i32
          %dma_start3A_373 = arith.constant 0 : i32
          %dma_start3A_374 = tpu.memref_slice %arg6[%dma_start3A_372, %dma_start3A_373] : memref<10240x128xf32, #tpu.memory_space<vmem_shared>> -> memref<10240x128xf32, #tpu.memory_space<vmem_shared>>
          tpu.enqueue_indirect_dma source(%arg10 : memref<128x128xf32, #tpu.memory_space<vmem>>) target(%dma_start3A_374 : memref<10240x128xf32, #tpu.memory_space<vmem_shared>>) offsets(%dma_start3A_371 : memref<128xi32, #tpu.memory_space<vmem>>) semaphore(%run_scoped3A_368 : memref<!tpu.dma_semaphore, #tpu.memory_space<semaphore_mem>>) {add = true}
          %dma_wait3A_375 = arith.constant 0 : i32
          %dma_wait3A_376 = tpu.memref_slice %arg8[%run_scoped3A_352, %run_scoped3A_353, %dma_wait3A_375] : memref<2x4x128xi32, #tpu.memory_space<vmem>> -> memref<1x1x128xi32, #tpu.memory_space<vmem>>
          %dma_wait3A_377 = tpu.memref_squeeze %dma_wait3A_376 : memref<1x1x128xi32, #tpu.memory_space<vmem>> -> memref<128xi32, #tpu.memory_space<vmem>>
          %dma_wait3A_378 = arith.constant 0 : i32
          %dma_wait3A_379 = arith.constant 0 : i32
          %dma_wait3A_380 = tpu.memref_slice %arg6[%dma_wait3A_378, %dma_wait3A_379] : memref<10240x128xf32, #tpu.memory_space<vmem_shared>> -> memref<10240x128xf32, #tpu.memory_space<vmem_shared>>
          tpu.wait_indirect_dma semaphore(%run_scoped3A_368 : memref<!tpu.dma_semaphore, #tpu.memory_space<semaphore_mem>>) src(%arg10 : memref<128x128xf32, #tpu.memory_space<vmem>>) dst(%dma_wait3A_380 : memref<10240x128xf32, #tpu.memory_space<vmem_shared>>)
          tpu.yield
        }) : () -> ()
        %mul3A_354 = arith.constant 2 : i32
        %mul3A_355 = arith.muli %mul3A_354, %scan3A_177 : i32
        %add3A_356 = arith.constant 3 : i32
        %add3A_357 = arith.addi %mul3A_355, %add3A_356 : i32
        %dma_start3A_358 = arith.constant 0 : i32
        %dma_start3A_359 = arith.constant 0 : i32
        %dma_start3A_360 = arith.constant 0 : i32
        %dma_start3A_361 = tpu.memref_slice %arg3[%add3A, %add3A_357, %dma_start3A_358, %dma_start3A_359, %dma_start3A_360] : memref<32x20x2x4x128xi32, #tpu.memory_space<hbm>> -> memref<1x1x2x4x128xi32, #tpu.memory_space<hbm>>
        %dma_start3A_362 = tpu.memref_squeeze %dma_start3A_361 : memref<1x1x2x4x128xi32, #tpu.memory_space<hbm>> -> memref<2x4x128xi32, #tpu.memory_space<hbm>>
        %dma_start3A_363 = arith.constant 0 : i32
        %dma_start3A_364 = arith.constant 0 : i32
        %dma_start3A_365 = arith.constant 0 : i32
        %dma_start3A_366 = tpu.memref_slice %arg3[%add3A, %add3A_357, %dma_start3A_363, %dma_start3A_364, %dma_start3A_365] : memref<32x20x2x4x128xi32, #tpu.memory_space<hbm>> -> memref<1x1x2x4x128xi32, #tpu.memory_space<hbm>>
        %dma_start3A_367 = tpu.memref_squeeze %dma_start3A_366 : memref<1x1x2x4x128xi32, #tpu.memory_space<hbm>> -> memref<2x4x128xi32, #tpu.memory_space<hbm>>
        tpu.enqueue_dma source(%dma_start3A_367 : memref<2x4x128xi32, #tpu.memory_space<hbm>>) target(%arg8 : memref<2x4x128xi32, #tpu.memory_space<vmem>>) target_semaphore(%arg12 : memref<!tpu.dma_semaphore, #tpu.memory_space<semaphore_mem>>)
      } else {
      }
      %eq3A = arith.constant 9 : i32
      %eq3A_321 = arith.cmpi eq, %scan3A_177, %eq3A : i32
      %convert_element_type3A_322 = arith.extui %eq3A_321 : i1 to i32
      %cond3A_323 = arith.constant 0 : i32
      %cond3A_324 = arith.cmpi ne, %convert_element_type3A_322, %cond3A_323 : i32
      scf.if %cond3A_324 {
        %dma_wait3A_325 = arith.constant 0 : i32
        %dma_wait3A_326 = arith.constant 3 : i32
        %dma_wait3A_327 = arith.constant 0 : i32
        %dma_wait3A_328 = tpu.memref_slice %arg8[%dma_wait3A_325, %dma_wait3A_326, %dma_wait3A_327] : memref<2x4x128xi32, #tpu.memory_space<vmem>> -> memref<1x1x128xi32, #tpu.memory_space<vmem>>
        %dma_wait3A_329 = tpu.memref_squeeze %dma_wait3A_328 : memref<1x1x128xi32, #tpu.memory_space<vmem>> -> memref<128xi32, #tpu.memory_space<vmem>>
        %dma_wait3A_330 = arith.constant 0 : i32
        %dma_wait3A_331 = arith.constant 0 : i32
        %dma_wait3A_332 = tpu.memref_slice %arg2[%dma_wait3A_330, %dma_wait3A_331] : memref<10000x128xf32, #tpu.memory_space<hbm>> -> memref<10000x128xf32, #tpu.memory_space<hbm>>
        tpu.wait_indirect_dma semaphore(%arg14 : memref<!tpu.dma_semaphore, #tpu.memory_space<semaphore_mem>>) src(%dma_wait3A_332 : memref<10000x128xf32, #tpu.memory_space<hbm>>) dst(%arg10 : memref<128x128xf32, #tpu.memory_space<vmem>>)
        %run_scoped3A_333 = arith.constant 1 : i32
        %run_scoped3A_334 = arith.constant 3 : i32
        "tpu.region"() ({
          %run_scoped3A_335 = tpu.sem_alloc : memref<!tpu.dma_semaphore, #tpu.memory_space<semaphore_mem>>
          %dma_start3A_336 = arith.constant 0 : i32
          %dma_start3A_337 = tpu.memref_slice %arg8[%run_scoped3A_333, %run_scoped3A_334, %dma_start3A_336] : memref<2x4x128xi32, #tpu.memory_space<vmem>> -> memref<1x1x128xi32, #tpu.memory_space<vmem>>
          %dma_start3A_338 = tpu.memref_squeeze %dma_start3A_337 : memref<1x1x128xi32, #tpu.memory_space<vmem>> -> memref<128xi32, #tpu.memory_space<vmem>>
          %dma_start3A_339 = arith.constant 0 : i32
          %dma_start3A_340 = arith.constant 0 : i32
          %dma_start3A_341 = tpu.memref_slice %arg6[%dma_start3A_339, %dma_start3A_340] : memref<10240x128xf32, #tpu.memory_space<vmem_shared>> -> memref<10240x128xf32, #tpu.memory_space<vmem_shared>>
          tpu.enqueue_indirect_dma source(%arg10 : memref<128x128xf32, #tpu.memory_space<vmem>>) target(%dma_start3A_341 : memref<10240x128xf32, #tpu.memory_space<vmem_shared>>) offsets(%dma_start3A_338 : memref<128xi32, #tpu.memory_space<vmem>>) semaphore(%run_scoped3A_335 : memref<!tpu.dma_semaphore, #tpu.memory_space<semaphore_mem>>) {add = true}
          %dma_wait3A_342 = arith.constant 0 : i32
          %dma_wait3A_343 = tpu.memref_slice %arg8[%run_scoped3A_333, %run_scoped3A_334, %dma_wait3A_342] : memref<2x4x128xi32, #tpu.memory_space<vmem>> -> memref<1x1x128xi32, #tpu.memory_space<vmem>>
          %dma_wait3A_344 = tpu.memref_squeeze %dma_wait3A_343 : memref<1x1x128xi32, #tpu.memory_space<vmem>> -> memref<128xi32, #tpu.memory_space<vmem>>
          %dma_wait3A_345 = arith.constant 0 : i32
          %dma_wait3A_346 = arith.constant 0 : i32
          %dma_wait3A_347 = tpu.memref_slice %arg6[%dma_wait3A_345, %dma_wait3A_346] : memref<10240x128xf32, #tpu.memory_space<vmem_shared>> -> memref<10240x128xf32, #tpu.memory_space<vmem_shared>>
          tpu.wait_indirect_dma semaphore(%run_scoped3A_335 : memref<!tpu.dma_semaphore, #tpu.memory_space<semaphore_mem>>) src(%arg10 : memref<128x128xf32, #tpu.memory_space<vmem>>) dst(%dma_wait3A_347 : memref<10240x128xf32, #tpu.memory_space<vmem_shared>>)
          tpu.yield
        }) : () -> ()
      } else {
      }
    }
    %scan3A_95 = arith.constant 10 : i32
    %barrier3A_96 = arith.constant 0 : index
    tpu.barrier barrier_id(%barrier3A_96)
    %add3A_97 = arith.constant 0 : i32
    %add3A_98 = arith.addi %mul3A_2, %add3A_97 : i32
    "tpu.region"() ({
      %run_scoped3A = tpu.sem_alloc : memref<!tpu.dma_semaphore, #tpu.memory_space<semaphore_mem>>
      %dma_start3A_177 = arith.constant 0 : i32
      %dma_start3A_178 = tpu.memref_slice %arg6[%add3A_98, %dma_start3A_177] : memref<10240x128xf32, #tpu.memory_space<vmem_shared>> -> memref<128x128xf32, #tpu.memory_space<vmem_shared>>
      %dma_start3A_179 = arith.constant 0 : i32
      %dma_start3A_180 = tpu.memref_slice %arg6[%add3A_98, %dma_start3A_179] : memref<10240x128xf32, #tpu.memory_space<vmem_shared>> -> memref<128x128xf32, #tpu.memory_space<vmem_shared>>
      tpu.enqueue_dma source(%dma_start3A_180 : memref<128x128xf32, #tpu.memory_space<vmem_shared>>) target(%arg9 : memref<128x128xf32, #tpu.memory_space<vmem>>) target_semaphore(%run_scoped3A : memref<!tpu.dma_semaphore, #tpu.memory_space<semaphore_mem>>)
      %dma_wait3A_181 = arith.constant 0 : i32
      %dma_wait3A_182 = tpu.memref_slice %arg6[%add3A_98, %dma_wait3A_181] : memref<10240x128xf32, #tpu.memory_space<vmem_shared>> -> memref<128x128xf32, #tpu.memory_space<vmem_shared>>
      %dma_wait3A_183 = arith.constant 0 : i32
      %dma_wait3A_184 = tpu.memref_slice %arg6[%add3A_98, %dma_wait3A_183] : memref<10240x128xf32, #tpu.memory_space<vmem_shared>> -> memref<128x128xf32, #tpu.memory_space<vmem_shared>>
      tpu.wait_dma2 semaphore(%run_scoped3A : memref<!tpu.dma_semaphore, #tpu.memory_space<semaphore_mem>>) src(%dma_wait3A_184 : memref<128x128xf32, #tpu.memory_space<vmem_shared>>) dst(%arg9 : memref<128x128xf32, #tpu.memory_space<vmem>>)
      tpu.yield
    }) : () -> ()
    %add3A_99 = arith.constant 0 : i32
    %add3A_100 = arith.addi %mul3A_2, %add3A_99 : i32
    %dma_start3A_101 = arith.constant 0 : i32
    %dma_start3A_102 = tpu.memref_slice %arg5[%arg0, %add3A_100, %dma_start3A_101] : memref<2x10240x128xf32, #tpu.memory_space<hbm>> -> memref<1x128x128xf32, #tpu.memory_space<hbm>>
    %dma_start3A_103 = tpu.memref_squeeze %dma_start3A_102 : memref<1x128x128xf32, #tpu.memory_space<hbm>> -> memref<128x128xf32, #tpu.memory_space<hbm>>
    %dma_start3A_104 = arith.constant 0 : i32
    %dma_start3A_105 = tpu.memref_slice %arg5[%arg0, %add3A_100, %dma_start3A_104] : memref<2x10240x128xf32, #tpu.memory_space<hbm>> -> memref<1x128x128xf32, #tpu.memory_space<hbm>>
    %dma_start3A_106 = tpu.memref_squeeze %dma_start3A_105 : memref<1x128x128xf32, #tpu.memory_space<hbm>> -> memref<128x128xf32, #tpu.memory_space<hbm>>
    tpu.enqueue_dma source(%arg9 : memref<128x128xf32, #tpu.memory_space<vmem>>) target(%dma_start3A_106 : memref<128x128xf32, #tpu.memory_space<hbm>>) target_semaphore(%arg13 : memref<!tpu.dma_semaphore, #tpu.memory_space<semaphore_mem>>)
    %add3A_107 = arith.constant 128 : i32
    %add3A_108 = arith.addi %mul3A_2, %add3A_107 : i32
    "tpu.region"() ({
      %run_scoped3A = tpu.sem_alloc : memref<!tpu.dma_semaphore, #tpu.memory_space<semaphore_mem>>
      %dma_start3A_177 = arith.constant 0 : i32
      %dma_start3A_178 = tpu.memref_slice %arg6[%add3A_108, %dma_start3A_177] : memref<10240x128xf32, #tpu.memory_space<vmem_shared>> -> memref<128x128xf32, #tpu.memory_space<vmem_shared>>
      %dma_start3A_179 = arith.constant 0 : i32
      %dma_start3A_180 = tpu.memref_slice %arg6[%add3A_108, %dma_start3A_179] : memref<10240x128xf32, #tpu.memory_space<vmem_shared>> -> memref<128x128xf32, #tpu.memory_space<vmem_shared>>
      tpu.enqueue_dma source(%dma_start3A_180 : memref<128x128xf32, #tpu.memory_space<vmem_shared>>) target(%arg10 : memref<128x128xf32, #tpu.memory_space<vmem>>) target_semaphore(%run_scoped3A : memref<!tpu.dma_semaphore, #tpu.memory_space<semaphore_mem>>)
      %dma_wait3A_181 = arith.constant 0 : i32
      %dma_wait3A_182 = tpu.memref_slice %arg6[%add3A_108, %dma_wait3A_181] : memref<10240x128xf32, #tpu.memory_space<vmem_shared>> -> memref<128x128xf32, #tpu.memory_space<vmem_shared>>
      %dma_wait3A_183 = arith.constant 0 : i32
      %dma_wait3A_184 = tpu.memref_slice %arg6[%add3A_108, %dma_wait3A_183] : memref<10240x128xf32, #tpu.memory_space<vmem_shared>> -> memref<128x128xf32, #tpu.memory_space<vmem_shared>>
      tpu.wait_dma2 semaphore(%run_scoped3A : memref<!tpu.dma_semaphore, #tpu.memory_space<semaphore_mem>>) src(%dma_wait3A_184 : memref<128x128xf32, #tpu.memory_space<vmem_shared>>) dst(%arg10 : memref<128x128xf32, #tpu.memory_space<vmem>>)
      tpu.yield
    }) : () -> ()
    %add3A_109 = arith.constant 128 : i32
    %add3A_110 = arith.addi %mul3A_2, %add3A_109 : i32
    %dma_start3A_111 = arith.constant 0 : i32
    %dma_start3A_112 = tpu.memref_slice %arg5[%arg0, %add3A_110, %dma_start3A_111] : memref<2x10240x128xf32, #tpu.memory_space<hbm>> -> memref<1x128x128xf32, #tpu.memory_space<hbm>>
    %dma_start3A_113 = tpu.memref_squeeze %dma_start3A_112 : memref<1x128x128xf32, #tpu.memory_space<hbm>> -> memref<128x128xf32, #tpu.memory_space<hbm>>
    %dma_start3A_114 = arith.constant 0 : i32
    %dma_start3A_115 = tpu.memref_slice %arg5[%arg0, %add3A_110, %dma_start3A_114] : memref<2x10240x128xf32, #tpu.memory_space<hbm>> -> memref<1x128x128xf32, #tpu.memory_space<hbm>>
    %dma_start3A_116 = tpu.memref_squeeze %dma_start3A_115 : memref<1x128x128xf32, #tpu.memory_space<hbm>> -> memref<128x128xf32, #tpu.memory_space<hbm>>
    tpu.enqueue_dma source(%arg10 : memref<128x128xf32, #tpu.memory_space<vmem>>) target(%dma_start3A_116 : memref<128x128xf32, #tpu.memory_space<hbm>>) target_semaphore(%arg14 : memref<!tpu.dma_semaphore, #tpu.memory_space<semaphore_mem>>)
    %dma_wait3A_117 = arith.constant 0 : i32
    %dma_wait3A_118 = tpu.memref_slice %arg5[%arg0, %mul3A_2, %dma_wait3A_117] : memref<2x10240x128xf32, #tpu.memory_space<hbm>> -> memref<1x128x128xf32, #tpu.memory_space<hbm>>
    %dma_wait3A_119 = tpu.memref_squeeze %dma_wait3A_118 : memref<1x128x128xf32, #tpu.memory_space<hbm>> -> memref<128x128xf32, #tpu.memory_space<hbm>>
    %dma_wait3A_120 = arith.constant 0 : i32
    %dma_wait3A_121 = tpu.memref_slice %arg5[%arg0, %mul3A_2, %dma_wait3A_120] : memref<2x10240x128xf32, #tpu.memory_space<hbm>> -> memref<1x128x128xf32, #tpu.memory_space<hbm>>
    %dma_wait3A_122 = tpu.memref_squeeze %dma_wait3A_121 : memref<1x128x128xf32, #tpu.memory_space<hbm>> -> memref<128x128xf32, #tpu.memory_space<hbm>>
    tpu.wait_dma2 semaphore(%arg13 : memref<!tpu.dma_semaphore, #tpu.memory_space<semaphore_mem>>) src(%arg9 : memref<128x128xf32, #tpu.memory_space<vmem>>) dst(%dma_wait3A_122 : memref<128x128xf32, #tpu.memory_space<hbm>>)
    %add3A_123 = arith.constant 256 : i32
    %add3A_124 = arith.addi %mul3A_2, %add3A_123 : i32
    "tpu.region"() ({
      %run_scoped3A = tpu.sem_alloc : memref<!tpu.dma_semaphore, #tpu.memory_space<semaphore_mem>>
      %dma_start3A_177 = arith.constant 0 : i32
      %dma_start3A_178 = tpu.memref_slice %arg6[%add3A_124, %dma_start3A_177] : memref<10240x128xf32, #tpu.memory_space<vmem_shared>> -> memref<128x128xf32, #tpu.memory_space<vmem_shared>>
      %dma_start3A_179 = arith.constant 0 : i32
      %dma_start3A_180 = tpu.memref_slice %arg6[%add3A_124, %dma_start3A_179] : memref<10240x128xf32, #tpu.memory_space<vmem_shared>> -> memref<128x128xf32, #tpu.memory_space<vmem_shared>>
      tpu.enqueue_dma source(%dma_start3A_180 : memref<128x128xf32, #tpu.memory_space<vmem_shared>>) target(%arg9 : memref<128x128xf32, #tpu.memory_space<vmem>>) target_semaphore(%run_scoped3A : memref<!tpu.dma_semaphore, #tpu.memory_space<semaphore_mem>>)
      %dma_wait3A_181 = arith.constant 0 : i32
      %dma_wait3A_182 = tpu.memref_slice %arg6[%add3A_124, %dma_wait3A_181] : memref<10240x128xf32, #tpu.memory_space<vmem_shared>> -> memref<128x128xf32, #tpu.memory_space<vmem_shared>>
      %dma_wait3A_183 = arith.constant 0 : i32
      %dma_wait3A_184 = tpu.memref_slice %arg6[%add3A_124, %dma_wait3A_183] : memref<10240x128xf32, #tpu.memory_space<vmem_shared>> -> memref<128x128xf32, #tpu.memory_space<vmem_shared>>
      tpu.wait_dma2 semaphore(%run_scoped3A : memref<!tpu.dma_semaphore, #tpu.memory_space<semaphore_mem>>) src(%dma_wait3A_184 : memref<128x128xf32, #tpu.memory_space<vmem_shared>>) dst(%arg9 : memref<128x128xf32, #tpu.memory_space<vmem>>)
      tpu.yield
    }) : () -> ()
    %add3A_125 = arith.constant 256 : i32
    %add3A_126 = arith.addi %mul3A_2, %add3A_125 : i32
    %dma_start3A_127 = arith.constant 0 : i32
    %dma_start3A_128 = tpu.memref_slice %arg5[%arg0, %add3A_126, %dma_start3A_127] : memref<2x10240x128xf32, #tpu.memory_space<hbm>> -> memref<1x128x128xf32, #tpu.memory_space<hbm>>
    %dma_start3A_129 = tpu.memref_squeeze %dma_start3A_128 : memref<1x128x128xf32, #tpu.memory_space<hbm>> -> memref<128x128xf32, #tpu.memory_space<hbm>>
    %dma_start3A_130 = arith.constant 0 : i32
    %dma_start3A_131 = tpu.memref_slice %arg5[%arg0, %add3A_126, %dma_start3A_130] : memref<2x10240x128xf32, #tpu.memory_space<hbm>> -> memref<1x128x128xf32, #tpu.memory_space<hbm>>
    %dma_start3A_132 = tpu.memref_squeeze %dma_start3A_131 : memref<1x128x128xf32, #tpu.memory_space<hbm>> -> memref<128x128xf32, #tpu.memory_space<hbm>>
    tpu.enqueue_dma source(%arg9 : memref<128x128xf32, #tpu.memory_space<vmem>>) target(%dma_start3A_132 : memref<128x128xf32, #tpu.memory_space<hbm>>) target_semaphore(%arg13 : memref<!tpu.dma_semaphore, #tpu.memory_space<semaphore_mem>>)
    %dma_wait3A_133 = arith.constant 0 : i32
    %dma_wait3A_134 = tpu.memref_slice %arg5[%arg0, %mul3A_2, %dma_wait3A_133] : memref<2x10240x128xf32, #tpu.memory_space<hbm>> -> memref<1x128x128xf32, #tpu.memory_space<hbm>>
    %dma_wait3A_135 = tpu.memref_squeeze %dma_wait3A_134 : memref<1x128x128xf32, #tpu.memory_space<hbm>> -> memref<128x128xf32, #tpu.memory_space<hbm>>
    %dma_wait3A_136 = arith.constant 0 : i32
    %dma_wait3A_137 = tpu.memref_slice %arg5[%arg0, %mul3A_2, %dma_wait3A_136] : memref<2x10240x128xf32, #tpu.memory_space<hbm>> -> memref<1x128x128xf32, #tpu.memory_space<hbm>>
    %dma_wait3A_138 = tpu.memref_squeeze %dma_wait3A_137 : memref<1x128x128xf32, #tpu.memory_space<hbm>> -> memref<128x128xf32, #tpu.memory_space<hbm>>
    tpu.wait_dma2 semaphore(%arg14 : memref<!tpu.dma_semaphore, #tpu.memory_space<semaphore_mem>>) src(%arg10 : memref<128x128xf32, #tpu.memory_space<vmem>>) dst(%dma_wait3A_138 : memref<128x128xf32, #tpu.memory_space<hbm>>)
    %add3A_139 = arith.constant 384 : i32
    %add3A_140 = arith.addi %mul3A_2, %add3A_139 : i32
    "tpu.region"() ({
      %run_scoped3A = tpu.sem_alloc : memref<!tpu.dma_semaphore, #tpu.memory_space<semaphore_mem>>
      %dma_start3A_177 = arith.constant 0 : i32
      %dma_start3A_178 = tpu.memref_slice %arg6[%add3A_140, %dma_start3A_177] : memref<10240x128xf32, #tpu.memory_space<vmem_shared>> -> memref<128x128xf32, #tpu.memory_space<vmem_shared>>
      %dma_start3A_179 = arith.constant 0 : i32
      %dma_start3A_180 = tpu.memref_slice %arg6[%add3A_140, %dma_start3A_179] : memref<10240x128xf32, #tpu.memory_space<vmem_shared>> -> memref<128x128xf32, #tpu.memory_space<vmem_shared>>
      tpu.enqueue_dma source(%dma_start3A_180 : memref<128x128xf32, #tpu.memory_space<vmem_shared>>) target(%arg10 : memref<128x128xf32, #tpu.memory_space<vmem>>) target_semaphore(%run_scoped3A : memref<!tpu.dma_semaphore, #tpu.memory_space<semaphore_mem>>)
      %dma_wait3A_181 = arith.constant 0 : i32
      %dma_wait3A_182 = tpu.memref_slice %arg6[%add3A_140, %dma_wait3A_181] : memref<10240x128xf32, #tpu.memory_space<vmem_shared>> -> memref<128x128xf32, #tpu.memory_space<vmem_shared>>
      %dma_wait3A_183 = arith.constant 0 : i32
      %dma_wait3A_184 = tpu.memref_slice %arg6[%add3A_140, %dma_wait3A_183] : memref<10240x128xf32, #tpu.memory_space<vmem_shared>> -> memref<128x128xf32, #tpu.memory_space<vmem_shared>>
      tpu.wait_dma2 semaphore(%run_scoped3A : memref<!tpu.dma_semaphore, #tpu.memory_space<semaphore_mem>>) src(%dma_wait3A_184 : memref<128x128xf32, #tpu.memory_space<vmem_shared>>) dst(%arg10 : memref<128x128xf32, #tpu.memory_space<vmem>>)
      tpu.yield
    }) : () -> ()
    %add3A_141 = arith.constant 384 : i32
    %add3A_142 = arith.addi %mul3A_2, %add3A_141 : i32
    %dma_start3A_143 = arith.constant 0 : i32
    %dma_start3A_144 = tpu.memref_slice %arg5[%arg0, %add3A_142, %dma_start3A_143] : memref<2x10240x128xf32, #tpu.memory_space<hbm>> -> memref<1x128x128xf32, #tpu.memory_space<hbm>>
    %dma_start3A_145 = tpu.memref_squeeze %dma_start3A_144 : memref<1x128x128xf32, #tpu.memory_space<hbm>> -> memref<128x128xf32, #tpu.memory_space<hbm>>
    %dma_start3A_146 = arith.constant 0 : i32
    %dma_start3A_147 = tpu.memref_slice %arg5[%arg0, %add3A_142, %dma_start3A_146] : memref<2x10240x128xf32, #tpu.memory_space<hbm>> -> memref<1x128x128xf32, #tpu.memory_space<hbm>>
    %dma_start3A_148 = tpu.memref_squeeze %dma_start3A_147 : memref<1x128x128xf32, #tpu.memory_space<hbm>> -> memref<128x128xf32, #tpu.memory_space<hbm>>
    tpu.enqueue_dma source(%arg10 : memref<128x128xf32, #tpu.memory_space<vmem>>) target(%dma_start3A_148 : memref<128x128xf32, #tpu.memory_space<hbm>>) target_semaphore(%arg14 : memref<!tpu.dma_semaphore, #tpu.memory_space<semaphore_mem>>)
    %dma_wait3A_149 = arith.constant 0 : i32
    %dma_wait3A_150 = tpu.memref_slice %arg5[%arg0, %mul3A_2, %dma_wait3A_149] : memref<2x10240x128xf32, #tpu.memory_space<hbm>> -> memref<1x128x128xf32, #tpu.memory_space<hbm>>
    %dma_wait3A_151 = tpu.memref_squeeze %dma_wait3A_150 : memref<1x128x128xf32, #tpu.memory_space<hbm>> -> memref<128x128xf32, #tpu.memory_space<hbm>>
    %dma_wait3A_152 = arith.constant 0 : i32
    %dma_wait3A_153 = tpu.memref_slice %arg5[%arg0, %mul3A_2, %dma_wait3A_152] : memref<2x10240x128xf32, #tpu.memory_space<hbm>> -> memref<1x128x128xf32, #tpu.memory_space<hbm>>
    %dma_wait3A_154 = tpu.memref_squeeze %dma_wait3A_153 : memref<1x128x128xf32, #tpu.memory_space<hbm>> -> memref<128x128xf32, #tpu.memory_space<hbm>>
    tpu.wait_dma2 semaphore(%arg13 : memref<!tpu.dma_semaphore, #tpu.memory_space<semaphore_mem>>) src(%arg9 : memref<128x128xf32, #tpu.memory_space<vmem>>) dst(%dma_wait3A_154 : memref<128x128xf32, #tpu.memory_space<hbm>>)
    %add3A_155 = arith.constant 512 : i32
    %add3A_156 = arith.addi %mul3A_2, %add3A_155 : i32
    "tpu.region"() ({
      %run_scoped3A = tpu.sem_alloc : memref<!tpu.dma_semaphore, #tpu.memory_space<semaphore_mem>>
      %dma_start3A_177 = arith.constant 0 : i32
      %dma_start3A_178 = tpu.memref_slice %arg6[%add3A_156, %dma_start3A_177] : memref<10240x128xf32, #tpu.memory_space<vmem_shared>> -> memref<128x128xf32, #tpu.memory_space<vmem_shared>>
      %dma_start3A_179 = arith.constant 0 : i32
      %dma_start3A_180 = tpu.memref_slice %arg6[%add3A_156, %dma_start3A_179] : memref<10240x128xf32, #tpu.memory_space<vmem_shared>> -> memref<128x128xf32, #tpu.memory_space<vmem_shared>>
      tpu.enqueue_dma source(%dma_start3A_180 : memref<128x128xf32, #tpu.memory_space<vmem_shared>>) target(%arg9 : memref<128x128xf32, #tpu.memory_space<vmem>>) target_semaphore(%run_scoped3A : memref<!tpu.dma_semaphore, #tpu.memory_space<semaphore_mem>>)
      %dma_wait3A_181 = arith.constant 0 : i32
      %dma_wait3A_182 = tpu.memref_slice %arg6[%add3A_156, %dma_wait3A_181] : memref<10240x128xf32, #tpu.memory_space<vmem_shared>> -> memref<128x128xf32, #tpu.memory_space<vmem_shared>>
      %dma_wait3A_183 = arith.constant 0 : i32
      %dma_wait3A_184 = tpu.memref_slice %arg6[%add3A_156, %dma_wait3A_183] : memref<10240x128xf32, #tpu.memory_space<vmem_shared>> -> memref<128x128xf32, #tpu.memory_space<vmem_shared>>
      tpu.wait_dma2 semaphore(%run_scoped3A : memref<!tpu.dma_semaphore, #tpu.memory_space<semaphore_mem>>) src(%dma_wait3A_184 : memref<128x128xf32, #tpu.memory_space<vmem_shared>>) dst(%arg9 : memref<128x128xf32, #tpu.memory_space<vmem>>)
      tpu.yield
    }) : () -> ()
    %add3A_157 = arith.constant 512 : i32
    %add3A_158 = arith.addi %mul3A_2, %add3A_157 : i32
    %dma_start3A_159 = arith.constant 0 : i32
    %dma_start3A_160 = tpu.memref_slice %arg5[%arg0, %add3A_158, %dma_start3A_159] : memref<2x10240x128xf32, #tpu.memory_space<hbm>> -> memref<1x128x128xf32, #tpu.memory_space<hbm>>
    %dma_start3A_161 = tpu.memref_squeeze %dma_start3A_160 : memref<1x128x128xf32, #tpu.memory_space<hbm>> -> memref<128x128xf32, #tpu.memory_space<hbm>>
    %dma_start3A_162 = arith.constant 0 : i32
    %dma_start3A_163 = tpu.memref_slice %arg5[%arg0, %add3A_158, %dma_start3A_162] : memref<2x10240x128xf32, #tpu.memory_space<hbm>> -> memref<1x128x128xf32, #tpu.memory_space<hbm>>
    %dma_start3A_164 = tpu.memref_squeeze %dma_start3A_163 : memref<1x128x128xf32, #tpu.memory_space<hbm>> -> memref<128x128xf32, #tpu.memory_space<hbm>>
    tpu.enqueue_dma source(%arg9 : memref<128x128xf32, #tpu.memory_space<vmem>>) target(%dma_start3A_164 : memref<128x128xf32, #tpu.memory_space<hbm>>) target_semaphore(%arg13 : memref<!tpu.dma_semaphore, #tpu.memory_space<semaphore_mem>>)
    %dma_wait3A_165 = arith.constant 0 : i32
    %dma_wait3A_166 = tpu.memref_slice %arg5[%arg0, %mul3A_2, %dma_wait3A_165] : memref<2x10240x128xf32, #tpu.memory_space<hbm>> -> memref<1x128x128xf32, #tpu.memory_space<hbm>>
    %dma_wait3A_167 = tpu.memref_squeeze %dma_wait3A_166 : memref<1x128x128xf32, #tpu.memory_space<hbm>> -> memref<128x128xf32, #tpu.memory_space<hbm>>
    %dma_wait3A_168 = arith.constant 0 : i32
    %dma_wait3A_169 = tpu.memref_slice %arg5[%arg0, %mul3A_2, %dma_wait3A_168] : memref<2x10240x128xf32, #tpu.memory_space<hbm>> -> memref<1x128x128xf32, #tpu.memory_space<hbm>>
    %dma_wait3A_170 = tpu.memref_squeeze %dma_wait3A_169 : memref<1x128x128xf32, #tpu.memory_space<hbm>> -> memref<128x128xf32, #tpu.memory_space<hbm>>
    tpu.wait_dma2 semaphore(%arg14 : memref<!tpu.dma_semaphore, #tpu.memory_space<semaphore_mem>>) src(%arg10 : memref<128x128xf32, #tpu.memory_space<vmem>>) dst(%dma_wait3A_170 : memref<128x128xf32, #tpu.memory_space<hbm>>)
    %dma_wait3A_171 = arith.constant 0 : i32
    %dma_wait3A_172 = tpu.memref_slice %arg5[%arg0, %mul3A_2, %dma_wait3A_171] : memref<2x10240x128xf32, #tpu.memory_space<hbm>> -> memref<1x128x128xf32, #tpu.memory_space<hbm>>
    %dma_wait3A_173 = tpu.memref_squeeze %dma_wait3A_172 : memref<1x128x128xf32, #tpu.memory_space<hbm>> -> memref<128x128xf32, #tpu.memory_space<hbm>>
    %dma_wait3A_174 = arith.constant 0 : i32
    %dma_wait3A_175 = tpu.memref_slice %arg5[%arg0, %mul3A_2, %dma_wait3A_174] : memref<2x10240x128xf32, #tpu.memory_space<hbm>> -> memref<1x128x128xf32, #tpu.memory_space<hbm>>
    %dma_wait3A_176 = tpu.memref_squeeze %dma_wait3A_175 : memref<1x128x128xf32, #tpu.memory_space<hbm>> -> memref<128x128xf32, #tpu.memory_space<hbm>>
    tpu.wait_dma2 semaphore(%arg13 : memref<!tpu.dma_semaphore, #tpu.memory_space<semaphore_mem>>) src(%arg9 : memref<128x128xf32, #tpu.memory_space<vmem>>) dst(%dma_wait3A_176 : memref<128x128xf32, #tpu.memory_space<hbm>>)
    return
  }
}

#map = affine_map<(d0, d1) -> (0, 0)>
#map1 = affine_map<(d0, d1) -> (0, 0, 0, 0, 0)>
#map2 = affine_map<(d0, d1) -> (0, 0, 0)>
module attributes {stable_mosaic.version = 14 : i64} {
  func.func @_acc_body(%arg0: i32, %arg1: i32, %arg2: memref<10000x128xf32, #tpu.memory_space<hbm>>, %arg3: memref<32x20x2x4x128xi32, #tpu.memory_space<hbm>>, %arg4: memref<128x128xf32, #tpu.memory_space<hbm>>, %arg5: memref<2x10240x128xf32, #tpu.memory_space<hbm>>, %arg6: memref<10240x128xf32, #tpu.memory_space<vmem_shared>>, %arg7: memref<2x4x128xi32, #tpu.memory_space<vmem>>, %arg8: memref<2x4x128xi32, #tpu.memory_space<vmem>>, %arg9: memref<128x128xf32, #tpu.memory_space<vmem>>, %arg10: memref<128x128xf32, #tpu.memory_space<vmem>>, %arg11: memref<!tpu.dma_semaphore, #tpu.memory_space<semaphore_mem>>, %arg12: memref<!tpu.dma_semaphore, #tpu.memory_space<semaphore_mem>>, %arg13: memref<!tpu.dma_semaphore, #tpu.memory_space<semaphore_mem>>, %arg14: memref<!tpu.dma_semaphore, #tpu.memory_space<semaphore_mem>>) attributes {dimension_semantics = [#tpu.dimension_semantics<core_parallel>, #tpu.dimension_semantics<subcore_parallel>], iteration_bounds = array<i64: 2, 16>, scalar_prefetch = 0 : i64, scratch_operands = 9 : i64, tpu.core_type = #tpu.core_type<sc_vector_subcore>, window_params = [{transform_indices = #map}, {transform_indices = #map1}, {transform_indices = #map}, {transform_indices = #map2}]} {
    %mul3A = arith.constant 16 : i32
    %mul3A_0 = arith.muli %arg0, %mul3A : i32
    %add3A = arith.addi %mul3A_0, %arg1 : i32
    %mul3A_1 = arith.constant 640 : i32
    %mul3A_2 = arith.muli %arg1, %mul3A_1 : i32
    "tpu.region"() ({
      %run_scoped3A = tpu.sem_alloc : memref<!tpu.dma_semaphore, #tpu.memory_space<semaphore_mem>>
      tpu.enqueue_dma source(%arg4 : memref<128x128xf32, #tpu.memory_space<hbm>>) target(%arg9 : memref<128x128xf32, #tpu.memory_space<vmem>>) target_semaphore(%run_scoped3A : memref<!tpu.dma_semaphore, #tpu.memory_space<semaphore_mem>>)
      tpu.wait_dma2 semaphore(%run_scoped3A : memref<!tpu.dma_semaphore, #tpu.memory_space<semaphore_mem>>) src(%arg4 : memref<128x128xf32, #tpu.memory_space<hbm>>) dst(%arg9 : memref<128x128xf32, #tpu.memory_space<vmem>>)
      tpu.yield
    }) : () -> ()
    %add3A_3 = arith.constant 0 : i32
    %add3A_4 = arith.addi %mul3A_2, %add3A_3 : i32
    %dma_start3A = arith.constant 0 : i32
    %dma_start3A_5 = tpu.memref_slice %arg6[%add3A_4, %dma_start3A] : memref<10240x128xf32, #tpu.memory_space<vmem_shared>> -> memref<128x128xf32, #tpu.memory_space<vmem_shared>>
    %dma_start3A_6 = arith.constant 0 : i32
    %dma_start3A_7 = tpu.memref_slice %arg6[%add3A_4, %dma_start3A_6] : memref<10240x128xf32, #tpu.memory_space<vmem_shared>> -> memref<128x128xf32, #tpu.memory_space<vmem_shared>>
    tpu.enqueue_dma source(%arg9 : memref<128x128xf32, #tpu.memory_space<vmem>>) target(%dma_start3A_7 : memref<128x128xf32, #tpu.memory_space<vmem_shared>>) target_semaphore(%arg13 : memref<!tpu.dma_semaphore, #tpu.memory_space<semaphore_mem>>)
    %add3A_8 = arith.constant 128 : i32
    %add3A_9 = arith.addi %mul3A_2, %add3A_8 : i32
    %dma_start3A_10 = arith.constant 0 : i32
    %dma_start3A_11 = tpu.memref_slice %arg6[%add3A_9, %dma_start3A_10] : memref<10240x128xf32, #tpu.memory_space<vmem_shared>> -> memref<128x128xf32, #tpu.memory_space<vmem_shared>>
    %dma_start3A_12 = arith.constant 0 : i32
    %dma_start3A_13 = tpu.memref_slice %arg6[%add3A_9, %dma_start3A_12] : memref<10240x128xf32, #tpu.memory_space<vmem_shared>> -> memref<128x128xf32, #tpu.memory_space<vmem_shared>>
    tpu.enqueue_dma source(%arg9 : memref<128x128xf32, #tpu.memory_space<vmem>>) target(%dma_start3A_13 : memref<128x128xf32, #tpu.memory_space<vmem_shared>>) target_semaphore(%arg13 : memref<!tpu.dma_semaphore, #tpu.memory_space<semaphore_mem>>)
    %add3A_14 = arith.constant 256 : i32
    %add3A_15 = arith.addi %mul3A_2, %add3A_14 : i32
    %dma_start3A_16 = arith.constant 0 : i32
    %dma_start3A_17 = tpu.memref_slice %arg6[%add3A_15, %dma_start3A_16] : memref<10240x128xf32, #tpu.memory_space<vmem_shared>> -> memref<128x128xf32, #tpu.memory_space<vmem_shared>>
    %dma_start3A_18 = arith.constant 0 : i32
    %dma_start3A_19 = tpu.memref_slice %arg6[%add3A_15, %dma_start3A_18] : memref<10240x128xf32, #tpu.memory_space<vmem_shared>> -> memref<128x128xf32, #tpu.memory_space<vmem_shared>>
    tpu.enqueue_dma source(%arg9 : memref<128x128xf32, #tpu.memory_space<vmem>>) target(%dma_start3A_19 : memref<128x128xf32, #tpu.memory_space<vmem_shared>>) target_semaphore(%arg13 : memref<!tpu.dma_semaphore, #tpu.memory_space<semaphore_mem>>)
    %add3A_20 = arith.constant 384 : i32
    %add3A_21 = arith.addi %mul3A_2, %add3A_20 : i32
    %dma_start3A_22 = arith.constant 0 : i32
    %dma_start3A_23 = tpu.memref_slice %arg6[%add3A_21, %dma_start3A_22] : memref<10240x128xf32, #tpu.memory_space<vmem_shared>> -> memref<128x128xf32, #tpu.memory_space<vmem_shared>>
    %dma_start3A_24 = arith.constant 0 : i32
    %dma_start3A_25 = tpu.memref_slice %arg6[%add3A_21, %dma_start3A_24] : memref<10240x128xf32, #tpu.memory_space<vmem_shared>> -> memref<128x128xf32, #tpu.memory_space<vmem_shared>>
    tpu.enqueue_dma source(%arg9 : memref<128x128xf32, #tpu.memory_space<vmem>>) target(%dma_start3A_25 : memref<128x128xf32, #tpu.memory_space<vmem_shared>>) target_semaphore(%arg13 : memref<!tpu.dma_semaphore, #tpu.memory_space<semaphore_mem>>)
    %add3A_26 = arith.constant 512 : i32
    %add3A_27 = arith.addi %mul3A_2, %add3A_26 : i32
    %dma_start3A_28 = arith.constant 0 : i32
    %dma_start3A_29 = tpu.memref_slice %arg6[%add3A_27, %dma_start3A_28] : memref<10240x128xf32, #tpu.memory_space<vmem_shared>> -> memref<128x128xf32, #tpu.memory_space<vmem_shared>>
    %dma_start3A_30 = arith.constant 0 : i32
    %dma_start3A_31 = tpu.memref_slice %arg6[%add3A_27, %dma_start3A_30] : memref<10240x128xf32, #tpu.memory_space<vmem_shared>> -> memref<128x128xf32, #tpu.memory_space<vmem_shared>>
    tpu.enqueue_dma source(%arg9 : memref<128x128xf32, #tpu.memory_space<vmem>>) target(%dma_start3A_31 : memref<128x128xf32, #tpu.memory_space<vmem_shared>>) target_semaphore(%arg13 : memref<!tpu.dma_semaphore, #tpu.memory_space<semaphore_mem>>)
    %dma_wait3A = arith.constant 0 : i32
    %dma_wait3A_32 = tpu.memref_slice %arg6[%mul3A_2, %dma_wait3A] : memref<10240x128xf32, #tpu.memory_space<vmem_shared>> -> memref<128x128xf32, #tpu.memory_space<vmem_shared>>
    %dma_wait3A_33 = arith.constant 0 : i32
    %dma_wait3A_34 = tpu.memref_slice %arg6[%mul3A_2, %dma_wait3A_33] : memref<10240x128xf32, #tpu.memory_space<vmem_shared>> -> memref<128x128xf32, #tpu.memory_space<vmem_shared>>
    tpu.wait_dma2 semaphore(%arg13 : memref<!tpu.dma_semaphore, #tpu.memory_space<semaphore_mem>>) src(%arg9 : memref<128x128xf32, #tpu.memory_space<vmem>>) dst(%dma_wait3A_34 : memref<128x128xf32, #tpu.memory_space<vmem_shared>>)
    %dma_wait3A_35 = arith.constant 0 : i32
    %dma_wait3A_36 = tpu.memref_slice %arg6[%mul3A_2, %dma_wait3A_35] : memref<10240x128xf32, #tpu.memory_space<vmem_shared>> -> memref<128x128xf32, #tpu.memory_space<vmem_shared>>
    %dma_wait3A_37 = arith.constant 0 : i32
    %dma_wait3A_38 = tpu.memref_slice %arg6[%mul3A_2, %dma_wait3A_37] : memref<10240x128xf32, #tpu.memory_space<vmem_shared>> -> memref<128x128xf32, #tpu.memory_space<vmem_shared>>
    tpu.wait_dma2 semaphore(%arg13 : memref<!tpu.dma_semaphore, #tpu.memory_space<semaphore_mem>>) src(%arg9 : memref<128x128xf32, #tpu.memory_space<vmem>>) dst(%dma_wait3A_38 : memref<128x128xf32, #tpu.memory_space<vmem_shared>>)
    %dma_wait3A_39 = arith.constant 0 : i32
    %dma_wait3A_40 = tpu.memref_slice %arg6[%mul3A_2, %dma_wait3A_39] : memref<10240x128xf32, #tpu.memory_space<vmem_shared>> -> memref<128x128xf32, #tpu.memory_space<vmem_shared>>
    %dma_wait3A_41 = arith.constant 0 : i32
    %dma_wait3A_42 = tpu.memref_slice %arg6[%mul3A_2, %dma_wait3A_41] : memref<10240x128xf32, #tpu.memory_space<vmem_shared>> -> memref<128x128xf32, #tpu.memory_space<vmem_shared>>
    tpu.wait_dma2 semaphore(%arg13 : memref<!tpu.dma_semaphore, #tpu.memory_space<semaphore_mem>>) src(%arg9 : memref<128x128xf32, #tpu.memory_space<vmem>>) dst(%dma_wait3A_42 : memref<128x128xf32, #tpu.memory_space<vmem_shared>>)
    %dma_wait3A_43 = arith.constant 0 : i32
    %dma_wait3A_44 = tpu.memref_slice %arg6[%mul3A_2, %dma_wait3A_43] : memref<10240x128xf32, #tpu.memory_space<vmem_shared>> -> memref<128x128xf32, #tpu.memory_space<vmem_shared>>
    %dma_wait3A_45 = arith.constant 0 : i32
    %dma_wait3A_46 = tpu.memref_slice %arg6[%mul3A_2, %dma_wait3A_45] : memref<10240x128xf32, #tpu.memory_space<vmem_shared>> -> memref<128x128xf32, #tpu.memory_space<vmem_shared>>
    tpu.wait_dma2 semaphore(%arg13 : memref<!tpu.dma_semaphore, #tpu.memory_space<semaphore_mem>>) src(%arg9 : memref<128x128xf32, #tpu.memory_space<vmem>>) dst(%dma_wait3A_46 : memref<128x128xf32, #tpu.memory_space<vmem_shared>>)
    %dma_wait3A_47 = arith.constant 0 : i32
    %dma_wait3A_48 = tpu.memref_slice %arg6[%mul3A_2, %dma_wait3A_47] : memref<10240x128xf32, #tpu.memory_space<vmem_shared>> -> memref<128x128xf32, #tpu.memory_space<vmem_shared>>
    %dma_wait3A_49 = arith.constant 0 : i32
    %dma_wait3A_50 = tpu.memref_slice %arg6[%mul3A_2, %dma_wait3A_49] : memref<10240x128xf32, #tpu.memory_space<vmem_shared>> -> memref<128x128xf32, #tpu.memory_space<vmem_shared>>
    tpu.wait_dma2 semaphore(%arg13 : memref<!tpu.dma_semaphore, #tpu.memory_space<semaphore_mem>>) src(%arg9 : memref<128x128xf32, #tpu.memory_space<vmem>>) dst(%dma_wait3A_50 : memref<128x128xf32, #tpu.memory_space<vmem_shared>>)
    %barrier3A = arith.constant 0 : index
    tpu.barrier barrier_id(%barrier3A)
    %dma_start3A_51 = arith.constant 0 : i32
    %dma_start3A_52 = arith.constant 0 : i32
    %dma_start3A_53 = arith.constant 0 : i32
    %dma_start3A_54 = arith.constant 0 : i32
    %dma_start3A_55 = tpu.memref_slice %arg3[%add3A, %dma_start3A_51, %dma_start3A_52, %dma_start3A_53, %dma_start3A_54] : memref<32x20x2x4x128xi32, #tpu.memory_space<hbm>> -> memref<1x1x2x4x128xi32, #tpu.memory_space<hbm>>
    %dma_start3A_56 = tpu.memref_squeeze %dma_start3A_55 : memref<1x1x2x4x128xi32, #tpu.memory_space<hbm>> -> memref<2x4x128xi32, #tpu.memory_space<hbm>>
    %dma_start3A_57 = arith.constant 0 : i32
    %dma_start3A_58 = arith.constant 0 : i32
    %dma_start3A_59 = arith.constant 0 : i32
    %dma_start3A_60 = tpu.memref_slice %arg3[%add3A, %dma_start3A_51, %dma_start3A_57, %dma_start3A_58, %dma_start3A_59] : memref<32x20x2x4x128xi32, #tpu.memory_space<hbm>> -> memref<1x1x2x4x128xi32, #tpu.memory_space<hbm>>
    %dma_start3A_61 = tpu.memref_squeeze %dma_start3A_60 : memref<1x1x2x4x128xi32, #tpu.memory_space<hbm>> -> memref<2x4x128xi32, #tpu.memory_space<hbm>>
    tpu.enqueue_dma source(%dma_start3A_61 : memref<2x4x128xi32, #tpu.memory_space<hbm>>) target(%arg7 : memref<2x4x128xi32, #tpu.memory_space<vmem>>) target_semaphore(%arg11 : memref<!tpu.dma_semaphore, #tpu.memory_space<semaphore_mem>>)
    %dma_wait3A_62 = arith.constant 0 : i32
    %dma_wait3A_63 = arith.constant 0 : i32
    %dma_wait3A_64 = arith.constant 0 : i32
    %dma_wait3A_65 = arith.constant 0 : i32
    %dma_wait3A_66 = tpu.memref_slice %arg3[%add3A, %dma_wait3A_62, %dma_wait3A_63, %dma_wait3A_64, %dma_wait3A_65] : memref<32x20x2x4x128xi32, #tpu.memory_space<hbm>> -> memref<1x1x2x4x128xi32, #tpu.memory_space<hbm>>
    %dma_wait3A_67 = tpu.memref_squeeze %dma_wait3A_66 : memref<1x1x2x4x128xi32, #tpu.memory_space<hbm>> -> memref<2x4x128xi32, #tpu.memory_space<hbm>>
    %dma_wait3A_68 = arith.constant 0 : i32
    %dma_wait3A_69 = arith.constant 0 : i32
    %dma_wait3A_70 = arith.constant 0 : i32
    %dma_wait3A_71 = tpu.memref_slice %arg3[%add3A, %dma_wait3A_62, %dma_wait3A_68, %dma_wait3A_69, %dma_wait3A_70] : memref<32x20x2x4x128xi32, #tpu.memory_space<hbm>> -> memref<1x1x2x4x128xi32, #tpu.memory_space<hbm>>
    %dma_wait3A_72 = tpu.memref_squeeze %dma_wait3A_71 : memref<1x1x2x4x128xi32, #tpu.memory_space<hbm>> -> memref<2x4x128xi32, #tpu.memory_space<hbm>>
    tpu.wait_dma2 semaphore(%arg11 : memref<!tpu.dma_semaphore, #tpu.memory_space<semaphore_mem>>) src(%dma_wait3A_72 : memref<2x4x128xi32, #tpu.memory_space<hbm>>) dst(%arg7 : memref<2x4x128xi32, #tpu.memory_space<vmem>>)
    %dma_start3A_73 = arith.constant 1 : i32
    %dma_start3A_74 = arith.constant 0 : i32
    %dma_start3A_75 = arith.constant 0 : i32
    %dma_start3A_76 = arith.constant 0 : i32
    %dma_start3A_77 = tpu.memref_slice %arg3[%add3A, %dma_start3A_73, %dma_start3A_74, %dma_start3A_75, %dma_start3A_76] : memref<32x20x2x4x128xi32, #tpu.memory_space<hbm>> -> memref<1x1x2x4x128xi32, #tpu.memory_space<hbm>>
    %dma_start3A_78 = tpu.memref_squeeze %dma_start3A_77 : memref<1x1x2x4x128xi32, #tpu.memory_space<hbm>> -> memref<2x4x128xi32, #tpu.memory_space<hbm>>
    %dma_start3A_79 = arith.constant 0 : i32
    %dma_start3A_80 = arith.constant 0 : i32
    %dma_start3A_81 = arith.constant 0 : i32
    %dma_start3A_82 = tpu.memref_slice %arg3[%add3A, %dma_start3A_73, %dma_start3A_79, %dma_start3A_80, %dma_start3A_81] : memref<32x20x2x4x128xi32, #tpu.memory_space<hbm>> -> memref<1x1x2x4x128xi32, #tpu.memory_space<hbm>>
    %dma_start3A_83 = tpu.memref_squeeze %dma_start3A_82 : memref<1x1x2x4x128xi32, #tpu.memory_space<hbm>> -> memref<2x4x128xi32, #tpu.memory_space<hbm>>
    tpu.enqueue_dma source(%dma_start3A_83 : memref<2x4x128xi32, #tpu.memory_space<hbm>>) target(%arg8 : memref<2x4x128xi32, #tpu.memory_space<vmem>>) target_semaphore(%arg12 : memref<!tpu.dma_semaphore, #tpu.memory_space<semaphore_mem>>)
    %dma_start3A_84 = arith.constant 0 : i32
    %dma_start3A_85 = arith.constant 0 : i32
    %dma_start3A_86 = arith.constant 0 : i32
    %dma_start3A_87 = tpu.memref_slice %arg7[%dma_start3A_84, %dma_start3A_85, %dma_start3A_86] : memref<2x4x128xi32, #tpu.memory_space<vmem>> -> memref<1x1x128xi32, #tpu.memory_space<vmem>>
    %dma_start3A_88 = tpu.memref_squeeze %dma_start3A_87 : memref<1x1x128xi32, #tpu.memory_space<vmem>> -> memref<128xi32, #tpu.memory_space<vmem>>
    %dma_start3A_89 = arith.constant 0 : i32
    %dma_start3A_90 = arith.constant 0 : i32
    %dma_start3A_91 = tpu.memref_slice %arg2[%dma_start3A_89, %dma_start3A_90] : memref<10000x128xf32, #tpu.memory_space<hbm>> -> memref<10000x128xf32, #tpu.memory_space<hbm>>
    tpu.enqueue_indirect_dma source(%dma_start3A_91 : memref<10000x128xf32, #tpu.memory_space<hbm>>) target(%arg9 : memref<128x128xf32, #tpu.memory_space<vmem>>) offsets(%dma_start3A_88 : memref<128xi32, #tpu.memory_space<vmem>>) semaphore(%arg13 : memref<!tpu.dma_semaphore, #tpu.memory_space<semaphore_mem>>)
    %scan3A = arith.constant 0 : i32
    %scan3A_92 = arith.constant 10 : i32
    %scan3A_93 = arith.addi %scan3A, %scan3A_92 : i32
    %scan3A_94 = arith.constant 1 : i32
    scf.for %scan3A_177 = %scan3A to %scan3A_93 step %scan3A_94  : i32 {
      %dma_wait3A_178 = arith.constant 0 : i32
      %dma_wait3A_179 = arith.constant 0 : i32
      %dma_wait3A_180 = arith.constant 0 : i32
      %dma_wait3A_181 = arith.constant 0 : i32
      %dma_wait3A_182 = tpu.memref_slice %arg3[%add3A, %dma_wait3A_178, %dma_wait3A_179, %dma_wait3A_180, %dma_wait3A_181] : memref<32x20x2x4x128xi32, #tpu.memory_space<hbm>> -> memref<1x1x2x4x128xi32, #tpu.memory_space<hbm>>
      %dma_wait3A_183 = tpu.memref_squeeze %dma_wait3A_182 : memref<1x1x2x4x128xi32, #tpu.memory_space<hbm>> -> memref<2x4x128xi32, #tpu.memory_space<hbm>>
      %dma_wait3A_184 = arith.constant 0 : i32
      %dma_wait3A_185 = arith.constant 0 : i32
      %dma_wait3A_186 = arith.constant 0 : i32
      %dma_wait3A_187 = tpu.memref_slice %arg3[%add3A, %dma_wait3A_178, %dma_wait3A_184, %dma_wait3A_185, %dma_wait3A_186] : memref<32x20x2x4x128xi32, #tpu.memory_space<hbm>> -> memref<1x1x2x4x128xi32, #tpu.memory_space<hbm>>
      %dma_wait3A_188 = tpu.memref_squeeze %dma_wait3A_187 : memref<1x1x2x4x128xi32, #tpu.memory_space<hbm>> -> memref<2x4x128xi32, #tpu.memory_space<hbm>>
      tpu.wait_dma2 semaphore(%arg12 : memref<!tpu.dma_semaphore, #tpu.memory_space<semaphore_mem>>) src(%dma_wait3A_188 : memref<2x4x128xi32, #tpu.memory_space<hbm>>) dst(%arg8 : memref<2x4x128xi32, #tpu.memory_space<vmem>>)
      %dma_wait3A_189 = arith.constant 0 : i32
      %dma_wait3A_190 = arith.constant 0 : i32
      %dma_wait3A_191 = arith.constant 0 : i32
      %dma_wait3A_192 = tpu.memref_slice %arg7[%dma_wait3A_189, %dma_wait3A_190, %dma_wait3A_191] : memref<2x4x128xi32, #tpu.memory_space<vmem>> -> memref<1x1x128xi32, #tpu.memory_space<vmem>>
      %dma_wait3A_193 = tpu.memref_squeeze %dma_wait3A_192 : memref<1x1x128xi32, #tpu.memory_space<vmem>> -> memref<128xi32, #tpu.memory_space<vmem>>
      %dma_wait3A_194 = arith.constant 0 : i32
      %dma_wait3A_195 = arith.constant 0 : i32
      %dma_wait3A_196 = tpu.memref_slice %arg2[%dma_wait3A_194, %dma_wait3A_195] : memref<10000x128xf32, #tpu.memory_space<hbm>> -> memref<10000x128xf32, #tpu.memory_space<hbm>>
      tpu.wait_indirect_dma semaphore(%arg13 : memref<!tpu.dma_semaphore, #tpu.memory_space<semaphore_mem>>) src(%dma_wait3A_196 : memref<10000x128xf32, #tpu.memory_space<hbm>>) dst(%arg9 : memref<128x128xf32, #tpu.memory_space<vmem>>)
      %dma_start3A_197 = arith.constant 0 : i32
      %dma_start3A_198 = arith.constant 1 : i32
      %dma_start3A_199 = arith.constant 0 : i32
      %dma_start3A_200 = tpu.memref_slice %arg7[%dma_start3A_197, %dma_start3A_198, %dma_start3A_199] : memref<2x4x128xi32, #tpu.memory_space<vmem>> -> memref<1x1x128xi32, #tpu.memory_space<vmem>>
      %dma_start3A_201 = tpu.memref_squeeze %dma_start3A_200 : memref<1x1x128xi32, #tpu.memory_space<vmem>> -> memref<128xi32, #tpu.memory_space<vmem>>
      %dma_start3A_202 = arith.constant 0 : i32
      %dma_start3A_203 = arith.constant 0 : i32
      %dma_start3A_204 = tpu.memref_slice %arg2[%dma_start3A_202, %dma_start3A_203] : memref<10000x128xf32, #tpu.memory_space<hbm>> -> memref<10000x128xf32, #tpu.memory_space<hbm>>
      tpu.enqueue_indirect_dma source(%dma_start3A_204 : memref<10000x128xf32, #tpu.memory_space<hbm>>) target(%arg10 : memref<128x128xf32, #tpu.memory_space<vmem>>) offsets(%dma_start3A_201 : memref<128xi32, #tpu.memory_space<vmem>>) semaphore(%arg14 : memref<!tpu.dma_semaphore, #tpu.memory_space<semaphore_mem>>)
      %run_scoped3A = arith.constant 1 : i32
      %run_scoped3A_205 = arith.constant 0 : i32
      "tpu.region"() ({
        %run_scoped3A_325 = tpu.sem_alloc : memref<!tpu.dma_semaphore, #tpu.memory_space<semaphore_mem>>
        %dma_start3A_326 = arith.constant 0 : i32
        %dma_start3A_327 = tpu.memref_slice %arg7[%run_scoped3A, %run_scoped3A_205, %dma_start3A_326] : memref<2x4x128xi32, #tpu.memory_space<vmem>> -> memref<1x1x128xi32, #tpu.memory_space<vmem>>
        %dma_start3A_328 = tpu.memref_squeeze %dma_start3A_327 : memref<1x1x128xi32, #tpu.memory_space<vmem>> -> memref<128xi32, #tpu.memory_space<vmem>>
        %dma_start3A_329 = arith.constant 0 : i32
        %dma_start3A_330 = arith.constant 0 : i32
        %dma_start3A_331 = tpu.memref_slice %arg6[%dma_start3A_329, %dma_start3A_330] : memref<10240x128xf32, #tpu.memory_space<vmem_shared>> -> memref<10240x128xf32, #tpu.memory_space<vmem_shared>>
        tpu.enqueue_indirect_dma source(%arg9 : memref<128x128xf32, #tpu.memory_space<vmem>>) target(%dma_start3A_331 : memref<10240x128xf32, #tpu.memory_space<vmem_shared>>) offsets(%dma_start3A_328 : memref<128xi32, #tpu.memory_space<vmem>>) semaphore(%run_scoped3A_325 : memref<!tpu.dma_semaphore, #tpu.memory_space<semaphore_mem>>) {add = true}
        %dma_wait3A_332 = arith.constant 0 : i32
        %dma_wait3A_333 = tpu.memref_slice %arg7[%run_scoped3A, %run_scoped3A_205, %dma_wait3A_332] : memref<2x4x128xi32, #tpu.memory_space<vmem>> -> memref<1x1x128xi32, #tpu.memory_space<vmem>>
        %dma_wait3A_334 = tpu.memref_squeeze %dma_wait3A_333 : memref<1x1x128xi32, #tpu.memory_space<vmem>> -> memref<128xi32, #tpu.memory_space<vmem>>
        %dma_wait3A_335 = arith.constant 0 : i32
        %dma_wait3A_336 = arith.constant 0 : i32
        %dma_wait3A_337 = tpu.memref_slice %arg6[%dma_wait3A_335, %dma_wait3A_336] : memref<10240x128xf32, #tpu.memory_space<vmem_shared>> -> memref<10240x128xf32, #tpu.memory_space<vmem_shared>>
        tpu.wait_indirect_dma semaphore(%run_scoped3A_325 : memref<!tpu.dma_semaphore, #tpu.memory_space<semaphore_mem>>) src(%arg9 : memref<128x128xf32, #tpu.memory_space<vmem>>) dst(%dma_wait3A_337 : memref<10240x128xf32, #tpu.memory_space<vmem_shared>>)
        tpu.yield
      }) : () -> ()
      %dma_wait3A_206 = arith.constant 0 : i32
      %dma_wait3A_207 = arith.constant 1 : i32
      %dma_wait3A_208 = arith.constant 0 : i32
      %dma_wait3A_209 = tpu.memref_slice %arg7[%dma_wait3A_206, %dma_wait3A_207, %dma_wait3A_208] : memref<2x4x128xi32, #tpu.memory_space<vmem>> -> memref<1x1x128xi32, #tpu.memory_space<vmem>>
      %dma_wait3A_210 = tpu.memref_squeeze %dma_wait3A_209 : memref<1x1x128xi32, #tpu.memory_space<vmem>> -> memref<128xi32, #tpu.memory_space<vmem>>
      %dma_wait3A_211 = arith.constant 0 : i32
      %dma_wait3A_212 = arith.constant 0 : i32
      %dma_wait3A_213 = tpu.memref_slice %arg2[%dma_wait3A_211, %dma_wait3A_212] : memref<10000x128xf32, #tpu.memory_space<hbm>> -> memref<10000x128xf32, #tpu.memory_space<hbm>>
      tpu.wait_indirect_dma semaphore(%arg14 : memref<!tpu.dma_semaphore, #tpu.memory_space<semaphore_mem>>) src(%dma_wait3A_213 : memref<10000x128xf32, #tpu.memory_space<hbm>>) dst(%arg10 : memref<128x128xf32, #tpu.memory_space<vmem>>)
      %dma_start3A_214 = arith.constant 0 : i32
      %dma_start3A_215 = arith.constant 2 : i32
      %dma_start3A_216 = arith.constant 0 : i32
      %dma_start3A_217 = tpu.memref_slice %arg7[%dma_start3A_214, %dma_start3A_215, %dma_start3A_216] : memref<2x4x128xi32, #tpu.memory_space<vmem>> -> memref<1x1x128xi32, #tpu.memory_space<vmem>>
      %dma_start3A_218 = tpu.memref_squeeze %dma_start3A_217 : memref<1x1x128xi32, #tpu.memory_space<vmem>> -> memref<128xi32, #tpu.memory_space<vmem>>
      %dma_start3A_219 = arith.constant 0 : i32
      %dma_start3A_220 = arith.constant 0 : i32
      %dma_start3A_221 = tpu.memref_slice %arg2[%dma_start3A_219, %dma_start3A_220] : memref<10000x128xf32, #tpu.memory_space<hbm>> -> memref<10000x128xf32, #tpu.memory_space<hbm>>
      tpu.enqueue_indirect_dma source(%dma_start3A_221 : memref<10000x128xf32, #tpu.memory_space<hbm>>) target(%arg9 : memref<128x128xf32, #tpu.memory_space<vmem>>) offsets(%dma_start3A_218 : memref<128xi32, #tpu.memory_space<vmem>>) semaphore(%arg13 : memref<!tpu.dma_semaphore, #tpu.memory_space<semaphore_mem>>)
      %run_scoped3A_222 = arith.constant 1 : i32
      %run_scoped3A_223 = arith.constant 1 : i32
      "tpu.region"() ({
        %run_scoped3A_325 = tpu.sem_alloc : memref<!tpu.dma_semaphore, #tpu.memory_space<semaphore_mem>>
        %dma_start3A_326 = arith.constant 0 : i32
        %dma_start3A_327 = tpu.memref_slice %arg7[%run_scoped3A_222, %run_scoped3A_223, %dma_start3A_326] : memref<2x4x128xi32, #tpu.memory_space<vmem>> -> memref<1x1x128xi32, #tpu.memory_space<vmem>>
        %dma_start3A_328 = tpu.memref_squeeze %dma_start3A_327 : memref<1x1x128xi32, #tpu.memory_space<vmem>> -> memref<128xi32, #tpu.memory_space<vmem>>
        %dma_start3A_329 = arith.constant 0 : i32
        %dma_start3A_330 = arith.constant 0 : i32
        %dma_start3A_331 = tpu.memref_slice %arg6[%dma_start3A_329, %dma_start3A_330] : memref<10240x128xf32, #tpu.memory_space<vmem_shared>> -> memref<10240x128xf32, #tpu.memory_space<vmem_shared>>
        tpu.enqueue_indirect_dma source(%arg10 : memref<128x128xf32, #tpu.memory_space<vmem>>) target(%dma_start3A_331 : memref<10240x128xf32, #tpu.memory_space<vmem_shared>>) offsets(%dma_start3A_328 : memref<128xi32, #tpu.memory_space<vmem>>) semaphore(%run_scoped3A_325 : memref<!tpu.dma_semaphore, #tpu.memory_space<semaphore_mem>>) {add = true}
        %dma_wait3A_332 = arith.constant 0 : i32
        %dma_wait3A_333 = tpu.memref_slice %arg7[%run_scoped3A_222, %run_scoped3A_223, %dma_wait3A_332] : memref<2x4x128xi32, #tpu.memory_space<vmem>> -> memref<1x1x128xi32, #tpu.memory_space<vmem>>
        %dma_wait3A_334 = tpu.memref_squeeze %dma_wait3A_333 : memref<1x1x128xi32, #tpu.memory_space<vmem>> -> memref<128xi32, #tpu.memory_space<vmem>>
        %dma_wait3A_335 = arith.constant 0 : i32
        %dma_wait3A_336 = arith.constant 0 : i32
        %dma_wait3A_337 = tpu.memref_slice %arg6[%dma_wait3A_335, %dma_wait3A_336] : memref<10240x128xf32, #tpu.memory_space<vmem_shared>> -> memref<10240x128xf32, #tpu.memory_space<vmem_shared>>
        tpu.wait_indirect_dma semaphore(%run_scoped3A_325 : memref<!tpu.dma_semaphore, #tpu.memory_space<semaphore_mem>>) src(%arg10 : memref<128x128xf32, #tpu.memory_space<vmem>>) dst(%dma_wait3A_337 : memref<10240x128xf32, #tpu.memory_space<vmem_shared>>)
        tpu.yield
      }) : () -> ()
      %dma_wait3A_224 = arith.constant 0 : i32
      %dma_wait3A_225 = arith.constant 2 : i32
      %dma_wait3A_226 = arith.constant 0 : i32
      %dma_wait3A_227 = tpu.memref_slice %arg7[%dma_wait3A_224, %dma_wait3A_225, %dma_wait3A_226] : memref<2x4x128xi32, #tpu.memory_space<vmem>> -> memref<1x1x128xi32, #tpu.memory_space<vmem>>
      %dma_wait3A_228 = tpu.memref_squeeze %dma_wait3A_227 : memref<1x1x128xi32, #tpu.memory_space<vmem>> -> memref<128xi32, #tpu.memory_space<vmem>>
      %dma_wait3A_229 = arith.constant 0 : i32
      %dma_wait3A_230 = arith.constant 0 : i32
      %dma_wait3A_231 = tpu.memref_slice %arg2[%dma_wait3A_229, %dma_wait3A_230] : memref<10000x128xf32, #tpu.memory_space<hbm>> -> memref<10000x128xf32, #tpu.memory_space<hbm>>
      tpu.wait_indirect_dma semaphore(%arg13 : memref<!tpu.dma_semaphore, #tpu.memory_space<semaphore_mem>>) src(%dma_wait3A_231 : memref<10000x128xf32, #tpu.memory_space<hbm>>) dst(%arg9 : memref<128x128xf32, #tpu.memory_space<vmem>>)
      %dma_start3A_232 = arith.constant 0 : i32
      %dma_start3A_233 = arith.constant 3 : i32
      %dma_start3A_234 = arith.constant 0 : i32
      %dma_start3A_235 = tpu.memref_slice %arg7[%dma_start3A_232, %dma_start3A_233, %dma_start3A_234] : memref<2x4x128xi32, #tpu.memory_space<vmem>> -> memref<1x1x128xi32, #tpu.memory_space<vmem>>
      %dma_start3A_236 = tpu.memref_squeeze %dma_start3A_235 : memref<1x1x128xi32, #tpu.memory_space<vmem>> -> memref<128xi32, #tpu.memory_space<vmem>>
      %dma_start3A_237 = arith.constant 0 : i32
      %dma_start3A_238 = arith.constant 0 : i32
      %dma_start3A_239 = tpu.memref_slice %arg2[%dma_start3A_237, %dma_start3A_238] : memref<10000x128xf32, #tpu.memory_space<hbm>> -> memref<10000x128xf32, #tpu.memory_space<hbm>>
      tpu.enqueue_indirect_dma source(%dma_start3A_239 : memref<10000x128xf32, #tpu.memory_space<hbm>>) target(%arg10 : memref<128x128xf32, #tpu.memory_space<vmem>>) offsets(%dma_start3A_236 : memref<128xi32, #tpu.memory_space<vmem>>) semaphore(%arg14 : memref<!tpu.dma_semaphore, #tpu.memory_space<semaphore_mem>>)
      %run_scoped3A_240 = arith.constant 1 : i32
      %run_scoped3A_241 = arith.constant 2 : i32
      "tpu.region"() ({
        %run_scoped3A_325 = tpu.sem_alloc : memref<!tpu.dma_semaphore, #tpu.memory_space<semaphore_mem>>
        %dma_start3A_326 = arith.constant 0 : i32
        %dma_start3A_327 = tpu.memref_slice %arg7[%run_scoped3A_240, %run_scoped3A_241, %dma_start3A_326] : memref<2x4x128xi32, #tpu.memory_space<vmem>> -> memref<1x1x128xi32, #tpu.memory_space<vmem>>
        %dma_start3A_328 = tpu.memref_squeeze %dma_start3A_327 : memref<1x1x128xi32, #tpu.memory_space<vmem>> -> memref<128xi32, #tpu.memory_space<vmem>>
        %dma_start3A_329 = arith.constant 0 : i32
        %dma_start3A_330 = arith.constant 0 : i32
        %dma_start3A_331 = tpu.memref_slice %arg6[%dma_start3A_329, %dma_start3A_330] : memref<10240x128xf32, #tpu.memory_space<vmem_shared>> -> memref<10240x128xf32, #tpu.memory_space<vmem_shared>>
        tpu.enqueue_indirect_dma source(%arg9 : memref<128x128xf32, #tpu.memory_space<vmem>>) target(%dma_start3A_331 : memref<10240x128xf32, #tpu.memory_space<vmem_shared>>) offsets(%dma_start3A_328 : memref<128xi32, #tpu.memory_space<vmem>>) semaphore(%run_scoped3A_325 : memref<!tpu.dma_semaphore, #tpu.memory_space<semaphore_mem>>) {add = true}
        %dma_wait3A_332 = arith.constant 0 : i32
        %dma_wait3A_333 = tpu.memref_slice %arg7[%run_scoped3A_240, %run_scoped3A_241, %dma_wait3A_332] : memref<2x4x128xi32, #tpu.memory_space<vmem>> -> memref<1x1x128xi32, #tpu.memory_space<vmem>>
        %dma_wait3A_334 = tpu.memref_squeeze %dma_wait3A_333 : memref<1x1x128xi32, #tpu.memory_space<vmem>> -> memref<128xi32, #tpu.memory_space<vmem>>
        %dma_wait3A_335 = arith.constant 0 : i32
        %dma_wait3A_336 = arith.constant 0 : i32
        %dma_wait3A_337 = tpu.memref_slice %arg6[%dma_wait3A_335, %dma_wait3A_336] : memref<10240x128xf32, #tpu.memory_space<vmem_shared>> -> memref<10240x128xf32, #tpu.memory_space<vmem_shared>>
        tpu.wait_indirect_dma semaphore(%run_scoped3A_325 : memref<!tpu.dma_semaphore, #tpu.memory_space<semaphore_mem>>) src(%arg9 : memref<128x128xf32, #tpu.memory_space<vmem>>) dst(%dma_wait3A_337 : memref<10240x128xf32, #tpu.memory_space<vmem_shared>>)
        tpu.yield
      }) : () -> ()
      %dma_wait3A_242 = arith.constant 0 : i32
      %dma_wait3A_243 = arith.constant 3 : i32
      %dma_wait3A_244 = arith.constant 0 : i32
      %dma_wait3A_245 = tpu.memref_slice %arg7[%dma_wait3A_242, %dma_wait3A_243, %dma_wait3A_244] : memref<2x4x128xi32, #tpu.memory_space<vmem>> -> memref<1x1x128xi32, #tpu.memory_space<vmem>>
      %dma_wait3A_246 = tpu.memref_squeeze %dma_wait3A_245 : memref<1x1x128xi32, #tpu.memory_space<vmem>> -> memref<128xi32, #tpu.memory_space<vmem>>
      %dma_wait3A_247 = arith.constant 0 : i32
      %dma_wait3A_248 = arith.constant 0 : i32
      %dma_wait3A_249 = tpu.memref_slice %arg2[%dma_wait3A_247, %dma_wait3A_248] : memref<10000x128xf32, #tpu.memory_space<hbm>> -> memref<10000x128xf32, #tpu.memory_space<hbm>>
      tpu.wait_indirect_dma semaphore(%arg14 : memref<!tpu.dma_semaphore, #tpu.memory_space<semaphore_mem>>) src(%dma_wait3A_249 : memref<10000x128xf32, #tpu.memory_space<hbm>>) dst(%arg10 : memref<128x128xf32, #tpu.memory_space<vmem>>)
      %dma_start3A_250 = arith.constant 0 : i32
      %dma_start3A_251 = arith.constant 0 : i32
      %dma_start3A_252 = arith.constant 0 : i32
      %dma_start3A_253 = tpu.memref_slice %arg8[%dma_start3A_250, %dma_start3A_251, %dma_start3A_252] : memref<2x4x128xi32, #tpu.memory_space<vmem>> -> memref<1x1x128xi32, #tpu.memory_space<vmem>>
      %dma_start3A_254 = tpu.memref_squeeze %dma_start3A_253 : memref<1x1x128xi32, #tpu.memory_space<vmem>> -> memref<128xi32, #tpu.memory_space<vmem>>
      %dma_start3A_255 = arith.constant 0 : i32
      %dma_start3A_256 = arith.constant 0 : i32
      %dma_start3A_257 = tpu.memref_slice %arg2[%dma_start3A_255, %dma_start3A_256] : memref<10000x128xf32, #tpu.memory_space<hbm>> -> memref<10000x128xf32, #tpu.memory_space<hbm>>
      tpu.enqueue_indirect_dma source(%dma_start3A_257 : memref<10000x128xf32, #tpu.memory_space<hbm>>) target(%arg9 : memref<128x128xf32, #tpu.memory_space<vmem>>) offsets(%dma_start3A_254 : memref<128xi32, #tpu.memory_space<vmem>>) semaphore(%arg13 : memref<!tpu.dma_semaphore, #tpu.memory_space<semaphore_mem>>)
      %run_scoped3A_258 = arith.constant 1 : i32
      %run_scoped3A_259 = arith.constant 3 : i32
      "tpu.region"() ({
        %run_scoped3A_325 = tpu.sem_alloc : memref<!tpu.dma_semaphore, #tpu.memory_space<semaphore_mem>>
        %dma_start3A_326 = arith.constant 0 : i32
        %dma_start3A_327 = tpu.memref_slice %arg7[%run_scoped3A_258, %run_scoped3A_259, %dma_start3A_326] : memref<2x4x128xi32, #tpu.memory_space<vmem>> -> memref<1x1x128xi32, #tpu.memory_space<vmem>>
        %dma_start3A_328 = tpu.memref_squeeze %dma_start3A_327 : memref<1x1x128xi32, #tpu.memory_space<vmem>> -> memref<128xi32, #tpu.memory_space<vmem>>
        %dma_start3A_329 = arith.constant 0 : i32
        %dma_start3A_330 = arith.constant 0 : i32
        %dma_start3A_331 = tpu.memref_slice %arg6[%dma_start3A_329, %dma_start3A_330] : memref<10240x128xf32, #tpu.memory_space<vmem_shared>> -> memref<10240x128xf32, #tpu.memory_space<vmem_shared>>
        tpu.enqueue_indirect_dma source(%arg10 : memref<128x128xf32, #tpu.memory_space<vmem>>) target(%dma_start3A_331 : memref<10240x128xf32, #tpu.memory_space<vmem_shared>>) offsets(%dma_start3A_328 : memref<128xi32, #tpu.memory_space<vmem>>) semaphore(%run_scoped3A_325 : memref<!tpu.dma_semaphore, #tpu.memory_space<semaphore_mem>>) {add = true}
        %dma_wait3A_332 = arith.constant 0 : i32
        %dma_wait3A_333 = tpu.memref_slice %arg7[%run_scoped3A_258, %run_scoped3A_259, %dma_wait3A_332] : memref<2x4x128xi32, #tpu.memory_space<vmem>> -> memref<1x1x128xi32, #tpu.memory_space<vmem>>
        %dma_wait3A_334 = tpu.memref_squeeze %dma_wait3A_333 : memref<1x1x128xi32, #tpu.memory_space<vmem>> -> memref<128xi32, #tpu.memory_space<vmem>>
        %dma_wait3A_335 = arith.constant 0 : i32
        %dma_wait3A_336 = arith.constant 0 : i32
        %dma_wait3A_337 = tpu.memref_slice %arg6[%dma_wait3A_335, %dma_wait3A_336] : memref<10240x128xf32, #tpu.memory_space<vmem_shared>> -> memref<10240x128xf32, #tpu.memory_space<vmem_shared>>
        tpu.wait_indirect_dma semaphore(%run_scoped3A_325 : memref<!tpu.dma_semaphore, #tpu.memory_space<semaphore_mem>>) src(%arg10 : memref<128x128xf32, #tpu.memory_space<vmem>>) dst(%dma_wait3A_337 : memref<10240x128xf32, #tpu.memory_space<vmem_shared>>)
        tpu.yield
      }) : () -> ()
      %lt3A = arith.constant 9 : i32
      %lt3A_260 = arith.cmpi slt, %scan3A_177, %lt3A : i32
      %convert_element_type3A = arith.extui %lt3A_260 : i1 to i32
      %cond3A = arith.constant 0 : i32
      %cond3A_261 = arith.cmpi ne, %convert_element_type3A, %cond3A : i32
      scf.if %cond3A_261 {
        %mul3A_325 = arith.constant 2 : i32
        %mul3A_326 = arith.muli %mul3A_325, %scan3A_177 : i32
        %add3A_327 = arith.constant 2 : i32
        %add3A_328 = arith.addi %mul3A_326, %add3A_327 : i32
        %dma_start3A_329 = arith.constant 0 : i32
        %dma_start3A_330 = arith.constant 0 : i32
        %dma_start3A_331 = arith.constant 0 : i32
        %dma_start3A_332 = tpu.memref_slice %arg3[%add3A, %add3A_328, %dma_start3A_329, %dma_start3A_330, %dma_start3A_331] : memref<32x20x2x4x128xi32, #tpu.memory_space<hbm>> -> memref<1x1x2x4x128xi32, #tpu.memory_space<hbm>>
        %dma_start3A_333 = tpu.memref_squeeze %dma_start3A_332 : memref<1x1x2x4x128xi32, #tpu.memory_space<hbm>> -> memref<2x4x128xi32, #tpu.memory_space<hbm>>
        %dma_start3A_334 = arith.constant 0 : i32
        %dma_start3A_335 = arith.constant 0 : i32
        %dma_start3A_336 = arith.constant 0 : i32
        %dma_start3A_337 = tpu.memref_slice %arg3[%add3A, %add3A_328, %dma_start3A_334, %dma_start3A_335, %dma_start3A_336] : memref<32x20x2x4x128xi32, #tpu.memory_space<hbm>> -> memref<1x1x2x4x128xi32, #tpu.memory_space<hbm>>
        %dma_start3A_338 = tpu.memref_squeeze %dma_start3A_337 : memref<1x1x2x4x128xi32, #tpu.memory_space<hbm>> -> memref<2x4x128xi32, #tpu.memory_space<hbm>>
        tpu.enqueue_dma source(%dma_start3A_338 : memref<2x4x128xi32, #tpu.memory_space<hbm>>) target(%arg7 : memref<2x4x128xi32, #tpu.memory_space<vmem>>) target_semaphore(%arg11 : memref<!tpu.dma_semaphore, #tpu.memory_space<semaphore_mem>>)
      } else {
      }
      %dma_wait3A_262 = arith.constant 0 : i32
      %dma_wait3A_263 = arith.constant 0 : i32
      %dma_wait3A_264 = arith.constant 0 : i32
      %dma_wait3A_265 = tpu.memref_slice %arg8[%dma_wait3A_262, %dma_wait3A_263, %dma_wait3A_264] : memref<2x4x128xi32, #tpu.memory_space<vmem>> -> memref<1x1x128xi32, #tpu.memory_space<vmem>>
      %dma_wait3A_266 = tpu.memref_squeeze %dma_wait3A_265 : memref<1x1x128xi32, #tpu.memory_space<vmem>> -> memref<128xi32, #tpu.memory_space<vmem>>
      %dma_wait3A_267 = arith.constant 0 : i32
      %dma_wait3A_268 = arith.constant 0 : i32
      %dma_wait3A_269 = tpu.memref_slice %arg2[%dma_wait3A_267, %dma_wait3A_268] : memref<10000x128xf32, #tpu.memory_space<hbm>> -> memref<10000x128xf32, #tpu.memory_space<hbm>>
      tpu.wait_indirect_dma semaphore(%arg13 : memref<!tpu.dma_semaphore, #tpu.memory_space<semaphore_mem>>) src(%dma_wait3A_269 : memref<10000x128xf32, #tpu.memory_space<hbm>>) dst(%arg9 : memref<128x128xf32, #tpu.memory_space<vmem>>)
      %dma_start3A_270 = arith.constant 0 : i32
      %dma_start3A_271 = arith.constant 1 : i32
      %dma_start3A_272 = arith.constant 0 : i32
      %dma_start3A_273 = tpu.memref_slice %arg8[%dma_start3A_270, %dma_start3A_271, %dma_start3A_272] : memref<2x4x128xi32, #tpu.memory_space<vmem>> -> memref<1x1x128xi32, #tpu.memory_space<vmem>>
      %dma_start3A_274 = tpu.memref_squeeze %dma_start3A_273 : memref<1x1x128xi32, #tpu.memory_space<vmem>> -> memref<128xi32, #tpu.memory_space<vmem>>
      %dma_start3A_275 = arith.constant 0 : i32
      %dma_start3A_276 = arith.constant 0 : i32
      %dma_start3A_277 = tpu.memref_slice %arg2[%dma_start3A_275, %dma_start3A_276] : memref<10000x128xf32, #tpu.memory_space<hbm>> -> memref<10000x128xf32, #tpu.memory_space<hbm>>
      tpu.enqueue_indirect_dma source(%dma_start3A_277 : memref<10000x128xf32, #tpu.memory_space<hbm>>) target(%arg10 : memref<128x128xf32, #tpu.memory_space<vmem>>) offsets(%dma_start3A_274 : memref<128xi32, #tpu.memory_space<vmem>>) semaphore(%arg14 : memref<!tpu.dma_semaphore, #tpu.memory_space<semaphore_mem>>)
      %run_scoped3A_278 = arith.constant 1 : i32
      %run_scoped3A_279 = arith.constant 0 : i32
      "tpu.region"() ({
        %run_scoped3A_325 = tpu.sem_alloc : memref<!tpu.dma_semaphore, #tpu.memory_space<semaphore_mem>>
        %dma_start3A_326 = arith.constant 0 : i32
        %dma_start3A_327 = tpu.memref_slice %arg8[%run_scoped3A_278, %run_scoped3A_279, %dma_start3A_326] : memref<2x4x128xi32, #tpu.memory_space<vmem>> -> memref<1x1x128xi32, #tpu.memory_space<vmem>>
        %dma_start3A_328 = tpu.memref_squeeze %dma_start3A_327 : memref<1x1x128xi32, #tpu.memory_space<vmem>> -> memref<128xi32, #tpu.memory_space<vmem>>
        %dma_start3A_329 = arith.constant 0 : i32
        %dma_start3A_330 = arith.constant 0 : i32
        %dma_start3A_331 = tpu.memref_slice %arg6[%dma_start3A_329, %dma_start3A_330] : memref<10240x128xf32, #tpu.memory_space<vmem_shared>> -> memref<10240x128xf32, #tpu.memory_space<vmem_shared>>
        tpu.enqueue_indirect_dma source(%arg9 : memref<128x128xf32, #tpu.memory_space<vmem>>) target(%dma_start3A_331 : memref<10240x128xf32, #tpu.memory_space<vmem_shared>>) offsets(%dma_start3A_328 : memref<128xi32, #tpu.memory_space<vmem>>) semaphore(%run_scoped3A_325 : memref<!tpu.dma_semaphore, #tpu.memory_space<semaphore_mem>>) {add = true}
        %dma_wait3A_332 = arith.constant 0 : i32
        %dma_wait3A_333 = tpu.memref_slice %arg8[%run_scoped3A_278, %run_scoped3A_279, %dma_wait3A_332] : memref<2x4x128xi32, #tpu.memory_space<vmem>> -> memref<1x1x128xi32, #tpu.memory_space<vmem>>
        %dma_wait3A_334 = tpu.memref_squeeze %dma_wait3A_333 : memref<1x1x128xi32, #tpu.memory_space<vmem>> -> memref<128xi32, #tpu.memory_space<vmem>>
        %dma_wait3A_335 = arith.constant 0 : i32
        %dma_wait3A_336 = arith.constant 0 : i32
        %dma_wait3A_337 = tpu.memref_slice %arg6[%dma_wait3A_335, %dma_wait3A_336] : memref<10240x128xf32, #tpu.memory_space<vmem_shared>> -> memref<10240x128xf32, #tpu.memory_space<vmem_shared>>
        tpu.wait_indirect_dma semaphore(%run_scoped3A_325 : memref<!tpu.dma_semaphore, #tpu.memory_space<semaphore_mem>>) src(%arg9 : memref<128x128xf32, #tpu.memory_space<vmem>>) dst(%dma_wait3A_337 : memref<10240x128xf32, #tpu.memory_space<vmem_shared>>)
        tpu.yield
      }) : () -> ()
      %dma_wait3A_280 = arith.constant 0 : i32
      %dma_wait3A_281 = arith.constant 1 : i32
      %dma_wait3A_282 = arith.constant 0 : i32
      %dma_wait3A_283 = tpu.memref_slice %arg8[%dma_wait3A_280, %dma_wait3A_281, %dma_wait3A_282] : memref<2x4x128xi32, #tpu.memory_space<vmem>> -> memref<1x1x128xi32, #tpu.memory_space<vmem>>
      %dma_wait3A_284 = tpu.memref_squeeze %dma_wait3A_283 : memref<1x1x128xi32, #tpu.memory_space<vmem>> -> memref<128xi32, #tpu.memory_space<vmem>>
      %dma_wait3A_285 = arith.constant 0 : i32
      %dma_wait3A_286 = arith.constant 0 : i32
      %dma_wait3A_287 = tpu.memref_slice %arg2[%dma_wait3A_285, %dma_wait3A_286] : memref<10000x128xf32, #tpu.memory_space<hbm>> -> memref<10000x128xf32, #tpu.memory_space<hbm>>
      tpu.wait_indirect_dma semaphore(%arg14 : memref<!tpu.dma_semaphore, #tpu.memory_space<semaphore_mem>>) src(%dma_wait3A_287 : memref<10000x128xf32, #tpu.memory_space<hbm>>) dst(%arg10 : memref<128x128xf32, #tpu.memory_space<vmem>>)
      %dma_start3A_288 = arith.constant 0 : i32
      %dma_start3A_289 = arith.constant 2 : i32
      %dma_start3A_290 = arith.constant 0 : i32
      %dma_start3A_291 = tpu.memref_slice %arg8[%dma_start3A_288, %dma_start3A_289, %dma_start3A_290] : memref<2x4x128xi32, #tpu.memory_space<vmem>> -> memref<1x1x128xi32, #tpu.memory_space<vmem>>
      %dma_start3A_292 = tpu.memref_squeeze %dma_start3A_291 : memref<1x1x128xi32, #tpu.memory_space<vmem>> -> memref<128xi32, #tpu.memory_space<vmem>>
      %dma_start3A_293 = arith.constant 0 : i32
      %dma_start3A_294 = arith.constant 0 : i32
      %dma_start3A_295 = tpu.memref_slice %arg2[%dma_start3A_293, %dma_start3A_294] : memref<10000x128xf32, #tpu.memory_space<hbm>> -> memref<10000x128xf32, #tpu.memory_space<hbm>>
      tpu.enqueue_indirect_dma source(%dma_start3A_295 : memref<10000x128xf32, #tpu.memory_space<hbm>>) target(%arg9 : memref<128x128xf32, #tpu.memory_space<vmem>>) offsets(%dma_start3A_292 : memref<128xi32, #tpu.memory_space<vmem>>) semaphore(%arg13 : memref<!tpu.dma_semaphore, #tpu.memory_space<semaphore_mem>>)
      %run_scoped3A_296 = arith.constant 1 : i32
      %run_scoped3A_297 = arith.constant 1 : i32
      "tpu.region"() ({
        %run_scoped3A_325 = tpu.sem_alloc : memref<!tpu.dma_semaphore, #tpu.memory_space<semaphore_mem>>
        %dma_start3A_326 = arith.constant 0 : i32
        %dma_start3A_327 = tpu.memref_slice %arg8[%run_scoped3A_296, %run_scoped3A_297, %dma_start3A_326] : memref<2x4x128xi32, #tpu.memory_space<vmem>> -> memref<1x1x128xi32, #tpu.memory_space<vmem>>
        %dma_start3A_328 = tpu.memref_squeeze %dma_start3A_327 : memref<1x1x128xi32, #tpu.memory_space<vmem>> -> memref<128xi32, #tpu.memory_space<vmem>>
        %dma_start3A_329 = arith.constant 0 : i32
        %dma_start3A_330 = arith.constant 0 : i32
        %dma_start3A_331 = tpu.memref_slice %arg6[%dma_start3A_329, %dma_start3A_330] : memref<10240x128xf32, #tpu.memory_space<vmem_shared>> -> memref<10240x128xf32, #tpu.memory_space<vmem_shared>>
        tpu.enqueue_indirect_dma source(%arg10 : memref<128x128xf32, #tpu.memory_space<vmem>>) target(%dma_start3A_331 : memref<10240x128xf32, #tpu.memory_space<vmem_shared>>) offsets(%dma_start3A_328 : memref<128xi32, #tpu.memory_space<vmem>>) semaphore(%run_scoped3A_325 : memref<!tpu.dma_semaphore, #tpu.memory_space<semaphore_mem>>) {add = true}
        %dma_wait3A_332 = arith.constant 0 : i32
        %dma_wait3A_333 = tpu.memref_slice %arg8[%run_scoped3A_296, %run_scoped3A_297, %dma_wait3A_332] : memref<2x4x128xi32, #tpu.memory_space<vmem>> -> memref<1x1x128xi32, #tpu.memory_space<vmem>>
        %dma_wait3A_334 = tpu.memref_squeeze %dma_wait3A_333 : memref<1x1x128xi32, #tpu.memory_space<vmem>> -> memref<128xi32, #tpu.memory_space<vmem>>
        %dma_wait3A_335 = arith.constant 0 : i32
        %dma_wait3A_336 = arith.constant 0 : i32
        %dma_wait3A_337 = tpu.memref_slice %arg6[%dma_wait3A_335, %dma_wait3A_336] : memref<10240x128xf32, #tpu.memory_space<vmem_shared>> -> memref<10240x128xf32, #tpu.memory_space<vmem_shared>>
        tpu.wait_indirect_dma semaphore(%run_scoped3A_325 : memref<!tpu.dma_semaphore, #tpu.memory_space<semaphore_mem>>) src(%arg10 : memref<128x128xf32, #tpu.memory_space<vmem>>) dst(%dma_wait3A_337 : memref<10240x128xf32, #tpu.memory_space<vmem_shared>>)
        tpu.yield
      }) : () -> ()
      %dma_wait3A_298 = arith.constant 0 : i32
      %dma_wait3A_299 = arith.constant 2 : i32
      %dma_wait3A_300 = arith.constant 0 : i32
      %dma_wait3A_301 = tpu.memref_slice %arg8[%dma_wait3A_298, %dma_wait3A_299, %dma_wait3A_300] : memref<2x4x128xi32, #tpu.memory_space<vmem>> -> memref<1x1x128xi32, #tpu.memory_space<vmem>>
      %dma_wait3A_302 = tpu.memref_squeeze %dma_wait3A_301 : memref<1x1x128xi32, #tpu.memory_space<vmem>> -> memref<128xi32, #tpu.memory_space<vmem>>
      %dma_wait3A_303 = arith.constant 0 : i32
      %dma_wait3A_304 = arith.constant 0 : i32
      %dma_wait3A_305 = tpu.memref_slice %arg2[%dma_wait3A_303, %dma_wait3A_304] : memref<10000x128xf32, #tpu.memory_space<hbm>> -> memref<10000x128xf32, #tpu.memory_space<hbm>>
      tpu.wait_indirect_dma semaphore(%arg13 : memref<!tpu.dma_semaphore, #tpu.memory_space<semaphore_mem>>) src(%dma_wait3A_305 : memref<10000x128xf32, #tpu.memory_space<hbm>>) dst(%arg9 : memref<128x128xf32, #tpu.memory_space<vmem>>)
      %dma_start3A_306 = arith.constant 0 : i32
      %dma_start3A_307 = arith.constant 3 : i32
      %dma_start3A_308 = arith.constant 0 : i32
      %dma_start3A_309 = tpu.memref_slice %arg8[%dma_start3A_306, %dma_start3A_307, %dma_start3A_308] : memref<2x4x128xi32, #tpu.memory_space<vmem>> -> memref<1x1x128xi32, #tpu.memory_space<vmem>>
      %dma_start3A_310 = tpu.memref_squeeze %dma_start3A_309 : memref<1x1x128xi32, #tpu.memory_space<vmem>> -> memref<128xi32, #tpu.memory_space<vmem>>
      %dma_start3A_311 = arith.constant 0 : i32
      %dma_start3A_312 = arith.constant 0 : i32
      %dma_start3A_313 = tpu.memref_slice %arg2[%dma_start3A_311, %dma_start3A_312] : memref<10000x128xf32, #tpu.memory_space<hbm>> -> memref<10000x128xf32, #tpu.memory_space<hbm>>
      tpu.enqueue_indirect_dma source(%dma_start3A_313 : memref<10000x128xf32, #tpu.memory_space<hbm>>) target(%arg10 : memref<128x128xf32, #tpu.memory_space<vmem>>) offsets(%dma_start3A_310 : memref<128xi32, #tpu.memory_space<vmem>>) semaphore(%arg14 : memref<!tpu.dma_semaphore, #tpu.memory_space<semaphore_mem>>)
      %run_scoped3A_314 = arith.constant 1 : i32
      %run_scoped3A_315 = arith.constant 2 : i32
      "tpu.region"() ({
        %run_scoped3A_325 = tpu.sem_alloc : memref<!tpu.dma_semaphore, #tpu.memory_space<semaphore_mem>>
        %dma_start3A_326 = arith.constant 0 : i32
        %dma_start3A_327 = tpu.memref_slice %arg8[%run_scoped3A_314, %run_scoped3A_315, %dma_start3A_326] : memref<2x4x128xi32, #tpu.memory_space<vmem>> -> memref<1x1x128xi32, #tpu.memory_space<vmem>>
        %dma_start3A_328 = tpu.memref_squeeze %dma_start3A_327 : memref<1x1x128xi32, #tpu.memory_space<vmem>> -> memref<128xi32, #tpu.memory_space<vmem>>
        %dma_start3A_329 = arith.constant 0 : i32
        %dma_start3A_330 = arith.constant 0 : i32
        %dma_start3A_331 = tpu.memref_slice %arg6[%dma_start3A_329, %dma_start3A_330] : memref<10240x128xf32, #tpu.memory_space<vmem_shared>> -> memref<10240x128xf32, #tpu.memory_space<vmem_shared>>
        tpu.enqueue_indirect_dma source(%arg9 : memref<128x128xf32, #tpu.memory_space<vmem>>) target(%dma_start3A_331 : memref<10240x128xf32, #tpu.memory_space<vmem_shared>>) offsets(%dma_start3A_328 : memref<128xi32, #tpu.memory_space<vmem>>) semaphore(%run_scoped3A_325 : memref<!tpu.dma_semaphore, #tpu.memory_space<semaphore_mem>>) {add = true}
        %dma_wait3A_332 = arith.constant 0 : i32
        %dma_wait3A_333 = tpu.memref_slice %arg8[%run_scoped3A_314, %run_scoped3A_315, %dma_wait3A_332] : memref<2x4x128xi32, #tpu.memory_space<vmem>> -> memref<1x1x128xi32, #tpu.memory_space<vmem>>
        %dma_wait3A_334 = tpu.memref_squeeze %dma_wait3A_333 : memref<1x1x128xi32, #tpu.memory_space<vmem>> -> memref<128xi32, #tpu.memory_space<vmem>>
        %dma_wait3A_335 = arith.constant 0 : i32
        %dma_wait3A_336 = arith.constant 0 : i32
        %dma_wait3A_337 = tpu.memref_slice %arg6[%dma_wait3A_335, %dma_wait3A_336] : memref<10240x128xf32, #tpu.memory_space<vmem_shared>> -> memref<10240x128xf32, #tpu.memory_space<vmem_shared>>
        tpu.wait_indirect_dma semaphore(%run_scoped3A_325 : memref<!tpu.dma_semaphore, #tpu.memory_space<semaphore_mem>>) src(%arg9 : memref<128x128xf32, #tpu.memory_space<vmem>>) dst(%dma_wait3A_337 : memref<10240x128xf32, #tpu.memory_space<vmem_shared>>)
        tpu.yield
      }) : () -> ()
      %lt3A_316 = arith.constant 9 : i32
      %lt3A_317 = arith.cmpi slt, %scan3A_177, %lt3A_316 : i32
      %convert_element_type3A_318 = arith.extui %lt3A_317 : i1 to i32
      %cond3A_319 = arith.constant 0 : i32
      %cond3A_320 = arith.cmpi ne, %convert_element_type3A_318, %cond3A_319 : i32
      scf.if %cond3A_320 {
        %dma_wait3A_325 = arith.constant 0 : i32
        %dma_wait3A_326 = arith.constant 0 : i32
        %dma_wait3A_327 = arith.constant 0 : i32
        %dma_wait3A_328 = arith.constant 0 : i32
        %dma_wait3A_329 = tpu.memref_slice %arg3[%add3A, %dma_wait3A_325, %dma_wait3A_326, %dma_wait3A_327, %dma_wait3A_328] : memref<32x20x2x4x128xi32, #tpu.memory_space<hbm>> -> memref<1x1x2x4x128xi32, #tpu.memory_space<hbm>>
        %dma_wait3A_330 = tpu.memref_squeeze %dma_wait3A_329 : memref<1x1x2x4x128xi32, #tpu.memory_space<hbm>> -> memref<2x4x128xi32, #tpu.memory_space<hbm>>
        %dma_wait3A_331 = arith.constant 0 : i32
        %dma_wait3A_332 = arith.constant 0 : i32
        %dma_wait3A_333 = arith.constant 0 : i32
        %dma_wait3A_334 = tpu.memref_slice %arg3[%add3A, %dma_wait3A_325, %dma_wait3A_331, %dma_wait3A_332, %dma_wait3A_333] : memref<32x20x2x4x128xi32, #tpu.memory_space<hbm>> -> memref<1x1x2x4x128xi32, #tpu.memory_space<hbm>>
        %dma_wait3A_335 = tpu.memref_squeeze %dma_wait3A_334 : memref<1x1x2x4x128xi32, #tpu.memory_space<hbm>> -> memref<2x4x128xi32, #tpu.memory_space<hbm>>
        tpu.wait_dma2 semaphore(%arg11 : memref<!tpu.dma_semaphore, #tpu.memory_space<semaphore_mem>>) src(%dma_wait3A_335 : memref<2x4x128xi32, #tpu.memory_space<hbm>>) dst(%arg7 : memref<2x4x128xi32, #tpu.memory_space<vmem>>)
        %dma_wait3A_336 = arith.constant 0 : i32
        %dma_wait3A_337 = arith.constant 3 : i32
        %dma_wait3A_338 = arith.constant 0 : i32
        %dma_wait3A_339 = tpu.memref_slice %arg8[%dma_wait3A_336, %dma_wait3A_337, %dma_wait3A_338] : memref<2x4x128xi32, #tpu.memory_space<vmem>> -> memref<1x1x128xi32, #tpu.memory_space<vmem>>
        %dma_wait3A_340 = tpu.memref_squeeze %dma_wait3A_339 : memref<1x1x128xi32, #tpu.memory_space<vmem>> -> memref<128xi32, #tpu.memory_space<vmem>>
        %dma_wait3A_341 = arith.constant 0 : i32
        %dma_wait3A_342 = arith.constant 0 : i32
        %dma_wait3A_343 = tpu.memref_slice %arg2[%dma_wait3A_341, %dma_wait3A_342] : memref<10000x128xf32, #tpu.memory_space<hbm>> -> memref<10000x128xf32, #tpu.memory_space<hbm>>
        tpu.wait_indirect_dma semaphore(%arg14 : memref<!tpu.dma_semaphore, #tpu.memory_space<semaphore_mem>>) src(%dma_wait3A_343 : memref<10000x128xf32, #tpu.memory_space<hbm>>) dst(%arg10 : memref<128x128xf32, #tpu.memory_space<vmem>>)
        %dma_start3A_344 = arith.constant 0 : i32
        %dma_start3A_345 = arith.constant 0 : i32
        %dma_start3A_346 = arith.constant 0 : i32
        %dma_start3A_347 = tpu.memref_slice %arg7[%dma_start3A_344, %dma_start3A_345, %dma_start3A_346] : memref<2x4x128xi32, #tpu.memory_space<vmem>> -> memref<1x1x128xi32, #tpu.memory_space<vmem>>
        %dma_start3A_348 = tpu.memref_squeeze %dma_start3A_347 : memref<1x1x128xi32, #tpu.memory_space<vmem>> -> memref<128xi32, #tpu.memory_space<vmem>>
        %dma_start3A_349 = arith.constant 0 : i32
        %dma_start3A_350 = arith.constant 0 : i32
        %dma_start3A_351 = tpu.memref_slice %arg2[%dma_start3A_349, %dma_start3A_350] : memref<10000x128xf32, #tpu.memory_space<hbm>> -> memref<10000x128xf32, #tpu.memory_space<hbm>>
        tpu.enqueue_indirect_dma source(%dma_start3A_351 : memref<10000x128xf32, #tpu.memory_space<hbm>>) target(%arg9 : memref<128x128xf32, #tpu.memory_space<vmem>>) offsets(%dma_start3A_348 : memref<128xi32, #tpu.memory_space<vmem>>) semaphore(%arg13 : memref<!tpu.dma_semaphore, #tpu.memory_space<semaphore_mem>>)
        %run_scoped3A_352 = arith.constant 1 : i32
        %run_scoped3A_353 = arith.constant 3 : i32
        "tpu.region"() ({
          %run_scoped3A_368 = tpu.sem_alloc : memref<!tpu.dma_semaphore, #tpu.memory_space<semaphore_mem>>
          %dma_start3A_369 = arith.constant 0 : i32
          %dma_start3A_370 = tpu.memref_slice %arg8[%run_scoped3A_352, %run_scoped3A_353, %dma_start3A_369] : memref<2x4x128xi32, #tpu.memory_space<vmem>> -> memref<1x1x128xi32, #tpu.memory_space<vmem>>
          %dma_start3A_371 = tpu.memref_squeeze %dma_start3A_370 : memref<1x1x128xi32, #tpu.memory_space<vmem>> -> memref<128xi32, #tpu.memory_space<vmem>>
          %dma_start3A_372 = arith.constant 0 : i32
          %dma_start3A_373 = arith.constant 0 : i32
          %dma_start3A_374 = tpu.memref_slice %arg6[%dma_start3A_372, %dma_start3A_373] : memref<10240x128xf32, #tpu.memory_space<vmem_shared>> -> memref<10240x128xf32, #tpu.memory_space<vmem_shared>>
          tpu.enqueue_indirect_dma source(%arg10 : memref<128x128xf32, #tpu.memory_space<vmem>>) target(%dma_start3A_374 : memref<10240x128xf32, #tpu.memory_space<vmem_shared>>) offsets(%dma_start3A_371 : memref<128xi32, #tpu.memory_space<vmem>>) semaphore(%run_scoped3A_368 : memref<!tpu.dma_semaphore, #tpu.memory_space<semaphore_mem>>) {add = true}
          %dma_wait3A_375 = arith.constant 0 : i32
          %dma_wait3A_376 = tpu.memref_slice %arg8[%run_scoped3A_352, %run_scoped3A_353, %dma_wait3A_375] : memref<2x4x128xi32, #tpu.memory_space<vmem>> -> memref<1x1x128xi32, #tpu.memory_space<vmem>>
          %dma_wait3A_377 = tpu.memref_squeeze %dma_wait3A_376 : memref<1x1x128xi32, #tpu.memory_space<vmem>> -> memref<128xi32, #tpu.memory_space<vmem>>
          %dma_wait3A_378 = arith.constant 0 : i32
          %dma_wait3A_379 = arith.constant 0 : i32
          %dma_wait3A_380 = tpu.memref_slice %arg6[%dma_wait3A_378, %dma_wait3A_379] : memref<10240x128xf32, #tpu.memory_space<vmem_shared>> -> memref<10240x128xf32, #tpu.memory_space<vmem_shared>>
          tpu.wait_indirect_dma semaphore(%run_scoped3A_368 : memref<!tpu.dma_semaphore, #tpu.memory_space<semaphore_mem>>) src(%arg10 : memref<128x128xf32, #tpu.memory_space<vmem>>) dst(%dma_wait3A_380 : memref<10240x128xf32, #tpu.memory_space<vmem_shared>>)
          tpu.yield
        }) : () -> ()
        %mul3A_354 = arith.constant 2 : i32
        %mul3A_355 = arith.muli %mul3A_354, %scan3A_177 : i32
        %add3A_356 = arith.constant 3 : i32
        %add3A_357 = arith.addi %mul3A_355, %add3A_356 : i32
        %dma_start3A_358 = arith.constant 0 : i32
        %dma_start3A_359 = arith.constant 0 : i32
        %dma_start3A_360 = arith.constant 0 : i32
        %dma_start3A_361 = tpu.memref_slice %arg3[%add3A, %add3A_357, %dma_start3A_358, %dma_start3A_359, %dma_start3A_360] : memref<32x20x2x4x128xi32, #tpu.memory_space<hbm>> -> memref<1x1x2x4x128xi32, #tpu.memory_space<hbm>>
        %dma_start3A_362 = tpu.memref_squeeze %dma_start3A_361 : memref<1x1x2x4x128xi32, #tpu.memory_space<hbm>> -> memref<2x4x128xi32, #tpu.memory_space<hbm>>
        %dma_start3A_363 = arith.constant 0 : i32
        %dma_start3A_364 = arith.constant 0 : i32
        %dma_start3A_365 = arith.constant 0 : i32
        %dma_start3A_366 = tpu.memref_slice %arg3[%add3A, %add3A_357, %dma_start3A_363, %dma_start3A_364, %dma_start3A_365] : memref<32x20x2x4x128xi32, #tpu.memory_space<hbm>> -> memref<1x1x2x4x128xi32, #tpu.memory_space<hbm>>
        %dma_start3A_367 = tpu.memref_squeeze %dma_start3A_366 : memref<1x1x2x4x128xi32, #tpu.memory_space<hbm>> -> memref<2x4x128xi32, #tpu.memory_space<hbm>>
        tpu.enqueue_dma source(%dma_start3A_367 : memref<2x4x128xi32, #tpu.memory_space<hbm>>) target(%arg8 : memref<2x4x128xi32, #tpu.memory_space<vmem>>) target_semaphore(%arg12 : memref<!tpu.dma_semaphore, #tpu.memory_space<semaphore_mem>>)
      } else {
      }
      %eq3A = arith.constant 9 : i32
      %eq3A_321 = arith.cmpi eq, %scan3A_177, %eq3A : i32
      %convert_element_type3A_322 = arith.extui %eq3A_321 : i1 to i32
      %cond3A_323 = arith.constant 0 : i32
      %cond3A_324 = arith.cmpi ne, %convert_element_type3A_322, %cond3A_323 : i32
      scf.if %cond3A_324 {
        %dma_wait3A_325 = arith.constant 0 : i32
        %dma_wait3A_326 = arith.constant 3 : i32
        %dma_wait3A_327 = arith.constant 0 : i32
        %dma_wait3A_328 = tpu.memref_slice %arg8[%dma_wait3A_325, %dma_wait3A_326, %dma_wait3A_327] : memref<2x4x128xi32, #tpu.memory_space<vmem>> -> memref<1x1x128xi32, #tpu.memory_space<vmem>>
        %dma_wait3A_329 = tpu.memref_squeeze %dma_wait3A_328 : memref<1x1x128xi32, #tpu.memory_space<vmem>> -> memref<128xi32, #tpu.memory_space<vmem>>
        %dma_wait3A_330 = arith.constant 0 : i32
        %dma_wait3A_331 = arith.constant 0 : i32
        %dma_wait3A_332 = tpu.memref_slice %arg2[%dma_wait3A_330, %dma_wait3A_331] : memref<10000x128xf32, #tpu.memory_space<hbm>> -> memref<10000x128xf32, #tpu.memory_space<hbm>>
        tpu.wait_indirect_dma semaphore(%arg14 : memref<!tpu.dma_semaphore, #tpu.memory_space<semaphore_mem>>) src(%dma_wait3A_332 : memref<10000x128xf32, #tpu.memory_space<hbm>>) dst(%arg10 : memref<128x128xf32, #tpu.memory_space<vmem>>)
        %run_scoped3A_333 = arith.constant 1 : i32
        %run_scoped3A_334 = arith.constant 3 : i32
        "tpu.region"() ({
          %run_scoped3A_335 = tpu.sem_alloc : memref<!tpu.dma_semaphore, #tpu.memory_space<semaphore_mem>>
          %dma_start3A_336 = arith.constant 0 : i32
          %dma_start3A_337 = tpu.memref_slice %arg8[%run_scoped3A_333, %run_scoped3A_334, %dma_start3A_336] : memref<2x4x128xi32, #tpu.memory_space<vmem>> -> memref<1x1x128xi32, #tpu.memory_space<vmem>>
          %dma_start3A_338 = tpu.memref_squeeze %dma_start3A_337 : memref<1x1x128xi32, #tpu.memory_space<vmem>> -> memref<128xi32, #tpu.memory_space<vmem>>
          %dma_start3A_339 = arith.constant 0 : i32
          %dma_start3A_340 = arith.constant 0 : i32
          %dma_start3A_341 = tpu.memref_slice %arg6[%dma_start3A_339, %dma_start3A_340] : memref<10240x128xf32, #tpu.memory_space<vmem_shared>> -> memref<10240x128xf32, #tpu.memory_space<vmem_shared>>
          tpu.enqueue_indirect_dma source(%arg10 : memref<128x128xf32, #tpu.memory_space<vmem>>) target(%dma_start3A_341 : memref<10240x128xf32, #tpu.memory_space<vmem_shared>>) offsets(%dma_start3A_338 : memref<128xi32, #tpu.memory_space<vmem>>) semaphore(%run_scoped3A_335 : memref<!tpu.dma_semaphore, #tpu.memory_space<semaphore_mem>>) {add = true}
          %dma_wait3A_342 = arith.constant 0 : i32
          %dma_wait3A_343 = tpu.memref_slice %arg8[%run_scoped3A_333, %run_scoped3A_334, %dma_wait3A_342] : memref<2x4x128xi32, #tpu.memory_space<vmem>> -> memref<1x1x128xi32, #tpu.memory_space<vmem>>
          %dma_wait3A_344 = tpu.memref_squeeze %dma_wait3A_343 : memref<1x1x128xi32, #tpu.memory_space<vmem>> -> memref<128xi32, #tpu.memory_space<vmem>>
          %dma_wait3A_345 = arith.constant 0 : i32
          %dma_wait3A_346 = arith.constant 0 : i32
          %dma_wait3A_347 = tpu.memref_slice %arg6[%dma_wait3A_345, %dma_wait3A_346] : memref<10240x128xf32, #tpu.memory_space<vmem_shared>> -> memref<10240x128xf32, #tpu.memory_space<vmem_shared>>
          tpu.wait_indirect_dma semaphore(%run_scoped3A_335 : memref<!tpu.dma_semaphore, #tpu.memory_space<semaphore_mem>>) src(%arg10 : memref<128x128xf32, #tpu.memory_space<vmem>>) dst(%dma_wait3A_347 : memref<10240x128xf32, #tpu.memory_space<vmem_shared>>)
          tpu.yield
        }) : () -> ()
      } else {
      }
    }
    %scan3A_95 = arith.constant 10 : i32
    %barrier3A_96 = arith.constant 0 : index
    tpu.barrier barrier_id(%barrier3A_96)
    %add3A_97 = arith.constant 0 : i32
    %add3A_98 = arith.addi %mul3A_2, %add3A_97 : i32
    "tpu.region"() ({
      %run_scoped3A = tpu.sem_alloc : memref<!tpu.dma_semaphore, #tpu.memory_space<semaphore_mem>>
      %dma_start3A_177 = arith.constant 0 : i32
      %dma_start3A_178 = tpu.memref_slice %arg6[%add3A_98, %dma_start3A_177] : memref<10240x128xf32, #tpu.memory_space<vmem_shared>> -> memref<128x128xf32, #tpu.memory_space<vmem_shared>>
      %dma_start3A_179 = arith.constant 0 : i32
      %dma_start3A_180 = tpu.memref_slice %arg6[%add3A_98, %dma_start3A_179] : memref<10240x128xf32, #tpu.memory_space<vmem_shared>> -> memref<128x128xf32, #tpu.memory_space<vmem_shared>>
      tpu.enqueue_dma source(%dma_start3A_180 : memref<128x128xf32, #tpu.memory_space<vmem_shared>>) target(%arg9 : memref<128x128xf32, #tpu.memory_space<vmem>>) target_semaphore(%run_scoped3A : memref<!tpu.dma_semaphore, #tpu.memory_space<semaphore_mem>>)
      %dma_wait3A_181 = arith.constant 0 : i32
      %dma_wait3A_182 = tpu.memref_slice %arg6[%add3A_98, %dma_wait3A_181] : memref<10240x128xf32, #tpu.memory_space<vmem_shared>> -> memref<128x128xf32, #tpu.memory_space<vmem_shared>>
      %dma_wait3A_183 = arith.constant 0 : i32
      %dma_wait3A_184 = tpu.memref_slice %arg6[%add3A_98, %dma_wait3A_183] : memref<10240x128xf32, #tpu.memory_space<vmem_shared>> -> memref<128x128xf32, #tpu.memory_space<vmem_shared>>
      tpu.wait_dma2 semaphore(%run_scoped3A : memref<!tpu.dma_semaphore, #tpu.memory_space<semaphore_mem>>) src(%dma_wait3A_184 : memref<128x128xf32, #tpu.memory_space<vmem_shared>>) dst(%arg9 : memref<128x128xf32, #tpu.memory_space<vmem>>)
      tpu.yield
    }) : () -> ()
    %add3A_99 = arith.constant 0 : i32
    %add3A_100 = arith.addi %mul3A_2, %add3A_99 : i32
    %dma_start3A_101 = arith.constant 0 : i32
    %dma_start3A_102 = tpu.memref_slice %arg5[%arg0, %add3A_100, %dma_start3A_101] : memref<2x10240x128xf32, #tpu.memory_space<hbm>> -> memref<1x128x128xf32, #tpu.memory_space<hbm>>
    %dma_start3A_103 = tpu.memref_squeeze %dma_start3A_102 : memref<1x128x128xf32, #tpu.memory_space<hbm>> -> memref<128x128xf32, #tpu.memory_space<hbm>>
    %dma_start3A_104 = arith.constant 0 : i32
    %dma_start3A_105 = tpu.memref_slice %arg5[%arg0, %add3A_100, %dma_start3A_104] : memref<2x10240x128xf32, #tpu.memory_space<hbm>> -> memref<1x128x128xf32, #tpu.memory_space<hbm>>
    %dma_start3A_106 = tpu.memref_squeeze %dma_start3A_105 : memref<1x128x128xf32, #tpu.memory_space<hbm>> -> memref<128x128xf32, #tpu.memory_space<hbm>>
    tpu.enqueue_dma source(%arg9 : memref<128x128xf32, #tpu.memory_space<vmem>>) target(%dma_start3A_106 : memref<128x128xf32, #tpu.memory_space<hbm>>) target_semaphore(%arg13 : memref<!tpu.dma_semaphore, #tpu.memory_space<semaphore_mem>>)
    %add3A_107 = arith.constant 128 : i32
    %add3A_108 = arith.addi %mul3A_2, %add3A_107 : i32
    "tpu.region"() ({
      %run_scoped3A = tpu.sem_alloc : memref<!tpu.dma_semaphore, #tpu.memory_space<semaphore_mem>>
      %dma_start3A_177 = arith.constant 0 : i32
      %dma_start3A_178 = tpu.memref_slice %arg6[%add3A_108, %dma_start3A_177] : memref<10240x128xf32, #tpu.memory_space<vmem_shared>> -> memref<128x128xf32, #tpu.memory_space<vmem_shared>>
      %dma_start3A_179 = arith.constant 0 : i32
      %dma_start3A_180 = tpu.memref_slice %arg6[%add3A_108, %dma_start3A_179] : memref<10240x128xf32, #tpu.memory_space<vmem_shared>> -> memref<128x128xf32, #tpu.memory_space<vmem_shared>>
      tpu.enqueue_dma source(%dma_start3A_180 : memref<128x128xf32, #tpu.memory_space<vmem_shared>>) target(%arg10 : memref<128x128xf32, #tpu.memory_space<vmem>>) target_semaphore(%run_scoped3A : memref<!tpu.dma_semaphore, #tpu.memory_space<semaphore_mem>>)
      %dma_wait3A_181 = arith.constant 0 : i32
      %dma_wait3A_182 = tpu.memref_slice %arg6[%add3A_108, %dma_wait3A_181] : memref<10240x128xf32, #tpu.memory_space<vmem_shared>> -> memref<128x128xf32, #tpu.memory_space<vmem_shared>>
      %dma_wait3A_183 = arith.constant 0 : i32
      %dma_wait3A_184 = tpu.memref_slice %arg6[%add3A_108, %dma_wait3A_183] : memref<10240x128xf32, #tpu.memory_space<vmem_shared>> -> memref<128x128xf32, #tpu.memory_space<vmem_shared>>
      tpu.wait_dma2 semaphore(%run_scoped3A : memref<!tpu.dma_semaphore, #tpu.memory_space<semaphore_mem>>) src(%dma_wait3A_184 : memref<128x128xf32, #tpu.memory_space<vmem_shared>>) dst(%arg10 : memref<128x128xf32, #tpu.memory_space<vmem>>)
      tpu.yield
    }) : () -> ()
    %add3A_109 = arith.constant 128 : i32
    %add3A_110 = arith.addi %mul3A_2, %add3A_109 : i32
    %dma_start3A_111 = arith.constant 0 : i32
    %dma_start3A_112 = tpu.memref_slice %arg5[%arg0, %add3A_110, %dma_start3A_111] : memref<2x10240x128xf32, #tpu.memory_space<hbm>> -> memref<1x128x128xf32, #tpu.memory_space<hbm>>
    %dma_start3A_113 = tpu.memref_squeeze %dma_start3A_112 : memref<1x128x128xf32, #tpu.memory_space<hbm>> -> memref<128x128xf32, #tpu.memory_space<hbm>>
    %dma_start3A_114 = arith.constant 0 : i32
    %dma_start3A_115 = tpu.memref_slice %arg5[%arg0, %add3A_110, %dma_start3A_114] : memref<2x10240x128xf32, #tpu.memory_space<hbm>> -> memref<1x128x128xf32, #tpu.memory_space<hbm>>
    %dma_start3A_116 = tpu.memref_squeeze %dma_start3A_115 : memref<1x128x128xf32, #tpu.memory_space<hbm>> -> memref<128x128xf32, #tpu.memory_space<hbm>>
    tpu.enqueue_dma source(%arg10 : memref<128x128xf32, #tpu.memory_space<vmem>>) target(%dma_start3A_116 : memref<128x128xf32, #tpu.memory_space<hbm>>) target_semaphore(%arg14 : memref<!tpu.dma_semaphore, #tpu.memory_space<semaphore_mem>>)
    %dma_wait3A_117 = arith.constant 0 : i32
    %dma_wait3A_118 = tpu.memref_slice %arg5[%arg0, %mul3A_2, %dma_wait3A_117] : memref<2x10240x128xf32, #tpu.memory_space<hbm>> -> memref<1x128x128xf32, #tpu.memory_space<hbm>>
    %dma_wait3A_119 = tpu.memref_squeeze %dma_wait3A_118 : memref<1x128x128xf32, #tpu.memory_space<hbm>> -> memref<128x128xf32, #tpu.memory_space<hbm>>
    %dma_wait3A_120 = arith.constant 0 : i32
    %dma_wait3A_121 = tpu.memref_slice %arg5[%arg0, %mul3A_2, %dma_wait3A_120] : memref<2x10240x128xf32, #tpu.memory_space<hbm>> -> memref<1x128x128xf32, #tpu.memory_space<hbm>>
    %dma_wait3A_122 = tpu.memref_squeeze %dma_wait3A_121 : memref<1x128x128xf32, #tpu.memory_space<hbm>> -> memref<128x128xf32, #tpu.memory_space<hbm>>
    tpu.wait_dma2 semaphore(%arg13 : memref<!tpu.dma_semaphore, #tpu.memory_space<semaphore_mem>>) src(%arg9 : memref<128x128xf32, #tpu.memory_space<vmem>>) dst(%dma_wait3A_122 : memref<128x128xf32, #tpu.memory_space<hbm>>)
    %add3A_123 = arith.constant 256 : i32
    %add3A_124 = arith.addi %mul3A_2, %add3A_123 : i32
    "tpu.region"() ({
      %run_scoped3A = tpu.sem_alloc : memref<!tpu.dma_semaphore, #tpu.memory_space<semaphore_mem>>
      %dma_start3A_177 = arith.constant 0 : i32
      %dma_start3A_178 = tpu.memref_slice %arg6[%add3A_124, %dma_start3A_177] : memref<10240x128xf32, #tpu.memory_space<vmem_shared>> -> memref<128x128xf32, #tpu.memory_space<vmem_shared>>
      %dma_start3A_179 = arith.constant 0 : i32
      %dma_start3A_180 = tpu.memref_slice %arg6[%add3A_124, %dma_start3A_179] : memref<10240x128xf32, #tpu.memory_space<vmem_shared>> -> memref<128x128xf32, #tpu.memory_space<vmem_shared>>
      tpu.enqueue_dma source(%dma_start3A_180 : memref<128x128xf32, #tpu.memory_space<vmem_shared>>) target(%arg9 : memref<128x128xf32, #tpu.memory_space<vmem>>) target_semaphore(%run_scoped3A : memref<!tpu.dma_semaphore, #tpu.memory_space<semaphore_mem>>)
      %dma_wait3A_181 = arith.constant 0 : i32
      %dma_wait3A_182 = tpu.memref_slice %arg6[%add3A_124, %dma_wait3A_181] : memref<10240x128xf32, #tpu.memory_space<vmem_shared>> -> memref<128x128xf32, #tpu.memory_space<vmem_shared>>
      %dma_wait3A_183 = arith.constant 0 : i32
      %dma_wait3A_184 = tpu.memref_slice %arg6[%add3A_124, %dma_wait3A_183] : memref<10240x128xf32, #tpu.memory_space<vmem_shared>> -> memref<128x128xf32, #tpu.memory_space<vmem_shared>>
      tpu.wait_dma2 semaphore(%run_scoped3A : memref<!tpu.dma_semaphore, #tpu.memory_space<semaphore_mem>>) src(%dma_wait3A_184 : memref<128x128xf32, #tpu.memory_space<vmem_shared>>) dst(%arg9 : memref<128x128xf32, #tpu.memory_space<vmem>>)
      tpu.yield
    }) : () -> ()
    %add3A_125 = arith.constant 256 : i32
    %add3A_126 = arith.addi %mul3A_2, %add3A_125 : i32
    %dma_start3A_127 = arith.constant 0 : i32
    %dma_start3A_128 = tpu.memref_slice %arg5[%arg0, %add3A_126, %dma_start3A_127] : memref<2x10240x128xf32, #tpu.memory_space<hbm>> -> memref<1x128x128xf32, #tpu.memory_space<hbm>>
    %dma_start3A_129 = tpu.memref_squeeze %dma_start3A_128 : memref<1x128x128xf32, #tpu.memory_space<hbm>> -> memref<128x128xf32, #tpu.memory_space<hbm>>
    %dma_start3A_130 = arith.constant 0 : i32
    %dma_start3A_131 = tpu.memref_slice %arg5[%arg0, %add3A_126, %dma_start3A_130] : memref<2x10240x128xf32, #tpu.memory_space<hbm>> -> memref<1x128x128xf32, #tpu.memory_space<hbm>>
    %dma_start3A_132 = tpu.memref_squeeze %dma_start3A_131 : memref<1x128x128xf32, #tpu.memory_space<hbm>> -> memref<128x128xf32, #tpu.memory_space<hbm>>
    tpu.enqueue_dma source(%arg9 : memref<128x128xf32, #tpu.memory_space<vmem>>) target(%dma_start3A_132 : memref<128x128xf32, #tpu.memory_space<hbm>>) target_semaphore(%arg13 : memref<!tpu.dma_semaphore, #tpu.memory_space<semaphore_mem>>)
    %dma_wait3A_133 = arith.constant 0 : i32
    %dma_wait3A_134 = tpu.memref_slice %arg5[%arg0, %mul3A_2, %dma_wait3A_133] : memref<2x10240x128xf32, #tpu.memory_space<hbm>> -> memref<1x128x128xf32, #tpu.memory_space<hbm>>
    %dma_wait3A_135 = tpu.memref_squeeze %dma_wait3A_134 : memref<1x128x128xf32, #tpu.memory_space<hbm>> -> memref<128x128xf32, #tpu.memory_space<hbm>>
    %dma_wait3A_136 = arith.constant 0 : i32
    %dma_wait3A_137 = tpu.memref_slice %arg5[%arg0, %mul3A_2, %dma_wait3A_136] : memref<2x10240x128xf32, #tpu.memory_space<hbm>> -> memref<1x128x128xf32, #tpu.memory_space<hbm>>
    %dma_wait3A_138 = tpu.memref_squeeze %dma_wait3A_137 : memref<1x128x128xf32, #tpu.memory_space<hbm>> -> memref<128x128xf32, #tpu.memory_space<hbm>>
    tpu.wait_dma2 semaphore(%arg14 : memref<!tpu.dma_semaphore, #tpu.memory_space<semaphore_mem>>) src(%arg10 : memref<128x128xf32, #tpu.memory_space<vmem>>) dst(%dma_wait3A_138 : memref<128x128xf32, #tpu.memory_space<hbm>>)
    %add3A_139 = arith.constant 384 : i32
    %add3A_140 = arith.addi %mul3A_2, %add3A_139 : i32
    "tpu.region"() ({
      %run_scoped3A = tpu.sem_alloc : memref<!tpu.dma_semaphore, #tpu.memory_space<semaphore_mem>>
      %dma_start3A_177 = arith.constant 0 : i32
      %dma_start3A_178 = tpu.memref_slice %arg6[%add3A_140, %dma_start3A_177] : memref<10240x128xf32, #tpu.memory_space<vmem_shared>> -> memref<128x128xf32, #tpu.memory_space<vmem_shared>>
      %dma_start3A_179 = arith.constant 0 : i32
      %dma_start3A_180 = tpu.memref_slice %arg6[%add3A_140, %dma_start3A_179] : memref<10240x128xf32, #tpu.memory_space<vmem_shared>> -> memref<128x128xf32, #tpu.memory_space<vmem_shared>>
      tpu.enqueue_dma source(%dma_start3A_180 : memref<128x128xf32, #tpu.memory_space<vmem_shared>>) target(%arg10 : memref<128x128xf32, #tpu.memory_space<vmem>>) target_semaphore(%run_scoped3A : memref<!tpu.dma_semaphore, #tpu.memory_space<semaphore_mem>>)
      %dma_wait3A_181 = arith.constant 0 : i32
      %dma_wait3A_182 = tpu.memref_slice %arg6[%add3A_140, %dma_wait3A_181] : memref<10240x128xf32, #tpu.memory_space<vmem_shared>> -> memref<128x128xf32, #tpu.memory_space<vmem_shared>>
      %dma_wait3A_183 = arith.constant 0 : i32
      %dma_wait3A_184 = tpu.memref_slice %arg6[%add3A_140, %dma_wait3A_183] : memref<10240x128xf32, #tpu.memory_space<vmem_shared>> -> memref<128x128xf32, #tpu.memory_space<vmem_shared>>
      tpu.wait_dma2 semaphore(%run_scoped3A : memref<!tpu.dma_semaphore, #tpu.memory_space<semaphore_mem>>) src(%dma_wait3A_184 : memref<128x128xf32, #tpu.memory_space<vmem_shared>>) dst(%arg10 : memref<128x128xf32, #tpu.memory_space<vmem>>)
      tpu.yield
    }) : () -> ()
    %add3A_141 = arith.constant 384 : i32
    %add3A_142 = arith.addi %mul3A_2, %add3A_141 : i32
    %dma_start3A_143 = arith.constant 0 : i32
    %dma_start3A_144 = tpu.memref_slice %arg5[%arg0, %add3A_142, %dma_start3A_143] : memref<2x10240x128xf32, #tpu.memory_space<hbm>> -> memref<1x128x128xf32, #tpu.memory_space<hbm>>
    %dma_start3A_145 = tpu.memref_squeeze %dma_start3A_144 : memref<1x128x128xf32, #tpu.memory_space<hbm>> -> memref<128x128xf32, #tpu.memory_space<hbm>>
    %dma_start3A_146 = arith.constant 0 : i32
    %dma_start3A_147 = tpu.memref_slice %arg5[%arg0, %add3A_142, %dma_start3A_146] : memref<2x10240x128xf32, #tpu.memory_space<hbm>> -> memref<1x128x128xf32, #tpu.memory_space<hbm>>
    %dma_start3A_148 = tpu.memref_squeeze %dma_start3A_147 : memref<1x128x128xf32, #tpu.memory_space<hbm>> -> memref<128x128xf32, #tpu.memory_space<hbm>>
    tpu.enqueue_dma source(%arg10 : memref<128x128xf32, #tpu.memory_space<vmem>>) target(%dma_start3A_148 : memref<128x128xf32, #tpu.memory_space<hbm>>) target_semaphore(%arg14 : memref<!tpu.dma_semaphore, #tpu.memory_space<semaphore_mem>>)
    %dma_wait3A_149 = arith.constant 0 : i32
    %dma_wait3A_150 = tpu.memref_slice %arg5[%arg0, %mul3A_2, %dma_wait3A_149] : memref<2x10240x128xf32, #tpu.memory_space<hbm>> -> memref<1x128x128xf32, #tpu.memory_space<hbm>>
    %dma_wait3A_151 = tpu.memref_squeeze %dma_wait3A_150 : memref<1x128x128xf32, #tpu.memory_space<hbm>> -> memref<128x128xf32, #tpu.memory_space<hbm>>
    %dma_wait3A_152 = arith.constant 0 : i32
    %dma_wait3A_153 = tpu.memref_slice %arg5[%arg0, %mul3A_2, %dma_wait3A_152] : memref<2x10240x128xf32, #tpu.memory_space<hbm>> -> memref<1x128x128xf32, #tpu.memory_space<hbm>>
    %dma_wait3A_154 = tpu.memref_squeeze %dma_wait3A_153 : memref<1x128x128xf32, #tpu.memory_space<hbm>> -> memref<128x128xf32, #tpu.memory_space<hbm>>
    tpu.wait_dma2 semaphore(%arg13 : memref<!tpu.dma_semaphore, #tpu.memory_space<semaphore_mem>>) src(%arg9 : memref<128x128xf32, #tpu.memory_space<vmem>>) dst(%dma_wait3A_154 : memref<128x128xf32, #tpu.memory_space<hbm>>)
    %add3A_155 = arith.constant 512 : i32
    %add3A_156 = arith.addi %mul3A_2, %add3A_155 : i32
    "tpu.region"() ({
      %run_scoped3A = tpu.sem_alloc : memref<!tpu.dma_semaphore, #tpu.memory_space<semaphore_mem>>
      %dma_start3A_177 = arith.constant 0 : i32
      %dma_start3A_178 = tpu.memref_slice %arg6[%add3A_156, %dma_start3A_177] : memref<10240x128xf32, #tpu.memory_space<vmem_shared>> -> memref<128x128xf32, #tpu.memory_space<vmem_shared>>
      %dma_start3A_179 = arith.constant 0 : i32
      %dma_start3A_180 = tpu.memref_slice %arg6[%add3A_156, %dma_start3A_179] : memref<10240x128xf32, #tpu.memory_space<vmem_shared>> -> memref<128x128xf32, #tpu.memory_space<vmem_shared>>
      tpu.enqueue_dma source(%dma_start3A_180 : memref<128x128xf32, #tpu.memory_space<vmem_shared>>) target(%arg9 : memref<128x128xf32, #tpu.memory_space<vmem>>) target_semaphore(%run_scoped3A : memref<!tpu.dma_semaphore, #tpu.memory_space<semaphore_mem>>)
      %dma_wait3A_181 = arith.constant 0 : i32
      %dma_wait3A_182 = tpu.memref_slice %arg6[%add3A_156, %dma_wait3A_181] : memref<10240x128xf32, #tpu.memory_space<vmem_shared>> -> memref<128x128xf32, #tpu.memory_space<vmem_shared>>
      %dma_wait3A_183 = arith.constant 0 : i32
      %dma_wait3A_184 = tpu.memref_slice %arg6[%add3A_156, %dma_wait3A_183] : memref<10240x128xf32, #tpu.memory_space<vmem_shared>> -> memref<128x128xf32, #tpu.memory_space<vmem_shared>>
      tpu.wait_dma2 semaphore(%run_scoped3A : memref<!tpu.dma_semaphore, #tpu.memory_space<semaphore_mem>>) src(%dma_wait3A_184 : memref<128x128xf32, #tpu.memory_space<vmem_shared>>) dst(%arg9 : memref<128x128xf32, #tpu.memory_space<vmem>>)
      tpu.yield
    }) : () -> ()
    %add3A_157 = arith.constant 512 : i32
    %add3A_158 = arith.addi %mul3A_2, %add3A_157 : i32
    %dma_start3A_159 = arith.constant 0 : i32
    %dma_start3A_160 = tpu.memref_slice %arg5[%arg0, %add3A_158, %dma_start3A_159] : memref<2x10240x128xf32, #tpu.memory_space<hbm>> -> memref<1x128x128xf32, #tpu.memory_space<hbm>>
    %dma_start3A_161 = tpu.memref_squeeze %dma_start3A_160 : memref<1x128x128xf32, #tpu.memory_space<hbm>> -> memref<128x128xf32, #tpu.memory_space<hbm>>
    %dma_start3A_162 = arith.constant 0 : i32
    %dma_start3A_163 = tpu.memref_slice %arg5[%arg0, %add3A_158, %dma_start3A_162] : memref<2x10240x128xf32, #tpu.memory_space<hbm>> -> memref<1x128x128xf32, #tpu.memory_space<hbm>>
    %dma_start3A_164 = tpu.memref_squeeze %dma_start3A_163 : memref<1x128x128xf32, #tpu.memory_space<hbm>> -> memref<128x128xf32, #tpu.memory_space<hbm>>
    tpu.enqueue_dma source(%arg9 : memref<128x128xf32, #tpu.memory_space<vmem>>) target(%dma_start3A_164 : memref<128x128xf32, #tpu.memory_space<hbm>>) target_semaphore(%arg13 : memref<!tpu.dma_semaphore, #tpu.memory_space<semaphore_mem>>)
    %dma_wait3A_165 = arith.constant 0 : i32
    %dma_wait3A_166 = tpu.memref_slice %arg5[%arg0, %mul3A_2, %dma_wait3A_165] : memref<2x10240x128xf32, #tpu.memory_space<hbm>> -> memref<1x128x128xf32, #tpu.memory_space<hbm>>
    %dma_wait3A_167 = tpu.memref_squeeze %dma_wait3A_166 : memref<1x128x128xf32, #tpu.memory_space<hbm>> -> memref<128x128xf32, #tpu.memory_space<hbm>>
    %dma_wait3A_168 = arith.constant 0 : i32
    %dma_wait3A_169 = tpu.memref_slice %arg5[%arg0, %mul3A_2, %dma_wait3A_168] : memref<2x10240x128xf32, #tpu.memory_space<hbm>> -> memref<1x128x128xf32, #tpu.memory_space<hbm>>
    %dma_wait3A_170 = tpu.memref_squeeze %dma_wait3A_169 : memref<1x128x128xf32, #tpu.memory_space<hbm>> -> memref<128x128xf32, #tpu.memory_space<hbm>>
    tpu.wait_dma2 semaphore(%arg14 : memref<!tpu.dma_semaphore, #tpu.memory_space<semaphore_mem>>) src(%arg10 : memref<128x128xf32, #tpu.memory_space<vmem>>) dst(%dma_wait3A_170 : memref<128x128xf32, #tpu.memory_space<hbm>>)
    %dma_wait3A_171 = arith.constant 0 : i32
    %dma_wait3A_172 = tpu.memref_slice %arg5[%arg0, %mul3A_2, %dma_wait3A_171] : memref<2x10240x128xf32, #tpu.memory_space<hbm>> -> memref<1x128x128xf32, #tpu.memory_space<hbm>>
    %dma_wait3A_173 = tpu.memref_squeeze %dma_wait3A_172 : memref<1x128x128xf32, #tpu.memory_space<hbm>> -> memref<128x128xf32, #tpu.memory_space<hbm>>
    %dma_wait3A_174 = arith.constant 0 : i32
    %dma_wait3A_175 = tpu.memref_slice %arg5[%arg0, %mul3A_2, %dma_wait3A_174] : memref<2x10240x128xf32, #tpu.memory_space<hbm>> -> memref<1x128x128xf32, #tpu.memory_space<hbm>>
    %dma_wait3A_176 = tpu.memref_squeeze %dma_wait3A_175 : memref<1x128x128xf32, #tpu.memory_space<hbm>> -> memref<128x128xf32, #tpu.memory_space<hbm>>
    tpu.wait_dma2 semaphore(%arg13 : memref<!tpu.dma_semaphore, #tpu.memory_space<semaphore_mem>>) src(%arg9 : memref<128x128xf32, #tpu.memory_space<vmem>>) dst(%dma_wait3A_176 : memref<128x128xf32, #tpu.memory_space<hbm>>)
    return
  }
}

module attributes {stable_mosaic.version = 14 : i64} {
  func.func @_first_body(%arg0: i32, %arg1: memref<400x128xf32, #tpu.memory_space<vmem>>, %arg2: memref<128x128xf32, #tpu.memory_space<vmem>>, %arg3: memref<400x16xf32, #tpu.memory_space<vmem>>, %arg4: memref<400x16xf32, #tpu.memory_space<vmem>>, %arg5: memref<400x128xf32, #tpu.memory_space<vmem>>) attributes {dimension_semantics = [#tpu.dimension_semantics<arbitrary>], iteration_bounds = array<i64: 25>, scalar_prefetch = 0 : i64, scratch_operands = 0 : i64, tpu.core_type = #tpu.core_type<tc>, window_params = [{transform_indices = @transform_0, window_bounds = array<i64: 400, 128>}, {pipeline_mode = #tpu.pipeline_mode<synchronous>, transform_indices = @transform_1, window_bounds = array<i64: 128, 128>}, {transform_indices = @transform_2, window_bounds = array<i64: 400, 16>}, {transform_indices = @transform_3, window_bounds = array<i64: 400, 16>}, {transform_indices = @transform_4, window_bounds = array<i64: 400, 128>}]} {
    %get3A = arith.constant 0 : index
    %get3A_0 = arith.constant 0 : index
    %get3A_1 = vector.load %arg3[%get3A, %get3A_0] : memref<400x16xf32, #tpu.memory_space<vmem>>, vector<400x16xf32>
    %get3A_2 = arith.constant 0 : index
    %get3A_3 = arith.constant 0 : index
    %get3A_4 = vector.load %arg4[%get3A_2, %get3A_3] : memref<400x16xf32, #tpu.memory_space<vmem>>, vector<400x16xf32>
    %slice3A = vector.extract_strided_slice %get3A_1 {offsets = [0, 0], sizes = [400, 1], strides = [1, 1]} : vector<400x16xf32> to vector<400x1xf32>
    %slice3A_5 = vector.extract_strided_slice %get3A_4 {offsets = [0, 0], sizes = [400, 1], strides = [1, 1]} : vector<400x16xf32> to vector<400x1xf32>
    %add3A = arith.addf %slice3A, %slice3A_5 : vector<400x1xf32>
    %add3A_6 = arith.constant 1.000000e+00 : f32
    %add3A_7 = vector.broadcast %add3A_6 : f32 to vector<400x1xf32>
    %add3A_8 = arith.addf %add3A, %add3A_7 : vector<400x1xf32>
    %rsqrt3A = math.rsqrt %add3A_8 : vector<400x1xf32>
    %get3A_9 = arith.constant 0 : index
    %get3A_10 = arith.constant 0 : index
    %get3A_11 = vector.load %arg1[%get3A_9, %get3A_10] : memref<400x128xf32, #tpu.memory_space<vmem>>, vector<400x128xf32>
    %get3A_12 = arith.constant 0 : index
    %get3A_13 = arith.constant 0 : index
    %get3A_14 = vector.load %arg2[%get3A_12, %get3A_13] : memref<128x128xf32, #tpu.memory_space<vmem>>, vector<128x128xf32>
    %dot_general3A = arith.constant dense<0.000000e+00> : vector<400x128xf32>
    %dot_general3A_15 = tpu.matmul %get3A_11, %get3A_14, %dot_general3A {dimension_numbers = #tpu.dot_dimension_numbers<[1], [0], [0], [1], [0, 0, 1, 1], [], []>, transpose_lhs_hint = false} : vector<400x128xf32>, vector<128x128xf32>, vector<400x128xf32> -> vector<400x128xf32>
    %mul3A = vector.broadcast %rsqrt3A : vector<400x1xf32> to vector<400x128xf32>
    %mul3A_16 = arith.mulf %dot_general3A_15, %mul3A : vector<400x128xf32>
    %swap3A = arith.constant 0 : index
    %swap3A_17 = arith.constant 0 : index
    %swap3A_18 = vector.load %arg5[%swap3A, %swap3A_17] : memref<400x128xf32, #tpu.memory_space<vmem>>, vector<400x128xf32>
    tpu.vector_store %arg5[%swap3A, %swap3A_17], %mul3A_16 {strides = array<i32>} : memref<400x128xf32, #tpu.memory_space<vmem>>, vector<400x128xf32>,
    return
  }
  func.func @transform_0(%arg0: i32) -> (i32, i32) {
    %c0_i32 = arith.constant 0 : i32
    %c0_i32_0 = arith.constant 0 : i32
    return %arg0, %c0_i32 : i32, i32
  }
  func.func @transform_1(%arg0: i32) -> (i32, i32) {
    %c0_i32 = arith.constant 0 : i32
    %c0_i32_0 = arith.constant 0 : i32
    %c0_i32_1 = arith.constant 0 : i32
    return %c0_i32, %c0_i32_0 : i32, i32
  }
  func.func @transform_2(%arg0: i32) -> (i32, i32) {
    %c0_i32 = arith.constant 0 : i32
    %c0_i32_0 = arith.constant 0 : i32
    return %arg0, %c0_i32 : i32, i32
  }
  func.func @transform_3(%arg0: i32) -> (i32, i32) {
    %c0_i32 = arith.constant 0 : i32
    %c0_i32_0 = arith.constant 0 : i32
    return %arg0, %c0_i32 : i32, i32
  }
  func.func @transform_4(%arg0: i32) -> (i32, i32) {
    %c0_i32 = arith.constant 0 : i32
    %c0_i32_0 = arith.constant 0 : i32
    return %arg0, %c0_i32 : i32, i32
  }
}

module attributes {stable_mosaic.version = 14 : i64} {
  func.func @_mid_body(%arg0: i32, %arg1: memref<1x400x128xf32, #tpu.memory_space<vmem>>, %arg2: memref<1x400x128xf32, #tpu.memory_space<vmem>>, %arg3: memref<400x128xf32, #tpu.memory_space<vmem>>, %arg4: memref<400x16xf32, #tpu.memory_space<vmem>>, %arg5: memref<400x16xf32, #tpu.memory_space<vmem>>, %arg6: memref<1x128xf32, #tpu.memory_space<vmem>>, %arg7: memref<128x128xf32, #tpu.memory_space<vmem>>, %arg8: memref<400x128xf32, #tpu.memory_space<vmem>>) attributes {dimension_semantics = [#tpu.dimension_semantics<arbitrary>], iteration_bounds = array<i64: 25>, scalar_prefetch = 0 : i64, scratch_operands = 0 : i64, tpu.core_type = #tpu.core_type<tc>, window_params = [{transform_indices = @transform_0, window_bounds = array<i64: 1, 400, 128>}, {transform_indices = @transform_1, window_bounds = array<i64: 1, 400, 128>}, {transform_indices = @transform_2, window_bounds = array<i64: 400, 128>}, {transform_indices = @transform_3, window_bounds = array<i64: 400, 16>}, {transform_indices = @transform_4, window_bounds = array<i64: 400, 16>}, {pipeline_mode = #tpu.pipeline_mode<synchronous>, transform_indices = @transform_5, window_bounds = array<i64: 1, 128>}, {pipeline_mode = #tpu.pipeline_mode<synchronous>, transform_indices = @transform_6, window_bounds = array<i64: 128, 128>}, {transform_indices = @transform_7, window_bounds = array<i64: 400, 128>}]} {
    %get3A = arith.constant 0 : index
    %get3A_0 = arith.constant 0 : index
    %get3A_1 = vector.load %arg4[%get3A, %get3A_0] : memref<400x16xf32, #tpu.memory_space<vmem>>, vector<400x16xf32>
    %get3A_2 = arith.constant 0 : index
    %get3A_3 = arith.constant 0 : index
    %get3A_4 = vector.load %arg5[%get3A_2, %get3A_3] : memref<400x16xf32, #tpu.memory_space<vmem>>, vector<400x16xf32>
    %slice3A = vector.extract_strided_slice %get3A_1 {offsets = [0, 0], sizes = [400, 1], strides = [1, 1]} : vector<400x16xf32> to vector<400x1xf32>
    %slice3A_5 = vector.extract_strided_slice %get3A_4 {offsets = [0, 0], sizes = [400, 1], strides = [1, 1]} : vector<400x16xf32> to vector<400x1xf32>
    %add3A = arith.addf %slice3A, %slice3A_5 : vector<400x1xf32>
    %add3A_6 = arith.constant 1.000000e+00 : f32
    %add3A_7 = vector.broadcast %add3A_6 : f32 to vector<400x1xf32>
    %add3A_8 = arith.addf %add3A, %add3A_7 : vector<400x1xf32>
    %rsqrt3A = math.rsqrt %add3A_8 : vector<400x1xf32>
    %get3A_9 = arith.constant 0 : index
    %get3A_10 = arith.constant 0 : index
    %get3A_11 = arith.constant 0 : index
    %get3A_12 = vector.load %arg1[%get3A_9, %get3A_10, %get3A_11] : memref<1x400x128xf32, #tpu.memory_space<vmem>>, vector<1x400x128xf32>
    %get3A_13 = vector.shape_cast %get3A_12 : vector<1x400x128xf32> to vector<400x128xf32>
    %get3A_14 = arith.constant 0 : index
    %get3A_15 = arith.constant 0 : index
    %get3A_16 = arith.constant 0 : index
    %get3A_17 = vector.load %arg2[%get3A_14, %get3A_15, %get3A_16] : memref<1x400x128xf32, #tpu.memory_space<vmem>>, vector<1x400x128xf32>
    %get3A_18 = vector.shape_cast %get3A_17 : vector<1x400x128xf32> to vector<400x128xf32>
    %add3A_19 = arith.addf %get3A_13, %get3A_18 : vector<400x128xf32>
    %get3A_20 = arith.constant 0 : index
    %get3A_21 = arith.constant 0 : index
    %get3A_22 = vector.load %arg3[%get3A_20, %get3A_21] : memref<400x128xf32, #tpu.memory_space<vmem>>, vector<400x128xf32>
    %add3A_23 = arith.addf %add3A_19, %get3A_22 : vector<400x128xf32>
    %mul3A = vector.broadcast %rsqrt3A : vector<400x1xf32> to vector<400x128xf32>
    %mul3A_24 = arith.mulf %add3A_23, %mul3A : vector<400x128xf32>
    %get3A_25 = arith.constant 0 : index
    %get3A_26 = arith.constant 0 : index
    %get3A_27 = vector.load %arg6[%get3A_25, %get3A_26] : memref<1x128xf32, #tpu.memory_space<vmem>>, vector<1x128xf32>
    %add3A_28 = vector.broadcast %get3A_27 : vector<1x128xf32> to vector<400x128xf32>
    %add3A_29 = arith.addf %mul3A_24, %add3A_28 : vector<400x128xf32>
    %max3A = arith.constant 0.000000e+00 : f32
    %max3A_30 = vector.broadcast %max3A : f32 to vector<400x128xf32>
    %max3A_31 = arith.maximumf %add3A_29, %max3A_30 : vector<400x128xf32>
    %get3A_32 = arith.constant 0 : index
    %get3A_33 = arith.constant 0 : index
    %get3A_34 = vector.load %arg7[%get3A_32, %get3A_33] : memref<128x128xf32, #tpu.memory_space<vmem>>, vector<128x128xf32>
    %dot_general3A = arith.constant dense<0.000000e+00> : vector<400x128xf32>
    %dot_general3A_35 = tpu.matmul %max3A_31, %get3A_34, %dot_general3A {dimension_numbers = #tpu.dot_dimension_numbers<[1], [0], [0], [1], [0, 0, 1, 1], [], []>, transpose_lhs_hint = false} : vector<400x128xf32>, vector<128x128xf32>, vector<400x128xf32> -> vector<400x128xf32>
    %mul3A_36 = vector.broadcast %rsqrt3A : vector<400x1xf32> to vector<400x128xf32>
    %mul3A_37 = arith.mulf %dot_general3A_35, %mul3A_36 : vector<400x128xf32>
    %swap3A = arith.constant 0 : index
    %swap3A_38 = arith.constant 0 : index
    %swap3A_39 = vector.load %arg8[%swap3A, %swap3A_38] : memref<400x128xf32, #tpu.memory_space<vmem>>, vector<400x128xf32>
    tpu.vector_store %arg8[%swap3A, %swap3A_38], %mul3A_37 {strides = array<i32>} : memref<400x128xf32, #tpu.memory_space<vmem>>, vector<400x128xf32>,
    return
  }
  func.func @transform_0(%arg0: i32) -> (i32, i32, i32) {
    %c0_i32 = arith.constant 0 : i32
    %c0_i32_0 = arith.constant 0 : i32
    %c0_i32_1 = arith.constant 0 : i32
    return %c0_i32, %arg0, %c0_i32_0 : i32, i32, i32
  }
  func.func @transform_1(%arg0: i32) -> (i32, i32, i32) {
    %c1_i32 = arith.constant 1 : i32
    %c0_i32 = arith.constant 0 : i32
    %c0_i32_0 = arith.constant 0 : i32
    return %c1_i32, %arg0, %c0_i32 : i32, i32, i32
  }
  func.func @transform_2(%arg0: i32) -> (i32, i32) {
    %c0_i32 = arith.constant 0 : i32
    %c0_i32_0 = arith.constant 0 : i32
    return %arg0, %c0_i32 : i32, i32
  }
  func.func @transform_3(%arg0: i32) -> (i32, i32) {
    %c0_i32 = arith.constant 0 : i32
    %c0_i32_0 = arith.constant 0 : i32
    return %arg0, %c0_i32 : i32, i32
  }
  func.func @transform_4(%arg0: i32) -> (i32, i32) {
    %c0_i32 = arith.constant 0 : i32
    %c0_i32_0 = arith.constant 0 : i32
    return %arg0, %c0_i32 : i32, i32
  }
  func.func @transform_5(%arg0: i32) -> (i32, i32) {
    %c0_i32 = arith.constant 0 : i32
    %c0_i32_0 = arith.constant 0 : i32
    %c0_i32_1 = arith.constant 0 : i32
    return %c0_i32, %c0_i32_0 : i32, i32
  }
  func.func @transform_6(%arg0: i32) -> (i32, i32) {
    %c0_i32 = arith.constant 0 : i32
    %c0_i32_0 = arith.constant 0 : i32
    %c0_i32_1 = arith.constant 0 : i32
    return %c0_i32, %c0_i32_0 : i32, i32
  }
  func.func @transform_7(%arg0: i32) -> (i32, i32) {
    %c0_i32 = arith.constant 0 : i32
    %c0_i32_0 = arith.constant 0 : i32
    return %arg0, %c0_i32 : i32, i32
  }
}

module attributes {stable_mosaic.version = 14 : i64} {
  func.func @_head_body(%arg0: i32, %arg1: memref<1x400x128xf32, #tpu.memory_space<vmem>>, %arg2: memref<1x400x128xf32, #tpu.memory_space<vmem>>, %arg3: memref<400x128xf32, #tpu.memory_space<vmem>>, %arg4: memref<400x16xf32, #tpu.memory_space<vmem>>, %arg5: memref<400x16xf32, #tpu.memory_space<vmem>>, %arg6: memref<1x128xf32, #tpu.memory_space<vmem>>, %arg7: memref<128x128xf32, #tpu.memory_space<vmem>>, %arg8: memref<1x128xf32, #tpu.memory_space<vmem>>, %arg9: memref<128x128xf32, #tpu.memory_space<vmem>>, %arg10: memref<1x128xf32, #tpu.memory_space<vmem>>, %arg11: memref<400x128xf32, #tpu.memory_space<vmem>>) attributes {dimension_semantics = [#tpu.dimension_semantics<arbitrary>], iteration_bounds = array<i64: 25>, scalar_prefetch = 0 : i64, scratch_operands = 0 : i64, tpu.core_type = #tpu.core_type<tc>, window_params = [{transform_indices = @transform_0, window_bounds = array<i64: 1, 400, 128>}, {transform_indices = @transform_1, window_bounds = array<i64: 1, 400, 128>}, {transform_indices = @transform_2, window_bounds = array<i64: 400, 128>}, {transform_indices = @transform_3, window_bounds = array<i64: 400, 16>}, {transform_indices = @transform_4, window_bounds = array<i64: 400, 16>}, {pipeline_mode = #tpu.pipeline_mode<synchronous>, transform_indices = @transform_5, window_bounds = array<i64: 1, 128>}, {pipeline_mode = #tpu.pipeline_mode<synchronous>, transform_indices = @transform_6, window_bounds = array<i64: 128, 128>}, {pipeline_mode = #tpu.pipeline_mode<synchronous>, transform_indices = @transform_7, window_bounds = array<i64: 1, 128>}, {pipeline_mode = #tpu.pipeline_mode<synchronous>, transform_indices = @transform_8, window_bounds = array<i64: 128, 128>}, {pipeline_mode = #tpu.pipeline_mode<synchronous>, transform_indices = @transform_9, window_bounds = array<i64: 1, 128>}, {transform_indices = @transform_10, window_bounds = array<i64: 400, 128>}]} {
    %get3A = arith.constant 0 : index
    %get3A_0 = arith.constant 0 : index
    %get3A_1 = vector.load %arg4[%get3A, %get3A_0] : memref<400x16xf32, #tpu.memory_space<vmem>>, vector<400x16xf32>
    %get3A_2 = arith.constant 0 : index
    %get3A_3 = arith.constant 0 : index
    %get3A_4 = vector.load %arg5[%get3A_2, %get3A_3] : memref<400x16xf32, #tpu.memory_space<vmem>>, vector<400x16xf32>
    %slice3A = vector.extract_strided_slice %get3A_1 {offsets = [0, 0], sizes = [400, 1], strides = [1, 1]} : vector<400x16xf32> to vector<400x1xf32>
    %slice3A_5 = vector.extract_strided_slice %get3A_4 {offsets = [0, 0], sizes = [400, 1], strides = [1, 1]} : vector<400x16xf32> to vector<400x1xf32>
    %add3A = arith.addf %slice3A, %slice3A_5 : vector<400x1xf32>
    %add3A_6 = arith.constant 1.000000e+00 : f32
    %add3A_7 = vector.broadcast %add3A_6 : f32 to vector<400x1xf32>
    %add3A_8 = arith.addf %add3A, %add3A_7 : vector<400x1xf32>
    %rsqrt3A = math.rsqrt %add3A_8 : vector<400x1xf32>
    %get3A_9 = arith.constant 0 : index
    %get3A_10 = arith.constant 0 : index
    %get3A_11 = arith.constant 0 : index
    %get3A_12 = vector.load %arg1[%get3A_9, %get3A_10, %get3A_11] : memref<1x400x128xf32, #tpu.memory_space<vmem>>, vector<1x400x128xf32>
    %get3A_13 = vector.shape_cast %get3A_12 : vector<1x400x128xf32> to vector<400x128xf32>
    %get3A_14 = arith.constant 0 : index
    %get3A_15 = arith.constant 0 : index
    %get3A_16 = arith.constant 0 : index
    %get3A_17 = vector.load %arg2[%get3A_14, %get3A_15, %get3A_16] : memref<1x400x128xf32, #tpu.memory_space<vmem>>, vector<1x400x128xf32>
    %get3A_18 = vector.shape_cast %get3A_17 : vector<1x400x128xf32> to vector<400x128xf32>
    %add3A_19 = arith.addf %get3A_13, %get3A_18 : vector<400x128xf32>
    %get3A_20 = arith.constant 0 : index
    %get3A_21 = arith.constant 0 : index
    %get3A_22 = vector.load %arg3[%get3A_20, %get3A_21] : memref<400x128xf32, #tpu.memory_space<vmem>>, vector<400x128xf32>
    %add3A_23 = arith.addf %add3A_19, %get3A_22 : vector<400x128xf32>
    %mul3A = vector.broadcast %rsqrt3A : vector<400x1xf32> to vector<400x128xf32>
    %mul3A_24 = arith.mulf %add3A_23, %mul3A : vector<400x128xf32>
    %get3A_25 = arith.constant 0 : index
    %get3A_26 = arith.constant 0 : index
    %get3A_27 = vector.load %arg6[%get3A_25, %get3A_26] : memref<1x128xf32, #tpu.memory_space<vmem>>, vector<1x128xf32>
    %add3A_28 = vector.broadcast %get3A_27 : vector<1x128xf32> to vector<400x128xf32>
    %add3A_29 = arith.addf %mul3A_24, %add3A_28 : vector<400x128xf32>
    %max3A = arith.constant 0.000000e+00 : f32
    %max3A_30 = vector.broadcast %max3A : f32 to vector<400x128xf32>
    %max3A_31 = arith.maximumf %add3A_29, %max3A_30 : vector<400x128xf32>
    %get3A_32 = arith.constant 0 : index
    %get3A_33 = arith.constant 0 : index
    %get3A_34 = vector.load %arg7[%get3A_32, %get3A_33] : memref<128x128xf32, #tpu.memory_space<vmem>>, vector<128x128xf32>
    %dot_general3A = arith.constant dense<0.000000e+00> : vector<400x128xf32>
    %dot_general3A_35 = tpu.matmul %max3A_31, %get3A_34, %dot_general3A {dimension_numbers = #tpu.dot_dimension_numbers<[1], [0], [0], [1], [0, 0, 1, 1], [], []>, transpose_lhs_hint = false} : vector<400x128xf32>, vector<128x128xf32>, vector<400x128xf32> -> vector<400x128xf32>
    %get3A_36 = arith.constant 0 : index
    %get3A_37 = arith.constant 0 : index
    %get3A_38 = vector.load %arg8[%get3A_36, %get3A_37] : memref<1x128xf32, #tpu.memory_space<vmem>>, vector<1x128xf32>
    %add3A_39 = vector.broadcast %get3A_38 : vector<1x128xf32> to vector<400x128xf32>
    %add3A_40 = arith.addf %dot_general3A_35, %add3A_39 : vector<400x128xf32>
    %max3A_41 = arith.constant 0.000000e+00 : f32
    %max3A_42 = vector.broadcast %max3A_41 : f32 to vector<400x128xf32>
    %max3A_43 = arith.maximumf %add3A_40, %max3A_42 : vector<400x128xf32>
    %get3A_44 = arith.constant 0 : index
    %get3A_45 = arith.constant 0 : index
    %get3A_46 = vector.load %arg9[%get3A_44, %get3A_45] : memref<128x128xf32, #tpu.memory_space<vmem>>, vector<128x128xf32>
    %dot_general3A_47 = arith.constant dense<0.000000e+00> : vector<400x128xf32>
    %dot_general3A_48 = tpu.matmul %max3A_43, %get3A_46, %dot_general3A_47 {dimension_numbers = #tpu.dot_dimension_numbers<[1], [0], [0], [1], [0, 0, 1, 1], [], []>, transpose_lhs_hint = false} : vector<400x128xf32>, vector<128x128xf32>, vector<400x128xf32> -> vector<400x128xf32>
    %get3A_49 = arith.constant 0 : index
    %get3A_50 = arith.constant 0 : index
    %get3A_51 = vector.load %arg10[%get3A_49, %get3A_50] : memref<1x128xf32, #tpu.memory_space<vmem>>, vector<1x128xf32>
    %add3A_52 = vector.broadcast %get3A_51 : vector<1x128xf32> to vector<400x128xf32>
    %add3A_53 = arith.addf %dot_general3A_48, %add3A_52 : vector<400x128xf32>
    %iota3A = tpu.iota {dimensions = array<i32: 1>} : vector<400x128xi32>
    %lt3A = arith.constant 40 : i32
    %lt3A_54 = vector.broadcast %lt3A : i32 to vector<400x128xi32>
    %lt3A_55 = arith.cmpi slt, %iota3A, %lt3A_54 : vector<400x128xi32>
    %jit3A = arith.constant -1.000000e+30 : f32
    %broadcast_in_dim3A = vector.broadcast %jit3A : f32 to vector<400x128xf32>
    %select_n3A = arith.select %lt3A_55, %add3A_53, %broadcast_in_dim3A : vector<400x128xi1>, vector<400x128xf32>
    %reduce_max3A = arith.constant dense<0xFF800000> : vector<400xf32>
    %reduce_max3A_56 = vector.multi_reduction <maximumf>, %select_n3A, %reduce_max3A [1] : vector<400x128xf32> to vector<400xf32>
    %broadcast_in_dim3A_57 = vector.shape_cast %reduce_max3A_56 : vector<400xf32> to vector<400x1xf32>
    %sub3A = vector.broadcast %broadcast_in_dim3A_57 : vector<400x1xf32> to vector<400x128xf32>
    %sub3A_58 = arith.subf %select_n3A, %sub3A : vector<400x128xf32>
    %exp3A = math.exp %sub3A_58 : vector<400x128xf32>
    %reduce_sum3A = arith.constant dense<0.000000e+00> : vector<400xf32>
    %reduce_sum3A_59 = vector.multi_reduction <add>, %exp3A, %reduce_sum3A [1] : vector<400x128xf32> to vector<400xf32>
    %broadcast_in_dim3A_60 = vector.shape_cast %reduce_sum3A_59 : vector<400xf32> to vector<400x1xf32>
    %log3A = math.log %broadcast_in_dim3A_60 : vector<400x1xf32>
    %sub3A_61 = vector.broadcast %broadcast_in_dim3A_57 : vector<400x1xf32> to vector<400x128xf32>
    %sub3A_62 = arith.subf %select_n3A, %sub3A_61 : vector<400x128xf32>
    %sub3A_63 = vector.broadcast %log3A : vector<400x1xf32> to vector<400x128xf32>
    %sub3A_64 = arith.subf %sub3A_62, %sub3A_63 : vector<400x128xf32>
    %swap3A = arith.constant 0 : index
    %swap3A_65 = arith.constant 0 : index
    %swap3A_66 = vector.load %arg11[%swap3A, %swap3A_65] : memref<400x128xf32, #tpu.memory_space<vmem>>, vector<400x128xf32>
    tpu.vector_store %arg11[%swap3A, %swap3A_65], %sub3A_64 {strides = array<i32>} : memref<400x128xf32, #tpu.memory_space<vmem>>, vector<400x128xf32>,
    return
  }
  func.func @transform_0(%arg0: i32) -> (i32, i32, i32) {
    %c0_i32 = arith.constant 0 : i32
    %c0_i32_0 = arith.constant 0 : i32
    %c0_i32_1 = arith.constant 0 : i32
    return %c0_i32, %arg0, %c0_i32_0 : i32, i32, i32
  }
  func.func @transform_1(%arg0: i32) -> (i32, i32, i32) {
    %c1_i32 = arith.constant 1 : i32
    %c0_i32 = arith.constant 0 : i32
    %c0_i32_0 = arith.constant 0 : i32
    return %c1_i32, %arg0, %c0_i32 : i32, i32, i32
  }
  func.func @transform_2(%arg0: i32) -> (i32, i32) {
    %c0_i32 = arith.constant 0 : i32
    %c0_i32_0 = arith.constant 0 : i32
    return %arg0, %c0_i32 : i32, i32
  }
  func.func @transform_3(%arg0: i32) -> (i32, i32) {
    %c0_i32 = arith.constant 0 : i32
    %c0_i32_0 = arith.constant 0 : i32
    return %arg0, %c0_i32 : i32, i32
  }
  func.func @transform_4(%arg0: i32) -> (i32, i32) {
    %c0_i32 = arith.constant 0 : i32
    %c0_i32_0 = arith.constant 0 : i32
    return %arg0, %c0_i32 : i32, i32
  }
  func.func @transform_5(%arg0: i32) -> (i32, i32) {
    %c0_i32 = arith.constant 0 : i32
    %c0_i32_0 = arith.constant 0 : i32
    %c0_i32_1 = arith.constant 0 : i32
    return %c0_i32, %c0_i32_0 : i32, i32
  }
  func.func @transform_6(%arg0: i32) -> (i32, i32) {
    %c0_i32 = arith.constant 0 : i32
    %c0_i32_0 = arith.constant 0 : i32
    %c0_i32_1 = arith.constant 0 : i32
    return %c0_i32, %c0_i32_0 : i32, i32
  }
  func.func @transform_7(%arg0: i32) -> (i32, i32) {
    %c0_i32 = arith.constant 0 : i32
    %c0_i32_0 = arith.constant 0 : i32
    %c0_i32_1 = arith.constant 0 : i32
    return %c0_i32, %c0_i32_0 : i32, i32
  }
  func.func @transform_8(%arg0: i32) -> (i32, i32) {
    %c0_i32 = arith.constant 0 : i32
    %c0_i32_0 = arith.constant 0 : i32
    %c0_i32_1 = arith.constant 0 : i32
    return %c0_i32, %c0_i32_0 : i32, i32
  }
  func.func @transform_9(%arg0: i32) -> (i32, i32) {
    %c0_i32 = arith.constant 0 : i32
    %c0_i32_0 = arith.constant 0 : i32
    %c0_i32_1 = arith.constant 0 : i32
    return %c0_i32, %c0_i32_0 : i32, i32
  }
  func.func @transform_10(%arg0: i32) -> (i32, i32) {
    %c0_i32 = arith.constant 0 : i32
    %c0_i32_0 = arith.constant 0 : i32
    return %arg0, %c0_i32 : i32, i32
  }
}

</mosaic_0001>

<sc_bundles>
// kernel: kernel.10.cloned.1.call-start
scs
__scs_entry_jumppad:
0x0: {  	(pc) =	sbr.rel $0x88, $3  }
0x1: {  	(tag) =	ssettag $0x0;
	lr =	simm.s32 $0x1  }
0x2: {  	[smem:$0x3F95] =	sst lr;
	_ =	strace $0xD0000000  }
0x3: {  	_ = 	snop  }
0x4: {  	_ = 	snop  }
0x5: {  	_ = 	snop  }
0x6: {  	_ = 	snop  }
0x7: {  	_ = 	snop  }
__scs_overlays_trampoline_lowered:
0x8: {  	[smem:$0x3FA4] =	sst s0  }
0x9: {  	[smem:$0x3FA5] =	sst s1  }
0xa: {  	[smem:$0x3FA6] =	sst s2  }
0xb: {  	[smem:$0x3FA7] =	sst s3  }
0xc: {  	[smem:$0x3FA8] =	sst s4  }
0xd: {  	[smem:$0x3FA9] =	sst s5  }
0xe: {  	[smem:$0x3FAA] =	sst s6  }
0xf: {  	[smem:$0x3FAB] =	sst s7  }
0x10: {  	[smem:$0x3FAC] =	sst s8  }
0x11: {  	[smem:$0x3FAD] =	sst s9;
	s0 =	simm.s32 @!p0 $0x0  }
0x12: {  	s1 =	sld [smem:$0x3F93];
	s0 =	simm.s32 @p0 $0x1  }
0x13: {  	[smem:$0x3FAE] =	sst s0;
	s0 =	simm.s32 @!p1 $0x0  }
0x14: {  	s2 =	sld [smem:$0x3F92];
	s0 =	simm.s32 @p1 $0x1  }
0x15: {  	[smem:$0x3FAF] =	sst s0;
	s0 =	simm.s32 @!p2 $0x0  }
0x16: {  	s3 =	sld [smem:$0x3FDB];
	s0 =	simm.s32 @p2 $0x1  }
0x17: {  	s4 =	simm.s32 $0x1BF5;
	[smem:$0x3FB1] =	sst s0  }
0x18: {  	s0 =	sld [smem:$0x3F94];
	_ =	swait.ge [sflag:s4], $0x0  }
0x19: {  	s7 =	sld [smem:$0x3F95]  }
0x1a: {  	s8 =	sadd.s32 $0xFFFFE003, lr  }
0x1b: {  	s9 =	sadd.s32 $0xFFFFFEF7, lr;
	s5 =	simm.s32 $0xFFFFFFFF;
	p2 =	slt.u32 s8, $0xFFFFF086  }
0x1c: {  	p1 =	slt.u32 s9, $0xF7A;
	s5 =	simm.s32 @!p2 $0x0  }
0x1d: {  	s5 =	simm.s32 @p1 $0x1;
	p0 =	seq.s32 s7, s2  }
0x1e: {  	s7 =	smul.u32 @!p0 $0xF7A, s2;
	p2 =	seq.s32 @!p0 s5, $0x0  }
0x1f: {  	s9 =	smul.u32 $0xF7A, s1;
	s8 =	simm.s32 @!p0 $0x1BF5;
	p2 =	por !p2, p0  }
0x20: {  	[sflag:s8] =	ssyncset.s32 @!p0 $0xFFFFF086;
	s6 =	sadd.s32 @!p0 s3, s7;
	s7 =	simm.s32 @!p0 $0x108  }
0x21: {  	s3 =	sadd.s32 s3, s9;
	s6 =	sadd.s32 @!p0 $0x88, s6;
	s7 =	simm.s32 @p2 $0x1082  }
0x22: {  	[simem:s7], [sflag:s8] =	dma.local @!p0 [hbm:s6], $0xF7A  }
0x23: {  	s9 =	sor.u32 $0xD0000000, s2;
	s6 =	simm.s32 $0x108;
	_ =	swait.ge @!p0 [sflag:s8], $0x0  }
0x24: {  	s3 =	sadd.s32 $0x88, s3;
	s6 =	simm.s32 @!p1 $0x1082;
	[sflag:s4] =	ssyncset.s32 $0xFFFFF086  }
0x25: {  	[simem:s6], [sflag:s4] =	dma.local [hbm:s3], $0xF7A  }
0x26: {  	[smem:$0x3F95] =	sst s1;
	(tag) =	ssettag s2;
	_ =	strace s9  }
0x27: {  	s1 =	sld [smem:$0x3FA5]  }
0x28: {  	s2 =	sld [smem:$0x3FA6]  }
0x29: {  	s4 =	sld [smem:$0x3FA8]  }
0x2a: {  	p0 =	seq.s32 s5, $0x0;
	s5 =	sld [smem:$0x3FA9]  }
0x2b: {  	s6 =	sld [smem:$0x3FAA]  }
0x2c: {  	s7 =	sld [smem:$0x3FAB]  }
0x2d: {  	s3 =	simm.s32 $0x108;
	s8 =	sld [smem:$0x3FAC]  }
0x2e: {  	s3 =	simm.s32 @!p0 $0x1082;
	s9 =	sld [smem:$0x3FAD]  }
0x2f: {  	lr =	sadd.s32 s0, s3;
	s0 =	sld [smem:$0x3FA4]  }
0x30: {  	s3 =	sld [smem:$0x3FA7]  }
0x31: {  	[smem:$0x3FB0] =	sst s10  }
0x32: {  	s10 =	sld [smem:$0x3FAE];
	_ =	sdelay $0x3  }
0x33: {  	p0 =	seq.s32 s10, $0x1;
	s10 =	sld [smem:$0x3FB0];
	_ =	sdelay $0x3  }
0x34: {  	[smem:$0x3FB0] =	sst s10  }
0x35: {  	s10 =	sld [smem:$0x3FAF];
	_ =	sdelay $0x3  }
0x36: {  	p1 =	seq.s32 s10, $0x1;
	s10 =	sld [smem:$0x3FB0];
	_ =	sdelay $0x3  }
0x37: {  	[smem:$0x3FB0] =	sst s10  }
0x38: {  	s10 =	sld [smem:$0x3FB1]  }
0x39: {  	_ = 	snop;
	(pc) =	sbr.ind lr, $3  }
0x3a: {  	_ = 	snop  }
0x3b: {  	_ = 	snop  }
0x3c: {  	p2 =	seq.s32 s10, $0x1;
	s10 =	sld [smem:$0x3FB0]  }
0x3d: {  	_ =	shalt  }
0x3e: {  	_ =	shalt  }
0x3f: {  	_ =	shalt  }
0x40: {  	_ =	shalt  }
0x41: {  	_ =	shalt  }
0x42: {  	_ =	shalt  }
0x43: {  	_ =	shalt  }
0x44: {  	_ =	shalt  }
0x45: {  	_ =	shalt  }
0x46: {  	_ =	shalt  }
0x47: {  	_ =	shalt  }
0x48: {  	_ =	shalt  }
0x49: {  	_ =	shalt  }
0x4a: {  	_ =	shalt  }
0x4b: {  	_ =	shalt  }
0x4c: {  	_ =	shalt  }
0x4d: {  	_ =	shalt  }
0x4e: {  	_ =	shalt  }
0x4f: {  	_ =	shalt  }
0x50: {  	_ =	shalt  }
0x51: {  	_ =	shalt  }
0x52: {  	_ =	shalt  }
0x53: {  	_ =	shalt  }
0x54: {  	_ =	shalt  }
0x55: {  	_ =	shalt  }
0x56: {  	_ =	shalt  }
0x57: {  	_ =	shalt  }
0x58: {  	_ =	shalt  }
0x59: {  	_ =	shalt  }
0x5a: {  	_ =	shalt  }
0x5b: {  	_ =	shalt  }
0x5c: {  	_ =	shalt  }
0x5d: {  	_ =	shalt  }
0x5e: {  	_ =	shalt  }
0x5f: {  	_ =	shalt  }
0x60: {  	_ =	shalt  }
0x61: {  	_ =	shalt  }
0x62: {  	_ =	shalt  }
0x63: {  	_ =	shalt  }
0x64: {  	_ =	shalt  }
0x65: {  	_ =	shalt  }
0x66: {  	_ =	shalt  }
0x67: {  	_ =	shalt  }
0x68: {  	_ =	shalt  }
0x69: {  	_ =	shalt  }
0x6a: {  	_ =	shalt  }
0x6b: {  	_ =	shalt  }
0x6c: {  	_ =	shalt  }
0x6d: {  	_ =	shalt  }
0x6e: {  	_ =	shalt  }
0x6f: {  	_ =	shalt  }
0x70: {  	_ =	shalt  }
0x71: {  	_ =	shalt  }
0x72: {  	_ =	shalt  }
0x73: {  	_ =	shalt  }
0x74: {  	_ =	shalt  }
0x75: {  	_ =	shalt  }
0x76: {  	_ =	shalt  }
0x77: {  	_ =	shalt  }
0x78: {  	_ =	shalt  }
0x79: {  	_ =	shalt  }
0x7a: {  	_ =	shalt  }
0x7b: {  	_ =	shalt  }
0x7c: {  	_ =	shalt  }
0x7d: {  	_ =	shalt  }
0x7e: {  	_ =	shalt  }
0x7f: {  	_ =	shalt  }
0x80: {  	_ =	shalt  }
0x81: {  	_ =	shalt  }
0x82: {  	_ =	shalt  }
0x83: {  	_ =	shalt  }
0x84: {  	_ =	shalt  }
0x85: {  	_ =	shalt  }
0x86: {  	_ =	shalt  }
0x87: {  	_ =	shalt  }
.Lfunc_end0:
.L_simem_size_0:
called_computation_lowered:
.L_overlay_start_0:
0x88: {  	s2 =	sld [smem:$0x3FD9]  }
0x89: {  	s3 =	sld [smem:$0x3FFE];
	_ =	sdelay $0x1  }
0x8a: {  	s1 =	srdreg.scid  }
0x8b: {  	s0 =	sand.u32 $0x1, s1  }
0x8c: {  	s17 =	sshll.u32 s0, $0xA;
	s2 =	sadd.s32 s3, s2  }
0x8d: {  	s2 =	sadd.s32 s2, s17  }
0x8e: {  	[smem:$0x3FBC] =	sst s2  }
0x8f: {  	_ = 	snop  }
0x90: {  	s2 =	sld [smem:$0x3FD0];
	(tm) =	ssettm $0x1  }
0x91: {  	s18 =	sld [smem:$0x3FFB];
	_ =	sdelay $0x3  }
0x92: {  	_ =	strace s18  }
0x93: {  	s3 =	sld [smem:$0x3FFC];
	_ =	sdelay $0x3  }
0x94: {  	_ =	strace s3  }
0x95: {  	s3 =	sld [smem:$0x3FFD];
	_ =	sdelay $0x3  }
0x96: {  	_ =	strace s3  }
0x97: {  	_ =	strace $0x8FFFFFFF  }
0x98: {  	s19 =	sld [smem:$0x3FDB];
	_ =	sdelay $0x1  }
0x99: {  	s4 =	simm.s32 $_scs_section_size  }
0x9a: {  	s5 =	simm.s32 $_size__tile_overlayer_lowered;
	s6 =	simm.s32 $_tile_overlayer_lowered  }
0x9b: {  	s22 =	simm.s32 $0x1BFF;
	s21 =	sshll.u32 s6, $0x1;
	s3 =	sadd.s32 s4, s19  }
0x9c: {  	s7 =	simm.s32 $0x0;
	s20 =	sshll.u32 s5, $0x1;
	s5 =	sadd.s32 s21, s3  }
0x9d: {  	[timem:s7], [sflag:s22] =	dma.local [hbm:s5], s20  }
0x9e: {  	_ =	swait.ge [sflag:s22], s20  }
0x9f: {  	s4 =	ssub.s32 $0x0, s20;
	[sflag:s22] =	ssyncset.done $0x0  }
0xa0: {  	[sflag:s22] =	ssyncadd.s32 s4;
	_ =	sdelay $0x1  }
0xa1: {  	s23 =	simm.s32 $0x1B8B  }
0xa2: {  	_ =	swait.ge [sflag:s23], $0x1  }
0xa3: {  	[sflag:s23] =	ssyncset.done $0x0  }
0xa4: {  	s25 =	simm.s32 $0x1B8E;
	s24 =	sld [smem:$0x3FFE];
	[sflag:s23] =	ssyncadd.s32 $0xFFFFFFFF  }
0xa5: {  	s26 =	simm.s32 $execute0_lowered;
	[smem:$0x3FD2] =	sst s25  }
0xa6: {  	s5 =	sshll.u32 s26, $0x1;
	_ =	strace $0x80000046;
	[dreg:$0x1] =	wrdreg $0xFFFFFFFF  }
0xa7: {  	s28 =	simm.s32 $_size_execute0_lowered;
	s3 =	sadd.s32 s3, s5;
	[dreg:$0x0] =	wrdreg $0x0  }
0xa8: {  	s5 =	sshll.u32 s28, $0x1;
	[dreg:$0x2] =	wrdreg s3  }
0xa9: {  	[dreg:$0x3] =	wrdreg s5  }
0xaa: {  	[dreg:$0x4] =	wrdreg $0xC0  }
0xab: {  	_ =	task [dreg:s7], $0x5FFFF  }
0xac: {  	[dreg:$0x1] =	wrdreg $0xFFFFFFFF  }
0xad: {  	[dreg:$0x0] =	wrdreg $0x60  }
0xae: {  	[dreg:$0x2] =	wrdreg s2  }
0xaf: {  	[dreg:$0x3] =	wrdreg s24  }
0xb0: {  	[dreg:$0x4] =	wrdreg $0x0  }
0xb1: {  	[dreg:$0x5] =	wrdreg $0x9  }
0xb2: {  	_ =	task.clear_ibuf [dreg:s7], $0x6FFFF;
	_ =	strace $0x90000046  }
0xb3: {  	s29 =	simm.s32 $0x9;
	_ =	strace $0x80000048  }
0xb4: {  	_ =	swait.ge [sflag:s29], $0x1  }
0xb5: {  	[sflag:s29] =	ssyncadd.s32 $0xFFFFFFFF  }
0xb6: {  	_ =	strace $0x90000048  }
0xb7: {  	_ =	sfence  }
0xb8: {  	s30 =	sld [smem:$0x0];
	_ =	sdelay $0x2  }
0xb9: {  	s31 =	sshll.u32 s1, $0xD;
	s1 =	sshrl.u32 s1, $0x2  }
0xba: {  	s3 =	sand.u32 $0x4000, s31;
	s1 =	sadd.s32 s1, s30  }
0xbb: {  	s0 =	sor.u32 s3, s0;
	s1 =	sshll.u32 s1, $0x11  }
0xbc: {  	s0 =	sor.u32 s1, s0  }
0xbd: {  	s0 =	sadd.s32 $0x8F2B, s0  }
0xbe: {  	[sflag:s0] =	ssyncadd.remote.s32 $0x1  }
0xbf: {  	_ =	sfence.sel $0xFFFF  }
0xc0: {  	[dreg:$0x0] =	wrdreg $0xFFFFFFFF;
	(pc) =	sbr.abs _section_cstart, $3  }
0xc1: {  	[dreg:$0x1] =	wrdreg $0xFFFFFFFF  }
0xc2: {  	_ =	task.clear_ibuf [dreg:s7], $0x2FFFF;
	_ =	strace $0x9FFFFFFF  }
0xc3: {  	(tm) =	ssettm $0x7FFFFFFF  }
tec
execute0_lowered:
.L_overlay_start_1:
0x0: {  	(tag) =	ssettag $0x1  }
0x1: {  	s11 =	rddreg [dreg:$0x0]  }
0x2: {  	s6 =	rddreg [dreg:$0x1]  }
0x3: {  	s1 =	rddreg [dreg:$0x2]  }
0x4: {  	s0 =	rddreg [dreg:$0x3];
	s3 =	simm.s32 $0x0;
	s4 =	srdreg.scid  }
0x5: {  	s2 =	stileid.u32;
	s21 =	simm.s32 $0x16800;
	s22 =	simm.s32 $0x14000  }
0x6: {  	s23 =	simm.s32 $0x80;
	s24 =	simm.s32 $0x2;
	s25 =	simm.s32 $0x0  }
0x7: {  	[smem:$0x7FF] =	sst s3;
	s9 =	sand.u32 $0x1, s4;
	s8 =	smul.u32 $0x50000, s2  }
0x8: {  	s4 =	sadd.s32 $0x3E00, s6;
	s12 =	smul.u32 $0x14000, s2;
	s5 =	sadd.s32 $0x3600, s6  }
0x9: {  	s16 =	sadd.s32 $0x4600, s6;
	_ =	strace $0x80000047;
	s7 =	ssub.s32 $0x2, s9  }
0xa: {  	s13 =	sshll.u32 s9, $0x4;
	s18 =	smul.u32 $0x140000, s9;
	s10 =	sshrl.u32 s7, $0x1  }
0xb: {  	s30 =	sshrl.u32 s8, $0x2;
	s31 =	sadd.s32 $0x4000, s12;
	s14 =	sadd.s32 $0x8000, s12  }
0xc: {  	s15 =	sadd.s32 $0xC000, s12;
	s19 =	sadd.s32 $0x10000, s12;
	s13 =	sor.u32 s2, s13  }
0xd: {  	s17 =	ssub.s32 s7, s10;
	s6 =	sadd.s32 s30, s1;
	s7 =	sadd.s32 s31, s1  }
0xe: {  	s8 =	sadd.s32 s14, s1;
	s9 =	sadd.s32 s15, s1;
	s13 =	smul.u32 $0x500, s13  }
0xf: {  	s12 =	sadd.s32 s12, s18;
	s20 =	sadd.s32 s18, s31;
	s10 =	sadd.s32 s19, s1  }
0x10: {  	s14 =	sadd.s32 s18, s14;
	s15 =	sadd.s32 s18, s15;
	s18 =	sadd.s32 s18, s19  }
0x11: {  	s19 =	simm.s32 $0x3;
	s12 =	sshrl.u32 s12, $0x3;
	s20 =	sshrl.u32 s20, $0x3  }
0x12: {  	s14 =	sshrl.u32 s14, $0x3;
	s15 =	sshrl.u32 s15, $0x3;
	s18 =	sshrl.u32 s18, $0x3  }
0x13: {  	s17 =	smax.u32 s17, $0x1;
	s11 =	sadd.s32 s11, s13;
	s12 =	sadd.s32 s16, s12  }
0x14: {  	s13 =	sadd.s32 s16, s20;
	s14 =	sadd.s32 s16, s14;
	s15 =	sadd.s32 s16, s15  }
0x15: {  	s16 =	sadd.s32 s16, s18;
	s18 =	simm.s32 $0x1A800;
	s20 =	simm.s32 $0x1  }
.LBB2_1:
0x16: {  	[tilespmem:s18], [sflag:$0x3] =	stream.linear.gather [hbm4b:s5+s3], $0x4000, $0x38;
	[tilespmem:$0x1E800] =	vst v63  }
0x17: {  	_ =	swait.ge [sflag:s19], $0x4000  }
0x18: {  	[sflag:s19] =	ssyncset.done $0x0  }
0x19: {  	[sflag:s19] =	ssyncadd.s32 $0xFFFFC000  }
0x1a: {  	[spmem:s6] =	stream.linear.scatter [tilespmem:s18], [sflag:$0x1], $0x4000, $0x38;
	[tilespmem:$0x1E800] =	vst v63  }
0x1b: {  	_ = 	snop  }
0x1c: {  	[spmem:s7] =	stream.linear.scatter [tilespmem:s18], [sflag:$0x1], $0x4000, $0x38;
	[tilespmem:$0x1E800] =	vst v63  }
0x1d: {  	_ = 	snop  }
0x1e: {  	[spmem:s8] =	stream.linear.scatter [tilespmem:s18], [sflag:$0x1], $0x4000, $0x38;
	[tilespmem:$0x1E800] =	vst v63  }
0x1f: {  	_ = 	snop  }
0x20: {  	[spmem:s9] =	stream.linear.scatter [tilespmem:s18], [sflag:$0x1], $0x4000, $0x38;
	[tilespmem:$0x1E800] =	vst v63  }
0x21: {  	_ = 	snop  }
0x22: {  	[spmem:s10] =	stream.linear.scatter [tilespmem:s18], [sflag:$0x1], $0x4000, $0x38;
	[tilespmem:$0x1E800] =	vst v63  }
0x23: {  	_ =	swait.ge [sflag:s20], $0x4000  }
0x24: {  	[sflag:s20] =	ssyncset.done $0x0  }
0x25: {  	[sflag:s20] =	ssyncadd.s32 $0xFFFFC000  }
0x26: {  	_ =	swait.ge [sflag:s20], $0x4000  }
0x27: {  	[sflag:s20] =	ssyncset.done $0x0  }
0x28: {  	[sflag:s20] =	ssyncadd.s32 $0xFFFFC000  }
0x29: {  	_ =	swait.ge [sflag:s20], $0x4000  }
0x2a: {  	[sflag:s20] =	ssyncset.done $0x0  }
0x2b: {  	[sflag:s20] =	ssyncadd.s32 $0xFFFFC000  }
0x2c: {  	_ =	swait.ge [sflag:s20], $0x4000  }
0x2d: {  	[sflag:s20] =	ssyncset.done $0x0  }
0x2e: {  	[sflag:s20] =	ssyncadd.s32 $0xFFFFC000  }
0x2f: {  	_ =	swait.ge [sflag:s20], $0x4000  }
0x30: {  	[sflag:s20] =	ssyncset.done $0x0  }
0x31: {  	[sflag:s20] =	ssyncadd.s32 $0xFFFFC000  }
0x32: {  	[tilespmem:s21], [sflag:$0x3] =	stream.linear.gather [hbm4b:s4+s3], $0x4000, $0x38;
	[tilespmem:$0x1E800] =	vst v63  }
0x33: {  	_ =	swait.ge [sflag:s19], $0x4000  }
0x34: {  	[sflag:s19] =	ssyncset.done $0x0  }
0x35: {  	[sflag:s19] =	ssyncadd.s32 $0xFFFFC000  }
0x36: {  	[tilespmem:s22], [sflag:$0x3] =	stream.linear.gather [hbm4b:s11+s3], $0x2800, $0x38;
	[tilespmem:$0x1E800] =	vst v63  }
0x37: {  	_ =	swait.ge [sflag:s19], $0x2800  }
0x38: {  	[sflag:s19] =	ssyncset.done $0x0  }
0x39: {  	[sflag:s19] =	ssyncadd.s32 $0xFFFFD800  }
0x3a: {  	[bflag:$0x0] =	sbarrier.arrive $0xFFFF  }
0x3b: {  	[spmem:s1] =	stream.indirect.scatter.add.f32 [tilespmem:s21], [sflag:$0x1], $0x80, s22, s23, $0xb8;
	[tilespmem:$0x1E800] =	vst v63  }
0x3c: {  	s26 =	simm.s32 $0x14080  }
0x3d: {  	[spmem:s1] =	stream.indirect.scatter.add.f32 [tilespmem:s21], [sflag:$0x1], $0x80, s26, s23, $0xb8;
	[tilespmem:$0x1E800] =	vst v63  }
0x3e: {  	s26 =	simm.s32 $0x400;
	_ =	swait.ge [sflag:s20], $0x4000  }
.LBB2_2:
0x3f: {  	s28 =	sshra.s32 s26, $0x2;
	[sflag:s20] =	ssyncset.done $0x0;
	p0 =	sne.s32 s26, $0x9E00  }
.Ltmp0:
0x40: {  	s28 =	sadd.s32 $0x14000, s28;
	[sflag:s20] =	ssyncadd.s32 $0xFFFFC000;
	(pc) =	sbr.rel @p0 .LBB2_2-.Ltmp0, $3  }
0x41: {  	[spmem:s1] =	stream.indirect.scatter.add.f32 [tilespmem:s21], [sflag:$0x1], $0x80, s28, s23, $0xb8;
	[tilespmem:$0x1E800] =	vst v63  }
0x42: {  	s26 =	sadd.s32 $0x200, s26;
	_ =	sdelay $0x1  }
0x43: {  	_ =	swait.ge [sflag:s20], $0x4000  }
0x44: {  	[sflag:s20] =	ssyncset.done $0x0  }
0x45: {  	[sflag:s20] =	ssyncadd.s32 $0xFFFFC000  }
0x46: {  	_ =	swait.ge [sflag:s20], $0x4000  }
0x47: {  	[sflag:s20] =	ssyncset.done $0x0  }
0x48: {  	[sflag:s20] =	ssyncadd.s32 $0xFFFFC000  }
0x49: {  	[bflag:$0x0] =	sbarrier.arrive $0xFFFF  }
0x4a: {  	[tilespmem:s21], [sflag:$0x3] =	stream.linear.gather [spmem:s6], $0x4000, $0x38;
	[tilespmem:$0x1E800] =	vst v63  }
0x4b: {  	_ =	swait.ge [sflag:s19], $0x4000  }
0x4c: {  	[sflag:s19] =	ssyncset.done $0x0  }
0x4d: {  	[sflag:s19] =	ssyncadd.s32 $0xFFFFC000  }
0x4e: {  	[hbm4b:s12+s3] =	stream.linear.scatter [tilespmem:s21], [sflag:$0x1], $0x4000, $0x38;
	[tilespmem:$0x1E800] =	vst v63  }
0x4f: {  	_ = 	snop  }
0x50: {  	[tilespmem:s18], [sflag:$0x3] =	stream.linear.gather [spmem:s7], $0x4000, $0x38;
	[tilespmem:$0x1E800] =	vst v63  }
0x51: {  	_ =	swait.ge [sflag:s19], $0x4000  }
0x52: {  	[sflag:s19] =	ssyncset.done $0x0  }
0x53: {  	[sflag:s19] =	ssyncadd.s32 $0xFFFFC000  }
0x54: {  	[hbm4b:s13+s3] =	stream.linear.scatter [tilespmem:s18], [sflag:$0x2], $0x4000, $0x38;
	[tilespmem:$0x1E800] =	vst v63  }
0x55: {  	_ =	swait.ge [sflag:s20], $0x4000  }
0x56: {  	[sflag:s20] =	ssyncset.done $0x0  }
0x57: {  	[sflag:s20] =	ssyncadd.s32 $0xFFFFC000  }
0x58: {  	[tilespmem:s21], [sflag:$0x3] =	stream.linear.gather [spmem:s8], $0x4000, $0x38;
	[tilespmem:$0x1E800] =	vst v63  }
0x59: {  	_ =	swait.ge [sflag:s19], $0x4000  }
0x5a: {  	[sflag:s19] =	ssyncset.done $0x0  }
0x5b: {  	[sflag:s19] =	ssyncadd.s32 $0xFFFFC000  }
0x5c: {  	[hbm4b:s14+s3] =	stream.linear.scatter [tilespmem:s21], [sflag:$0x1], $0x4000, $0x38;
	[tilespmem:$0x1E800] =	vst v63  }
0x5d: {  	_ =	swait.ge [sflag:s24], $0x4000  }
0x5e: {  	[sflag:s24] =	ssyncset.done $0x0  }
0x5f: {  	[sflag:s24] =	ssyncadd.s32 $0xFFFFC000  }
0x60: {  	[tilespmem:s18], [sflag:$0x3] =	stream.linear.gather [spmem:s9], $0x4000, $0x38;
	[tilespmem:$0x1E800] =	vst v63  }
0x61: {  	_ =	swait.ge [sflag:s19], $0x4000  }
0x62: {  	[sflag:s19] =	ssyncset.done $0x0  }
0x63: {  	[sflag:s19] =	ssyncadd.s32 $0xFFFFC000  }
0x64: {  	[hbm4b:s15+s3] =	stream.linear.scatter [tilespmem:s18], [sflag:$0x2], $0x4000, $0x38;
	[tilespmem:$0x1E800] =	vst v63  }
0x65: {  	_ =	swait.ge [sflag:s20], $0x4000  }
0x66: {  	[sflag:s20] =	ssyncset.done $0x0  }
0x67: {  	[sflag:s20] =	ssyncadd.s32 $0xFFFFC000  }
0x68: {  	[tilespmem:s21], [sflag:$0x3] =	stream.linear.gather [spmem:s10], $0x4000, $0x38;
	[tilespmem:$0x1E800] =	vst v63  }
0x69: {  	_ =	swait.ge [sflag:s19], $0x4000  }
0x6a: {  	[sflag:s19] =	ssyncset.done $0x0  }
0x6b: {  	s25 =	sadd.s32 $0x1, s25;
	[sflag:s19] =	ssyncadd.s32 $0xFFFFC000  }
0x6c: {  	[hbm4b:s16+s3] =	stream.linear.scatter [tilespmem:s21], [sflag:$0x1], $0x4000, $0x38;
	[tilespmem:$0x1E800] =	vst v63  }
0x6d: {  	p0 =	sne.s32 s25, s17;
	_ =	swait.ge [sflag:s24], $0x4000  }
.Ltmp1:
0x6e: {  	[sflag:s24] =	ssyncset.done $0x0;
	(pc) =	sbr.rel @p0 .LBB2_1-.Ltmp1, $4  }
0x6f: {  	[sflag:s24] =	ssyncadd.s32 $0xFFFFC000  }
0x70: {  	_ =	swait.ge [sflag:s20], $0x4000  }
0x71: {  	[sflag:s20] =	ssyncset.done $0x0  }
0x72: {  	[sflag:s20] =	ssyncadd.s32 $0xFFFFC000  }
0x73: {  	_ =	sfence.sel $0x180000  }
0x74: {  	[bflag:$0x0] =	sbarrier.arrive $0xFFFF  }
0x75: {  	p0 =	sne.s32 s2, $0x0;
	_ =	strace $0x90000047  }
0x76: {  	s0 =	sadd.s32 @!p0 $0x100000, s0;
	[bflag:$0x2] =	sbarrier.arrive $0xFFFF  }
0x77: {  	[sflag:s0] =	ssyncadd.tile.s32 @!p0 $0x1;
	_ =	shalt  }
.Lfunc_end2:
_tile_overlayer_lowered:
.L_overlay_start_2:
0x78: {  	(tag) =	ssettag $0x2  }
0x79: {  	s0 =	rddreg [dreg:$0x0];
	s2 =	stileid.u32  }
0x7a: {  	s1 =	rddreg [dreg:$0x1];
	p0 =	sne.s32 s2, $0x0  }
0x7b: {  	s3 =	rddreg [dreg:$0x2];
	[bflag:$0x3] =	sbarrier.arrive $0xFFFF;
	s2 =	simm.s32 @!p0 $0x1C03  }
0x7c: {  	[timem:s3], [sflag:s2] =	dma.local @!p0 [hbm:s0], s1  }
0x7d: {  	s0 =	simm.s32 @!p0 $0x3  }
0x7e: {  	_ =	swait.ge @!p0 [sflag:s0], s1  }
0x7f: {  	s1 =	ssub.s32 @!p0 $0x0, s1;
	[sflag:s0] =	ssyncset.done @!p0 $0x0  }
0x80: {  	[sflag:s0] =	ssyncadd.s32 @!p0 s1  }
0x81: {  	[bflag:$0x3] =	sbarrier.arrive $0xFFFF  }
0x82: {  	_ =	shalt  }

// kernel: kernel.13.cloned.1.call-start
scs
__scs_entry_jumppad:
0x0: {  	(pc) =	sbr.rel $0x88, $3  }
0x1: {  	(tag) =	ssettag $0x0;
	lr =	simm.s32 $0x1  }
0x2: {  	[smem:$0x3F95] =	sst lr;
	_ =	strace $0xD0000000  }
0x3: {  	_ = 	snop  }
0x4: {  	_ = 	snop  }
0x5: {  	_ = 	snop  }
0x6: {  	_ = 	snop  }
0x7: {  	_ = 	snop  }
__scs_overlays_trampoline_lowered:
0x8: {  	[smem:$0x3FA4] =	sst s0  }
0x9: {  	[smem:$0x3FA5] =	sst s1  }
0xa: {  	[smem:$0x3FA6] =	sst s2  }
0xb: {  	[smem:$0x3FA7] =	sst s3  }
0xc: {  	[smem:$0x3FA8] =	sst s4  }
0xd: {  	[smem:$0x3FA9] =	sst s5  }
0xe: {  	[smem:$0x3FAA] =	sst s6  }
0xf: {  	[smem:$0x3FAB] =	sst s7  }
0x10: {  	[smem:$0x3FAC] =	sst s8  }
0x11: {  	[smem:$0x3FAD] =	sst s9;
	s0 =	simm.s32 @!p0 $0x0  }
0x12: {  	s1 =	sld [smem:$0x3F93];
	s0 =	simm.s32 @p0 $0x1  }
0x13: {  	[smem:$0x3FAE] =	sst s0;
	s0 =	simm.s32 @!p1 $0x0  }
0x14: {  	s2 =	sld [smem:$0x3F92];
	s0 =	simm.s32 @p1 $0x1  }
0x15: {  	[smem:$0x3FAF] =	sst s0;
	s0 =	simm.s32 @!p2 $0x0  }
0x16: {  	s3 =	sld [smem:$0x3FDB];
	s0 =	simm.s32 @p2 $0x1  }
0x17: {  	s4 =	simm.s32 $0x1BF5;
	[smem:$0x3FB1] =	sst s0  }
0x18: {  	s0 =	sld [smem:$0x3F94];
	_ =	swait.ge [sflag:s4], $0x0  }
0x19: {  	s7 =	sld [smem:$0x3F95]  }
0x1a: {  	s8 =	sadd.s32 $0xFFFFE003, lr  }
0x1b: {  	s9 =	sadd.s32 $0xFFFFFEF7, lr;
	s5 =	simm.s32 $0xFFFFFFFF;
	p2 =	slt.u32 s8, $0xFFFFF086  }
0x1c: {  	p1 =	slt.u32 s9, $0xF7A;
	s5 =	simm.s32 @!p2 $0x0  }
0x1d: {  	s5 =	simm.s32 @p1 $0x1;
	p0 =	seq.s32 s7, s2  }
0x1e: {  	s7 =	smul.u32 @!p0 $0xF7A, s2;
	p2 =	seq.s32 @!p0 s5, $0x0  }
0x1f: {  	s9 =	smul.u32 $0xF7A, s1;
	s8 =	simm.s32 @!p0 $0x1BF5;
	p2 =	por !p2, p0  }
0x20: {  	[sflag:s8] =	ssyncset.s32 @!p0 $0xFFFFF086;
	s6 =	sadd.s32 @!p0 s3, s7;
	s7 =	simm.s32 @!p0 $0x108  }
0x21: {  	s3 =	sadd.s32 s3, s9;
	s6 =	sadd.s32 @!p0 $0x88, s6;
	s7 =	simm.s32 @p2 $0x1082  }
0x22: {  	[simem:s7], [sflag:s8] =	dma.local @!p0 [hbm:s6], $0xF7A  }
0x23: {  	s9 =	sor.u32 $0xD0000000, s2;
	s6 =	simm.s32 $0x108;
	_ =	swait.ge @!p0 [sflag:s8], $0x0  }
0x24: {  	s3 =	sadd.s32 $0x88, s3;
	s6 =	simm.s32 @!p1 $0x1082;
	[sflag:s4] =	ssyncset.s32 $0xFFFFF086  }
0x25: {  	[simem:s6], [sflag:s4] =	dma.local [hbm:s3], $0xF7A  }
0x26: {  	[smem:$0x3F95] =	sst s1;
	(tag) =	ssettag s2;
	_ =	strace s9  }
0x27: {  	s1 =	sld [smem:$0x3FA5]  }
0x28: {  	s2 =	sld [smem:$0x3FA6]  }
0x29: {  	s4 =	sld [smem:$0x3FA8]  }
0x2a: {  	p0 =	seq.s32 s5, $0x0;
	s5 =	sld [smem:$0x3FA9]  }
0x2b: {  	s6 =	sld [smem:$0x3FAA]  }
0x2c: {  	s7 =	sld [smem:$0x3FAB]  }
0x2d: {  	s3 =	simm.s32 $0x108;
	s8 =	sld [smem:$0x3FAC]  }
0x2e: {  	s3 =	simm.s32 @!p0 $0x1082;
	s9 =	sld [smem:$0x3FAD]  }
0x2f: {  	lr =	sadd.s32 s0, s3;
	s0 =	sld [smem:$0x3FA4]  }
0x30: {  	s3 =	sld [smem:$0x3FA7]  }
0x31: {  	[smem:$0x3FB0] =	sst s10  }
0x32: {  	s10 =	sld [smem:$0x3FAE];
	_ =	sdelay $0x3  }
0x33: {  	p0 =	seq.s32 s10, $0x1;
	s10 =	sld [smem:$0x3FB0];
	_ =	sdelay $0x3  }
0x34: {  	[smem:$0x3FB0] =	sst s10  }
0x35: {  	s10 =	sld [smem:$0x3FAF];
	_ =	sdelay $0x3  }
0x36: {  	p1 =	seq.s32 s10, $0x1;
	s10 =	sld [smem:$0x3FB0];
	_ =	sdelay $0x3  }
0x37: {  	[smem:$0x3FB0] =	sst s10  }
0x38: {  	s10 =	sld [smem:$0x3FB1]  }
0x39: {  	_ = 	snop;
	(pc) =	sbr.ind lr, $3  }
0x3a: {  	_ = 	snop  }
0x3b: {  	_ = 	snop  }
0x3c: {  	p2 =	seq.s32 s10, $0x1;
	s10 =	sld [smem:$0x3FB0]  }
0x3d: {  	_ =	shalt  }
0x3e: {  	_ =	shalt  }
0x3f: {  	_ =	shalt  }
0x40: {  	_ =	shalt  }
0x41: {  	_ =	shalt  }
0x42: {  	_ =	shalt  }
0x43: {  	_ =	shalt  }
0x44: {  	_ =	shalt  }
0x45: {  	_ =	shalt  }
0x46: {  	_ =	shalt  }
0x47: {  	_ =	shalt  }
0x48: {  	_ =	shalt  }
0x49: {  	_ =	shalt  }
0x4a: {  	_ =	shalt  }
0x4b: {  	_ =	shalt  }
0x4c: {  	_ =	shalt  }
0x4d: {  	_ =	shalt  }
0x4e: {  	_ =	shalt  }
0x4f: {  	_ =	shalt  }
0x50: {  	_ =	shalt  }
0x51: {  	_ =	shalt  }
0x52: {  	_ =	shalt  }
0x53: {  	_ =	shalt  }
0x54: {  	_ =	shalt  }
0x55: {  	_ =	shalt  }
0x56: {  	_ =	shalt  }
0x57: {  	_ =	shalt  }
0x58: {  	_ =	shalt  }
0x59: {  	_ =	shalt  }
0x5a: {  	_ =	shalt  }
0x5b: {  	_ =	shalt  }
0x5c: {  	_ =	shalt  }
0x5d: {  	_ =	shalt  }
0x5e: {  	_ =	shalt  }
0x5f: {  	_ =	shalt  }
0x60: {  	_ =	shalt  }
0x61: {  	_ =	shalt  }
0x62: {  	_ =	shalt  }
0x63: {  	_ =	shalt  }
0x64: {  	_ =	shalt  }
0x65: {  	_ =	shalt  }
0x66: {  	_ =	shalt  }
0x67: {  	_ =	shalt  }
0x68: {  	_ =	shalt  }
0x69: {  	_ =	shalt  }
0x6a: {  	_ =	shalt  }
0x6b: {  	_ =	shalt  }
0x6c: {  	_ =	shalt  }
0x6d: {  	_ =	shalt  }
0x6e: {  	_ =	shalt  }
0x6f: {  	_ =	shalt  }
0x70: {  	_ =	shalt  }
0x71: {  	_ =	shalt  }
0x72: {  	_ =	shalt  }
0x73: {  	_ =	shalt  }
0x74: {  	_ =	shalt  }
0x75: {  	_ =	shalt  }
0x76: {  	_ =	shalt  }
0x77: {  	_ =	shalt  }
0x78: {  	_ =	shalt  }
0x79: {  	_ =	shalt  }
0x7a: {  	_ =	shalt  }
0x7b: {  	_ =	shalt  }
0x7c: {  	_ =	shalt  }
0x7d: {  	_ =	shalt  }
0x7e: {  	_ =	shalt  }
0x7f: {  	_ =	shalt  }
0x80: {  	_ =	shalt  }
0x81: {  	_ =	shalt  }
0x82: {  	_ =	shalt  }
0x83: {  	_ =	shalt  }
0x84: {  	_ =	shalt  }
0x85: {  	_ =	shalt  }
0x86: {  	_ =	shalt  }
0x87: {  	_ =	shalt  }
.Lfunc_end0:
.L_simem_size_0:
called_computation.1_lowered:
.L_overlay_start_0:
0x88: {  	s2 =	sld [smem:$0x3FD9]  }
0x89: {  	s3 =	sld [smem:$0x3FFE];
	_ =	sdelay $0x1  }
0x8a: {  	s1 =	srdreg.scid  }
0x8b: {  	s0 =	sand.u32 $0x1, s1  }
0x8c: {  	s16 =	sshll.u32 s0, $0xA;
	s2 =	sadd.s32 s3, s2  }
0x8d: {  	s2 =	sadd.s32 s2, s16  }
0x8e: {  	[smem:$0x3FBC] =	sst s2  }
0x8f: {  	_ = 	snop  }
0x90: {  	(tm) =	ssettm $0x1  }
0x91: {  	s17 =	sld [smem:$0x3FFB];
	_ =	sdelay $0x3  }
0x92: {  	_ =	strace s17  }
0x93: {  	s2 =	sld [smem:$0x3FFC];
	_ =	sdelay $0x3  }
0x94: {  	_ =	strace s2  }
0x95: {  	s2 =	sld [smem:$0x3FFD];
	_ =	sdelay $0x3  }
0x96: {  	_ =	strace s2  }
0x97: {  	_ =	strace $0x8FFFFFFF  }
0x98: {  	s18 =	sld [smem:$0x3FDB];
	_ =	sdelay $0x1  }
0x99: {  	s19 =	simm.s32 $_scs_section_size  }
0x9a: {  	s4 =	simm.s32 $_size__tile_overlayer_lowered;
	s5 =	simm.s32 $_tile_overlayer_lowered  }
0x9b: {  	s22 =	simm.s32 $0x1BFF;
	s21 =	sshll.u32 s5, $0x1;
	s2 =	sadd.s32 s19, s18  }
0x9c: {  	s6 =	simm.s32 $0x0;
	s20 =	sshll.u32 s4, $0x1;
	s4 =	sadd.s32 s21, s2  }
0x9d: {  	[timem:s6], [sflag:s22] =	dma.local [hbm:s4], s20  }
0x9e: {  	_ =	swait.ge [sflag:s22], s20  }
0x9f: {  	s3 =	ssub.s32 $0x0, s20;
	[sflag:s22] =	ssyncset.done $0x0  }
0xa0: {  	[sflag:s22] =	ssyncadd.s32 s3;
	_ =	sdelay $0x1  }
0xa1: {  	s23 =	simm.s32 $0x1B8B  }
0xa2: {  	_ =	swait.ge [sflag:s23], $0x1  }
0xa3: {  	[sflag:s23] =	ssyncset.done $0x0  }
0xa4: {  	s25 =	simm.s32 $0x1B8E;
	s24 =	sld [smem:$0x3FFE];
	[sflag:s23] =	ssyncadd.s32 $0xFFFFFFFF  }
0xa5: {  	s26 =	simm.s32 $execute0_lowered;
	[smem:$0x3FD2] =	sst s25  }
0xa6: {  	s4 =	sshll.u32 s26, $0x1;
	_ =	strace $0x80000049;
	[dreg:$0x1] =	wrdreg $0xFFFFFFFF  }
0xa7: {  	s28 =	simm.s32 $_size_execute0_lowered;
	s2 =	sadd.s32 s2, s4;
	[dreg:$0x0] =	wrdreg $0x0  }
0xa8: {  	s4 =	sshll.u32 s28, $0x1;
	[dreg:$0x2] =	wrdreg s2  }
0xa9: {  	[dreg:$0x3] =	wrdreg s4  }
0xaa: {  	[dreg:$0x4] =	wrdreg $0xC0  }
0xab: {  	_ =	task [dreg:s6], $0x5FFFF  }
0xac: {  	[dreg:$0x1] =	wrdreg $0xFFFFFFFF  }
0xad: {  	[dreg:$0x0] =	wrdreg $0x60  }
0xae: {  	[dreg:$0x2] =	wrdreg s24  }
0xaf: {  	[dreg:$0x3] =	wrdreg $0x0  }
0xb0: {  	[dreg:$0x4] =	wrdreg $0x9  }
0xb1: {  	_ =	task.clear_ibuf [dreg:s6], $0x5FFFF;
	_ =	strace $0x90000049  }
0xb2: {  	s29 =	simm.s32 $0x9;
	_ =	strace $0x8000004B  }
0xb3: {  	_ =	swait.ge [sflag:s29], $0x1  }
0xb4: {  	[sflag:s29] =	ssyncadd.s32 $0xFFFFFFFF  }
0xb5: {  	_ =	strace $0x9000004B  }
0xb6: {  	_ =	sfence  }
0xb7: {  	s30 =	sld [smem:$0x0];
	_ =	sdelay $0x2  }
0xb8: {  	s31 =	sshll.u32 s1, $0xD;
	s1 =	sshrl.u32 s1, $0x2  }
0xb9: {  	s3 =	sand.u32 $0x4000, s31;
	s1 =	sadd.s32 s1, s30  }
0xba: {  	s0 =	sor.u32 s3, s0;
	s1 =	sshll.u32 s1, $0x11  }
0xbb: {  	s0 =	sor.u32 s1, s0  }
0xbc: {  	s0 =	sadd.s32 $0x8F2B, s0  }
0xbd: {  	[sflag:s0] =	ssyncadd.remote.s32 $0x1  }
0xbe: {  	_ =	sfence.sel $0xFFFF  }
0xbf: {  	[dreg:$0x0] =	wrdreg $0xFFFFFFFF;
	(pc) =	sbr.abs _section_cstart, $3  }
0xc0: {  	[dreg:$0x1] =	wrdreg $0xFFFFFFFF  }
0xc1: {  	_ =	task.clear_ibuf [dreg:s6], $0x2FFFF;
	_ =	strace $0x9FFFFFFF  }
0xc2: {  	(tm) =	ssettm $0x7FFFFFFF  }
0xc3: {  	_ =	shalt  }
tec
execute0_lowered:
.L_overlay_start_1:
0x0: {  	(tag) =	ssettag $0x1  }
0x1: {  	s0 =	rddreg [dreg:$0x0]  }
0x2: {  	s1 =	rddreg [dreg:$0x1];
	s2 =	simm.s32 $0x0;
	s3 =	srdreg.scid  }
0x3: {  	s14 =	stileid.u32;
	s30 =	simm.s32 $0x5;
	s28 =	simm.s32 $0x80  }
0x4: {  	s29 =	simm.s32 $0x2;
	s31 =	simm.s32 $0x18800;
	[smem:$0x7FF] =	sst s2  }
0x5: {  	s4 =	sadd.s32 $0x3E00, s0;
	s5 =	sadd.s32 $0x54600, s0;
	s7 =	smul.u32 $0x50000, s14  }
0x6: {  	s3 =	sand.u32 $0x1, s3;
	s6 =	sadd.s32 $0x3600, s0;
	s10 =	smul.u32 $0x14000, s14  }
0x7: {  	s0 =	sadd.s32 $0x68600, s0;
	s17 =	smul.u32 $0x5000, s14;
	_ =	strace $0x8000004A  }
0x8: {  	[dreg:$0x3] =	wrdreg s6;
	s18 =	ssub.s32 $0x2, s3;
	s11 =	smul.u32 $0x140000, s3  }
0x9: {  	s9 =	sshll.u32 s3, $0x4;
	s3 =	smul.u32 $0x50000, s3;
	s8 =	sshrl.u32 s18, $0x1  }
0xa: {  	s9 =	sor.u32 s14, s9;
	s7 =	sshrl.u32 s7, $0x2;
	s20 =	sadd.s32 $0x4000, s10  }
0xb: {  	s21 =	sadd.s32 $0x8000, s10;
	s23 =	sadd.s32 $0xC000, s10;
	s14 =	simm.s32 $0x14300  }
0xc: {  	s6 =	ssub.s32 s18, s8;
	s7 =	sadd.s32 s7, s1;
	s19 =	smul.u32 $0x5000, s9  }
0xd: {  	s12 =	sadd.s32 s20, s1;
	s22 =	sadd.s32 s21, s1;
	s13 =	sadd.s32 s10, s11  }
0xe: {  	s10 =	sadd.s32 $0x10000, s10;
	s16 =	sadd.s32 s11, s21;
	[dreg:$0x4] =	wrdreg s7  }
0xf: {  	s3 =	sadd.s32 s17, s3;
	s17 =	simm.s32 $0x14600;
	[dreg:$0x5] =	wrdreg s12  }
0x10: {  	s9 =	simm.s32 $0x14780;
	[dreg:$0x6] =	wrdreg s22;
	s22 =	sadd.s32 s23, s1  }
0x11: {  	s25 =	sshrl.u32 s13, $0x3;
	s24 =	sadd.s32 s10, s1;
	s8 =	sshrl.u32 s16, $0x3  }
0x12: {  	s6 =	smax.u32 s6, $0x1;
	s12 =	simm.s32 $0x14100;
	s13 =	simm.s32 $0x14280  }
0x13: {  	s16 =	simm.s32 $0x14480;
	s7 =	sshrl.u32 s19, $0x3;
	s18 =	sadd.s32 s0, s8  }
0x14: {  	s19 =	sadd.s32 s11, s23;
	s23 =	sor.u32 $0xC00, s3;
	[dreg:$0x10] =	wrdreg s6  }
0x15: {  	s3 =	sor.u32 $0x800, s3;
	s6 =	simm.s32 $0x14680;
	[dreg:$0x7] =	wrdreg s22  }
0x16: {  	s8 =	simm.s32 $0x14700;
	[dreg:$0x9] =	wrdreg s24;
	s15 =	sadd.s32 s5, s7  }
0x17: {  	s7 =	sadd.s32 s0, s25;
	[dreg:$0xd] =	wrdreg s18;
	s25 =	sshrl.u32 s23, $0x3  }
0x18: {  	s23 =	simm.s32 $0x3;
	s18 =	simm.s32 $0x14500;
	[dreg:$0x8] =	wrdreg s15  }
0x19: {  	s26 =	sadd.s32 $0x80, s15;
	[dreg:$0xb] =	wrdreg s7;
	s15 =	sadd.s32 s11, s20  }
0x1a: {  	s20 =	sadd.s32 s11, s10;
	s10 =	simm.s32 $0x14180;
	[dreg:$0xa] =	wrdreg s26  }
0x1b: {  	s7 =	sshrl.u32 s15, $0x3;
	s21 =	sshrl.u32 s20, $0x3;
	s26 =	sshrl.u32 s3, $0x3  }
0x1c: {  	s3 =	simm.s32 $0x6;
	s15 =	simm.s32 $0x14380;
	s7 =	sadd.s32 s0, s7  }
.Ltmp0:
0x1d: {  	s20 =	sadd.s32 s26, s5;
	s26 =	simm.s32 $0x14400;
	(pc) =	sbr.rel .LBB2_1-.Ltmp0, $4  }
0x1e: {  	[dreg:$0xc] =	wrdreg s7;
	s7 =	sshrl.u32 s19, $0x3;
	s19 =	sadd.s32 s25, s5  }
0x1f: {  	s25 =	simm.s32 $0x1;
	s5 =	simm.s32 $0x4;
	s7 =	sadd.s32 s0, s7  }
0x20: {  	s0 =	sadd.s32 s0, s21;
	s21 =	simm.s32 $0x14800;
	[dreg:$0xe] =	wrdreg s7  }
0x21: {  	[dreg:$0xf] =	wrdreg s0;
	s7 =	simm.s32 $0x14580;
	s0 =	simm.s32 $0x0  }
.LBB2_4:
0x22: {  	_ =	swait.ge [sflag:s5], $0x4000  }
0x23: {  	[sflag:s5] =	ssyncset.done $0x0  }
0x24: {  	s30 =	simm.s32 $0x5;
	[sflag:s5] =	ssyncadd.s32 $0xFFFFC000  }
0x25: {  	[spmem:s1] =	stream.indirect.scatter.add.f32 [tilespmem:s31], [sflag:$0x5], $0x80, s9, s28, $0xb8;
	[tilespmem:$0x1C800] =	vst v63  }
0x26: {  	_ =	swait.ge [sflag:s30], $0x4000  }
0x27: {  	[sflag:s30] =	ssyncset.done $0x0  }
0x28: {  	[sflag:s30] =	ssyncadd.s32 $0xFFFFC000  }
0x29: {  	[bflag:$0x0] =	sbarrier.arrive $0xFFFF  }
0x2a: {  	s0 =	rddreg [dreg:$0x4]  }
0x2b: {  	[tilespmem:s21], [sflag:$0x5] =	stream.linear.gather [spmem:s0], $0x4000, $0x38;
	[tilespmem:$0x1C800] =	vst v63  }
0x2c: {  	_ =	swait.ge [sflag:s30], $0x4000  }
0x2d: {  	[sflag:s30] =	ssyncset.done $0x0  }
0x2e: {  	s2 =	simm.s32 $0x0;
	s11 =	rddreg [dreg:$0xb];
	[sflag:s30] =	ssyncadd.s32 $0xFFFFC000  }
0x2f: {  	[hbm4b:s11+s2] =	stream.linear.scatter [tilespmem:s21], [sflag:$0x3], $0x4000, $0x38;
	[tilespmem:$0x1C800] =	vst v63  }
0x30: {  	s24 =	rddreg [dreg:$0x5]  }
0x31: {  	[tilespmem:s31], [sflag:$0x5] =	stream.linear.gather [spmem:s24], $0x4000, $0x38;
	[tilespmem:$0x1C800] =	vst v63  }
0x32: {  	_ =	swait.ge [sflag:s30], $0x4000  }
0x33: {  	[sflag:s30] =	ssyncset.done $0x0  }
0x34: {  	s0 =	rddreg [dreg:$0xc];
	[sflag:s30] =	ssyncadd.s32 $0xFFFFC000  }
0x35: {  	[hbm4b:s0+s2] =	stream.linear.scatter [tilespmem:s31], [sflag:$0x4], $0x4000, $0x38;
	[tilespmem:$0x1C800] =	vst v63  }
0x36: {  	_ =	swait.ge [sflag:s23], $0x4000  }
0x37: {  	[sflag:s23] =	ssyncset.done $0x0  }
0x38: {  	s11 =	rddreg [dreg:$0x6];
	[sflag:s23] =	ssyncadd.s32 $0xFFFFC000  }
0x39: {  	[tilespmem:s21], [sflag:$0x5] =	stream.linear.gather [spmem:s11], $0x4000, $0x38;
	[tilespmem:$0x1C800] =	vst v63  }
0x3a: {  	_ =	swait.ge [sflag:s30], $0x4000  }
0x3b: {  	[sflag:s30] =	ssyncset.done $0x0  }
0x3c: {  	s22 =	rddreg [dreg:$0xd];
	[sflag:s30] =	ssyncadd.s32 $0xFFFFC000  }
0x3d: {  	[hbm4b:s22+s2] =	stream.linear.scatter [tilespmem:s21], [sflag:$0x3], $0x4000, $0x38;
	[tilespmem:$0x1C800] =	vst v63  }
0x3e: {  	_ =	swait.ge [sflag:s5], $0x4000  }
0x3f: {  	[sflag:s5] =	ssyncset.done $0x0  }
0x40: {  	s22 =	rddreg [dreg:$0x7];
	[sflag:s5] =	ssyncadd.s32 $0xFFFFC000  }
0x41: {  	[tilespmem:s31], [sflag:$0x5] =	stream.linear.gather [spmem:s22], $0x4000, $0x38;
	[tilespmem:$0x1C800] =	vst v63  }
0x42: {  	_ =	swait.ge [sflag:s30], $0x4000  }
0x43: {  	[sflag:s30] =	ssyncset.done $0x0  }
0x44: {  	s24 =	rddreg [dreg:$0xe];
	[sflag:s30] =	ssyncadd.s32 $0xFFFFC000  }
0x45: {  	[hbm4b:s24+s2] =	stream.linear.scatter [tilespmem:s31], [sflag:$0x4], $0x4000, $0x38;
	[tilespmem:$0x1C800] =	vst v63  }
0x46: {  	_ =	swait.ge [sflag:s23], $0x4000  }
0x47: {  	[sflag:s23] =	ssyncset.done $0x0  }
0x48: {  	s24 =	rddreg [dreg:$0x9];
	[sflag:s23] =	ssyncadd.s32 $0xFFFFC000  }
0x49: {  	[tilespmem:s21], [sflag:$0x5] =	stream.linear.gather [spmem:s24], $0x4000, $0x38;
	[tilespmem:$0x1C800] =	vst v63  }
0x4a: {  	_ =	swait.ge [sflag:s30], $0x4000  }
0x4b: {  	[sflag:s30] =	ssyncset.done $0x0  }
0x4c: {  	s0 =	rddreg [dreg:$0xf];
	[sflag:s30] =	ssyncadd.s32 $0xFFFFC000  }
0x4d: {  	[hbm4b:s0+s2] =	stream.linear.scatter [tilespmem:s21], [sflag:$0x3], $0x4000, $0x38;
	[tilespmem:$0x1C800] =	vst v63  }
0x4e: {  	_ =	swait.ge [sflag:s5], $0x4000  }
0x4f: {  	[sflag:s5] =	ssyncset.done $0x0  }
0x50: {  	[sflag:s5] =	ssyncadd.s32 $0xFFFFC000  }
0x51: {  	_ =	swait.ge [sflag:s23], $0x4000  }
0x52: {  	s11 =	rddreg [dreg:$0x11]  }
0x53: {  	s0 =	sadd.s32 $0x1, s11;
	s11 =	rddreg [dreg:$0x10]  }
0x54: {  	p0 =	sne.s32 s0, s11  }
.Ltmp1:
0x55: {  	_ = 	snop;
	(pc) =	sbr.rel @!p0 .LBB2_5-.Ltmp1, $3  }
0x56: {  	_ =	sdelay $0x1  }
0x57: {  	[sflag:s23] =	ssyncset.done $0x0  }
0x58: {  	[sflag:s23] =	ssyncadd.s32 $0xFFFFC000  }
.LBB2_1:
0x59: {  	[dreg:$0x11] =	wrdreg s0  }
0x5a: {  	s11 =	rddreg [dreg:$0x3]  }
0x5b: {  	[tilespmem:s21], [sflag:$0x5] =	stream.linear.gather [hbm4b:s11+s2], $0x4000, $0x38;
	[tilespmem:$0x1C800] =	vst v63  }
0x5c: {  	_ =	swait.ge [sflag:s30], $0x4000  }
0x5d: {  	[sflag:s30] =	ssyncset.done $0x0  }
0x5e: {  	s11 =	rddreg [dreg:$0x4];
	[sflag:s30] =	ssyncadd.s32 $0xFFFFC000  }
0x5f: {  	[spmem:s11] =	stream.linear.scatter [tilespmem:s21], [sflag:$0x3], $0x4000, $0x38;
	[tilespmem:$0x1C800] =	vst v63  }
0x60: {  	s30 =	rddreg [dreg:$0x5]  }
0x61: {  	[spmem:s30] =	stream.linear.scatter [tilespmem:s21], [sflag:$0x3], $0x4000, $0x38;
	[tilespmem:$0x1C800] =	vst v63  }
0x62: {  	s11 =	rddreg [dreg:$0x6]  }
0x63: {  	[spmem:s11] =	stream.linear.scatter [tilespmem:s21], [sflag:$0x3], $0x4000, $0x38;
	[tilespmem:$0x1C800] =	vst v63  }
0x64: {  	_ = 	snop  }
0x65: {  	[spmem:s22] =	stream.linear.scatter [tilespmem:s21], [sflag:$0x3], $0x4000, $0x38;
	[tilespmem:$0x1C800] =	vst v63  }
0x66: {  	_ = 	snop  }
0x67: {  	[spmem:s24] =	stream.linear.scatter [tilespmem:s21], [sflag:$0x3], $0x4000, $0x38;
	[tilespmem:$0x1C800] =	vst v63  }
0x68: {  	_ =	swait.ge [sflag:s23], $0x4000  }
0x69: {  	[sflag:s23] =	ssyncset.done $0x0  }
0x6a: {  	[sflag:s23] =	ssyncadd.s32 $0xFFFFC000  }
0x6b: {  	_ =	swait.ge [sflag:s23], $0x4000  }
0x6c: {  	[sflag:s23] =	ssyncset.done $0x0  }
0x6d: {  	[sflag:s23] =	ssyncadd.s32 $0xFFFFC000  }
0x6e: {  	_ =	swait.ge [sflag:s23], $0x4000  }
0x6f: {  	[sflag:s23] =	ssyncset.done $0x0  }
0x70: {  	[sflag:s23] =	ssyncadd.s32 $0xFFFFC000  }
0x71: {  	_ =	swait.ge [sflag:s23], $0x4000  }
0x72: {  	[sflag:s23] =	ssyncset.done $0x0  }
0x73: {  	[sflag:s23] =	ssyncadd.s32 $0xFFFFC000  }
0x74: {  	_ =	swait.ge [sflag:s23], $0x4000  }
0x75: {  	[sflag:s23] =	ssyncset.done $0x0  }
0x76: {  	[sflag:s23] =	ssyncadd.s32 $0xFFFFC000  }
0x77: {  	[bflag:$0x0] =	sbarrier.arrive $0xFFFF  }
0x78: {  	s22 =	simm.s32 $0x14000;
	s24 =	rddreg [dreg:$0x8]  }
0x79: {  	[tilespmem:s22], [sflag:$0x1] =	stream.linear.gather [hbm4b:s24+s2], $0x400, $0x38;
	[tilespmem:$0x1C800] =	vst v63  }
0x7a: {  	_ =	swait.ge [sflag:s25], $0x400  }
0x7b: {  	[sflag:s25] =	ssyncset.done $0x0  }
0x7c: {  	s30 =	rddreg [dreg:$0xa];
	[sflag:s25] =	ssyncadd.s32 $0xFFFFFC00  }
0x7d: {  	[tilespmem:s26], [sflag:$0x2] =	stream.linear.gather [hbm4b:s30+s2], $0x400, $0x38;
	[tilespmem:$0x1C800] =	vst v63  }
0x7e: {  	s0 =	simm.s32 $0x14000;
	s11 =	simm.s32 $0x0;
	s24 =	simm.s32 $0x0  }
0x7f: {  	[tilespmem:s21], [sflag:$0x3] =	stream.indirect.gather [hbm4b:s4+s28], $0x80, s22, s28, $0xb8;
	[tilespmem:$0x1C800] =	vst v63  }
.LBB2_2:
0x80: {  	_ =	swait.ge [sflag:s29], $0x400  }
0x81: {  	[sflag:s29] =	ssyncset.done $0x0  }
0x82: {  	[sflag:s29] =	ssyncadd.s32 $0xFFFFFC00  }
0x83: {  	_ =	swait.ge [sflag:s23], $0x4000  }
0x84: {  	[sflag:s23] =	ssyncset.done $0x0  }
0x85: {  	s2 =	simm.s32 $0x14080;
	[sflag:s23] =	ssyncadd.s32 $0xFFFFC000  }
0x86: {  	[tilespmem:s31], [sflag:$0x4] =	stream.indirect.gather [hbm4b:s4+s28], $0x80, s2, s28, $0xb8;
	[tilespmem:$0x1C800] =	vst v63  }
0x87: {  	s30 =	simm.s32 $0x14200  }
0x88: {  	[spmem:s1] =	stream.indirect.scatter.add.f32 [tilespmem:s21], [sflag:$0x6], $0x80, s30, s28, $0xb8;
	[tilespmem:$0x1C800] =	vst v63  }
0x89: {  	_ =	swait.ge [sflag:s3], $0x4000  }
0x8a: {  	[sflag:s3] =	ssyncset.done $0x0  }
0x8b: {  	[sflag:s3] =	ssyncadd.s32 $0xFFFFC000  }
0x8c: {  	_ =	swait.ge [sflag:s5], $0x4000  }
0x8d: {  	[sflag:s5] =	ssyncset.done $0x0  }
0x8e: {  	[sflag:s5] =	ssyncadd.s32 $0xFFFFC000  }
0x8f: {  	[tilespmem:s21], [sflag:$0x3] =	stream.indirect.gather [hbm4b:s4+s28], $0x80, s12, s28, $0xb8;
	[tilespmem:$0x1C800] =	vst v63  }
0x90: {  	_ = 	snop  }
0x91: {  	[spmem:s1] =	stream.indirect.scatter.add.f32 [tilespmem:s31], [sflag:$0x6], $0x80, s13, s28, $0xb8;
	[tilespmem:$0x1C800] =	vst v63  }
0x92: {  	_ =	swait.ge [sflag:s3], $0x4000  }
0x93: {  	[sflag:s3] =	ssyncset.done $0x0  }
0x94: {  	[sflag:s3] =	ssyncadd.s32 $0xFFFFC000  }
0x95: {  	_ =	swait.ge [sflag:s23], $0x4000  }
0x96: {  	[sflag:s23] =	ssyncset.done $0x0  }
0x97: {  	[sflag:s23] =	ssyncadd.s32 $0xFFFFC000  }
0x98: {  	[tilespmem:s31], [sflag:$0x4] =	stream.indirect.gather [hbm4b:s4+s28], $0x80, s10, s28, $0xb8;
	[tilespmem:$0x1C800] =	vst v63  }
0x99: {  	_ = 	snop  }
0x9a: {  	[spmem:s1] =	stream.indirect.scatter.add.f32 [tilespmem:s21], [sflag:$0x6], $0x80, s14, s28, $0xb8;
	[tilespmem:$0x1C800] =	vst v63  }
0x9b: {  	_ =	swait.ge [sflag:s3], $0x4000  }
0x9c: {  	[sflag:s3] =	ssyncset.done $0x0  }
0x9d: {  	[sflag:s3] =	ssyncadd.s32 $0xFFFFC000  }
0x9e: {  	_ =	swait.ge [sflag:s5], $0x4000  }
0x9f: {  	[sflag:s5] =	ssyncset.done $0x0  }
0xa0: {  	[sflag:s5] =	ssyncadd.s32 $0xFFFFC000  }
0xa1: {  	[tilespmem:s21], [sflag:$0x3] =	stream.indirect.gather [hbm4b:s4+s28], $0x80, s26, s28, $0xb8;
	[tilespmem:$0x1C800] =	vst v63  }
0xa2: {  	_ = 	snop  }
0xa3: {  	[spmem:s1] =	stream.indirect.scatter.add.f32 [tilespmem:s31], [sflag:$0x6], $0x80, s15, s28, $0xb8;
	[tilespmem:$0x1C800] =	vst v63  }
0xa4: {  	p0 =	seq.s32 s11, $0x900;
	_ =	swait.ge [sflag:s3], $0x4000  }
0xa5: {  	s22 =	sadd.s32 @!p0 s11, s20;
	[sflag:s3] =	ssyncset.done $0x0  }
0xa6: {  	s2 =	simm.s32 @!p0 $0x0;
	s30 =	simm.s32 @!p0 $0x14000;
	[sflag:s3] =	ssyncadd.s32 $0xFFFFC000  }
0xa7: {  	[tilespmem:s30], [sflag:$0x1] =	stream.linear.gather @!p0 [hbm4b:s22+s2], $0x400, $0x38;
	[tilespmem:$0x1C800] =	vst v63  }
0xa8: {  	_ =	swait.ge [sflag:s23], $0x4000  }
0xa9: {  	[sflag:s23] =	ssyncset.done $0x0  }
0xaa: {  	[sflag:s23] =	ssyncadd.s32 $0xFFFFC000  }
0xab: {  	[tilespmem:s31], [sflag:$0x4] =	stream.indirect.gather [hbm4b:s4+s28], $0x80, s16, s28, $0xb8;
	[tilespmem:$0x1C800] =	vst v63  }
0xac: {  	_ = 	snop  }
0xad: {  	[spmem:s1] =	stream.indirect.scatter.add.f32 [tilespmem:s21], [sflag:$0x6], $0x80, s17, s28, $0xb8;
	[tilespmem:$0x1C800] =	vst v63  }
0xae: {  	_ =	swait.ge [sflag:s3], $0x4000  }
0xaf: {  	[sflag:s3] =	ssyncset.done $0x0  }
0xb0: {  	[sflag:s3] =	ssyncadd.s32 $0xFFFFC000  }
0xb1: {  	_ =	swait.ge [sflag:s5], $0x4000  }
0xb2: {  	[sflag:s5] =	ssyncset.done $0x0  }
0xb3: {  	[sflag:s5] =	ssyncadd.s32 $0xFFFFC000  }
0xb4: {  	[tilespmem:s21], [sflag:$0x3] =	stream.indirect.gather [hbm4b:s4+s28], $0x80, s18, s28, $0xb8;
	[tilespmem:$0x1C800] =	vst v63  }
0xb5: {  	_ = 	snop  }
0xb6: {  	[spmem:s1] =	stream.indirect.scatter.add.f32 [tilespmem:s31], [sflag:$0x6], $0x80, s6, s28, $0xb8;
	[tilespmem:$0x1C800] =	vst v63  }
0xb7: {  	_ =	swait.ge [sflag:s3], $0x4000  }
0xb8: {  	[sflag:s3] =	ssyncset.done $0x0  }
0xb9: {  	[sflag:s3] =	ssyncadd.s32 $0xFFFFC000  }
0xba: {  	_ =	swait.ge [sflag:s23], $0x4000  }
0xbb: {  	[sflag:s23] =	ssyncset.done $0x0  }
0xbc: {  	[sflag:s23] =	ssyncadd.s32 $0xFFFFC000  }
0xbd: {  	[tilespmem:s31], [sflag:$0x4] =	stream.indirect.gather [hbm4b:s4+s28], $0x80, s7, s28, $0xb8;
	[tilespmem:$0x1C800] =	vst v63  }
.Ltmp2:
0xbe: {  	_ = 	snop;
	(pc) =	sbr.rel @p0 .LBB2_4-.Ltmp2, $4  }
0xbf: {  	[spmem:s1] =	stream.indirect.scatter.add.f32 [tilespmem:s21], [sflag:$0x6], $0x80, s8, s28, $0xb8;
	[tilespmem:$0x1C800] =	vst v63  }
0xc0: {  	_ =	swait.ge [sflag:s3], $0x4000  }
0xc1: {  	[sflag:s3] =	ssyncset.done $0x0  }
0xc2: {  	[sflag:s3] =	ssyncadd.s32 $0xFFFFC000  }
0xc3: {  	_ =	swait.ge [sflag:s25], $0x400  }
0xc4: {  	[sflag:s25] =	ssyncset.done $0x0  }
0xc5: {  	[sflag:s25] =	ssyncadd.s32 $0xFFFFFC00  }
0xc6: {  	_ =	swait.ge [sflag:s5], $0x4000  }
0xc7: {  	[sflag:s5] =	ssyncset.done $0x0  }
0xc8: {  	[sflag:s5] =	ssyncadd.s32 $0xFFFFC000  }
0xc9: {  	[tilespmem:s21], [sflag:$0x3] =	stream.indirect.gather [hbm4b:s4+s28], $0x80, s0, s28, $0xb8;
	[tilespmem:$0x1C800] =	vst v63  }
0xca: {  	_ = 	snop  }
0xcb: {  	[spmem:s1] =	stream.indirect.scatter.add.f32 [tilespmem:s31], [sflag:$0x6], $0x80, s9, s28, $0xb8;
	[tilespmem:$0x1C800] =	vst v63  }
.Ltmp3:
0xcc: {  	_ = 	snop;
	(pc) =	sbr.rel .LBB2_2-.Ltmp3, $4  }
0xcd: {  	_ =	swait.ge [sflag:s3], $0x4000  }
0xce: {  	[sflag:s3] =	ssyncset.done $0x0  }
0xcf: {  	s2 =	sadd.s32 s11, s19;
	s11 =	sadd.s32 $0x100, s11;
	[sflag:s3] =	ssyncadd.s32 $0xFFFFC000  }
0xd0: {  	[tilespmem:s26], [sflag:$0x2] =	stream.linear.gather [hbm4b:s2+s24], $0x400, $0x38;
	[tilespmem:$0x1C800] =	vst v63  }
.LBB2_5:
0xd1: {  	_ =	sfence.sel $0x180000  }
0xd2: {  	[bflag:$0x0] =	sbarrier.arrive $0xFFFF  }
0xd3: {  	_ =	strace $0x9000004A  }
0xd4: {  	s0 =	stileid.u32;
	[bflag:$0x2] =	sbarrier.arrive $0xFFFF  }
0xd5: {  	p0 =	sne.s32 s0, $0x0;
	s0 =	rddreg [dreg:$0x2]  }
0xd6: {  	s0 =	sadd.s32 @!p0 $0x100000, s0  }
0xd7: {  	[sflag:s0] =	ssyncadd.tile.s32 @!p0 $0x1;
	_ =	shalt  }
.Lfunc_end2:
_tile_overlayer_lowered:
.L_overlay_start_2:
0xd8: {  	(tag) =	ssettag $0x2  }
0xd9: {  	s0 =	rddreg [dreg:$0x0];
	s2 =	stileid.u32  }
0xda: {  	s1 =	rddreg [dreg:$0x1];
	p0 =	sne.s32 s2, $0x0  }
0xdb: {  	s3 =	rddreg [dreg:$0x2];
	[bflag:$0x3] =	sbarrier.arrive $0xFFFF;
	s2 =	simm.s32 @!p0 $0x1C05  }
0xdc: {  	[timem:s3], [sflag:s2] =	dma.local @!p0 [hbm:s0], s1  }
0xdd: {  	s0 =	simm.s32 @!p0 $0x5  }
0xde: {  	_ =	swait.ge @!p0 [sflag:s0], s1  }
0xdf: {  	s1 =	ssub.s32 @!p0 $0x0, s1;
	[sflag:s0] =	ssyncset.done @!p0 $0x0  }
0xe0: {  	[sflag:s0] =	ssyncadd.s32 @!p0 s1  }
0xe1: {  	[bflag:$0x3] =	sbarrier.arrive $0xFFFF  }
0xe2: {  	_ =	shalt  }

// kernel: kernel.16.cloned.1.call-start
scs
__scs_entry_jumppad:
0x0: {  	(pc) =	sbr.rel $0x88, $3  }
0x1: {  	(tag) =	ssettag $0x0;
	lr =	simm.s32 $0x1  }
0x2: {  	[smem:$0x3F95] =	sst lr;
	_ =	strace $0xD0000000  }
0x3: {  	_ = 	snop  }
0x4: {  	_ = 	snop  }
0x5: {  	_ = 	snop  }
0x6: {  	_ = 	snop  }
0x7: {  	_ = 	snop  }
__scs_overlays_trampoline_lowered:
0x8: {  	[smem:$0x3FA4] =	sst s0  }
0x9: {  	[smem:$0x3FA5] =	sst s1  }
0xa: {  	[smem:$0x3FA6] =	sst s2  }
0xb: {  	[smem:$0x3FA7] =	sst s3  }
0xc: {  	[smem:$0x3FA8] =	sst s4  }
0xd: {  	[smem:$0x3FA9] =	sst s5  }
0xe: {  	[smem:$0x3FAA] =	sst s6  }
0xf: {  	[smem:$0x3FAB] =	sst s7  }
0x10: {  	[smem:$0x3FAC] =	sst s8  }
0x11: {  	[smem:$0x3FAD] =	sst s9;
	s0 =	simm.s32 @!p0 $0x0  }
0x12: {  	s1 =	sld [smem:$0x3F93];
	s0 =	simm.s32 @p0 $0x1  }
0x13: {  	[smem:$0x3FAE] =	sst s0;
	s0 =	simm.s32 @!p1 $0x0  }
0x14: {  	s2 =	sld [smem:$0x3F92];
	s0 =	simm.s32 @p1 $0x1  }
0x15: {  	[smem:$0x3FAF] =	sst s0;
	s0 =	simm.s32 @!p2 $0x0  }
0x16: {  	s3 =	sld [smem:$0x3FDB];
	s0 =	simm.s32 @p2 $0x1  }
0x17: {  	s4 =	simm.s32 $0x1BF5;
	[smem:$0x3FB1] =	sst s0  }
0x18: {  	s0 =	sld [smem:$0x3F94];
	_ =	swait.ge [sflag:s4], $0x0  }
0x19: {  	s7 =	sld [smem:$0x3F95]  }
0x1a: {  	s8 =	sadd.s32 $0xFFFFE003, lr  }
0x1b: {  	s9 =	sadd.s32 $0xFFFFFEF7, lr;
	s5 =	simm.s32 $0xFFFFFFFF;
	p2 =	slt.u32 s8, $0xFFFFF086  }
0x1c: {  	p1 =	slt.u32 s9, $0xF7A;
	s5 =	simm.s32 @!p2 $0x0  }
0x1d: {  	s5 =	simm.s32 @p1 $0x1;
	p0 =	seq.s32 s7, s2  }
0x1e: {  	s7 =	smul.u32 @!p0 $0xF7A, s2;
	p2 =	seq.s32 @!p0 s5, $0x0  }
0x1f: {  	s9 =	smul.u32 $0xF7A, s1;
	s8 =	simm.s32 @!p0 $0x1BF5;
	p2 =	por !p2, p0  }
0x20: {  	[sflag:s8] =	ssyncset.s32 @!p0 $0xFFFFF086;
	s6 =	sadd.s32 @!p0 s3, s7;
	s7 =	simm.s32 @!p0 $0x108  }
0x21: {  	s3 =	sadd.s32 s3, s9;
	s6 =	sadd.s32 @!p0 $0x88, s6;
	s7 =	simm.s32 @p2 $0x1082  }
0x22: {  	[simem:s7], [sflag:s8] =	dma.local @!p0 [hbm:s6], $0xF7A  }
0x23: {  	s9 =	sor.u32 $0xD0000000, s2;
	s6 =	simm.s32 $0x108;
	_ =	swait.ge @!p0 [sflag:s8], $0x0  }
0x24: {  	s3 =	sadd.s32 $0x88, s3;
	s6 =	simm.s32 @!p1 $0x1082;
	[sflag:s4] =	ssyncset.s32 $0xFFFFF086  }
0x25: {  	[simem:s6], [sflag:s4] =	dma.local [hbm:s3], $0xF7A  }
0x26: {  	[smem:$0x3F95] =	sst s1;
	(tag) =	ssettag s2;
	_ =	strace s9  }
0x27: {  	s1 =	sld [smem:$0x3FA5]  }
0x28: {  	s2 =	sld [smem:$0x3FA6]  }
0x29: {  	s4 =	sld [smem:$0x3FA8]  }
0x2a: {  	p0 =	seq.s32 s5, $0x0;
	s5 =	sld [smem:$0x3FA9]  }
0x2b: {  	s6 =	sld [smem:$0x3FAA]  }
0x2c: {  	s7 =	sld [smem:$0x3FAB]  }
0x2d: {  	s3 =	simm.s32 $0x108;
	s8 =	sld [smem:$0x3FAC]  }
0x2e: {  	s3 =	simm.s32 @!p0 $0x1082;
	s9 =	sld [smem:$0x3FAD]  }
0x2f: {  	lr =	sadd.s32 s0, s3;
	s0 =	sld [smem:$0x3FA4]  }
0x30: {  	s3 =	sld [smem:$0x3FA7]  }
0x31: {  	[smem:$0x3FB0] =	sst s10  }
0x32: {  	s10 =	sld [smem:$0x3FAE];
	_ =	sdelay $0x3  }
0x33: {  	p0 =	seq.s32 s10, $0x1;
	s10 =	sld [smem:$0x3FB0];
	_ =	sdelay $0x3  }
0x34: {  	[smem:$0x3FB0] =	sst s10  }
0x35: {  	s10 =	sld [smem:$0x3FAF];
	_ =	sdelay $0x3  }
0x36: {  	p1 =	seq.s32 s10, $0x1;
	s10 =	sld [smem:$0x3FB0];
	_ =	sdelay $0x3  }
0x37: {  	[smem:$0x3FB0] =	sst s10  }
0x38: {  	s10 =	sld [smem:$0x3FB1]  }
0x39: {  	_ = 	snop;
	(pc) =	sbr.ind lr, $3  }
0x3a: {  	_ = 	snop  }
0x3b: {  	_ = 	snop  }
0x3c: {  	p2 =	seq.s32 s10, $0x1;
	s10 =	sld [smem:$0x3FB0]  }
0x3d: {  	_ =	shalt  }
0x3e: {  	_ =	shalt  }
0x3f: {  	_ =	shalt  }
0x40: {  	_ =	shalt  }
0x41: {  	_ =	shalt  }
0x42: {  	_ =	shalt  }
0x43: {  	_ =	shalt  }
0x44: {  	_ =	shalt  }
0x45: {  	_ =	shalt  }
0x46: {  	_ =	shalt  }
0x47: {  	_ =	shalt  }
0x48: {  	_ =	shalt  }
0x49: {  	_ =	shalt  }
0x4a: {  	_ =	shalt  }
0x4b: {  	_ =	shalt  }
0x4c: {  	_ =	shalt  }
0x4d: {  	_ =	shalt  }
0x4e: {  	_ =	shalt  }
0x4f: {  	_ =	shalt  }
0x50: {  	_ =	shalt  }
0x51: {  	_ =	shalt  }
0x52: {  	_ =	shalt  }
0x53: {  	_ =	shalt  }
0x54: {  	_ =	shalt  }
0x55: {  	_ =	shalt  }
0x56: {  	_ =	shalt  }
0x57: {  	_ =	shalt  }
0x58: {  	_ =	shalt  }
0x59: {  	_ =	shalt  }
0x5a: {  	_ =	shalt  }
0x5b: {  	_ =	shalt  }
0x5c: {  	_ =	shalt  }
0x5d: {  	_ =	shalt  }
0x5e: {  	_ =	shalt  }
0x5f: {  	_ =	shalt  }
0x60: {  	_ =	shalt  }
0x61: {  	_ =	shalt  }
0x62: {  	_ =	shalt  }
0x63: {  	_ =	shalt  }
0x64: {  	_ =	shalt  }
0x65: {  	_ =	shalt  }
0x66: {  	_ =	shalt  }
0x67: {  	_ =	shalt  }
0x68: {  	_ =	shalt  }
0x69: {  	_ =	shalt  }
0x6a: {  	_ =	shalt  }
0x6b: {  	_ =	shalt  }
0x6c: {  	_ =	shalt  }
0x6d: {  	_ =	shalt  }
0x6e: {  	_ =	shalt  }
0x6f: {  	_ =	shalt  }
0x70: {  	_ =	shalt  }
0x71: {  	_ =	shalt  }
0x72: {  	_ =	shalt  }
0x73: {  	_ =	shalt  }
0x74: {  	_ =	shalt  }
0x75: {  	_ =	shalt  }
0x76: {  	_ =	shalt  }
0x77: {  	_ =	shalt  }
0x78: {  	_ =	shalt  }
0x79: {  	_ =	shalt  }
0x7a: {  	_ =	shalt  }
0x7b: {  	_ =	shalt  }
0x7c: {  	_ =	shalt  }
0x7d: {  	_ =	shalt  }
0x7e: {  	_ =	shalt  }
0x7f: {  	_ =	shalt  }
0x80: {  	_ =	shalt  }
0x81: {  	_ =	shalt  }
0x82: {  	_ =	shalt  }
0x83: {  	_ =	shalt  }
0x84: {  	_ =	shalt  }
0x85: {  	_ =	shalt  }
0x86: {  	_ =	shalt  }
0x87: {  	_ =	shalt  }
.Lfunc_end0:
.L_simem_size_0:
called_computation.2_lowered:
.L_overlay_start_0:
0x88: {  	s2 =	sld [smem:$0x3FD9]  }
0x89: {  	s3 =	sld [smem:$0x3FFE];
	_ =	sdelay $0x1  }
0x8a: {  	s1 =	srdreg.scid  }
0x8b: {  	s0 =	sand.u32 $0x1, s1  }
0x8c: {  	s16 =	sshll.u32 s0, $0xA;
	s2 =	sadd.s32 s3, s2  }
0x8d: {  	s2 =	sadd.s32 s2, s16  }
0x8e: {  	[smem:$0x3FBC] =	sst s2  }
0x8f: {  	_ = 	snop  }
0x90: {  	(tm) =	ssettm $0x1  }
0x91: {  	s17 =	sld [smem:$0x3FFB];
	_ =	sdelay $0x3  }
0x92: {  	_ =	strace s17  }
0x93: {  	s2 =	sld [smem:$0x3FFC];
	_ =	sdelay $0x3  }
0x94: {  	_ =	strace s2  }
0x95: {  	s2 =	sld [smem:$0x3FFD];
	_ =	sdelay $0x3  }
0x96: {  	_ =	strace s2  }
0x97: {  	_ =	strace $0x8FFFFFFF  }
0x98: {  	s18 =	sld [smem:$0x3FDB];
	_ =	sdelay $0x1  }
0x99: {  	s19 =	simm.s32 $_scs_section_size  }
0x9a: {  	s4 =	simm.s32 $_size__tile_overlayer_lowered;
	s5 =	simm.s32 $_tile_overlayer_lowered  }
0x9b: {  	s22 =	simm.s32 $0x1BFF;
	s21 =	sshll.u32 s5, $0x1;
	s2 =	sadd.s32 s19, s18  }
0x9c: {  	s6 =	simm.s32 $0x0;
	s20 =	sshll.u32 s4, $0x1;
	s4 =	sadd.s32 s21, s2  }
0x9d: {  	[timem:s6], [sflag:s22] =	dma.local [hbm:s4], s20  }
0x9e: {  	_ =	swait.ge [sflag:s22], s20  }
0x9f: {  	s3 =	ssub.s32 $0x0, s20;
	[sflag:s22] =	ssyncset.done $0x0  }
0xa0: {  	[sflag:s22] =	ssyncadd.s32 s3;
	_ =	sdelay $0x1  }
0xa1: {  	s23 =	simm.s32 $0x1B8B  }
0xa2: {  	_ =	swait.ge [sflag:s23], $0x1  }
0xa3: {  	[sflag:s23] =	ssyncset.done $0x0  }
0xa4: {  	s25 =	simm.s32 $0x1B8E;
	s24 =	sld [smem:$0x3FFE];
	[sflag:s23] =	ssyncadd.s32 $0xFFFFFFFF  }
0xa5: {  	s26 =	simm.s32 $execute0_lowered;
	[smem:$0x3FD2] =	sst s25  }
0xa6: {  	s4 =	sshll.u32 s26, $0x1;
	_ =	strace $0x8000004C;
	[dreg:$0x1] =	wrdreg $0xFFFFFFFF  }
0xa7: {  	s28 =	simm.s32 $_size_execute0_lowered;
	s2 =	sadd.s32 s2, s4;
	[dreg:$0x0] =	wrdreg $0x0  }
0xa8: {  	s4 =	sshll.u32 s28, $0x1;
	[dreg:$0x2] =	wrdreg s2  }
0xa9: {  	[dreg:$0x3] =	wrdreg s4  }
0xaa: {  	[dreg:$0x4] =	wrdreg $0xC0  }
0xab: {  	_ =	task [dreg:s6], $0x5FFFF  }
0xac: {  	[dreg:$0x1] =	wrdreg $0xFFFFFFFF  }
0xad: {  	[dreg:$0x0] =	wrdreg $0x60  }
0xae: {  	[dreg:$0x2] =	wrdreg s24  }
0xaf: {  	[dreg:$0x3] =	wrdreg $0x0  }
0xb0: {  	[dreg:$0x4] =	wrdreg $0x9  }
0xb1: {  	_ =	task.clear_ibuf [dreg:s6], $0x5FFFF;
	_ =	strace $0x9000004C  }
0xb2: {  	s29 =	simm.s32 $0x9;
	_ =	strace $0x8000004E  }
0xb3: {  	_ =	swait.ge [sflag:s29], $0x1  }
0xb4: {  	[sflag:s29] =	ssyncadd.s32 $0xFFFFFFFF  }
0xb5: {  	_ =	strace $0x9000004E  }
0xb6: {  	_ =	sfence  }
0xb7: {  	s30 =	sld [smem:$0x0];
	_ =	sdelay $0x2  }
0xb8: {  	s31 =	sshll.u32 s1, $0xD;
	s1 =	sshrl.u32 s1, $0x2  }
0xb9: {  	s3 =	sand.u32 $0x4000, s31;
	s1 =	sadd.s32 s1, s30  }
0xba: {  	s0 =	sor.u32 s3, s0;
	s1 =	sshll.u32 s1, $0x11  }
0xbb: {  	s0 =	sor.u32 s1, s0  }
0xbc: {  	s0 =	sadd.s32 $0x8F2B, s0  }
0xbd: {  	[sflag:s0] =	ssyncadd.remote.s32 $0x1  }
0xbe: {  	_ =	sfence.sel $0xFFFF  }
0xbf: {  	[dreg:$0x0] =	wrdreg $0xFFFFFFFF;
	(pc) =	sbr.abs _section_cstart, $3  }
0xc0: {  	[dreg:$0x1] =	wrdreg $0xFFFFFFFF  }
0xc1: {  	_ =	task.clear_ibuf [dreg:s6], $0x2FFFF;
	_ =	strace $0x9FFFFFFF  }
0xc2: {  	(tm) =	ssettm $0x7FFFFFFF  }
0xc3: {  	_ =	shalt  }
tec
execute0_lowered:
.L_overlay_start_1:
0x0: {  	(tag) =	ssettag $0x1  }
0x1: {  	s0 =	rddreg [dreg:$0x0]  }
0x2: {  	s1 =	rddreg [dreg:$0x1];
	s2 =	simm.s32 $0x0;
	s3 =	srdreg.scid  }
0x3: {  	s14 =	stileid.u32;
	s30 =	simm.s32 $0x5;
	s28 =	simm.s32 $0x80  }
0x4: {  	s29 =	simm.s32 $0x2;
	s31 =	simm.s32 $0x18800;
	[smem:$0x7FF] =	sst s2  }
0x5: {  	s4 =	sadd.s32 $0x3E00, s0;
	s5 =	sadd.s32 $0x54600, s0;
	s7 =	smul.u32 $0x50000, s14  }
0x6: {  	s3 =	sand.u32 $0x1, s3;
	s6 =	sadd.s32 $0x3600, s0;
	s10 =	smul.u32 $0x14000, s14  }
0x7: {  	s0 =	sadd.s32 $0x68600, s0;
	s17 =	smul.u32 $0x5000, s14;
	_ =	strace $0x8000004D  }
0x8: {  	[dreg:$0x3] =	wrdreg s6;
	s18 =	ssub.s32 $0x2, s3;
	s11 =	smul.u32 $0x140000, s3  }
0x9: {  	s9 =	sshll.u32 s3, $0x4;
	s3 =	smul.u32 $0x50000, s3;
	s8 =	sshrl.u32 s18, $0x1  }
0xa: {  	s9 =	sor.u32 s14, s9;
	s7 =	sshrl.u32 s7, $0x2;
	s20 =	sadd.s32 $0x4000, s10  }
0xb: {  	s21 =	sadd.s32 $0x8000, s10;
	s23 =	sadd.s32 $0xC000, s10;
	s14 =	simm.s32 $0x14300  }
0xc: {  	s6 =	ssub.s32 s18, s8;
	s7 =	sadd.s32 s7, s1;
	s19 =	smul.u32 $0x5000, s9  }
0xd: {  	s12 =	sadd.s32 s20, s1;
	s22 =	sadd.s32 s21, s1;
	s13 =	sadd.s32 s10, s11  }
0xe: {  	s10 =	sadd.s32 $0x10000, s10;
	s16 =	sadd.s32 s11, s21;
	[dreg:$0x4] =	wrdreg s7  }
0xf: {  	s3 =	sadd.s32 s17, s3;
	s17 =	simm.s32 $0x14600;
	[dreg:$0x5] =	wrdreg s12  }
0x10: {  	s9 =	simm.s32 $0x14780;
	[dreg:$0x6] =	wrdreg s22;
	s22 =	sadd.s32 s23, s1  }
0x11: {  	s25 =	sshrl.u32 s13, $0x3;
	s24 =	sadd.s32 s10, s1;
	s8 =	sshrl.u32 s16, $0x3  }
0x12: {  	s6 =	smax.u32 s6, $0x1;
	s12 =	simm.s32 $0x14100;
	s13 =	simm.s32 $0x14280  }
0x13: {  	s16 =	simm.s32 $0x14480;
	s7 =	sshrl.u32 s19, $0x3;
	s18 =	sadd.s32 s0, s8  }
0x14: {  	s19 =	sadd.s32 s11, s23;
	s23 =	sor.u32 $0xC00, s3;
	[dreg:$0x10] =	wrdreg s6  }
0x15: {  	s3 =	sor.u32 $0x800, s3;
	s6 =	simm.s32 $0x14680;
	[dreg:$0x7] =	wrdreg s22  }
0x16: {  	s8 =	simm.s32 $0x14700;
	[dreg:$0x9] =	wrdreg s24;
	s15 =	sadd.s32 s5, s7  }
0x17: {  	s7 =	sadd.s32 s0, s25;
	[dreg:$0xd] =	wrdreg s18;
	s25 =	sshrl.u32 s23, $0x3  }
0x18: {  	s23 =	simm.s32 $0x3;
	s18 =	simm.s32 $0x14500;
	[dreg:$0x8] =	wrdreg s15  }
0x19: {  	s26 =	sadd.s32 $0x80, s15;
	[dreg:$0xb] =	wrdreg s7;
	s15 =	sadd.s32 s11, s20  }
0x1a: {  	s20 =	sadd.s32 s11, s10;
	s10 =	simm.s32 $0x14180;
	[dreg:$0xa] =	wrdreg s26  }
0x1b: {  	s7 =	sshrl.u32 s15, $0x3;
	s21 =	sshrl.u32 s20, $0x3;
	s26 =	sshrl.u32 s3, $0x3  }
0x1c: {  	s3 =	simm.s32 $0x6;
	s15 =	simm.s32 $0x14380;
	s7 =	sadd.s32 s0, s7  }
.Ltmp0:
0x1d: {  	s20 =	sadd.s32 s26, s5;
	s26 =	simm.s32 $0x14400;
	(pc) =	sbr.rel .LBB2_1-.Ltmp0, $4  }
0x1e: {  	[dreg:$0xc] =	wrdreg s7;
	s7 =	sshrl.u32 s19, $0x3;
	s19 =	sadd.s32 s25, s5  }
0x1f: {  	s25 =	simm.s32 $0x1;
	s5 =	simm.s32 $0x4;
	s7 =	sadd.s32 s0, s7  }
0x20: {  	s0 =	sadd.s32 s0, s21;
	s21 =	simm.s32 $0x14800;
	[dreg:$0xe] =	wrdreg s7  }
0x21: {  	[dreg:$0xf] =	wrdreg s0;
	s7 =	simm.s32 $0x14580;
	s0 =	simm.s32 $0x0  }
.LBB2_4:
0x22: {  	_ =	swait.ge [sflag:s5], $0x4000  }
0x23: {  	[sflag:s5] =	ssyncset.done $0x0  }
0x24: {  	s30 =	simm.s32 $0x5;
	[sflag:s5] =	ssyncadd.s32 $0xFFFFC000  }
0x25: {  	[spmem:s1] =	stream.indirect.scatter.add.f32 [tilespmem:s31], [sflag:$0x5], $0x80, s9, s28, $0xb8;
	[tilespmem:$0x1C800] =	vst v63  }
0x26: {  	_ =	swait.ge [sflag:s30], $0x4000  }
0x27: {  	[sflag:s30] =	ssyncset.done $0x0  }
0x28: {  	[sflag:s30] =	ssyncadd.s32 $0xFFFFC000  }
0x29: {  	[bflag:$0x0] =	sbarrier.arrive $0xFFFF  }
0x2a: {  	s0 =	rddreg [dreg:$0x4]  }
0x2b: {  	[tilespmem:s21], [sflag:$0x5] =	stream.linear.gather [spmem:s0], $0x4000, $0x38;
	[tilespmem:$0x1C800] =	vst v63  }
0x2c: {  	_ =	swait.ge [sflag:s30], $0x4000  }
0x2d: {  	[sflag:s30] =	ssyncset.done $0x0  }
0x2e: {  	s2 =	simm.s32 $0x0;
	s11 =	rddreg [dreg:$0xb];
	[sflag:s30] =	ssyncadd.s32 $0xFFFFC000  }
0x2f: {  	[hbm4b:s11+s2] =	stream.linear.scatter [tilespmem:s21], [sflag:$0x3], $0x4000, $0x38;
	[tilespmem:$0x1C800] =	vst v63  }
0x30: {  	s24 =	rddreg [dreg:$0x5]  }
0x31: {  	[tilespmem:s31], [sflag:$0x5] =	stream.linear.gather [spmem:s24], $0x4000, $0x38;
	[tilespmem:$0x1C800] =	vst v63  }
0x32: {  	_ =	swait.ge [sflag:s30], $0x4000  }
0x33: {  	[sflag:s30] =	ssyncset.done $0x0  }
0x34: {  	s0 =	rddreg [dreg:$0xc];
	[sflag:s30] =	ssyncadd.s32 $0xFFFFC000  }
0x35: {  	[hbm4b:s0+s2] =	stream.linear.scatter [tilespmem:s31], [sflag:$0x4], $0x4000, $0x38;
	[tilespmem:$0x1C800] =	vst v63  }
0x36: {  	_ =	swait.ge [sflag:s23], $0x4000  }
0x37: {  	[sflag:s23] =	ssyncset.done $0x0  }
0x38: {  	s11 =	rddreg [dreg:$0x6];
	[sflag:s23] =	ssyncadd.s32 $0xFFFFC000  }
0x39: {  	[tilespmem:s21], [sflag:$0x5] =	stream.linear.gather [spmem:s11], $0x4000, $0x38;
	[tilespmem:$0x1C800] =	vst v63  }
0x3a: {  	_ =	swait.ge [sflag:s30], $0x4000  }
0x3b: {  	[sflag:s30] =	ssyncset.done $0x0  }
0x3c: {  	s22 =	rddreg [dreg:$0xd];
	[sflag:s30] =	ssyncadd.s32 $0xFFFFC000  }
0x3d: {  	[hbm4b:s22+s2] =	stream.linear.scatter [tilespmem:s21], [sflag:$0x3], $0x4000, $0x38;
	[tilespmem:$0x1C800] =	vst v63  }
0x3e: {  	_ =	swait.ge [sflag:s5], $0x4000  }
0x3f: {  	[sflag:s5] =	ssyncset.done $0x0  }
0x40: {  	s22 =	rddreg [dreg:$0x7];
	[sflag:s5] =	ssyncadd.s32 $0xFFFFC000  }
0x41: {  	[tilespmem:s31], [sflag:$0x5] =	stream.linear.gather [spmem:s22], $0x4000, $0x38;
	[tilespmem:$0x1C800] =	vst v63  }
0x42: {  	_ =	swait.ge [sflag:s30], $0x4000  }
0x43: {  	[sflag:s30] =	ssyncset.done $0x0  }
0x44: {  	s24 =	rddreg [dreg:$0xe];
	[sflag:s30] =	ssyncadd.s32 $0xFFFFC000  }
0x45: {  	[hbm4b:s24+s2] =	stream.linear.scatter [tilespmem:s31], [sflag:$0x4], $0x4000, $0x38;
	[tilespmem:$0x1C800] =	vst v63  }
0x46: {  	_ =	swait.ge [sflag:s23], $0x4000  }
0x47: {  	[sflag:s23] =	ssyncset.done $0x0  }
0x48: {  	s24 =	rddreg [dreg:$0x9];
	[sflag:s23] =	ssyncadd.s32 $0xFFFFC000  }
0x49: {  	[tilespmem:s21], [sflag:$0x5] =	stream.linear.gather [spmem:s24], $0x4000, $0x38;
	[tilespmem:$0x1C800] =	vst v63  }
0x4a: {  	_ =	swait.ge [sflag:s30], $0x4000  }
0x4b: {  	[sflag:s30] =	ssyncset.done $0x0  }
0x4c: {  	s0 =	rddreg [dreg:$0xf];
	[sflag:s30] =	ssyncadd.s32 $0xFFFFC000  }
0x4d: {  	[hbm4b:s0+s2] =	stream.linear.scatter [tilespmem:s21], [sflag:$0x3], $0x4000, $0x38;
	[tilespmem:$0x1C800] =	vst v63  }
0x4e: {  	_ =	swait.ge [sflag:s5], $0x4000  }
0x4f: {  	[sflag:s5] =	ssyncset.done $0x0  }
0x50: {  	[sflag:s5] =	ssyncadd.s32 $0xFFFFC000  }
0x51: {  	_ =	swait.ge [sflag:s23], $0x4000  }
0x52: {  	s11 =	rddreg [dreg:$0x11]  }
0x53: {  	s0 =	sadd.s32 $0x1, s11;
	s11 =	rddreg [dreg:$0x10]  }
0x54: {  	p0 =	sne.s32 s0, s11  }
.Ltmp1:
0x55: {  	_ = 	snop;
	(pc) =	sbr.rel @!p0 .LBB2_5-.Ltmp1, $3  }
0x56: {  	_ =	sdelay $0x1  }
0x57: {  	[sflag:s23] =	ssyncset.done $0x0  }
0x58: {  	[sflag:s23] =	ssyncadd.s32 $0xFFFFC000  }
.LBB2_1:
0x59: {  	[dreg:$0x11] =	wrdreg s0  }
0x5a: {  	s11 =	rddreg [dreg:$0x3]  }
0x5b: {  	[tilespmem:s21], [sflag:$0x5] =	stream.linear.gather [hbm4b:s11+s2], $0x4000, $0x38;
	[tilespmem:$0x1C800] =	vst v63  }
0x5c: {  	_ =	swait.ge [sflag:s30], $0x4000  }
0x5d: {  	[sflag:s30] =	ssyncset.done $0x0  }
0x5e: {  	s11 =	rddreg [dreg:$0x4];
	[sflag:s30] =	ssyncadd.s32 $0xFFFFC000  }
0x5f: {  	[spmem:s11] =	stream.linear.scatter [tilespmem:s21], [sflag:$0x3], $0x4000, $0x38;
	[tilespmem:$0x1C800] =	vst v63  }
0x60: {  	s30 =	rddreg [dreg:$0x5]  }
0x61: {  	[spmem:s30] =	stream.linear.scatter [tilespmem:s21], [sflag:$0x3], $0x4000, $0x38;
	[tilespmem:$0x1C800] =	vst v63  }
0x62: {  	s11 =	rddreg [dreg:$0x6]  }
0x63: {  	[spmem:s11] =	stream.linear.scatter [tilespmem:s21], [sflag:$0x3], $0x4000, $0x38;
	[tilespmem:$0x1C800] =	vst v63  }
0x64: {  	_ = 	snop  }
0x65: {  	[spmem:s22] =	stream.linear.scatter [tilespmem:s21], [sflag:$0x3], $0x4000, $0x38;
	[tilespmem:$0x1C800] =	vst v63  }
0x66: {  	_ = 	snop  }
0x67: {  	[spmem:s24] =	stream.linear.scatter [tilespmem:s21], [sflag:$0x3], $0x4000, $0x38;
	[tilespmem:$0x1C800] =	vst v63  }
0x68: {  	_ =	swait.ge [sflag:s23], $0x4000  }
0x69: {  	[sflag:s23] =	ssyncset.done $0x0  }
0x6a: {  	[sflag:s23] =	ssyncadd.s32 $0xFFFFC000  }
0x6b: {  	_ =	swait.ge [sflag:s23], $0x4000  }
0x6c: {  	[sflag:s23] =	ssyncset.done $0x0  }
0x6d: {  	[sflag:s23] =	ssyncadd.s32 $0xFFFFC000  }
0x6e: {  	_ =	swait.ge [sflag:s23], $0x4000  }
0x6f: {  	[sflag:s23] =	ssyncset.done $0x0  }
0x70: {  	[sflag:s23] =	ssyncadd.s32 $0xFFFFC000  }
0x71: {  	_ =	swait.ge [sflag:s23], $0x4000  }
0x72: {  	[sflag:s23] =	ssyncset.done $0x0  }
0x73: {  	[sflag:s23] =	ssyncadd.s32 $0xFFFFC000  }
0x74: {  	_ =	swait.ge [sflag:s23], $0x4000  }
0x75: {  	[sflag:s23] =	ssyncset.done $0x0  }
0x76: {  	[sflag:s23] =	ssyncadd.s32 $0xFFFFC000  }
0x77: {  	[bflag:$0x0] =	sbarrier.arrive $0xFFFF  }
0x78: {  	s22 =	simm.s32 $0x14000;
	s24 =	rddreg [dreg:$0x8]  }
0x79: {  	[tilespmem:s22], [sflag:$0x1] =	stream.linear.gather [hbm4b:s24+s2], $0x400, $0x38;
	[tilespmem:$0x1C800] =	vst v63  }
0x7a: {  	_ =	swait.ge [sflag:s25], $0x400  }
0x7b: {  	[sflag:s25] =	ssyncset.done $0x0  }
0x7c: {  	s30 =	rddreg [dreg:$0xa];
	[sflag:s25] =	ssyncadd.s32 $0xFFFFFC00  }
0x7d: {  	[tilespmem:s26], [sflag:$0x2] =	stream.linear.gather [hbm4b:s30+s2], $0x400, $0x38;
	[tilespmem:$0x1C800] =	vst v63  }
0x7e: {  	s0 =	simm.s32 $0x14000;
	s11 =	simm.s32 $0x0;
	s24 =	simm.s32 $0x0  }
0x7f: {  	[tilespmem:s21], [sflag:$0x3] =	stream.indirect.gather [hbm4b:s4+s28], $0x80, s22, s28, $0xb8;
	[tilespmem:$0x1C800] =	vst v63  }
.LBB2_2:
0x80: {  	_ =	swait.ge [sflag:s29], $0x400  }
0x81: {  	[sflag:s29] =	ssyncset.done $0x0  }
0x82: {  	[sflag:s29] =	ssyncadd.s32 $0xFFFFFC00  }
0x83: {  	_ =	swait.ge [sflag:s23], $0x4000  }
0x84: {  	[sflag:s23] =	ssyncset.done $0x0  }
0x85: {  	s2 =	simm.s32 $0x14080;
	[sflag:s23] =	ssyncadd.s32 $0xFFFFC000  }
0x86: {  	[tilespmem:s31], [sflag:$0x4] =	stream.indirect.gather [hbm4b:s4+s28], $0x80, s2, s28, $0xb8;
	[tilespmem:$0x1C800] =	vst v63  }
0x87: {  	s30 =	simm.s32 $0x14200  }
0x88: {  	[spmem:s1] =	stream.indirect.scatter.add.f32 [tilespmem:s21], [sflag:$0x6], $0x80, s30, s28, $0xb8;
	[tilespmem:$0x1C800] =	vst v63  }
0x89: {  	_ =	swait.ge [sflag:s3], $0x4000  }
0x8a: {  	[sflag:s3] =	ssyncset.done $0x0  }
0x8b: {  	[sflag:s3] =	ssyncadd.s32 $0xFFFFC000  }
0x8c: {  	_ =	swait.ge [sflag:s5], $0x4000  }
0x8d: {  	[sflag:s5] =	ssyncset.done $0x0  }
0x8e: {  	[sflag:s5] =	ssyncadd.s32 $0xFFFFC000  }
0x8f: {  	[tilespmem:s21], [sflag:$0x3] =	stream.indirect.gather [hbm4b:s4+s28], $0x80, s12, s28, $0xb8;
	[tilespmem:$0x1C800] =	vst v63  }
0x90: {  	_ = 	snop  }
0x91: {  	[spmem:s1] =	stream.indirect.scatter.add.f32 [tilespmem:s31], [sflag:$0x6], $0x80, s13, s28, $0xb8;
	[tilespmem:$0x1C800] =	vst v63  }
0x92: {  	_ =	swait.ge [sflag:s3], $0x4000  }
0x93: {  	[sflag:s3] =	ssyncset.done $0x0  }
0x94: {  	[sflag:s3] =	ssyncadd.s32 $0xFFFFC000  }
0x95: {  	_ =	swait.ge [sflag:s23], $0x4000  }
0x96: {  	[sflag:s23] =	ssyncset.done $0x0  }
0x97: {  	[sflag:s23] =	ssyncadd.s32 $0xFFFFC000  }
0x98: {  	[tilespmem:s31], [sflag:$0x4] =	stream.indirect.gather [hbm4b:s4+s28], $0x80, s10, s28, $0xb8;
	[tilespmem:$0x1C800] =	vst v63  }
0x99: {  	_ = 	snop  }
0x9a: {  	[spmem:s1] =	stream.indirect.scatter.add.f32 [tilespmem:s21], [sflag:$0x6], $0x80, s14, s28, $0xb8;
	[tilespmem:$0x1C800] =	vst v63  }
0x9b: {  	_ =	swait.ge [sflag:s3], $0x4000  }
0x9c: {  	[sflag:s3] =	ssyncset.done $0x0  }
0x9d: {  	[sflag:s3] =	ssyncadd.s32 $0xFFFFC000  }
0x9e: {  	_ =	swait.ge [sflag:s5], $0x4000  }
0x9f: {  	[sflag:s5] =	ssyncset.done $0x0  }
0xa0: {  	[sflag:s5] =	ssyncadd.s32 $0xFFFFC000  }
0xa1: {  	[tilespmem:s21], [sflag:$0x3] =	stream.indirect.gather [hbm4b:s4+s28], $0x80, s26, s28, $0xb8;
	[tilespmem:$0x1C800] =	vst v63  }
0xa2: {  	_ = 	snop  }
0xa3: {  	[spmem:s1] =	stream.indirect.scatter.add.f32 [tilespmem:s31], [sflag:$0x6], $0x80, s15, s28, $0xb8;
	[tilespmem:$0x1C800] =	vst v63  }
0xa4: {  	p0 =	seq.s32 s11, $0x900;
	_ =	swait.ge [sflag:s3], $0x4000  }
0xa5: {  	s22 =	sadd.s32 @!p0 s11, s20;
	[sflag:s3] =	ssyncset.done $0x0  }
0xa6: {  	s2 =	simm.s32 @!p0 $0x0;
	s30 =	simm.s32 @!p0 $0x14000;
	[sflag:s3] =	ssyncadd.s32 $0xFFFFC000  }
0xa7: {  	[tilespmem:s30], [sflag:$0x1] =	stream.linear.gather @!p0 [hbm4b:s22+s2], $0x400, $0x38;
	[tilespmem:$0x1C800] =	vst v63  }
0xa8: {  	_ =	swait.ge [sflag:s23], $0x4000  }
0xa9: {  	[sflag:s23] =	ssyncset.done $0x0  }
0xaa: {  	[sflag:s23] =	ssyncadd.s32 $0xFFFFC000  }
0xab: {  	[tilespmem:s31], [sflag:$0x4] =	stream.indirect.gather [hbm4b:s4+s28], $0x80, s16, s28, $0xb8;
	[tilespmem:$0x1C800] =	vst v63  }
0xac: {  	_ = 	snop  }
0xad: {  	[spmem:s1] =	stream.indirect.scatter.add.f32 [tilespmem:s21], [sflag:$0x6], $0x80, s17, s28, $0xb8;
	[tilespmem:$0x1C800] =	vst v63  }
0xae: {  	_ =	swait.ge [sflag:s3], $0x4000  }
0xaf: {  	[sflag:s3] =	ssyncset.done $0x0  }
0xb0: {  	[sflag:s3] =	ssyncadd.s32 $0xFFFFC000  }
0xb1: {  	_ =	swait.ge [sflag:s5], $0x4000  }
0xb2: {  	[sflag:s5] =	ssyncset.done $0x0  }
0xb3: {  	[sflag:s5] =	ssyncadd.s32 $0xFFFFC000  }
0xb4: {  	[tilespmem:s21], [sflag:$0x3] =	stream.indirect.gather [hbm4b:s4+s28], $0x80, s18, s28, $0xb8;
	[tilespmem:$0x1C800] =	vst v63  }
0xb5: {  	_ = 	snop  }
0xb6: {  	[spmem:s1] =	stream.indirect.scatter.add.f32 [tilespmem:s31], [sflag:$0x6], $0x80, s6, s28, $0xb8;
	[tilespmem:$0x1C800] =	vst v63  }
0xb7: {  	_ =	swait.ge [sflag:s3], $0x4000  }
0xb8: {  	[sflag:s3] =	ssyncset.done $0x0  }
0xb9: {  	[sflag:s3] =	ssyncadd.s32 $0xFFFFC000  }
0xba: {  	_ =	swait.ge [sflag:s23], $0x4000  }
0xbb: {  	[sflag:s23] =	ssyncset.done $0x0  }
0xbc: {  	[sflag:s23] =	ssyncadd.s32 $0xFFFFC000  }
0xbd: {  	[tilespmem:s31], [sflag:$0x4] =	stream.indirect.gather [hbm4b:s4+s28], $0x80, s7, s28, $0xb8;
	[tilespmem:$0x1C800] =	vst v63  }
.Ltmp2:
0xbe: {  	_ = 	snop;
	(pc) =	sbr.rel @p0 .LBB2_4-.Ltmp2, $4  }
0xbf: {  	[spmem:s1] =	stream.indirect.scatter.add.f32 [tilespmem:s21], [sflag:$0x6], $0x80, s8, s28, $0xb8;
	[tilespmem:$0x1C800] =	vst v63  }
0xc0: {  	_ =	swait.ge [sflag:s3], $0x4000  }
0xc1: {  	[sflag:s3] =	ssyncset.done $0x0  }
0xc2: {  	[sflag:s3] =	ssyncadd.s32 $0xFFFFC000  }
0xc3: {  	_ =	swait.ge [sflag:s25], $0x400  }
0xc4: {  	[sflag:s25] =	ssyncset.done $0x0  }
0xc5: {  	[sflag:s25] =	ssyncadd.s32 $0xFFFFFC00  }
0xc6: {  	_ =	swait.ge [sflag:s5], $0x4000  }
0xc7: {  	[sflag:s5] =	ssyncset.done $0x0  }
0xc8: {  	[sflag:s5] =	ssyncadd.s32 $0xFFFFC000  }
0xc9: {  	[tilespmem:s21], [sflag:$0x3] =	stream.indirect.gather [hbm4b:s4+s28], $0x80, s0, s28, $0xb8;
	[tilespmem:$0x1C800] =	vst v63  }
0xca: {  	_ = 	snop  }
0xcb: {  	[spmem:s1] =	stream.indirect.scatter.add.f32 [tilespmem:s31], [sflag:$0x6], $0x80, s9, s28, $0xb8;
	[tilespmem:$0x1C800] =	vst v63  }
.Ltmp3:
0xcc: {  	_ = 	snop;
	(pc) =	sbr.rel .LBB2_2-.Ltmp3, $4  }
0xcd: {  	_ =	swait.ge [sflag:s3], $0x4000  }
0xce: {  	[sflag:s3] =	ssyncset.done $0x0  }
0xcf: {  	s2 =	sadd.s32 s11, s19;
	s11 =	sadd.s32 $0x100, s11;
	[sflag:s3] =	ssyncadd.s32 $0xFFFFC000  }
0xd0: {  	[tilespmem:s26], [sflag:$0x2] =	stream.linear.gather [hbm4b:s2+s24], $0x400, $0x38;
	[tilespmem:$0x1C800] =	vst v63  }
.LBB2_5:
0xd1: {  	_ =	sfence.sel $0x180000  }
0xd2: {  	[bflag:$0x0] =	sbarrier.arrive $0xFFFF  }
0xd3: {  	_ =	strace $0x9000004D  }
0xd4: {  	s0 =	stileid.u32;
	[bflag:$0x2] =	sbarrier.arrive $0xFFFF  }
0xd5: {  	p0 =	sne.s32 s0, $0x0;
	s0 =	rddreg [dreg:$0x2]  }
0xd6: {  	s0 =	sadd.s32 @!p0 $0x100000, s0  }
0xd7: {  	[sflag:s0] =	ssyncadd.tile.s32 @!p0 $0x1;
	_ =	shalt  }
.Lfunc_end2:
_tile_overlayer_lowered:
.L_overlay_start_2:
0xd8: {  	(tag) =	ssettag $0x2  }
0xd9: {  	s0 =	rddreg [dreg:$0x0];
	s2 =	stileid.u32  }
0xda: {  	s1 =	rddreg [dreg:$0x1];
	p0 =	sne.s32 s2, $0x0  }
0xdb: {  	s3 =	rddreg [dreg:$0x2];
	[bflag:$0x3] =	sbarrier.arrive $0xFFFF;
	s2 =	simm.s32 @!p0 $0x1C05  }
0xdc: {  	[timem:s3], [sflag:s2] =	dma.local @!p0 [hbm:s0], s1  }
0xdd: {  	s0 =	simm.s32 @!p0 $0x5  }
0xde: {  	_ =	swait.ge @!p0 [sflag:s0], s1  }
0xdf: {  	s1 =	ssub.s32 @!p0 $0x0, s1;
	[sflag:s0] =	ssyncset.done @!p0 $0x0  }
0xe0: {  	[sflag:s0] =	ssyncadd.s32 @!p0 s1  }
0xe1: {  	[bflag:$0x3] =	sbarrier.arrive $0xFFFF  }
0xe2: {  	_ =	shalt  }

// kernel: kernel.19.cloned.1.call-start
scs
__scs_entry_jumppad:
0x0: {  	(pc) =	sbr.rel $0x88, $3  }
0x1: {  	(tag) =	ssettag $0x0;
	lr =	simm.s32 $0x1  }
0x2: {  	[smem:$0x3F95] =	sst lr;
	_ =	strace $0xD0000000  }
0x3: {  	_ = 	snop  }
0x4: {  	_ = 	snop  }
0x5: {  	_ = 	snop  }
0x6: {  	_ = 	snop  }
0x7: {  	_ = 	snop  }
__scs_overlays_trampoline_lowered:
0x8: {  	[smem:$0x3FA4] =	sst s0  }
0x9: {  	[smem:$0x3FA5] =	sst s1  }
0xa: {  	[smem:$0x3FA6] =	sst s2  }
0xb: {  	[smem:$0x3FA7] =	sst s3  }
0xc: {  	[smem:$0x3FA8] =	sst s4  }
0xd: {  	[smem:$0x3FA9] =	sst s5  }
0xe: {  	[smem:$0x3FAA] =	sst s6  }
0xf: {  	[smem:$0x3FAB] =	sst s7  }
0x10: {  	[smem:$0x3FAC] =	sst s8  }
0x11: {  	[smem:$0x3FAD] =	sst s9;
	s0 =	simm.s32 @!p0 $0x0  }
0x12: {  	s1 =	sld [smem:$0x3F93];
	s0 =	simm.s32 @p0 $0x1  }
0x13: {  	[smem:$0x3FAE] =	sst s0;
	s0 =	simm.s32 @!p1 $0x0  }
0x14: {  	s2 =	sld [smem:$0x3F92];
	s0 =	simm.s32 @p1 $0x1  }
0x15: {  	[smem:$0x3FAF] =	sst s0;
	s0 =	simm.s32 @!p2 $0x0  }
0x16: {  	s3 =	sld [smem:$0x3FDB];
	s0 =	simm.s32 @p2 $0x1  }
0x17: {  	s4 =	simm.s32 $0x1BF5;
	[smem:$0x3FB1] =	sst s0  }
0x18: {  	s0 =	sld [smem:$0x3F94];
	_ =	swait.ge [sflag:s4], $0x0  }
0x19: {  	s7 =	sld [smem:$0x3F95]  }
0x1a: {  	s8 =	sadd.s32 $0xFFFFE003, lr  }
0x1b: {  	s9 =	sadd.s32 $0xFFFFFEF7, lr;
	s5 =	simm.s32 $0xFFFFFFFF;
	p2 =	slt.u32 s8, $0xFFFFF086  }
0x1c: {  	p1 =	slt.u32 s9, $0xF7A;
	s5 =	simm.s32 @!p2 $0x0  }
0x1d: {  	s5 =	simm.s32 @p1 $0x1;
	p0 =	seq.s32 s7, s2  }
0x1e: {  	s7 =	smul.u32 @!p0 $0xF7A, s2;
	p2 =	seq.s32 @!p0 s5, $0x0  }
0x1f: {  	s9 =	smul.u32 $0xF7A, s1;
	s8 =	simm.s32 @!p0 $0x1BF5;
	p2 =	por !p2, p0  }
0x20: {  	[sflag:s8] =	ssyncset.s32 @!p0 $0xFFFFF086;
	s6 =	sadd.s32 @!p0 s3, s7;
	s7 =	simm.s32 @!p0 $0x108  }
0x21: {  	s3 =	sadd.s32 s3, s9;
	s6 =	sadd.s32 @!p0 $0x88, s6;
	s7 =	simm.s32 @p2 $0x1082  }
0x22: {  	[simem:s7], [sflag:s8] =	dma.local @!p0 [hbm:s6], $0xF7A  }
0x23: {  	s9 =	sor.u32 $0xD0000000, s2;
	s6 =	simm.s32 $0x108;
	_ =	swait.ge @!p0 [sflag:s8], $0x0  }
0x24: {  	s3 =	sadd.s32 $0x88, s3;
	s6 =	simm.s32 @!p1 $0x1082;
	[sflag:s4] =	ssyncset.s32 $0xFFFFF086  }
0x25: {  	[simem:s6], [sflag:s4] =	dma.local [hbm:s3], $0xF7A  }
0x26: {  	[smem:$0x3F95] =	sst s1;
	(tag) =	ssettag s2;
	_ =	strace s9  }
0x27: {  	s1 =	sld [smem:$0x3FA5]  }
0x28: {  	s2 =	sld [smem:$0x3FA6]  }
0x29: {  	s4 =	sld [smem:$0x3FA8]  }
0x2a: {  	p0 =	seq.s32 s5, $0x0;
	s5 =	sld [smem:$0x3FA9]  }
0x2b: {  	s6 =	sld [smem:$0x3FAA]  }
0x2c: {  	s7 =	sld [smem:$0x3FAB]  }
0x2d: {  	s3 =	simm.s32 $0x108;
	s8 =	sld [smem:$0x3FAC]  }
0x2e: {  	s3 =	simm.s32 @!p0 $0x1082;
	s9 =	sld [smem:$0x3FAD]  }
0x2f: {  	lr =	sadd.s32 s0, s3;
	s0 =	sld [smem:$0x3FA4]  }
0x30: {  	s3 =	sld [smem:$0x3FA7]  }
0x31: {  	[smem:$0x3FB0] =	sst s10  }
0x32: {  	s10 =	sld [smem:$0x3FAE];
	_ =	sdelay $0x3  }
0x33: {  	p0 =	seq.s32 s10, $0x1;
	s10 =	sld [smem:$0x3FB0];
	_ =	sdelay $0x3  }
0x34: {  	[smem:$0x3FB0] =	sst s10  }
0x35: {  	s10 =	sld [smem:$0x3FAF];
	_ =	sdelay $0x3  }
0x36: {  	p1 =	seq.s32 s10, $0x1;
	s10 =	sld [smem:$0x3FB0];
	_ =	sdelay $0x3  }
0x37: {  	[smem:$0x3FB0] =	sst s10  }
0x38: {  	s10 =	sld [smem:$0x3FB1]  }
0x39: {  	_ = 	snop;
	(pc) =	sbr.ind lr, $3  }
0x3a: {  	_ = 	snop  }
0x3b: {  	_ = 	snop  }
0x3c: {  	p2 =	seq.s32 s10, $0x1;
	s10 =	sld [smem:$0x3FB0]  }
0x3d: {  	_ =	shalt  }
0x3e: {  	_ =	shalt  }
0x3f: {  	_ =	shalt  }
0x40: {  	_ =	shalt  }
0x41: {  	_ =	shalt  }
0x42: {  	_ =	shalt  }
0x43: {  	_ =	shalt  }
0x44: {  	_ =	shalt  }
0x45: {  	_ =	shalt  }
0x46: {  	_ =	shalt  }
0x47: {  	_ =	shalt  }
0x48: {  	_ =	shalt  }
0x49: {  	_ =	shalt  }
0x4a: {  	_ =	shalt  }
0x4b: {  	_ =	shalt  }
0x4c: {  	_ =	shalt  }
0x4d: {  	_ =	shalt  }
0x4e: {  	_ =	shalt  }
0x4f: {  	_ =	shalt  }
0x50: {  	_ =	shalt  }
0x51: {  	_ =	shalt  }
0x52: {  	_ =	shalt  }
0x53: {  	_ =	shalt  }
0x54: {  	_ =	shalt  }
0x55: {  	_ =	shalt  }
0x56: {  	_ =	shalt  }
0x57: {  	_ =	shalt  }
0x58: {  	_ =	shalt  }
0x59: {  	_ =	shalt  }
0x5a: {  	_ =	shalt  }
0x5b: {  	_ =	shalt  }
0x5c: {  	_ =	shalt  }
0x5d: {  	_ =	shalt  }
0x5e: {  	_ =	shalt  }
0x5f: {  	_ =	shalt  }
0x60: {  	_ =	shalt  }
0x61: {  	_ =	shalt  }
0x62: {  	_ =	shalt  }
0x63: {  	_ =	shalt  }
0x64: {  	_ =	shalt  }
0x65: {  	_ =	shalt  }
0x66: {  	_ =	shalt  }
0x67: {  	_ =	shalt  }
0x68: {  	_ =	shalt  }
0x69: {  	_ =	shalt  }
0x6a: {  	_ =	shalt  }
0x6b: {  	_ =	shalt  }
0x6c: {  	_ =	shalt  }
0x6d: {  	_ =	shalt  }
0x6e: {  	_ =	shalt  }
0x6f: {  	_ =	shalt  }
0x70: {  	_ =	shalt  }
0x71: {  	_ =	shalt  }
0x72: {  	_ =	shalt  }
0x73: {  	_ =	shalt  }
0x74: {  	_ =	shalt  }
0x75: {  	_ =	shalt  }
0x76: {  	_ =	shalt  }
0x77: {  	_ =	shalt  }
0x78: {  	_ =	shalt  }
0x79: {  	_ =	shalt  }
0x7a: {  	_ =	shalt  }
0x7b: {  	_ =	shalt  }
0x7c: {  	_ =	shalt  }
0x7d: {  	_ =	shalt  }
0x7e: {  	_ =	shalt  }
0x7f: {  	_ =	shalt  }
0x80: {  	_ =	shalt  }
0x81: {  	_ =	shalt  }
0x82: {  	_ =	shalt  }
0x83: {  	_ =	shalt  }
0x84: {  	_ =	shalt  }
0x85: {  	_ =	shalt  }
0x86: {  	_ =	shalt  }
0x87: {  	_ =	shalt  }
.Lfunc_end0:
.L_simem_size_0:
called_computation.3_lowered:
.L_overlay_start_0:
0x88: {  	s2 =	sld [smem:$0x3FD9]  }
0x89: {  	s3 =	sld [smem:$0x3FFE];
	_ =	sdelay $0x1  }
0x8a: {  	s1 =	srdreg.scid  }
0x8b: {  	s0 =	sand.u32 $0x1, s1  }
0x8c: {  	s16 =	sshll.u32 s0, $0xA;
	s2 =	sadd.s32 s3, s2  }
0x8d: {  	s2 =	sadd.s32 s2, s16  }
0x8e: {  	[smem:$0x3FBC] =	sst s2  }
0x8f: {  	_ = 	snop  }
0x90: {  	(tm) =	ssettm $0x1  }
0x91: {  	s17 =	sld [smem:$0x3FFB];
	_ =	sdelay $0x3  }
0x92: {  	_ =	strace s17  }
0x93: {  	s2 =	sld [smem:$0x3FFC];
	_ =	sdelay $0x3  }
0x94: {  	_ =	strace s2  }
0x95: {  	s2 =	sld [smem:$0x3FFD];
	_ =	sdelay $0x3  }
0x96: {  	_ =	strace s2  }
0x97: {  	_ =	strace $0x8FFFFFFF  }
0x98: {  	s18 =	sld [smem:$0x3FDB];
	_ =	sdelay $0x1  }
0x99: {  	s19 =	simm.s32 $_scs_section_size  }
0x9a: {  	s4 =	simm.s32 $_size__tile_overlayer_lowered;
	s5 =	simm.s32 $_tile_overlayer_lowered  }
0x9b: {  	s22 =	simm.s32 $0x1BFF;
	s21 =	sshll.u32 s5, $0x1;
	s2 =	sadd.s32 s19, s18  }
0x9c: {  	s6 =	simm.s32 $0x0;
	s20 =	sshll.u32 s4, $0x1;
	s4 =	sadd.s32 s21, s2  }
0x9d: {  	[timem:s6], [sflag:s22] =	dma.local [hbm:s4], s20  }
0x9e: {  	_ =	swait.ge [sflag:s22], s20  }
0x9f: {  	s3 =	ssub.s32 $0x0, s20;
	[sflag:s22] =	ssyncset.done $0x0  }
0xa0: {  	[sflag:s22] =	ssyncadd.s32 s3;
	_ =	sdelay $0x1  }
0xa1: {  	s23 =	simm.s32 $0x1B8B  }
0xa2: {  	_ =	swait.ge [sflag:s23], $0x1  }
0xa3: {  	[sflag:s23] =	ssyncset.done $0x0  }
0xa4: {  	s25 =	simm.s32 $0x1B8E;
	s24 =	sld [smem:$0x3FFE];
	[sflag:s23] =	ssyncadd.s32 $0xFFFFFFFF  }
0xa5: {  	s26 =	simm.s32 $execute0_lowered;
	[smem:$0x3FD2] =	sst s25  }
0xa6: {  	s4 =	sshll.u32 s26, $0x1;
	_ =	strace $0x8000004F;
	[dreg:$0x1] =	wrdreg $0xFFFFFFFF  }
0xa7: {  	s28 =	simm.s32 $_size_execute0_lowered;
	s2 =	sadd.s32 s2, s4;
	[dreg:$0x0] =	wrdreg $0x0  }
0xa8: {  	s4 =	sshll.u32 s28, $0x1;
	[dreg:$0x2] =	wrdreg s2  }
0xa9: {  	[dreg:$0x3] =	wrdreg s4  }
0xaa: {  	[dreg:$0x4] =	wrdreg $0xC0  }
0xab: {  	_ =	task [dreg:s6], $0x5FFFF  }
0xac: {  	[dreg:$0x1] =	wrdreg $0xFFFFFFFF  }
0xad: {  	[dreg:$0x0] =	wrdreg $0x60  }
0xae: {  	[dreg:$0x2] =	wrdreg s24  }
0xaf: {  	[dreg:$0x3] =	wrdreg $0x0  }
0xb0: {  	[dreg:$0x4] =	wrdreg $0x9  }
0xb1: {  	_ =	task.clear_ibuf [dreg:s6], $0x5FFFF;
	_ =	strace $0x9000004F  }
0xb2: {  	s29 =	simm.s32 $0x9;
	_ =	strace $0x80000051  }
0xb3: {  	_ =	swait.ge [sflag:s29], $0x1  }
0xb4: {  	[sflag:s29] =	ssyncadd.s32 $0xFFFFFFFF  }
0xb5: {  	_ =	strace $0x90000051  }
0xb6: {  	_ =	sfence  }
0xb7: {  	s30 =	sld [smem:$0x0];
	_ =	sdelay $0x2  }
0xb8: {  	s31 =	sshll.u32 s1, $0xD;
	s1 =	sshrl.u32 s1, $0x2  }
0xb9: {  	s3 =	sand.u32 $0x4000, s31;
	s1 =	sadd.s32 s1, s30  }
0xba: {  	s0 =	sor.u32 s3, s0;
	s1 =	sshll.u32 s1, $0x11  }
0xbb: {  	s0 =	sor.u32 s1, s0  }
0xbc: {  	s0 =	sadd.s32 $0x8F2B, s0  }
0xbd: {  	[sflag:s0] =	ssyncadd.remote.s32 $0x1  }
0xbe: {  	_ =	sfence.sel $0xFFFF  }
0xbf: {  	[dreg:$0x0] =	wrdreg $0xFFFFFFFF;
	(pc) =	sbr.abs _section_cstart, $3  }
0xc0: {  	[dreg:$0x1] =	wrdreg $0xFFFFFFFF  }
0xc1: {  	_ =	task.clear_ibuf [dreg:s6], $0x2FFFF;
	_ =	strace $0x9FFFFFFF  }
0xc2: {  	(tm) =	ssettm $0x7FFFFFFF  }
0xc3: {  	_ =	shalt  }
tec
execute0_lowered:
.L_overlay_start_1:
0x0: {  	(tag) =	ssettag $0x1  }
0x1: {  	s0 =	rddreg [dreg:$0x0]  }
0x2: {  	s1 =	rddreg [dreg:$0x1];
	s2 =	simm.s32 $0x0;
	s3 =	srdreg.scid  }
0x3: {  	s14 =	stileid.u32;
	s30 =	simm.s32 $0x5;
	s28 =	simm.s32 $0x80  }
0x4: {  	s29 =	simm.s32 $0x2;
	s31 =	simm.s32 $0x18800;
	[smem:$0x7FF] =	sst s2  }
0x5: {  	s4 =	sadd.s32 $0x3E00, s0;
	s5 =	sadd.s32 $0x54600, s0;
	s7 =	smul.u32 $0x50000, s14  }
0x6: {  	s3 =	sand.u32 $0x1, s3;
	s6 =	sadd.s32 $0x3600, s0;
	s10 =	smul.u32 $0x14000, s14  }
0x7: {  	s0 =	sadd.s32 $0x68600, s0;
	s17 =	smul.u32 $0x5000, s14;
	_ =	strace $0x80000050  }
0x8: {  	[dreg:$0x3] =	wrdreg s6;
	s18 =	ssub.s32 $0x2, s3;
	s11 =	smul.u32 $0x140000, s3  }
0x9: {  	s9 =	sshll.u32 s3, $0x4;
	s3 =	smul.u32 $0x50000, s3;
	s8 =	sshrl.u32 s18, $0x1  }
0xa: {  	s9 =	sor.u32 s14, s9;
	s7 =	sshrl.u32 s7, $0x2;
	s20 =	sadd.s32 $0x4000, s10  }
0xb: {  	s21 =	sadd.s32 $0x8000, s10;
	s23 =	sadd.s32 $0xC000, s10;
	s14 =	simm.s32 $0x14300  }
0xc: {  	s6 =	ssub.s32 s18, s8;
	s7 =	sadd.s32 s7, s1;
	s19 =	smul.u32 $0x5000, s9  }
0xd: {  	s12 =	sadd.s32 s20, s1;
	s22 =	sadd.s32 s21, s1;
	s13 =	sadd.s32 s10, s11  }
0xe: {  	s10 =	sadd.s32 $0x10000, s10;
	s16 =	sadd.s32 s11, s21;
	[dreg:$0x4] =	wrdreg s7  }
0xf: {  	s3 =	sadd.s32 s17, s3;
	s17 =	simm.s32 $0x14600;
	[dreg:$0x5] =	wrdreg s12  }
0x10: {  	s9 =	simm.s32 $0x14780;
	[dreg:$0x6] =	wrdreg s22;
	s22 =	sadd.s32 s23, s1  }
0x11: {  	s25 =	sshrl.u32 s13, $0x3;
	s24 =	sadd.s32 s10, s1;
	s8 =	sshrl.u32 s16, $0x3  }
0x12: {  	s6 =	smax.u32 s6, $0x1;
	s12 =	simm.s32 $0x14100;
	s13 =	simm.s32 $0x14280  }
0x13: {  	s16 =	simm.s32 $0x14480;
	s7 =	sshrl.u32 s19, $0x3;
	s18 =	sadd.s32 s0, s8  }
0x14: {  	s19 =	sadd.s32 s11, s23;
	s23 =	sor.u32 $0xC00, s3;
	[dreg:$0x10] =	wrdreg s6  }
0x15: {  	s3 =	sor.u32 $0x800, s3;
	s6 =	simm.s32 $0x14680;
	[dreg:$0x7] =	wrdreg s22  }
0x16: {  	s8 =	simm.s32 $0x14700;
	[dreg:$0x9] =	wrdreg s24;
	s15 =	sadd.s32 s5, s7  }
0x17: {  	s7 =	sadd.s32 s0, s25;
	[dreg:$0xd] =	wrdreg s18;
	s25 =	sshrl.u32 s23, $0x3  }
0x18: {  	s23 =	simm.s32 $0x3;
	s18 =	simm.s32 $0x14500;
	[dreg:$0x8] =	wrdreg s15  }
0x19: {  	s26 =	sadd.s32 $0x80, s15;
	[dreg:$0xb] =	wrdreg s7;
	s15 =	sadd.s32 s11, s20  }
0x1a: {  	s20 =	sadd.s32 s11, s10;
	s10 =	simm.s32 $0x14180;
	[dreg:$0xa] =	wrdreg s26  }
0x1b: {  	s7 =	sshrl.u32 s15, $0x3;
	s21 =	sshrl.u32 s20, $0x3;
	s26 =	sshrl.u32 s3, $0x3  }
0x1c: {  	s3 =	simm.s32 $0x6;
	s15 =	simm.s32 $0x14380;
	s7 =	sadd.s32 s0, s7  }
.Ltmp0:
0x1d: {  	s20 =	sadd.s32 s26, s5;
	s26 =	simm.s32 $0x14400;
	(pc) =	sbr.rel .LBB2_1-.Ltmp0, $4  }
0x1e: {  	[dreg:$0xc] =	wrdreg s7;
	s7 =	sshrl.u32 s19, $0x3;
	s19 =	sadd.s32 s25, s5  }
0x1f: {  	s25 =	simm.s32 $0x1;
	s5 =	simm.s32 $0x4;
	s7 =	sadd.s32 s0, s7  }
0x20: {  	s0 =	sadd.s32 s0, s21;
	s21 =	simm.s32 $0x14800;
	[dreg:$0xe] =	wrdreg s7  }
0x21: {  	[dreg:$0xf] =	wrdreg s0;
	s7 =	simm.s32 $0x14580;
	s0 =	simm.s32 $0x0  }
.LBB2_4:
0x22: {  	_ =	swait.ge [sflag:s5], $0x4000  }
0x23: {  	[sflag:s5] =	ssyncset.done $0x0  }
0x24: {  	s30 =	simm.s32 $0x5;
	[sflag:s5] =	ssyncadd.s32 $0xFFFFC000  }
0x25: {  	[spmem:s1] =	stream.indirect.scatter.add.f32 [tilespmem:s31], [sflag:$0x5], $0x80, s9, s28, $0xb8;
	[tilespmem:$0x1C800] =	vst v63  }
0x26: {  	_ =	swait.ge [sflag:s30], $0x4000  }
0x27: {  	[sflag:s30] =	ssyncset.done $0x0  }
0x28: {  	[sflag:s30] =	ssyncadd.s32 $0xFFFFC000  }
0x29: {  	[bflag:$0x0] =	sbarrier.arrive $0xFFFF  }
0x2a: {  	s0 =	rddreg [dreg:$0x4]  }
0x2b: {  	[tilespmem:s21], [sflag:$0x5] =	stream.linear.gather [spmem:s0], $0x4000, $0x38;
	[tilespmem:$0x1C800] =	vst v63  }
0x2c: {  	_ =	swait.ge [sflag:s30], $0x4000  }
0x2d: {  	[sflag:s30] =	ssyncset.done $0x0  }
0x2e: {  	s2 =	simm.s32 $0x0;
	s11 =	rddreg [dreg:$0xb];
	[sflag:s30] =	ssyncadd.s32 $0xFFFFC000  }
0x2f: {  	[hbm4b:s11+s2] =	stream.linear.scatter [tilespmem:s21], [sflag:$0x3], $0x4000, $0x38;
	[tilespmem:$0x1C800] =	vst v63  }
0x30: {  	s24 =	rddreg [dreg:$0x5]  }
0x31: {  	[tilespmem:s31], [sflag:$0x5] =	stream.linear.gather [spmem:s24], $0x4000, $0x38;
	[tilespmem:$0x1C800] =	vst v63  }
0x32: {  	_ =	swait.ge [sflag:s30], $0x4000  }
0x33: {  	[sflag:s30] =	ssyncset.done $0x0  }
0x34: {  	s0 =	rddreg [dreg:$0xc];
	[sflag:s30] =	ssyncadd.s32 $0xFFFFC000  }
0x35: {  	[hbm4b:s0+s2] =	stream.linear.scatter [tilespmem:s31], [sflag:$0x4], $0x4000, $0x38;
	[tilespmem:$0x1C800] =	vst v63  }
0x36: {  	_ =	swait.ge [sflag:s23], $0x4000  }
0x37: {  	[sflag:s23] =	ssyncset.done $0x0  }
0x38: {  	s11 =	rddreg [dreg:$0x6];
	[sflag:s23] =	ssyncadd.s32 $0xFFFFC000  }
0x39: {  	[tilespmem:s21], [sflag:$0x5] =	stream.linear.gather [spmem:s11], $0x4000, $0x38;
	[tilespmem:$0x1C800] =	vst v63  }
0x3a: {  	_ =	swait.ge [sflag:s30], $0x4000  }
0x3b: {  	[sflag:s30] =	ssyncset.done $0x0  }
0x3c: {  	s22 =	rddreg [dreg:$0xd];
	[sflag:s30] =	ssyncadd.s32 $0xFFFFC000  }
0x3d: {  	[hbm4b:s22+s2] =	stream.linear.scatter [tilespmem:s21], [sflag:$0x3], $0x4000, $0x38;
	[tilespmem:$0x1C800] =	vst v63  }
0x3e: {  	_ =	swait.ge [sflag:s5], $0x4000  }
0x3f: {  	[sflag:s5] =	ssyncset.done $0x0  }
0x40: {  	s22 =	rddreg [dreg:$0x7];
	[sflag:s5] =	ssyncadd.s32 $0xFFFFC000  }
0x41: {  	[tilespmem:s31], [sflag:$0x5] =	stream.linear.gather [spmem:s22], $0x4000, $0x38;
	[tilespmem:$0x1C800] =	vst v63  }
0x42: {  	_ =	swait.ge [sflag:s30], $0x4000  }
0x43: {  	[sflag:s30] =	ssyncset.done $0x0  }
0x44: {  	s24 =	rddreg [dreg:$0xe];
	[sflag:s30] =	ssyncadd.s32 $0xFFFFC000  }
0x45: {  	[hbm4b:s24+s2] =	stream.linear.scatter [tilespmem:s31], [sflag:$0x4], $0x4000, $0x38;
	[tilespmem:$0x1C800] =	vst v63  }
0x46: {  	_ =	swait.ge [sflag:s23], $0x4000  }
0x47: {  	[sflag:s23] =	ssyncset.done $0x0  }
0x48: {  	s24 =	rddreg [dreg:$0x9];
	[sflag:s23] =	ssyncadd.s32 $0xFFFFC000  }
0x49: {  	[tilespmem:s21], [sflag:$0x5] =	stream.linear.gather [spmem:s24], $0x4000, $0x38;
	[tilespmem:$0x1C800] =	vst v63  }
0x4a: {  	_ =	swait.ge [sflag:s30], $0x4000  }
0x4b: {  	[sflag:s30] =	ssyncset.done $0x0  }
0x4c: {  	s0 =	rddreg [dreg:$0xf];
	[sflag:s30] =	ssyncadd.s32 $0xFFFFC000  }
0x4d: {  	[hbm4b:s0+s2] =	stream.linear.scatter [tilespmem:s21], [sflag:$0x3], $0x4000, $0x38;
	[tilespmem:$0x1C800] =	vst v63  }
0x4e: {  	_ =	swait.ge [sflag:s5], $0x4000  }
0x4f: {  	[sflag:s5] =	ssyncset.done $0x0  }
0x50: {  	[sflag:s5] =	ssyncadd.s32 $0xFFFFC000  }
0x51: {  	_ =	swait.ge [sflag:s23], $0x4000  }
0x52: {  	s11 =	rddreg [dreg:$0x11]  }
0x53: {  	s0 =	sadd.s32 $0x1, s11;
	s11 =	rddreg [dreg:$0x10]  }
0x54: {  	p0 =	sne.s32 s0, s11  }
.Ltmp1:
0x55: {  	_ = 	snop;
	(pc) =	sbr.rel @!p0 .LBB2_5-.Ltmp1, $3  }
0x56: {  	_ =	sdelay $0x1  }
0x57: {  	[sflag:s23] =	ssyncset.done $0x0  }
0x58: {  	[sflag:s23] =	ssyncadd.s32 $0xFFFFC000  }
.LBB2_1:
0x59: {  	[dreg:$0x11] =	wrdreg s0  }
0x5a: {  	s11 =	rddreg [dreg:$0x3]  }
0x5b: {  	[tilespmem:s21], [sflag:$0x5] =	stream.linear.gather [hbm4b:s11+s2], $0x4000, $0x38;
	[tilespmem:$0x1C800] =	vst v63  }
0x5c: {  	_ =	swait.ge [sflag:s30], $0x4000  }
0x5d: {  	[sflag:s30] =	ssyncset.done $0x0  }
0x5e: {  	s11 =	rddreg [dreg:$0x4];
	[sflag:s30] =	ssyncadd.s32 $0xFFFFC000  }
0x5f: {  	[spmem:s11] =	stream.linear.scatter [tilespmem:s21], [sflag:$0x3], $0x4000, $0x38;
	[tilespmem:$0x1C800] =	vst v63  }
0x60: {  	s30 =	rddreg [dreg:$0x5]  }
0x61: {  	[spmem:s30] =	stream.linear.scatter [tilespmem:s21], [sflag:$0x3], $0x4000, $0x38;
	[tilespmem:$0x1C800] =	vst v63  }
0x62: {  	s11 =	rddreg [dreg:$0x6]  }
0x63: {  	[spmem:s11] =	stream.linear.scatter [tilespmem:s21], [sflag:$0x3], $0x4000, $0x38;
	[tilespmem:$0x1C800] =	vst v63  }
0x64: {  	_ = 	snop  }
0x65: {  	[spmem:s22] =	stream.linear.scatter [tilespmem:s21], [sflag:$0x3], $0x4000, $0x38;
	[tilespmem:$0x1C800] =	vst v63  }
0x66: {  	_ = 	snop  }
0x67: {  	[spmem:s24] =	stream.linear.scatter [tilespmem:s21], [sflag:$0x3], $0x4000, $0x38;
	[tilespmem:$0x1C800] =	vst v63  }
0x68: {  	_ =	swait.ge [sflag:s23], $0x4000  }
0x69: {  	[sflag:s23] =	ssyncset.done $0x0  }
0x6a: {  	[sflag:s23] =	ssyncadd.s32 $0xFFFFC000  }
0x6b: {  	_ =	swait.ge [sflag:s23], $0x4000  }
0x6c: {  	[sflag:s23] =	ssyncset.done $0x0  }
0x6d: {  	[sflag:s23] =	ssyncadd.s32 $0xFFFFC000  }
0x6e: {  	_ =	swait.ge [sflag:s23], $0x4000  }
0x6f: {  	[sflag:s23] =	ssyncset.done $0x0  }
0x70: {  	[sflag:s23] =	ssyncadd.s32 $0xFFFFC000  }
0x71: {  	_ =	swait.ge [sflag:s23], $0x4000  }
0x72: {  	[sflag:s23] =	ssyncset.done $0x0  }
0x73: {  	[sflag:s23] =	ssyncadd.s32 $0xFFFFC000  }
0x74: {  	_ =	swait.ge [sflag:s23], $0x4000  }
0x75: {  	[sflag:s23] =	ssyncset.done $0x0  }
0x76: {  	[sflag:s23] =	ssyncadd.s32 $0xFFFFC000  }
0x77: {  	[bflag:$0x0] =	sbarrier.arrive $0xFFFF  }
0x78: {  	s22 =	simm.s32 $0x14000;
	s24 =	rddreg [dreg:$0x8]  }
0x79: {  	[tilespmem:s22], [sflag:$0x1] =	stream.linear.gather [hbm4b:s24+s2], $0x400, $0x38;
	[tilespmem:$0x1C800] =	vst v63  }
0x7a: {  	_ =	swait.ge [sflag:s25], $0x400  }
0x7b: {  	[sflag:s25] =	ssyncset.done $0x0  }
0x7c: {  	s30 =	rddreg [dreg:$0xa];
	[sflag:s25] =	ssyncadd.s32 $0xFFFFFC00  }
0x7d: {  	[tilespmem:s26], [sflag:$0x2] =	stream.linear.gather [hbm4b:s30+s2], $0x400, $0x38;
	[tilespmem:$0x1C800] =	vst v63  }
0x7e: {  	s0 =	simm.s32 $0x14000;
	s11 =	simm.s32 $0x0;
	s24 =	simm.s32 $0x0  }
0x7f: {  	[tilespmem:s21], [sflag:$0x3] =	stream.indirect.gather [hbm4b:s4+s28], $0x80, s22, s28, $0xb8;
	[tilespmem:$0x1C800] =	vst v63  }
.LBB2_2:
0x80: {  	_ =	swait.ge [sflag:s29], $0x400  }
0x81: {  	[sflag:s29] =	ssyncset.done $0x0  }
0x82: {  	[sflag:s29] =	ssyncadd.s32 $0xFFFFFC00  }
0x83: {  	_ =	swait.ge [sflag:s23], $0x4000  }
0x84: {  	[sflag:s23] =	ssyncset.done $0x0  }
0x85: {  	s2 =	simm.s32 $0x14080;
	[sflag:s23] =	ssyncadd.s32 $0xFFFFC000  }
0x86: {  	[tilespmem:s31], [sflag:$0x4] =	stream.indirect.gather [hbm4b:s4+s28], $0x80, s2, s28, $0xb8;
	[tilespmem:$0x1C800] =	vst v63  }
0x87: {  	s30 =	simm.s32 $0x14200  }
0x88: {  	[spmem:s1] =	stream.indirect.scatter.add.f32 [tilespmem:s21], [sflag:$0x6], $0x80, s30, s28, $0xb8;
	[tilespmem:$0x1C800] =	vst v63  }
0x89: {  	_ =	swait.ge [sflag:s3], $0x4000  }
0x8a: {  	[sflag:s3] =	ssyncset.done $0x0  }
0x8b: {  	[sflag:s3] =	ssyncadd.s32 $0xFFFFC000  }
0x8c: {  	_ =	swait.ge [sflag:s5], $0x4000  }
0x8d: {  	[sflag:s5] =	ssyncset.done $0x0  }
0x8e: {  	[sflag:s5] =	ssyncadd.s32 $0xFFFFC000  }
0x8f: {  	[tilespmem:s21], [sflag:$0x3] =	stream.indirect.gather [hbm4b:s4+s28], $0x80, s12, s28, $0xb8;
	[tilespmem:$0x1C800] =	vst v63  }
0x90: {  	_ = 	snop  }
0x91: {  	[spmem:s1] =	stream.indirect.scatter.add.f32 [tilespmem:s31], [sflag:$0x6], $0x80, s13, s28, $0xb8;
	[tilespmem:$0x1C800] =	vst v63  }
0x92: {  	_ =	swait.ge [sflag:s3], $0x4000  }
0x93: {  	[sflag:s3] =	ssyncset.done $0x0  }
0x94: {  	[sflag:s3] =	ssyncadd.s32 $0xFFFFC000  }
0x95: {  	_ =	swait.ge [sflag:s23], $0x4000  }
0x96: {  	[sflag:s23] =	ssyncset.done $0x0  }
0x97: {  	[sflag:s23] =	ssyncadd.s32 $0xFFFFC000  }
0x98: {  	[tilespmem:s31], [sflag:$0x4] =	stream.indirect.gather [hbm4b:s4+s28], $0x80, s10, s28, $0xb8;
	[tilespmem:$0x1C800] =	vst v63  }
0x99: {  	_ = 	snop  }
0x9a: {  	[spmem:s1] =	stream.indirect.scatter.add.f32 [tilespmem:s21], [sflag:$0x6], $0x80, s14, s28, $0xb8;
	[tilespmem:$0x1C800] =	vst v63  }
0x9b: {  	_ =	swait.ge [sflag:s3], $0x4000  }
0x9c: {  	[sflag:s3] =	ssyncset.done $0x0  }
0x9d: {  	[sflag:s3] =	ssyncadd.s32 $0xFFFFC000  }
0x9e: {  	_ =	swait.ge [sflag:s5], $0x4000  }
0x9f: {  	[sflag:s5] =	ssyncset.done $0x0  }
0xa0: {  	[sflag:s5] =	ssyncadd.s32 $0xFFFFC000  }
0xa1: {  	[tilespmem:s21], [sflag:$0x3] =	stream.indirect.gather [hbm4b:s4+s28], $0x80, s26, s28, $0xb8;
	[tilespmem:$0x1C800] =	vst v63  }
0xa2: {  	_ = 	snop  }
0xa3: {  	[spmem:s1] =	stream.indirect.scatter.add.f32 [tilespmem:s31], [sflag:$0x6], $0x80, s15, s28, $0xb8;
	[tilespmem:$0x1C800] =	vst v63  }
0xa4: {  	p0 =	seq.s32 s11, $0x900;
	_ =	swait.ge [sflag:s3], $0x4000  }
0xa5: {  	s22 =	sadd.s32 @!p0 s11, s20;
	[sflag:s3] =	ssyncset.done $0x0  }
0xa6: {  	s2 =	simm.s32 @!p0 $0x0;
	s30 =	simm.s32 @!p0 $0x14000;
	[sflag:s3] =	ssyncadd.s32 $0xFFFFC000  }
0xa7: {  	[tilespmem:s30], [sflag:$0x1] =	stream.linear.gather @!p0 [hbm4b:s22+s2], $0x400, $0x38;
	[tilespmem:$0x1C800] =	vst v63  }
0xa8: {  	_ =	swait.ge [sflag:s23], $0x4000  }
0xa9: {  	[sflag:s23] =	ssyncset.done $0x0  }
0xaa: {  	[sflag:s23] =	ssyncadd.s32 $0xFFFFC000  }
0xab: {  	[tilespmem:s31], [sflag:$0x4] =	stream.indirect.gather [hbm4b:s4+s28], $0x80, s16, s28, $0xb8;
	[tilespmem:$0x1C800] =	vst v63  }
0xac: {  	_ = 	snop  }
0xad: {  	[spmem:s1] =	stream.indirect.scatter.add.f32 [tilespmem:s21], [sflag:$0x6], $0x80, s17, s28, $0xb8;
	[tilespmem:$0x1C800] =	vst v63  }
0xae: {  	_ =	swait.ge [sflag:s3], $0x4000  }
0xaf: {  	[sflag:s3] =	ssyncset.done $0x0  }
0xb0: {  	[sflag:s3] =	ssyncadd.s32 $0xFFFFC000  }
0xb1: {  	_ =	swait.ge [sflag:s5], $0x4000  }
0xb2: {  	[sflag:s5] =	ssyncset.done $0x0  }
0xb3: {  	[sflag:s5] =	ssyncadd.s32 $0xFFFFC000  }
0xb4: {  	[tilespmem:s21], [sflag:$0x3] =	stream.indirect.gather [hbm4b:s4+s28], $0x80, s18, s28, $0xb8;
	[tilespmem:$0x1C800] =	vst v63  }
0xb5: {  	_ = 	snop  }
0xb6: {  	[spmem:s1] =	stream.indirect.scatter.add.f32 [tilespmem:s31], [sflag:$0x6], $0x80, s6, s28, $0xb8;
	[tilespmem:$0x1C800] =	vst v63  }
0xb7: {  	_ =	swait.ge [sflag:s3], $0x4000  }
0xb8: {  	[sflag:s3] =	ssyncset.done $0x0  }
0xb9: {  	[sflag:s3] =	ssyncadd.s32 $0xFFFFC000  }
0xba: {  	_ =	swait.ge [sflag:s23], $0x4000  }
0xbb: {  	[sflag:s23] =	ssyncset.done $0x0  }
0xbc: {  	[sflag:s23] =	ssyncadd.s32 $0xFFFFC000  }
0xbd: {  	[tilespmem:s31], [sflag:$0x4] =	stream.indirect.gather [hbm4b:s4+s28], $0x80, s7, s28, $0xb8;
	[tilespmem:$0x1C800] =	vst v63  }
.Ltmp2:
0xbe: {  	_ = 	snop;
	(pc) =	sbr.rel @p0 .LBB2_4-.Ltmp2, $4  }
0xbf: {  	[spmem:s1] =	stream.indirect.scatter.add.f32 [tilespmem:s21], [sflag:$0x6], $0x80, s8, s28, $0xb8;
	[tilespmem:$0x1C800] =	vst v63  }
0xc0: {  	_ =	swait.ge [sflag:s3], $0x4000  }
0xc1: {  	[sflag:s3] =	ssyncset.done $0x0  }
0xc2: {  	[sflag:s3] =	ssyncadd.s32 $0xFFFFC000  }
0xc3: {  	_ =	swait.ge [sflag:s25], $0x400  }
0xc4: {  	[sflag:s25] =	ssyncset.done $0x0  }
0xc5: {  	[sflag:s25] =	ssyncadd.s32 $0xFFFFFC00  }
0xc6: {  	_ =	swait.ge [sflag:s5], $0x4000  }
0xc7: {  	[sflag:s5] =	ssyncset.done $0x0  }
0xc8: {  	[sflag:s5] =	ssyncadd.s32 $0xFFFFC000  }
0xc9: {  	[tilespmem:s21], [sflag:$0x3] =	stream.indirect.gather [hbm4b:s4+s28], $0x80, s0, s28, $0xb8;
	[tilespmem:$0x1C800] =	vst v63  }
0xca: {  	_ = 	snop  }
0xcb: {  	[spmem:s1] =	stream.indirect.scatter.add.f32 [tilespmem:s31], [sflag:$0x6], $0x80, s9, s28, $0xb8;
	[tilespmem:$0x1C800] =	vst v63  }
.Ltmp3:
0xcc: {  	_ = 	snop;
	(pc) =	sbr.rel .LBB2_2-.Ltmp3, $4  }
0xcd: {  	_ =	swait.ge [sflag:s3], $0x4000  }
0xce: {  	[sflag:s3] =	ssyncset.done $0x0  }
0xcf: {  	s2 =	sadd.s32 s11, s19;
	s11 =	sadd.s32 $0x100, s11;
	[sflag:s3] =	ssyncadd.s32 $0xFFFFC000  }
0xd0: {  	[tilespmem:s26], [sflag:$0x2] =	stream.linear.gather [hbm4b:s2+s24], $0x400, $0x38;
	[tilespmem:$0x1C800] =	vst v63  }
.LBB2_5:
0xd1: {  	_ =	sfence.sel $0x180000  }
0xd2: {  	[bflag:$0x0] =	sbarrier.arrive $0xFFFF  }
0xd3: {  	_ =	strace $0x90000050  }
0xd4: {  	s0 =	stileid.u32;
	[bflag:$0x2] =	sbarrier.arrive $0xFFFF  }
0xd5: {  	p0 =	sne.s32 s0, $0x0;
	s0 =	rddreg [dreg:$0x2]  }
0xd6: {  	s0 =	sadd.s32 @!p0 $0x100000, s0  }
0xd7: {  	[sflag:s0] =	ssyncadd.tile.s32 @!p0 $0x1;
	_ =	shalt  }
.Lfunc_end2:
_tile_overlayer_lowered:
.L_overlay_start_2:
0xd8: {  	(tag) =	ssettag $0x2  }
0xd9: {  	s0 =	rddreg [dreg:$0x0];
	s2 =	stileid.u32  }
0xda: {  	s1 =	rddreg [dreg:$0x1];
	p0 =	sne.s32 s2, $0x0  }
0xdb: {  	s3 =	rddreg [dreg:$0x2];
	[bflag:$0x3] =	sbarrier.arrive $0xFFFF;
	s2 =	simm.s32 @!p0 $0x1C05  }
0xdc: {  	[timem:s3], [sflag:s2] =	dma.local @!p0 [hbm:s0], s1  }
0xdd: {  	s0 =	simm.s32 @!p0 $0x5  }
0xde: {  	_ =	swait.ge @!p0 [sflag:s0], s1  }
0xdf: {  	s1 =	ssub.s32 @!p0 $0x0, s1;
	[sflag:s0] =	ssyncset.done @!p0 $0x0  }
0xe0: {  	[sflag:s0] =	ssyncadd.s32 @!p0 s1  }
0xe1: {  	[bflag:$0x3] =	sbarrier.arrive $0xFFFF  }
0xe2: {  	_ =	shalt  }

</sc_bundles>
